<compile_context>
chip_gen: v7x
topology: tpu7x:2x2x1
jax: 0.10.2.dev20260603
libtpu: 0.0.44.dev20260713+nightly
codegen_flags: <defaults>
</compile_context>

<pallas_src>
import functools

import jax
import jax.numpy as jnp
from jax import lax
from jax.experimental import pallas as pl
from jax.experimental.pallas import tpu as pltpu
from jax.experimental.pallas import tpu_sc as plsc

LVLS = 6
NBATCH = 16
NQ = 900
ND = 256
NCLS = 91
NFLAT = NQ * NCLS
NPAD = 81920
NVEC = NPAD // 16
KTOP = 100
OUTW = 112
HSTRIDE = 2048
NBINS1 = 2048
NBINS2 = 2048
NBINS3 = 1024
EQCAP = 64
CANDW = 192


def _heads_body(x_ref, r_ref, wc_ref, bc_ref, w1_ref, b1_ref, w2_ref, b2_ref,
                w3_ref, b3_ref, cls_ref, coord_ref):
    h = x_ref[0, 0]
    logits = jnp.dot(h, wc_ref[...]) + bc_ref[...]
    cls_ref[0] = logits[:, :NCLS]
    h1 = jnp.maximum(jnp.dot(h, w1_ref[...]) + b1_ref[...], 0.0)
    h2 = jnp.maximum(jnp.dot(h1, w2_ref[...]) + b2_ref[...], 0.0)
    t = jnp.dot(h2, w3_ref[...]) + b3_ref[...]
    r = jnp.clip(r_ref[0], 0.0, 1.0)
    inv = jnp.log(jnp.clip(r, 1e-5, None) / jnp.clip(1.0 - r, 1e-5, None))
    coord_ref[0] = jax.nn.sigmoid(t[:, :4] + inv)


def _heads_body4(x_ref, r_ref, wc_ref, bc_ref, w1_ref, b1_ref, w2_ref,
                 b2_ref, w3_ref, b3_ref, cls_ref, coord_ref):
    h = x_ref[0, 0]
    logits = jnp.dot(h, wc_ref[...]) + bc_ref[...]
    cls_ref[0, 0] = logits[:, :NCLS]
    h1 = jnp.maximum(jnp.dot(h, w1_ref[...]) + b1_ref[...], 0.0)
    h2 = jnp.maximum(jnp.dot(h1, w2_ref[...]) + b2_ref[...], 0.0)
    t = jnp.dot(h2, w3_ref[...]) + b3_ref[...]
    r = jnp.clip(r_ref[0], 0.0, 1.0)
    inv = jnp.log(jnp.clip(r, 1e-5, None) / jnp.clip(1.0 - r, 1e-5, None))
    coord_ref[0, 0] = jax.nn.sigmoid(t[:, :4] + inv)


def _run_heads(x4d, rr, wcp, bcp, w1, b1r, w2, b2r, w3p, b3p, lvl_lo, lvl_hi,
               full_out=False):
    nlvl = lvl_hi - lvl_lo
    n = nlvl * NBATCH
    full = lambda s: pl.BlockSpec(s, lambda i: (0,) * len(s))
    if full_out:
        out_specs = [
            pl.BlockSpec((1, 1, NQ, NCLS),
                         lambda i: (lvl_lo + i // NBATCH, i % NBATCH, 0, 0)),
            pl.BlockSpec((1, 1, NQ, 4),
                         lambda i: (lvl_lo + i // NBATCH, i % NBATCH, 0, 0)),
        ]
        out_shape = [
            jax.ShapeDtypeStruct((LVLS, NBATCH, NQ, NCLS), jnp.float32),
            jax.ShapeDtypeStruct((LVLS, NBATCH, NQ, 4), jnp.float32),
        ]
        body = _heads_body4
    else:
        out_specs = [
            pl.BlockSpec((1, NQ, NCLS), lambda i: (i, 0, 0)),
            pl.BlockSpec((1, NQ, 4), lambda i: (i, 0, 0)),
        ]
        out_shape = [
            jax.ShapeDtypeStruct((n, NQ, NCLS), jnp.float32),
            jax.ShapeDtypeStruct((n, NQ, 4), jnp.float32),
        ]
        body = _heads_body
    return pl.pallas_call(
        body,
        grid=(n,),
        in_specs=[
            pl.BlockSpec((1, 1, NQ, ND),
                         lambda i: (lvl_lo + i // NBATCH, i % NBATCH, 0, 0)),
            pl.BlockSpec((1, NQ, 4), lambda i: (lvl_lo * NBATCH + i, 0, 0)),
            full((ND, 128)), full((1, 128)),
            full((ND, ND)), full((1, ND)),
            full((ND, ND)), full((1, ND)),
            full((ND, 128)), full((1, 128)),
        ],
        out_specs=out_specs,
        out_shape=out_shape,
        compiler_params=pltpu.CompilerParams(
            dimension_semantics=("arbitrary",)),
    )(x4d, rr, wcp, bcp, w1, b1r, w2, b2r, w3p, b3p)


def _topk_body(bits_hbm, boxes_hbm, wv_hbm, hv_hbm, zz_hbm,
               scores_hbm, labels_hbm, boxout_hbm,
               keys_v, hist_v, tot_v, ck_v, ci_v, eqk_v, eqi_v,
               outs_u, outs_f, outl_v, rowb_v, box_v, wvec_v, hvec_v,
               outb_v):
    c = lax.axis_index("c")
    s = lax.axis_index("s")
    img = s * 2 + c

    @pl.when(img < NBATCH)
    def _work():
        iota = lax.iota(jnp.int32, 16)
        ones_i = jnp.ones((16,), jnp.int32)
        lane_base = iota * HSTRIDE

        pltpu.sync_copy(bits_hbm.at[img], keys_v)
        pltpu.sync_copy(boxes_hbm.at[img], box_v)
        pltpu.sync_copy(wv_hbm.at[img], wvec_v)
        pltpu.sync_copy(hv_hbm.at[img], hvec_v)

        def bcast_u32(x):
            return jnp.broadcast_to(x.astype(jnp.uint32), (16,))

        def bcast_i32(x):
            return jnp.broadcast_to(x.astype(jnp.int32), (16,))

        pltpu.sync_copy(zz_hbm, hist_v)

        @plsc.parallel_loop(0, NVEC, 1, unroll=8)
        def p1_body(i):
            raw = plsc.bitcast(keys_v[pl.ds(i * 16, 16)], jnp.uint32)
            sm = raw >> jnp.uint32(31)
            mm = (jnp.uint32(0) - sm) | jnp.uint32(0x80000000)
            key = raw ^ mm
            keys_v[pl.ds(i * 16, 16)] = plsc.bitcast(key, jnp.float32)
            b1 = (key >> jnp.uint32(21)).astype(jnp.int32)
            plsc.addupdate_scatter(hist_v, [lane_base + b1], ones_i)

        def _reduce_hist(nbins):
            def red_body(w, carry):
                acc = hist_v[pl.ds(w * 16, 16)]
                for l in range(1, 16):
                    acc = acc + hist_v[pl.ds(l * HSTRIDE + w * 16, 16)]
                tot_v[pl.ds(w * 16, 16)] = acc
                return carry
            lax.fori_loop(0, nbins // 16, red_body, 0)

        def _find_bin(nbins, kneed):
            def body(j, carry):
                above, fbin, cgt, hl = carry
                v = nbins // 16 - 1 - j
                h = tot_v[pl.ds(v * 16, 16)]
                suff = lax.rev(jnp.cumsum(lax.rev(h, (0,)), axis=0), (0,))
                tota = above + suff
                m = (tota >= kneed)
                cnt = jnp.sum(m.astype(jnp.int32))
                lane = cnt - 1
                sel = (iota == lane)
                tot_l = jnp.sum(jnp.where(sel, tota, 0))
                h_l = jnp.sum(jnp.where(sel, h, 0))
                hit = jnp.logical_and(cnt > 0, fbin < 0)
                fbin = jnp.where(hit, v * 16 + lane, fbin)
                cgt = jnp.where(hit, tot_l - h_l, cgt)
                hl = jnp.where(hit, h_l, hl)
                above = above + jnp.sum(h)
                return (above, fbin, cgt, hl)
            _, fbin, cgt, hl = lax.fori_loop(
                0, nbins // 16, body, (jnp.int32(0), jnp.int32(-1),
                                       jnp.int32(0), jnp.int32(0)))
            return fbin, cgt, hl

        _reduce_hist(NBINS1)
        b1f, cgt1, hl1 = _find_bin(NBINS1, jnp.int32(KTOP))
        kneed2 = jnp.int32(KTOP) - cgt1

        def _level2(_):
            pltpu.sync_copy(zz_hbm, hist_v)
            p1vec = bcast_u32(b1f)

            @plsc.parallel_loop(0, NVEC, 1, unroll=8)
            def p2_body(i):
                key = plsc.bitcast(keys_v[pl.ds(i * 16, 16)], jnp.uint32)
                m = (key >> jnp.uint32(21)) == p1vec
                b2 = ((key >> jnp.uint32(10))
                      & jnp.uint32(0x7FF)).astype(jnp.int32)
                plsc.addupdate_scatter(hist_v, [lane_base + b2], ones_i,
                                       mask=m)
            _reduce_hist(NBINS2)
            b2f, cgt2, hl2 = _find_bin(NBINS2, kneed2)
            kneed3 = kneed2 - cgt2
            pref22 = (b1f << 11) | b2f

            def _level3(_):
                pltpu.sync_copy(zz_hbm, hist_v)
                p22vec = bcast_u32(pref22)

                @plsc.parallel_loop(0, NVEC, 1, unroll=8)
                def p3_body(i):
                    key = plsc.bitcast(keys_v[pl.ds(i * 16, 16)], jnp.uint32)
                    m = (key >> jnp.uint32(10)) == p22vec
                    b3 = (key & jnp.uint32(0x3FF)).astype(jnp.int32)
                    plsc.addupdate_scatter(hist_v, [lane_base + b3], ones_i,
                                           mask=m)
                _reduce_hist(NBINS3)
                b3f, cgt3, _hl3 = _find_bin(NBINS3, kneed3)
                tthr = ((pref22.astype(jnp.uint32) << jnp.uint32(10))
                        | b3f.astype(jnp.uint32))
                return (tthr, tthr + jnp.uint32(1), kneed3 - cgt3)

            def _fast2(_):
                return ((pref22.astype(jnp.uint32) << jnp.uint32(10)),
                        ((pref22 + 1).astype(jnp.uint32) << jnp.uint32(10)),
                        hl2)

            return lax.cond(hl2 <= EQCAP, _fast2, _level3, 0)

        def _fast1(_):
            return ((b1f.astype(jnp.uint32) << jnp.uint32(21)),
                    ((b1f + 1).astype(jnp.uint32) << jnp.uint32(21)),
                    hl1)

        eq_lo, gt_lo, eq_cap = lax.cond(hl1 <= EQCAP, _fast1, _level2, 0)
        eq_lo_vec = jnp.broadcast_to(eq_lo, (16,))
        gt_lo_vec = jnp.broadcast_to(gt_lo, (16,))
        gt_ok = gt_lo_vec != jnp.uint32(0)

        zi = jnp.zeros((16,), jnp.int32)
        for v in range(CANDW // 16):
            ck_v[pl.ds(v * 16, 16)] = zi
            ci_v[pl.ds(v * 16, 16)] = zi
        for v in range(OUTW // 16):
            outs_u[pl.ds(v * 16, 16)] = zi
            outl_v[pl.ds(v * 16, 16)] = zi
            rowb_v[pl.ds(v * 16, 16)] = zi

        def col_body(i, carry):
            og, oe = carry
            key = plsc.bitcast(keys_v[pl.ds(i * 16, 16)], jnp.uint32)
            ge = key >= eq_lo_vec
            ng = jnp.sum(ge.astype(jnp.int32))

            def slow(og, oe):
                idxv = i * 16 + iota
                gt = jnp.logical_and(key >= gt_lo_vec, gt_ok)
                cg = jnp.sum(gt.astype(jnp.int32))
                ki = plsc.bitcast(key, jnp.int32)
                plsc.store_compressed(ck_v.at[pl.ds(og, 16)], ki, mask=gt)
                plsc.store_compressed(ci_v.at[pl.ds(og, 16)], idxv, mask=gt)
                eq = jnp.logical_and(ge, jnp.logical_not(gt))
                rank = jnp.cumsum(eq.astype(jnp.int32))
                keep = jnp.logical_and(eq, rank <= (eq_cap - oe))
                ce = jnp.sum(keep.astype(jnp.int32))
                plsc.store_compressed(eqk_v.at[pl.ds(oe, 16)], ki, mask=keep)
                plsc.store_compressed(eqi_v.at[pl.ds(oe, 16)], idxv, mask=keep)
                return (og + cg, oe + ce)

            return lax.cond(ng > 0, slow, lambda og, oe: (og, oe), og, oe)

        og, oe = lax.fori_loop(0, NVEC, col_body,
                               (jnp.int32(0), jnp.int32(0)))

        for j in range(7):
            m = (j * 16 + iota) < oe
            ek = eqk_v[pl.ds(j * 16, 16)]
            oldk = ck_v[pl.ds(og + j * 16, 16)]
            ck_v[pl.ds(og + j * 16, 16)] = jnp.where(m, ek, oldk)
            ev = eqi_v[pl.ds(j * 16, 16)]
            oldi = ci_v[pl.ds(og + j * 16, 16)]
            ci_v[pl.ds(og + j * 16, 16)] = jnp.where(m, ev, oldi)

        lane0 = iota == 0
        big = jnp.broadcast_to(jnp.int32(0x7FFFFFFF), (16,))
        nsel = CANDW // 16

        def sel_body(t, carry):
            ks = [plsc.bitcast(ck_v[pl.ds(v * 16, 16)], jnp.uint32)
                  for v in range(nsel)]
            vm = ks[0]
            for j in range(1, nsel):
                vm = jnp.maximum(vm, ks[j])
            g = jnp.max(vm)
            gvec = jnp.broadcast_to(g, (16,))
            im = big
            for j in range(nsel):
                ij = ci_v[pl.ds(j * 16, 16)]
                im = jnp.minimum(im, jnp.where(ks[j] == gvec, ij, big))
            gi = jnp.min(im)
            givec = bcast_i32(gi)
            tb = bcast_i32(t)
            plsc.store_scatter(outs_u, [tb], plsc.bitcast(gvec, jnp.int32),
                               mask=lane0)
            plsc.store_scatter(outl_v, [tb], givec % 91, mask=lane0)
            plsc.store_scatter(rowb_v, [tb], givec // 91, mask=lane0)
            for j in range(nsel):
                ij = ci_v[pl.ds(j * 16, 16)]
                hit = jnp.logical_and(ks[j] == gvec, ij == givec)
                ck_v[pl.ds(j * 16, 16)] = plsc.bitcast(
                    jnp.where(hit, jnp.uint32(0), ks[j]), jnp.int32)
            return carry

        lax.fori_loop(0, KTOP, sel_body, 0)

        for v in range(OUTW // 16):
            k = plsc.bitcast(outs_u[pl.ds(v * 16, 16)], jnp.uint32)
            posm = (k >> jnp.uint32(31)) == jnp.uint32(1)
            bits = jnp.where(posm, k & jnp.uint32(0x7FFFFFFF), ~k)
            x = plsc.bitcast(bits, jnp.float32)
            e = jnp.exp(-jnp.abs(x))
            outs_f[pl.ds(v * 16, 16)] = jnp.where(
                x >= 0, 1.0 / (1.0 + e), e / (1.0 + e))

        wv = wvec_v[...]
        hv = hvec_v[...]
        for v in range(OUTW // 16):
            r4 = rowb_v[pl.ds(v * 16, 16)] * 4
            cx = plsc.load_gather(box_v, [r4])
            cy = plsc.load_gather(box_v, [r4 + 1])
            w = plsc.load_gather(box_v, [r4 + 2])
            h = plsc.load_gather(box_v, [r4 + 3])
            pos4 = (v * 16 + iota) * 4
            plsc.store_scatter(outb_v, [pos4], (cx - 0.5 * w) * wv)
            plsc.store_scatter(outb_v, [pos4 + 1], (cy - 0.5 * h) * hv)
            plsc.store_scatter(outb_v, [pos4 + 2], (cx + 0.5 * w) * wv)
            plsc.store_scatter(outb_v, [pos4 + 3], (cy + 0.5 * h) * hv)

        pltpu.sync_copy(outs_f, scores_hbm.at[img])
        pltpu.sync_copy(outl_v, labels_hbm.at[img])
        pltpu.sync_copy(outb_v, boxout_hbm.at[img])


def _run_topk(bits, boxes5, wb, hb, zz):
    mesh = plsc.VectorSubcoreMesh(core_axis_name="c", subcore_axis_name="s",
                                  num_cores=2, num_subcores=16)
    fn = pl.kernel(
        _topk_body,
        out_type=[
            jax.ShapeDtypeStruct((NBATCH, OUTW), jnp.float32),
            jax.ShapeDtypeStruct((NBATCH, OUTW), jnp.int32),
            jax.ShapeDtypeStruct((NBATCH, OUTW * 4), jnp.float32),
        ],
        mesh=mesh,
        compiler_params=pltpu.CompilerParams(needs_layout_passes=False),
        scratch_types=[
            pltpu.VMEM((NPAD,), jnp.float32),
            pltpu.VMEM((16 * HSTRIDE,), jnp.int32),
            pltpu.VMEM((HSTRIDE,), jnp.int32),
            pltpu.VMEM((256,), jnp.int32),
            pltpu.VMEM((256,), jnp.int32),
            pltpu.VMEM((128,), jnp.int32),
            pltpu.VMEM((128,), jnp.int32),
            pltpu.VMEM((OUTW,), jnp.int32),
            pltpu.VMEM((OUTW,), jnp.float32),
            pltpu.VMEM((OUTW,), jnp.int32),
            pltpu.VMEM((OUTW,), jnp.int32),
            pltpu.VMEM((NQ * 4,), jnp.float32),
            pltpu.VMEM((16,), jnp.float32),
            pltpu.VMEM((16,), jnp.float32),
            pltpu.VMEM((OUTW * 4,), jnp.float32),
        ],
    )
    return fn(bits, boxes5, wb, hb, zz)


def kernel(x, init_reference, inter_references, orig_target_sizes,
           Wc, bc, W1, b1, W2, b2, W3, b3):
    wcp = jnp.pad(Wc, ((0, 0), (0, 128 - NCLS)))
    bcp = jnp.pad(bc, (0, 128 - NCLS)).reshape(1, 128)
    w3p = jnp.pad(W3, ((0, 0), (0, 124)))
    b3p = jnp.pad(b3, (0, 124)).reshape(1, 128)
    b1r = b1.reshape(1, ND)
    b2r = b2.reshape(1, ND)

    rr = jnp.concatenate([init_reference[None], inter_references[:LVLS - 1]],
                         axis=0).reshape(LVLS * NBATCH, NQ, 4)

    cls5, coord5 = _run_heads(x, rr, wcp, bcp, W1, b1r, W2, b2r, w3p, b3p,
                              LVLS - 1, LVLS)
    cls04, coord04 = _run_heads(x, rr, wcp, bcp, W1, b1r, W2, b2r, w3p, b3p,
                                0, LVLS - 1, full_out=True)
    outputs_class = lax.dynamic_update_slice(cls04, cls5[None], (5, 0, 0, 0))
    outputs_coord = lax.dynamic_update_slice(coord04, coord5[None],
                                             (5, 0, 0, 0))

    logits5 = cls5.reshape(NBATCH, NFLAT)
    pad = jnp.full((NBATCH, NPAD - NFLAT), -jnp.inf, jnp.float32)
    bits = jnp.concatenate([logits5, pad], axis=1)
    boxes5 = coord5.reshape(NBATCH, NQ * 4)
    img_h = orig_target_sizes[:, 0].astype(jnp.float32)
    img_w = orig_target_sizes[:, 1].astype(jnp.float32)
    wb = jnp.broadcast_to(img_w[:, None], (NBATCH, 16)) * jnp.ones((NBATCH, 16))
    hb = jnp.broadcast_to(img_h[:, None], (NBATCH, 16)) * jnp.ones((NBATCH, 16))
    zz = jnp.zeros((16 * HSTRIDE,), jnp.int32)
    scores_p, labels_p, boxes_p = _run_topk(bits, boxes5, wb, hb, zz)
    boxes_p = boxes_p.reshape(NBATCH, OUTW, 4)
    return (outputs_class, outputs_coord,
            scores_p[:, :KTOP], labels_p[:, :KTOP], boxes_p[:, :KTOP, :])

# --- scband reference (transcript-rebuilt; emitter-appended) ---
"""Pipeline reference for scband-deformable-detr-head-19292993093712 (READ-ONLY COPY).

The authoritative reference and input builder live on the scoring server;
editing this copy changes nothing except your own understanding.
"""

import jax, jax.numpy as jnp
import numpy as np

NUM_LEVELS = 6
B = 16
Q = 900
D = 256
NC = 91


def inverse_sigmoid(x, eps=1e-05):
    x = jnp.clip(x, 0.0, 1.0)
    x1 = jnp.clip(x, eps, None)
    x2 = jnp.clip(1.0 - x, eps, None)
    return jnp.log(x1 / x2)


def setup_inputs(seed: int = 0) -> dict:
    key = jax.random.key(seed)
    ks = jax.random.split(key, 16)
    x = jax.random.normal(ks[0], (NUM_LEVELS, B, Q, D), dtype=jnp.float32)
    init_reference = jax.random.uniform(ks[1], (B, Q, 4), dtype=jnp.float32)
    inter_references = jax.random.uniform(ks[2], (NUM_LEVELS, B, Q, 4), dtype=jnp.float32)
    orig_target_sizes = jax.random.randint(ks[3], (B, 2), 64, 1333, dtype=jnp.int32)
    # shared class head (same module reused across levels)
    Wc = jax.random.normal(ks[4], (D, NC), dtype=jnp.float32) * 0.02
    bc = jnp.zeros((NC,), dtype=jnp.float32)
    # shared bbox MLP: 256 -> 256 -> 256 -> 4 with ReLU between
    W1 = jax.random.normal(ks[5], (D, D), dtype=jnp.float32) * 0.02
    b1 = jnp.zeros((D,), dtype=jnp.float32)
    W2 = jax.random.normal(ks[6], (D, D), dtype=jnp.float32) * 0.02
    b2 = jnp.zeros((D,), dtype=jnp.float32)
    W3 = jax.random.normal(ks[7], (D, 4), dtype=jnp.float32) * 0.02
    b3 = jnp.zeros((4,), dtype=jnp.float32)
    return {"x": x, "init_reference": init_reference, "inter_references": inter_references,
            "orig_target_sizes": orig_target_sizes, "Wc": Wc, "bc": bc,
            "W1": W1, "b1": b1, "W2": W2, "b2": b2, "W3": W3, "b3": b3}


def reference(x, init_reference, inter_references, orig_target_sizes, Wc, bc, W1, b1, W2, b2, W3, b3):
    def class_embed(h):
        return h @ Wc + bc

    def bbox_embed(h):
        h = jax.nn.relu(h @ W1 + b1)
        h = jax.nn.relu(h @ W2 + b2)
        return h @ W3 + b3

    outputs_classes = []
    outputs_coords = []
    for lvl in range(x.shape[0]):
        if lvl == 0:
            reference = init_reference
        else:
            reference = inter_references[lvl - 1]
        reference = inverse_sigmoid(reference)
        outputs_class = class_embed(x[lvl])
        tmp = bbox_embed(x[lvl])
        tmp = tmp + reference  # reference.shape[-1] == 4
        outputs_coord = jax.nn.sigmoid(tmp)
        outputs_classes.append(outputs_class)
        outputs_coords.append(outputs_coord)
    outputs_class = jnp.stack(outputs_classes)
    outputs_coord = jnp.stack(outputs_coords)

    # _inference (eval path)
    out_logits = outputs_class[-1]
    out_bbox = outputs_coord[-1]
    prob = jax.nn.sigmoid(out_logits)
    topk_values, topk_indexes = jax.lax.top_k(prob.reshape(out_logits.shape[0], -1), 100)
    scores = topk_values
    topk_boxes = topk_indexes // out_logits.shape[2]
    labels = topk_indexes % out_logits.shape[2]
    # box_convert cxcywh -> xyxy
    cx, cy, w, h = jnp.split(out_bbox, 4, axis=-1)
    boxes = jnp.concatenate([cx - 0.5 * w, cy - 0.5 * h, cx + 0.5 * w, cy + 0.5 * h], axis=-1)
    gather_idx = jnp.broadcast_to(topk_boxes[:, :, None], (topk_boxes.shape[0], topk_boxes.shape[1], 4))
    boxes = jnp.take_along_axis(boxes, gather_idx, axis=1)
    img_h = orig_target_sizes[:, 0].astype(jnp.float32)
    img_w = orig_target_sizes[:, 1].astype(jnp.float32)
    scale_fct = jnp.stack([img_w, img_h, img_w, img_h], axis=1)
    boxes = boxes * scale_fct[:, None, :]
    return (outputs_class, outputs_coord, scores, labels, boxes)

if __name__ == "__main__":
    import jax
    _d = setup_inputs()
    print(jax.jit(kernel)(*tuple(_d.values())))

</pallas_src>

<mosaic_0001>
#map = affine_map<(d0, d1) -> (0, 0)>
#map1 = affine_map<(d0, d1) -> (0)>
module attributes {stable_mosaic.version = 14 : i64} {
  func.func @_topk_body(%arg0: i32, %arg1: i32, %arg2: memref<16x81920xf32, #tpu.memory_space<hbm>>, %arg3: memref<16x3600xf32, #tpu.memory_space<hbm>>, %arg4: memref<16x16xf32, #tpu.memory_space<hbm>>, %arg5: memref<16x16xf32, #tpu.memory_space<hbm>>, %arg6: memref<32768xi32, #tpu.memory_space<hbm>>, %arg7: memref<16x112xf32, #tpu.memory_space<hbm>>, %arg8: memref<16x112xi32, #tpu.memory_space<hbm>>, %arg9: memref<16x448xf32, #tpu.memory_space<hbm>>, %arg10: memref<81920xf32, #tpu.memory_space<vmem>>, %arg11: memref<32768xi32, #tpu.memory_space<vmem>>, %arg12: memref<2048xi32, #tpu.memory_space<vmem>>, %arg13: memref<256xi32, #tpu.memory_space<vmem>>, %arg14: memref<256xi32, #tpu.memory_space<vmem>>, %arg15: memref<128xi32, #tpu.memory_space<vmem>>, %arg16: memref<128xi32, #tpu.memory_space<vmem>>, %arg17: memref<112xi32, #tpu.memory_space<vmem>>, %arg18: memref<112xf32, #tpu.memory_space<vmem>>, %arg19: memref<112xi32, #tpu.memory_space<vmem>>, %arg20: memref<112xi32, #tpu.memory_space<vmem>>, %arg21: memref<3600xf32, #tpu.memory_space<vmem>>, %arg22: memref<16xf32, #tpu.memory_space<vmem>>, %arg23: memref<16xf32, #tpu.memory_space<vmem>>, %arg24: memref<448xf32, #tpu.memory_space<vmem>>) attributes {dimension_semantics = [#tpu.dimension_semantics<core_parallel>, #tpu.dimension_semantics<subcore_parallel>], iteration_bounds = array<i64: 2, 16>, scalar_prefetch = 0 : i64, scratch_operands = 15 : i64, tpu.core_type = #tpu.core_type<sc_vector_subcore>, window_params = [{transform_indices = #map}, {transform_indices = #map}, {transform_indices = #map}, {transform_indices = #map}, {transform_indices = #map1}, {transform_indices = #map}, {transform_indices = #map}, {transform_indices = #map}]} {
    %mul3A = arith.constant 2 : i32
    %mul3A_0 = arith.muli %arg1, %mul3A : i32
    %add3A = arith.addi %mul3A_0, %arg0 : i32
    %lt3A = arith.constant 16 : i32
    %lt3A_1 = arith.cmpi slt, %add3A, %lt3A : i32
    %convert_element_type3A = arith.extui %lt3A_1 : i1 to i32
    %cond3A = arith.constant 0 : i32
    %cond3A_2 = arith.cmpi ne, %convert_element_type3A, %cond3A : i32
    scf.if %cond3A_2 {
      %iota3A = tpu.iota {dimensions = array<i32: 0>} : vector<16xi32>
      %broadcast_in_dim3A = arith.constant 1 : i32
      %broadcast_in_dim3A_3 = vector.broadcast %broadcast_in_dim3A : i32 to vector<16xi32>
      %mul3A_4 = arith.constant 2048 : i32
      %mul3A_5 = vector.broadcast %mul3A_4 : i32 to vector<16xi32>
      %mul3A_6 = arith.muli %iota3A, %mul3A_5 : vector<16xi32>
      "tpu.region"() ({
        %run_scoped3A = tpu.sem_alloc : memref<!tpu.dma_semaphore, #tpu.memory_space<semaphore_mem>>
        %dma_start3A = arith.constant 0 : i32
        %dma_start3A_956 = tpu.memref_slice %arg2[%add3A, %dma_start3A] : memref<16x81920xf32, #tpu.memory_space<hbm>> -> memref<1x81920xf32, #tpu.memory_space<hbm>>
        %dma_start3A_957 = tpu.memref_squeeze %dma_start3A_956 : memref<1x81920xf32, #tpu.memory_space<hbm>> -> memref<81920xf32, #tpu.memory_space<hbm>>
        %dma_start3A_958 = arith.constant 0 : i32
        %dma_start3A_959 = tpu.memref_slice %arg2[%add3A, %dma_start3A_958] : memref<16x81920xf32, #tpu.memory_space<hbm>> -> memref<1x81920xf32, #tpu.memory_space<hbm>>
        %dma_start3A_960 = tpu.memref_squeeze %dma_start3A_959 : memref<1x81920xf32, #tpu.memory_space<hbm>> -> memref<81920xf32, #tpu.memory_space<hbm>>
        tpu.enqueue_dma source(%dma_start3A_960 : memref<81920xf32, #tpu.memory_space<hbm>>) target(%arg10 : memref<81920xf32, #tpu.memory_space<vmem>>) target_semaphore(%run_scoped3A : memref<!tpu.dma_semaphore, #tpu.memory_space<semaphore_mem>>)
        %dma_wait3A = arith.constant 0 : i32
        %dma_wait3A_961 = tpu.memref_slice %arg2[%add3A, %dma_wait3A] : memref<16x81920xf32, #tpu.memory_space<hbm>> -> memref<1x81920xf32, #tpu.memory_space<hbm>>
        %dma_wait3A_962 = tpu.memref_squeeze %dma_wait3A_961 : memref<1x81920xf32, #tpu.memory_space<hbm>> -> memref<81920xf32, #tpu.memory_space<hbm>>
        %dma_wait3A_963 = arith.constant 0 : i32
        %dma_wait3A_964 = tpu.memref_slice %arg2[%add3A, %dma_wait3A_963] : memref<16x81920xf32, #tpu.memory_space<hbm>> -> memref<1x81920xf32, #tpu.memory_space<hbm>>
        %dma_wait3A_965 = tpu.memref_squeeze %dma_wait3A_964 : memref<1x81920xf32, #tpu.memory_space<hbm>> -> memref<81920xf32, #tpu.memory_space<hbm>>
        tpu.wait_dma2 semaphore(%run_scoped3A : memref<!tpu.dma_semaphore, #tpu.memory_space<semaphore_mem>>) src(%dma_wait3A_965 : memref<81920xf32, #tpu.memory_space<hbm>>) dst(%arg10 : memref<81920xf32, #tpu.memory_space<vmem>>)
        tpu.yield
      }) : () -> ()
      "tpu.region"() ({
        %run_scoped3A = tpu.sem_alloc : memref<!tpu.dma_semaphore, #tpu.memory_space<semaphore_mem>>
        %dma_start3A = arith.constant 0 : i32
        %dma_start3A_956 = tpu.memref_slice %arg3[%add3A, %dma_start3A] : memref<16x3600xf32, #tpu.memory_space<hbm>> -> memref<1x3600xf32, #tpu.memory_space<hbm>>
        %dma_start3A_957 = tpu.memref_squeeze %dma_start3A_956 : memref<1x3600xf32, #tpu.memory_space<hbm>> -> memref<3600xf32, #tpu.memory_space<hbm>>
        %dma_start3A_958 = arith.constant 0 : i32
        %dma_start3A_959 = tpu.memref_slice %arg3[%add3A, %dma_start3A_958] : memref<16x3600xf32, #tpu.memory_space<hbm>> -> memref<1x3600xf32, #tpu.memory_space<hbm>>
        %dma_start3A_960 = tpu.memref_squeeze %dma_start3A_959 : memref<1x3600xf32, #tpu.memory_space<hbm>> -> memref<3600xf32, #tpu.memory_space<hbm>>
        tpu.enqueue_dma source(%dma_start3A_960 : memref<3600xf32, #tpu.memory_space<hbm>>) target(%arg21 : memref<3600xf32, #tpu.memory_space<vmem>>) target_semaphore(%run_scoped3A : memref<!tpu.dma_semaphore, #tpu.memory_space<semaphore_mem>>)
        %dma_wait3A = arith.constant 0 : i32
        %dma_wait3A_961 = tpu.memref_slice %arg3[%add3A, %dma_wait3A] : memref<16x3600xf32, #tpu.memory_space<hbm>> -> memref<1x3600xf32, #tpu.memory_space<hbm>>
        %dma_wait3A_962 = tpu.memref_squeeze %dma_wait3A_961 : memref<1x3600xf32, #tpu.memory_space<hbm>> -> memref<3600xf32, #tpu.memory_space<hbm>>
        %dma_wait3A_963 = arith.constant 0 : i32
        %dma_wait3A_964 = tpu.memref_slice %arg3[%add3A, %dma_wait3A_963] : memref<16x3600xf32, #tpu.memory_space<hbm>> -> memref<1x3600xf32, #tpu.memory_space<hbm>>
        %dma_wait3A_965 = tpu.memref_squeeze %dma_wait3A_964 : memref<1x3600xf32, #tpu.memory_space<hbm>> -> memref<3600xf32, #tpu.memory_space<hbm>>
        tpu.wait_dma2 semaphore(%run_scoped3A : memref<!tpu.dma_semaphore, #tpu.memory_space<semaphore_mem>>) src(%dma_wait3A_965 : memref<3600xf32, #tpu.memory_space<hbm>>) dst(%arg21 : memref<3600xf32, #tpu.memory_space<vmem>>)
        tpu.yield
      }) : () -> ()
      "tpu.region"() ({
        %run_scoped3A = tpu.sem_alloc : memref<!tpu.dma_semaphore, #tpu.memory_space<semaphore_mem>>
        %dma_start3A = arith.constant 0 : i32
        %dma_start3A_956 = tpu.memref_slice %arg4[%add3A, %dma_start3A] : memref<16x16xf32, #tpu.memory_space<hbm>> -> memref<1x16xf32, #tpu.memory_space<hbm>>
        %dma_start3A_957 = tpu.memref_squeeze %dma_start3A_956 : memref<1x16xf32, #tpu.memory_space<hbm>> -> memref<16xf32, #tpu.memory_space<hbm>>
        %dma_start3A_958 = arith.constant 0 : i32
        %dma_start3A_959 = tpu.memref_slice %arg4[%add3A, %dma_start3A_958] : memref<16x16xf32, #tpu.memory_space<hbm>> -> memref<1x16xf32, #tpu.memory_space<hbm>>
        %dma_start3A_960 = tpu.memref_squeeze %dma_start3A_959 : memref<1x16xf32, #tpu.memory_space<hbm>> -> memref<16xf32, #tpu.memory_space<hbm>>
        tpu.enqueue_dma source(%dma_start3A_960 : memref<16xf32, #tpu.memory_space<hbm>>) target(%arg22 : memref<16xf32, #tpu.memory_space<vmem>>) target_semaphore(%run_scoped3A : memref<!tpu.dma_semaphore, #tpu.memory_space<semaphore_mem>>)
        %dma_wait3A = arith.constant 0 : i32
        %dma_wait3A_961 = tpu.memref_slice %arg4[%add3A, %dma_wait3A] : memref<16x16xf32, #tpu.memory_space<hbm>> -> memref<1x16xf32, #tpu.memory_space<hbm>>
        %dma_wait3A_962 = tpu.memref_squeeze %dma_wait3A_961 : memref<1x16xf32, #tpu.memory_space<hbm>> -> memref<16xf32, #tpu.memory_space<hbm>>
        %dma_wait3A_963 = arith.constant 0 : i32
        %dma_wait3A_964 = tpu.memref_slice %arg4[%add3A, %dma_wait3A_963] : memref<16x16xf32, #tpu.memory_space<hbm>> -> memref<1x16xf32, #tpu.memory_space<hbm>>
        %dma_wait3A_965 = tpu.memref_squeeze %dma_wait3A_964 : memref<1x16xf32, #tpu.memory_space<hbm>> -> memref<16xf32, #tpu.memory_space<hbm>>
        tpu.wait_dma2 semaphore(%run_scoped3A : memref<!tpu.dma_semaphore, #tpu.memory_space<semaphore_mem>>) src(%dma_wait3A_965 : memref<16xf32, #tpu.memory_space<hbm>>) dst(%arg22 : memref<16xf32, #tpu.memory_space<vmem>>)
        tpu.yield
      }) : () -> ()
      "tpu.region"() ({
        %run_scoped3A = tpu.sem_alloc : memref<!tpu.dma_semaphore, #tpu.memory_space<semaphore_mem>>
        %dma_start3A = arith.constant 0 : i32
        %dma_start3A_956 = tpu.memref_slice %arg5[%add3A, %dma_start3A] : memref<16x16xf32, #tpu.memory_space<hbm>> -> memref<1x16xf32, #tpu.memory_space<hbm>>
        %dma_start3A_957 = tpu.memref_squeeze %dma_start3A_956 : memref<1x16xf32, #tpu.memory_space<hbm>> -> memref<16xf32, #tpu.memory_space<hbm>>
        %dma_start3A_958 = arith.constant 0 : i32
        %dma_start3A_959 = tpu.memref_slice %arg5[%add3A, %dma_start3A_958] : memref<16x16xf32, #tpu.memory_space<hbm>> -> memref<1x16xf32, #tpu.memory_space<hbm>>
        %dma_start3A_960 = tpu.memref_squeeze %dma_start3A_959 : memref<1x16xf32, #tpu.memory_space<hbm>> -> memref<16xf32, #tpu.memory_space<hbm>>
        tpu.enqueue_dma source(%dma_start3A_960 : memref<16xf32, #tpu.memory_space<hbm>>) target(%arg23 : memref<16xf32, #tpu.memory_space<vmem>>) target_semaphore(%run_scoped3A : memref<!tpu.dma_semaphore, #tpu.memory_space<semaphore_mem>>)
        %dma_wait3A = arith.constant 0 : i32
        %dma_wait3A_961 = tpu.memref_slice %arg5[%add3A, %dma_wait3A] : memref<16x16xf32, #tpu.memory_space<hbm>> -> memref<1x16xf32, #tpu.memory_space<hbm>>
        %dma_wait3A_962 = tpu.memref_squeeze %dma_wait3A_961 : memref<1x16xf32, #tpu.memory_space<hbm>> -> memref<16xf32, #tpu.memory_space<hbm>>
        %dma_wait3A_963 = arith.constant 0 : i32
        %dma_wait3A_964 = tpu.memref_slice %arg5[%add3A, %dma_wait3A_963] : memref<16x16xf32, #tpu.memory_space<hbm>> -> memref<1x16xf32, #tpu.memory_space<hbm>>
        %dma_wait3A_965 = tpu.memref_squeeze %dma_wait3A_964 : memref<1x16xf32, #tpu.memory_space<hbm>> -> memref<16xf32, #tpu.memory_space<hbm>>
        tpu.wait_dma2 semaphore(%run_scoped3A : memref<!tpu.dma_semaphore, #tpu.memory_space<semaphore_mem>>) src(%dma_wait3A_965 : memref<16xf32, #tpu.memory_space<hbm>>) dst(%arg23 : memref<16xf32, #tpu.memory_space<vmem>>)
        tpu.yield
      }) : () -> ()
      "tpu.region"() ({
        %run_scoped3A = tpu.sem_alloc : memref<!tpu.dma_semaphore, #tpu.memory_space<semaphore_mem>>
        tpu.enqueue_dma source(%arg6 : memref<32768xi32, #tpu.memory_space<hbm>>) target(%arg11 : memref<32768xi32, #tpu.memory_space<vmem>>) target_semaphore(%run_scoped3A : memref<!tpu.dma_semaphore, #tpu.memory_space<semaphore_mem>>)
        tpu.wait_dma2 semaphore(%run_scoped3A : memref<!tpu.dma_semaphore, #tpu.memory_space<semaphore_mem>>) src(%arg6 : memref<32768xi32, #tpu.memory_space<hbm>>) dst(%arg11 : memref<32768xi32, #tpu.memory_space<vmem>>)
        tpu.yield
      }) : () -> ()
      %parallel_loop3A = arith.constant 0 : i32
      %parallel_loop3A_7 = arith.constant 5120 : i32
      %parallel_loop3A_8 = arith.constant 1 : i32
      scf.for %parallel_loop3A_956 = %parallel_loop3A to %parallel_loop3A_7 step %parallel_loop3A_8  : i32 {
        %parallel_loop3A_957 = arith.constant 16 : i32
        %parallel_loop3A_958 = arith.muli %parallel_loop3A_956, %parallel_loop3A_957 : i32
        %parallel_loop3A_959 = arith.index_cast %parallel_loop3A_958 : i32 to index
        %parallel_loop3A_960 = tpu.vector_load %arg10[%parallel_loop3A_959] {strides = array<i32>} : memref<81920xf32, #tpu.memory_space<vmem>>, vector<16xf32>,
        %parallel_loop3A_961 = vector.bitcast %parallel_loop3A_960 : vector<16xf32> to vector<16xi32>
        %parallel_loop3A_962 = arith.constant 31 : i32
        %parallel_loop3A_963 = vector.broadcast %parallel_loop3A_962 : i32 to vector<16xi32>
        %parallel_loop3A_964 = arith.shrui %parallel_loop3A_961, %parallel_loop3A_963 : vector<16xi32>
        %parallel_loop3A_965 = arith.constant 0 : i32
        %parallel_loop3A_966 = vector.broadcast %parallel_loop3A_965 : i32 to vector<16xi32>
        %parallel_loop3A_967 = arith.subi %parallel_loop3A_966, %parallel_loop3A_964 : vector<16xi32>
        %parallel_loop3A_968 = arith.constant -2147483648 : i32
        %parallel_loop3A_969 = vector.broadcast %parallel_loop3A_968 : i32 to vector<16xi32>
        %parallel_loop3A_970 = arith.ori %parallel_loop3A_967, %parallel_loop3A_969 : vector<16xi32>
        %parallel_loop3A_971 = arith.xori %parallel_loop3A_961, %parallel_loop3A_970 : vector<16xi32>
        %parallel_loop3A_972 = vector.bitcast %parallel_loop3A_971 : vector<16xi32> to vector<16xf32>
        %parallel_loop3A_973 = arith.constant 16 : i32
        %parallel_loop3A_974 = arith.muli %parallel_loop3A_956, %parallel_loop3A_973 : i32
        %parallel_loop3A_975 = arith.index_cast %parallel_loop3A_974 : i32 to index
        %parallel_loop3A_976 = tpu.vector_load %arg10[%parallel_loop3A_975] {strides = array<i32>} : memref<81920xf32, #tpu.memory_space<vmem>>, vector<16xf32>,
        tpu.vector_store %arg10[%parallel_loop3A_975], %parallel_loop3A_972 {strides = array<i32>} : memref<81920xf32, #tpu.memory_space<vmem>>, vector<16xf32>,
        %parallel_loop3A_977 = arith.constant 21 : i32
        %parallel_loop3A_978 = vector.broadcast %parallel_loop3A_977 : i32 to vector<16xi32>
        %parallel_loop3A_979 = arith.shrui %parallel_loop3A_971, %parallel_loop3A_978 : vector<16xi32>
        %parallel_loop3A_980 = arith.addi %mul3A_6, %parallel_loop3A_979 : vector<16xi32>
        tpu.vector_store_idx %arg11[%parallel_loop3A_980], %broadcast_in_dim3A_3 {add = true} : memref<32768xi32, #tpu.memory_space<vmem>>[vector<16xi32>], vector<16xi32>,
      } {sc.loop_unroll_factor = 8 : i64, sc.parallel_access}
      %scan3A = arith.constant 0 : i32
      %scan3A_9 = arith.constant 0 : i32
      %scan3A_10 = arith.constant 128 : i32
      %scan3A_11 = arith.addi %scan3A_9, %scan3A_10 : i32
      %scan3A_12 = arith.constant 1 : i32
      scf.for %scan3A_956 = %scan3A_9 to %scan3A_11 step %scan3A_12  : i32 {
        %mul3A_957 = arith.constant 16 : i32
        %mul3A_958 = arith.muli %scan3A_956, %mul3A_957 : i32
        %get3A_959 = arith.index_cast %mul3A_958 : i32 to index
        %get3A_960 = tpu.vector_load %arg11[%get3A_959] {strides = array<i32>} : memref<32768xi32, #tpu.memory_space<vmem>>, vector<16xi32>,
        %mul3A_961 = arith.constant 16 : i32
        %mul3A_962 = arith.muli %scan3A_956, %mul3A_961 : i32
        %add3A_963 = arith.constant 2048 : i32
        %add3A_964 = arith.addi %add3A_963, %mul3A_962 : i32
        %get3A_965 = arith.index_cast %add3A_964 : i32 to index
        %get3A_966 = tpu.vector_load %arg11[%get3A_965] {strides = array<i32>} : memref<32768xi32, #tpu.memory_space<vmem>>, vector<16xi32>,
        %add3A_967 = arith.addi %get3A_960, %get3A_966 : vector<16xi32>
        %mul3A_968 = arith.constant 16 : i32
        %mul3A_969 = arith.muli %scan3A_956, %mul3A_968 : i32
        %add3A_970 = arith.constant 4096 : i32
        %add3A_971 = arith.addi %add3A_970, %mul3A_969 : i32
        %get3A_972 = arith.index_cast %add3A_971 : i32 to index
        %get3A_973 = tpu.vector_load %arg11[%get3A_972] {strides = array<i32>} : memref<32768xi32, #tpu.memory_space<vmem>>, vector<16xi32>,
        %add3A_974 = arith.addi %add3A_967, %get3A_973 : vector<16xi32>
        %mul3A_975 = arith.constant 16 : i32
        %mul3A_976 = arith.muli %scan3A_956, %mul3A_975 : i32
        %add3A_977 = arith.constant 6144 : i32
        %add3A_978 = arith.addi %add3A_977, %mul3A_976 : i32
        %get3A_979 = arith.index_cast %add3A_978 : i32 to index
        %get3A_980 = tpu.vector_load %arg11[%get3A_979] {strides = array<i32>} : memref<32768xi32, #tpu.memory_space<vmem>>, vector<16xi32>,
        %add3A_981 = arith.addi %add3A_974, %get3A_980 : vector<16xi32>
        %mul3A_982 = arith.constant 16 : i32
        %mul3A_983 = arith.muli %scan3A_956, %mul3A_982 : i32
        %add3A_984 = arith.constant 8192 : i32
        %add3A_985 = arith.addi %add3A_984, %mul3A_983 : i32
        %get3A_986 = arith.index_cast %add3A_985 : i32 to index
        %get3A_987 = tpu.vector_load %arg11[%get3A_986] {strides = array<i32>} : memref<32768xi32, #tpu.memory_space<vmem>>, vector<16xi32>,
        %add3A_988 = arith.addi %add3A_981, %get3A_987 : vector<16xi32>
        %mul3A_989 = arith.constant 16 : i32
        %mul3A_990 = arith.muli %scan3A_956, %mul3A_989 : i32
        %add3A_991 = arith.constant 10240 : i32
        %add3A_992 = arith.addi %add3A_991, %mul3A_990 : i32
        %get3A_993 = arith.index_cast %add3A_992 : i32 to index
        %get3A_994 = tpu.vector_load %arg11[%get3A_993] {strides = array<i32>} : memref<32768xi32, #tpu.memory_space<vmem>>, vector<16xi32>,
        %add3A_995 = arith.addi %add3A_988, %get3A_994 : vector<16xi32>
        %mul3A_996 = arith.constant 16 : i32
        %mul3A_997 = arith.muli %scan3A_956, %mul3A_996 : i32
        %add3A_998 = arith.constant 12288 : i32
        %add3A_999 = arith.addi %add3A_998, %mul3A_997 : i32
        %get3A_1000 = arith.index_cast %add3A_999 : i32 to index
        %get3A_1001 = tpu.vector_load %arg11[%get3A_1000] {strides = array<i32>} : memref<32768xi32, #tpu.memory_space<vmem>>, vector<16xi32>,
        %add3A_1002 = arith.addi %add3A_995, %get3A_1001 : vector<16xi32>
        %mul3A_1003 = arith.constant 16 : i32
        %mul3A_1004 = arith.muli %scan3A_956, %mul3A_1003 : i32
        %add3A_1005 = arith.constant 14336 : i32
        %add3A_1006 = arith.addi %add3A_1005, %mul3A_1004 : i32
        %get3A_1007 = arith.index_cast %add3A_1006 : i32 to index
        %get3A_1008 = tpu.vector_load %arg11[%get3A_1007] {strides = array<i32>} : memref<32768xi32, #tpu.memory_space<vmem>>, vector<16xi32>,
        %add3A_1009 = arith.addi %add3A_1002, %get3A_1008 : vector<16xi32>
        %mul3A_1010 = arith.constant 16 : i32
        %mul3A_1011 = arith.muli %scan3A_956, %mul3A_1010 : i32
        %add3A_1012 = arith.constant 16384 : i32
        %add3A_1013 = arith.addi %add3A_1012, %mul3A_1011 : i32
        %get3A_1014 = arith.index_cast %add3A_1013 : i32 to index
        %get3A_1015 = tpu.vector_load %arg11[%get3A_1014] {strides = array<i32>} : memref<32768xi32, #tpu.memory_space<vmem>>, vector<16xi32>,
        %add3A_1016 = arith.addi %add3A_1009, %get3A_1015 : vector<16xi32>
        %mul3A_1017 = arith.constant 16 : i32
        %mul3A_1018 = arith.muli %scan3A_956, %mul3A_1017 : i32
        %add3A_1019 = arith.constant 18432 : i32
        %add3A_1020 = arith.addi %add3A_1019, %mul3A_1018 : i32
        %get3A_1021 = arith.index_cast %add3A_1020 : i32 to index
        %get3A_1022 = tpu.vector_load %arg11[%get3A_1021] {strides = array<i32>} : memref<32768xi32, #tpu.memory_space<vmem>>, vector<16xi32>,
        %add3A_1023 = arith.addi %add3A_1016, %get3A_1022 : vector<16xi32>
        %mul3A_1024 = arith.constant 16 : i32
        %mul3A_1025 = arith.muli %scan3A_956, %mul3A_1024 : i32
        %add3A_1026 = arith.constant 20480 : i32
        %add3A_1027 = arith.addi %add3A_1026, %mul3A_1025 : i32
        %get3A_1028 = arith.index_cast %add3A_1027 : i32 to index
        %get3A_1029 = tpu.vector_load %arg11[%get3A_1028] {strides = array<i32>} : memref<32768xi32, #tpu.memory_space<vmem>>, vector<16xi32>,
        %add3A_1030 = arith.addi %add3A_1023, %get3A_1029 : vector<16xi32>
        %mul3A_1031 = arith.constant 16 : i32
        %mul3A_1032 = arith.muli %scan3A_956, %mul3A_1031 : i32
        %add3A_1033 = arith.constant 22528 : i32
        %add3A_1034 = arith.addi %add3A_1033, %mul3A_1032 : i32
        %get3A_1035 = arith.index_cast %add3A_1034 : i32 to index
        %get3A_1036 = tpu.vector_load %arg11[%get3A_1035] {strides = array<i32>} : memref<32768xi32, #tpu.memory_space<vmem>>, vector<16xi32>,
        %add3A_1037 = arith.addi %add3A_1030, %get3A_1036 : vector<16xi32>
        %mul3A_1038 = arith.constant 16 : i32
        %mul3A_1039 = arith.muli %scan3A_956, %mul3A_1038 : i32
        %add3A_1040 = arith.constant 24576 : i32
        %add3A_1041 = arith.addi %add3A_1040, %mul3A_1039 : i32
        %get3A_1042 = arith.index_cast %add3A_1041 : i32 to index
        %get3A_1043 = tpu.vector_load %arg11[%get3A_1042] {strides = array<i32>} : memref<32768xi32, #tpu.memory_space<vmem>>, vector<16xi32>,
        %add3A_1044 = arith.addi %add3A_1037, %get3A_1043 : vector<16xi32>
        %mul3A_1045 = arith.constant 16 : i32
        %mul3A_1046 = arith.muli %scan3A_956, %mul3A_1045 : i32
        %add3A_1047 = arith.constant 26624 : i32
        %add3A_1048 = arith.addi %add3A_1047, %mul3A_1046 : i32
        %get3A_1049 = arith.index_cast %add3A_1048 : i32 to index
        %get3A_1050 = tpu.vector_load %arg11[%get3A_1049] {strides = array<i32>} : memref<32768xi32, #tpu.memory_space<vmem>>, vector<16xi32>,
        %add3A_1051 = arith.addi %add3A_1044, %get3A_1050 : vector<16xi32>
        %mul3A_1052 = arith.constant 16 : i32
        %mul3A_1053 = arith.muli %scan3A_956, %mul3A_1052 : i32
        %add3A_1054 = arith.constant 28672 : i32
        %add3A_1055 = arith.addi %add3A_1054, %mul3A_1053 : i32
        %get3A_1056 = arith.index_cast %add3A_1055 : i32 to index
        %get3A_1057 = tpu.vector_load %arg11[%get3A_1056] {strides = array<i32>} : memref<32768xi32, #tpu.memory_space<vmem>>, vector<16xi32>,
        %add3A_1058 = arith.addi %add3A_1051, %get3A_1057 : vector<16xi32>
        %mul3A_1059 = arith.constant 16 : i32
        %mul3A_1060 = arith.muli %scan3A_956, %mul3A_1059 : i32
        %add3A_1061 = arith.constant 30720 : i32
        %add3A_1062 = arith.addi %add3A_1061, %mul3A_1060 : i32
        %get3A_1063 = arith.index_cast %add3A_1062 : i32 to index
        %get3A_1064 = tpu.vector_load %arg11[%get3A_1063] {strides = array<i32>} : memref<32768xi32, #tpu.memory_space<vmem>>, vector<16xi32>,
        %add3A_1065 = arith.addi %add3A_1058, %get3A_1064 : vector<16xi32>
        %mul3A_1066 = arith.constant 16 : i32
        %mul3A_1067 = arith.muli %scan3A_956, %mul3A_1066 : i32
        %swap3A_1068 = arith.index_cast %mul3A_1067 : i32 to index
        %swap3A_1069 = tpu.vector_load %arg12[%swap3A_1068] {strides = array<i32>} : memref<2048xi32, #tpu.memory_space<vmem>>, vector<16xi32>,
        tpu.vector_store %arg12[%swap3A_1068], %add3A_1065 {strides = array<i32>} : memref<2048xi32, #tpu.memory_space<vmem>>, vector<16xi32>,
      }
      %scan3A_13 = arith.constant 128 : i32
      %scan3A_14 = arith.constant 100 : i32
      %scan3A_15 = arith.constant 0 : i32
      %scan3A_16 = arith.constant -1 : i32
      %scan3A_17 = arith.constant 0 : i32
      %scan3A_18 = arith.constant 0 : i32
      %scan3A_19 = arith.constant 0 : i32
      %scan3A_20 = arith.constant 128 : i32
      %scan3A_21 = arith.addi %scan3A_19, %scan3A_20 : i32
      %scan3A_22 = arith.constant 1 : i32
      %scan3A_23:4 = scf.for %scan3A_956 = %scan3A_19 to %scan3A_21 step %scan3A_22 iter_args(%scan3A_957 = %scan3A_15, %scan3A_958 = %scan3A_16, %scan3A_959 = %scan3A_17, %scan3A_960 = %scan3A_18) -> (i32, i32, i32, i32)  : i32 {
        %sub3A_961 = arith.constant 127 : i32
        %sub3A_962 = arith.subi %sub3A_961, %scan3A_956 : i32
        %mul3A_963 = arith.constant 16 : i32
        %mul3A_964 = arith.muli %sub3A_962, %mul3A_963 : i32
        %get3A_965 = arith.index_cast %mul3A_964 : i32 to index
        %get3A_966 = tpu.vector_load %arg12[%get3A_965] {strides = array<i32>} : memref<2048xi32, #tpu.memory_space<vmem>>, vector<16xi32>,
        %rev3A = arith.constant 15 : i32
        %rev3A_967 = vector.broadcast %rev3A : i32 to vector<16xi32>
        %rev3A_968 = tpu.iota {dimensions = array<i32: 0>} : vector<16xi32>
        %rev3A_969 = arith.subi %rev3A_967, %rev3A_968 : vector<16xi32>
        %rev3A_970 = tpu.dynamic_gather %get3A_966[%rev3A_969] in [0] : vector<16xi32>, vector<16xi32> -> vector<16xi32>
        %cumsum3A = arith.constant true
        %cumsum3A_971 = vector.broadcast %cumsum3A : i1 to vector<16xi1>
        %cumsum3A_972 = tpu.scan <sum>, %rev3A_970 masked %cumsum3A_971 : vector<16xi32>, vector<16xi1> -> vector<16xi32>
        %rev3A_973 = arith.constant 15 : i32
        %rev3A_974 = vector.broadcast %rev3A_973 : i32 to vector<16xi32>
        %rev3A_975 = tpu.iota {dimensions = array<i32: 0>} : vector<16xi32>
        %rev3A_976 = arith.subi %rev3A_974, %rev3A_975 : vector<16xi32>
        %rev3A_977 = tpu.dynamic_gather %cumsum3A_972[%rev3A_976] in [0] : vector<16xi32>, vector<16xi32> -> vector<16xi32>
        %add3A_978 = vector.broadcast %scan3A_957 : i32 to vector<16xi32>
        %add3A_979 = arith.addi %add3A_978, %rev3A_977 : vector<16xi32>
        %ge3A_980 = vector.broadcast %scan3A_14 : i32 to vector<16xi32>
        %ge3A_981 = arith.cmpi sge, %add3A_979, %ge3A_980 : vector<16xi32>
        %convert_element_type3A_982 = arith.extui %ge3A_981 : vector<16xi1> to vector<16xi32>
        %reduce_sum3A = arith.constant true
        %reduce_sum3A_983 = vector.broadcast %reduce_sum3A : i1 to vector<16xi1>
        %reduce_sum3A_984 = tpu.scan <sum>, %convert_element_type3A_982 masked %reduce_sum3A_983 : vector<16xi32>, vector<16xi1> -> vector<16xi32>
        %reduce_sum3A_985 = vector.extract %reduce_sum3A_984[15] : i32 from vector<16xi32>
        %sub3A_986 = arith.constant 1 : i32
        %sub3A_987 = arith.subi %reduce_sum3A_985, %sub3A_986 : i32
        %eq3A_988 = vector.broadcast %sub3A_987 : i32 to vector<16xi32>
        %eq3A_989 = arith.cmpi eq, %iota3A, %eq3A_988 : vector<16xi32>
        %jit3A = arith.constant 0 : i32
        %broadcast_in_dim3A_990 = vector.broadcast %jit3A : i32 to vector<16xi32>
        %select_n3A_991 = arith.select %eq3A_989, %add3A_979, %broadcast_in_dim3A_990 : vector<16xi1>, vector<16xi32>
        %reduce_sum3A_992 = arith.constant true
        %reduce_sum3A_993 = vector.broadcast %reduce_sum3A_992 : i1 to vector<16xi1>
        %reduce_sum3A_994 = tpu.scan <sum>, %select_n3A_991 masked %reduce_sum3A_993 : vector<16xi32>, vector<16xi1> -> vector<16xi32>
        %reduce_sum3A_995 = vector.extract %reduce_sum3A_994[15] : i32 from vector<16xi32>
        %jit3A_996 = arith.constant 0 : i32
        %broadcast_in_dim3A_997 = vector.broadcast %jit3A_996 : i32 to vector<16xi32>
        %select_n3A_998 = arith.select %eq3A_989, %get3A_966, %broadcast_in_dim3A_997 : vector<16xi1>, vector<16xi32>
        %reduce_sum3A_999 = arith.constant true
        %reduce_sum3A_1000 = vector.broadcast %reduce_sum3A_999 : i1 to vector<16xi1>
        %reduce_sum3A_1001 = tpu.scan <sum>, %select_n3A_998 masked %reduce_sum3A_1000 : vector<16xi32>, vector<16xi1> -> vector<16xi32>
        %reduce_sum3A_1002 = vector.extract %reduce_sum3A_1001[15] : i32 from vector<16xi32>
        %gt3A = arith.constant 0 : i32
        %gt3A_1003 = arith.cmpi sgt, %reduce_sum3A_985, %gt3A : i32
        %lt3A_1004 = arith.constant 0 : i32
        %lt3A_1005 = arith.cmpi slt, %scan3A_958, %lt3A_1004 : i32
        %and3A_1006 = arith.andi %gt3A_1003, %lt3A_1005 : i1
        %mul3A_1007 = arith.constant 16 : i32
        %mul3A_1008 = arith.muli %sub3A_962, %mul3A_1007 : i32
        %add3A_1009 = arith.addi %mul3A_1008, %sub3A_987 : i32
        %select_n3A_1010 = arith.select %and3A_1006, %add3A_1009, %scan3A_958 : i32
        %sub3A_1011 = arith.subi %reduce_sum3A_995, %reduce_sum3A_1002 : i32
        %select_n3A_1012 = arith.select %and3A_1006, %sub3A_1011, %scan3A_959 : i32
        %select_n3A_1013 = arith.select %and3A_1006, %reduce_sum3A_1002, %scan3A_960 : i32
        %reduce_sum3A_1014 = arith.constant true
        %reduce_sum3A_1015 = vector.broadcast %reduce_sum3A_1014 : i1 to vector<16xi1>
        %reduce_sum3A_1016 = tpu.scan <sum>, %get3A_966 masked %reduce_sum3A_1015 : vector<16xi32>, vector<16xi1> -> vector<16xi32>
        %reduce_sum3A_1017 = vector.extract %reduce_sum3A_1016[15] : i32 from vector<16xi32>
        %add3A_1018 = arith.addi %scan3A_957, %reduce_sum3A_1017 : i32
        scf.yield %add3A_1018, %select_n3A_1010, %select_n3A_1012, %select_n3A_1013 : i32, i32, i32, i32
      }
      %scan3A_24 = arith.constant 128 : i32
      %sub3A = arith.constant 100 : i32
      %sub3A_25 = arith.subi %sub3A, %scan3A_23#2 : i32
      %le3A = arith.constant 64 : i32
      %le3A_26 = arith.cmpi sle, %scan3A_23#3, %le3A : i32
      %convert_element_type3A_27 = arith.extui %le3A_26 : i1 to i32
      %cond3A_28 = arith.constant 0 : i32
      %cond3A_29 = arith.constant 0 : i32
      %cond3A_30 = arith.cmpi ne, %convert_element_type3A_27, %cond3A_29 : i32
      %cond3A_31:3 = scf.if %cond3A_30 -> (i32, i32, i32) {
        %shift_left3A = arith.constant 21 : i32
        %shift_left3A_956 = arith.shli %scan3A_23#1, %shift_left3A : i32
        %add3A_957 = arith.constant 1 : i32
        %add3A_958 = arith.addi %scan3A_23#1, %add3A_957 : i32
        %shift_left3A_959 = arith.constant 21 : i32
        %shift_left3A_960 = arith.shli %add3A_958, %shift_left3A_959 : i32
        scf.yield %shift_left3A_956, %shift_left3A_960, %scan3A_23#3 : i32, i32, i32
      } else {
        "tpu.region"() ({
          %run_scoped3A = tpu.sem_alloc : memref<!tpu.dma_semaphore, #tpu.memory_space<semaphore_mem>>
          tpu.enqueue_dma source(%arg6 : memref<32768xi32, #tpu.memory_space<hbm>>) target(%arg11 : memref<32768xi32, #tpu.memory_space<vmem>>) target_semaphore(%run_scoped3A : memref<!tpu.dma_semaphore, #tpu.memory_space<semaphore_mem>>)
          tpu.wait_dma2 semaphore(%run_scoped3A : memref<!tpu.dma_semaphore, #tpu.memory_space<semaphore_mem>>) src(%arg6 : memref<32768xi32, #tpu.memory_space<hbm>>) dst(%arg11 : memref<32768xi32, #tpu.memory_space<vmem>>)
          tpu.yield
        }) : () -> ()
        %broadcast_in_dim3A_956 = vector.broadcast %scan3A_23#1 : i32 to vector<16xi32>
        %parallel_loop3A_957 = arith.constant 0 : i32
        %parallel_loop3A_958 = arith.constant 5120 : i32
        %parallel_loop3A_959 = arith.constant 1 : i32
        scf.for %parallel_loop3A_985 = %parallel_loop3A_957 to %parallel_loop3A_958 step %parallel_loop3A_959  : i32 {
          %parallel_loop3A_986 = arith.constant 16 : i32
          %parallel_loop3A_987 = arith.muli %parallel_loop3A_985, %parallel_loop3A_986 : i32
          %parallel_loop3A_988 = arith.index_cast %parallel_loop3A_987 : i32 to index
          %parallel_loop3A_989 = tpu.vector_load %arg10[%parallel_loop3A_988] {strides = array<i32>} : memref<81920xf32, #tpu.memory_space<vmem>>, vector<16xf32>,
          %parallel_loop3A_990 = vector.bitcast %parallel_loop3A_989 : vector<16xf32> to vector<16xi32>
          %parallel_loop3A_991 = arith.constant 21 : i32
          %parallel_loop3A_992 = vector.broadcast %parallel_loop3A_991 : i32 to vector<16xi32>
          %parallel_loop3A_993 = arith.shrui %parallel_loop3A_990, %parallel_loop3A_992 : vector<16xi32>
          %parallel_loop3A_994 = arith.cmpi eq, %parallel_loop3A_993, %broadcast_in_dim3A_956 : vector<16xi32>
          %parallel_loop3A_995 = arith.constant 10 : i32
          %parallel_loop3A_996 = vector.broadcast %parallel_loop3A_995 : i32 to vector<16xi32>
          %parallel_loop3A_997 = arith.shrui %parallel_loop3A_990, %parallel_loop3A_996 : vector<16xi32>
          %parallel_loop3A_998 = arith.constant 2047 : i32
          %parallel_loop3A_999 = vector.broadcast %parallel_loop3A_998 : i32 to vector<16xi32>
          %parallel_loop3A_1000 = arith.andi %parallel_loop3A_997, %parallel_loop3A_999 : vector<16xi32>
          %parallel_loop3A_1001 = arith.addi %mul3A_6, %parallel_loop3A_1000 : vector<16xi32>
          tpu.vector_store_idx %arg11[%parallel_loop3A_1001], %broadcast_in_dim3A_3 masked %parallel_loop3A_994 {add = true} : memref<32768xi32, #tpu.memory_space<vmem>>[vector<16xi32>], vector<16xi32>, vector<16xi1>
        } {sc.loop_unroll_factor = 8 : i64, sc.parallel_access}
        %scan3A_960 = arith.constant 0 : i32
        %scan3A_961 = arith.constant 0 : i32
        %scan3A_962 = arith.constant 128 : i32
        %scan3A_963 = arith.addi %scan3A_961, %scan3A_962 : i32
        %scan3A_964 = arith.constant 1 : i32
        scf.for %scan3A_985 = %scan3A_961 to %scan3A_963 step %scan3A_964  : i32 {
          %mul3A_986 = arith.constant 16 : i32
          %mul3A_987 = arith.muli %scan3A_985, %mul3A_986 : i32
          %get3A_988 = arith.index_cast %mul3A_987 : i32 to index
          %get3A_989 = tpu.vector_load %arg11[%get3A_988] {strides = array<i32>} : memref<32768xi32, #tpu.memory_space<vmem>>, vector<16xi32>,
          %mul3A_990 = arith.constant 16 : i32
          %mul3A_991 = arith.muli %scan3A_985, %mul3A_990 : i32
          %add3A_992 = arith.constant 2048 : i32
          %add3A_993 = arith.addi %add3A_992, %mul3A_991 : i32
          %get3A_994 = arith.index_cast %add3A_993 : i32 to index
          %get3A_995 = tpu.vector_load %arg11[%get3A_994] {strides = array<i32>} : memref<32768xi32, #tpu.memory_space<vmem>>, vector<16xi32>,
          %add3A_996 = arith.addi %get3A_989, %get3A_995 : vector<16xi32>
          %mul3A_997 = arith.constant 16 : i32
          %mul3A_998 = arith.muli %scan3A_985, %mul3A_997 : i32
          %add3A_999 = arith.constant 4096 : i32
          %add3A_1000 = arith.addi %add3A_999, %mul3A_998 : i32
          %get3A_1001 = arith.index_cast %add3A_1000 : i32 to index
          %get3A_1002 = tpu.vector_load %arg11[%get3A_1001] {strides = array<i32>} : memref<32768xi32, #tpu.memory_space<vmem>>, vector<16xi32>,
          %add3A_1003 = arith.addi %add3A_996, %get3A_1002 : vector<16xi32>
          %mul3A_1004 = arith.constant 16 : i32
          %mul3A_1005 = arith.muli %scan3A_985, %mul3A_1004 : i32
          %add3A_1006 = arith.constant 6144 : i32
          %add3A_1007 = arith.addi %add3A_1006, %mul3A_1005 : i32
          %get3A_1008 = arith.index_cast %add3A_1007 : i32 to index
          %get3A_1009 = tpu.vector_load %arg11[%get3A_1008] {strides = array<i32>} : memref<32768xi32, #tpu.memory_space<vmem>>, vector<16xi32>,
          %add3A_1010 = arith.addi %add3A_1003, %get3A_1009 : vector<16xi32>
          %mul3A_1011 = arith.constant 16 : i32
          %mul3A_1012 = arith.muli %scan3A_985, %mul3A_1011 : i32
          %add3A_1013 = arith.constant 8192 : i32
          %add3A_1014 = arith.addi %add3A_1013, %mul3A_1012 : i32
          %get3A_1015 = arith.index_cast %add3A_1014 : i32 to index
          %get3A_1016 = tpu.vector_load %arg11[%get3A_1015] {strides = array<i32>} : memref<32768xi32, #tpu.memory_space<vmem>>, vector<16xi32>,
          %add3A_1017 = arith.addi %add3A_1010, %get3A_1016 : vector<16xi32>
          %mul3A_1018 = arith.constant 16 : i32
          %mul3A_1019 = arith.muli %scan3A_985, %mul3A_1018 : i32
          %add3A_1020 = arith.constant 10240 : i32
          %add3A_1021 = arith.addi %add3A_1020, %mul3A_1019 : i32
          %get3A_1022 = arith.index_cast %add3A_1021 : i32 to index
          %get3A_1023 = tpu.vector_load %arg11[%get3A_1022] {strides = array<i32>} : memref<32768xi32, #tpu.memory_space<vmem>>, vector<16xi32>,
          %add3A_1024 = arith.addi %add3A_1017, %get3A_1023 : vector<16xi32>
          %mul3A_1025 = arith.constant 16 : i32
          %mul3A_1026 = arith.muli %scan3A_985, %mul3A_1025 : i32
          %add3A_1027 = arith.constant 12288 : i32
          %add3A_1028 = arith.addi %add3A_1027, %mul3A_1026 : i32
          %get3A_1029 = arith.index_cast %add3A_1028 : i32 to index
          %get3A_1030 = tpu.vector_load %arg11[%get3A_1029] {strides = array<i32>} : memref<32768xi32, #tpu.memory_space<vmem>>, vector<16xi32>,
          %add3A_1031 = arith.addi %add3A_1024, %get3A_1030 : vector<16xi32>
          %mul3A_1032 = arith.constant 16 : i32
          %mul3A_1033 = arith.muli %scan3A_985, %mul3A_1032 : i32
          %add3A_1034 = arith.constant 14336 : i32
          %add3A_1035 = arith.addi %add3A_1034, %mul3A_1033 : i32
          %get3A_1036 = arith.index_cast %add3A_1035 : i32 to index
          %get3A_1037 = tpu.vector_load %arg11[%get3A_1036] {strides = array<i32>} : memref<32768xi32, #tpu.memory_space<vmem>>, vector<16xi32>,
          %add3A_1038 = arith.addi %add3A_1031, %get3A_1037 : vector<16xi32>
          %mul3A_1039 = arith.constant 16 : i32
          %mul3A_1040 = arith.muli %scan3A_985, %mul3A_1039 : i32
          %add3A_1041 = arith.constant 16384 : i32
          %add3A_1042 = arith.addi %add3A_1041, %mul3A_1040 : i32
          %get3A_1043 = arith.index_cast %add3A_1042 : i32 to index
          %get3A_1044 = tpu.vector_load %arg11[%get3A_1043] {strides = array<i32>} : memref<32768xi32, #tpu.memory_space<vmem>>, vector<16xi32>,
          %add3A_1045 = arith.addi %add3A_1038, %get3A_1044 : vector<16xi32>
          %mul3A_1046 = arith.constant 16 : i32
          %mul3A_1047 = arith.muli %scan3A_985, %mul3A_1046 : i32
          %add3A_1048 = arith.constant 18432 : i32
          %add3A_1049 = arith.addi %add3A_1048, %mul3A_1047 : i32
          %get3A_1050 = arith.index_cast %add3A_1049 : i32 to index
          %get3A_1051 = tpu.vector_load %arg11[%get3A_1050] {strides = array<i32>} : memref<32768xi32, #tpu.memory_space<vmem>>, vector<16xi32>,
          %add3A_1052 = arith.addi %add3A_1045, %get3A_1051 : vector<16xi32>
          %mul3A_1053 = arith.constant 16 : i32
          %mul3A_1054 = arith.muli %scan3A_985, %mul3A_1053 : i32
          %add3A_1055 = arith.constant 20480 : i32
          %add3A_1056 = arith.addi %add3A_1055, %mul3A_1054 : i32
          %get3A_1057 = arith.index_cast %add3A_1056 : i32 to index
          %get3A_1058 = tpu.vector_load %arg11[%get3A_1057] {strides = array<i32>} : memref<32768xi32, #tpu.memory_space<vmem>>, vector<16xi32>,
          %add3A_1059 = arith.addi %add3A_1052, %get3A_1058 : vector<16xi32>
          %mul3A_1060 = arith.constant 16 : i32
          %mul3A_1061 = arith.muli %scan3A_985, %mul3A_1060 : i32
          %add3A_1062 = arith.constant 22528 : i32
          %add3A_1063 = arith.addi %add3A_1062, %mul3A_1061 : i32
          %get3A_1064 = arith.index_cast %add3A_1063 : i32 to index
          %get3A_1065 = tpu.vector_load %arg11[%get3A_1064] {strides = array<i32>} : memref<32768xi32, #tpu.memory_space<vmem>>, vector<16xi32>,
          %add3A_1066 = arith.addi %add3A_1059, %get3A_1065 : vector<16xi32>
          %mul3A_1067 = arith.constant 16 : i32
          %mul3A_1068 = arith.muli %scan3A_985, %mul3A_1067 : i32
          %add3A_1069 = arith.constant 24576 : i32
          %add3A_1070 = arith.addi %add3A_1069, %mul3A_1068 : i32
          %get3A_1071 = arith.index_cast %add3A_1070 : i32 to index
          %get3A_1072 = tpu.vector_load %arg11[%get3A_1071] {strides = array<i32>} : memref<32768xi32, #tpu.memory_space<vmem>>, vector<16xi32>,
          %add3A_1073 = arith.addi %add3A_1066, %get3A_1072 : vector<16xi32>
          %mul3A_1074 = arith.constant 16 : i32
          %mul3A_1075 = arith.muli %scan3A_985, %mul3A_1074 : i32
          %add3A_1076 = arith.constant 26624 : i32
          %add3A_1077 = arith.addi %add3A_1076, %mul3A_1075 : i32
          %get3A_1078 = arith.index_cast %add3A_1077 : i32 to index
          %get3A_1079 = tpu.vector_load %arg11[%get3A_1078] {strides = array<i32>} : memref<32768xi32, #tpu.memory_space<vmem>>, vector<16xi32>,
          %add3A_1080 = arith.addi %add3A_1073, %get3A_1079 : vector<16xi32>
          %mul3A_1081 = arith.constant 16 : i32
          %mul3A_1082 = arith.muli %scan3A_985, %mul3A_1081 : i32
          %add3A_1083 = arith.constant 28672 : i32
          %add3A_1084 = arith.addi %add3A_1083, %mul3A_1082 : i32
          %get3A_1085 = arith.index_cast %add3A_1084 : i32 to index
          %get3A_1086 = tpu.vector_load %arg11[%get3A_1085] {strides = array<i32>} : memref<32768xi32, #tpu.memory_space<vmem>>, vector<16xi32>,
          %add3A_1087 = arith.addi %add3A_1080, %get3A_1086 : vector<16xi32>
          %mul3A_1088 = arith.constant 16 : i32
          %mul3A_1089 = arith.muli %scan3A_985, %mul3A_1088 : i32
          %add3A_1090 = arith.constant 30720 : i32
          %add3A_1091 = arith.addi %add3A_1090, %mul3A_1089 : i32
          %get3A_1092 = arith.index_cast %add3A_1091 : i32 to index
          %get3A_1093 = tpu.vector_load %arg11[%get3A_1092] {strides = array<i32>} : memref<32768xi32, #tpu.memory_space<vmem>>, vector<16xi32>,
          %add3A_1094 = arith.addi %add3A_1087, %get3A_1093 : vector<16xi32>
          %mul3A_1095 = arith.constant 16 : i32
          %mul3A_1096 = arith.muli %scan3A_985, %mul3A_1095 : i32
          %swap3A_1097 = arith.index_cast %mul3A_1096 : i32 to index
          %swap3A_1098 = tpu.vector_load %arg12[%swap3A_1097] {strides = array<i32>} : memref<2048xi32, #tpu.memory_space<vmem>>, vector<16xi32>,
          tpu.vector_store %arg12[%swap3A_1097], %add3A_1094 {strides = array<i32>} : memref<2048xi32, #tpu.memory_space<vmem>>, vector<16xi32>,
        }
        %scan3A_965 = arith.constant 128 : i32
        %scan3A_966 = arith.constant 0 : i32
        %scan3A_967 = arith.constant -1 : i32
        %scan3A_968 = arith.constant 0 : i32
        %scan3A_969 = arith.constant 0 : i32
        %scan3A_970 = arith.constant 0 : i32
        %scan3A_971 = arith.constant 128 : i32
        %scan3A_972 = arith.addi %scan3A_970, %scan3A_971 : i32
        %scan3A_973 = arith.constant 1 : i32
        %scan3A_974:4 = scf.for %scan3A_985 = %scan3A_970 to %scan3A_972 step %scan3A_973 iter_args(%scan3A_986 = %scan3A_966, %scan3A_987 = %scan3A_967, %scan3A_988 = %scan3A_968, %scan3A_989 = %scan3A_969) -> (i32, i32, i32, i32)  : i32 {
          %sub3A_990 = arith.constant 127 : i32
          %sub3A_991 = arith.subi %sub3A_990, %scan3A_985 : i32
          %mul3A_992 = arith.constant 16 : i32
          %mul3A_993 = arith.muli %sub3A_991, %mul3A_992 : i32
          %get3A_994 = arith.index_cast %mul3A_993 : i32 to index
          %get3A_995 = tpu.vector_load %arg12[%get3A_994] {strides = array<i32>} : memref<2048xi32, #tpu.memory_space<vmem>>, vector<16xi32>,
          %rev3A = arith.constant 15 : i32
          %rev3A_996 = vector.broadcast %rev3A : i32 to vector<16xi32>
          %rev3A_997 = tpu.iota {dimensions = array<i32: 0>} : vector<16xi32>
          %rev3A_998 = arith.subi %rev3A_996, %rev3A_997 : vector<16xi32>
          %rev3A_999 = tpu.dynamic_gather %get3A_995[%rev3A_998] in [0] : vector<16xi32>, vector<16xi32> -> vector<16xi32>
          %cumsum3A = arith.constant true
          %cumsum3A_1000 = vector.broadcast %cumsum3A : i1 to vector<16xi1>
          %cumsum3A_1001 = tpu.scan <sum>, %rev3A_999 masked %cumsum3A_1000 : vector<16xi32>, vector<16xi1> -> vector<16xi32>
          %rev3A_1002 = arith.constant 15 : i32
          %rev3A_1003 = vector.broadcast %rev3A_1002 : i32 to vector<16xi32>
          %rev3A_1004 = tpu.iota {dimensions = array<i32: 0>} : vector<16xi32>
          %rev3A_1005 = arith.subi %rev3A_1003, %rev3A_1004 : vector<16xi32>
          %rev3A_1006 = tpu.dynamic_gather %cumsum3A_1001[%rev3A_1005] in [0] : vector<16xi32>, vector<16xi32> -> vector<16xi32>
          %add3A_1007 = vector.broadcast %scan3A_986 : i32 to vector<16xi32>
          %add3A_1008 = arith.addi %add3A_1007, %rev3A_1006 : vector<16xi32>
          %ge3A_1009 = vector.broadcast %sub3A_25 : i32 to vector<16xi32>
          %ge3A_1010 = arith.cmpi sge, %add3A_1008, %ge3A_1009 : vector<16xi32>
          %convert_element_type3A_1011 = arith.extui %ge3A_1010 : vector<16xi1> to vector<16xi32>
          %reduce_sum3A = arith.constant true
          %reduce_sum3A_1012 = vector.broadcast %reduce_sum3A : i1 to vector<16xi1>
          %reduce_sum3A_1013 = tpu.scan <sum>, %convert_element_type3A_1011 masked %reduce_sum3A_1012 : vector<16xi32>, vector<16xi1> -> vector<16xi32>
          %reduce_sum3A_1014 = vector.extract %reduce_sum3A_1013[15] : i32 from vector<16xi32>
          %sub3A_1015 = arith.constant 1 : i32
          %sub3A_1016 = arith.subi %reduce_sum3A_1014, %sub3A_1015 : i32
          %eq3A_1017 = vector.broadcast %sub3A_1016 : i32 to vector<16xi32>
          %eq3A_1018 = arith.cmpi eq, %iota3A, %eq3A_1017 : vector<16xi32>
          %jit3A = arith.constant 0 : i32
          %broadcast_in_dim3A_1019 = vector.broadcast %jit3A : i32 to vector<16xi32>
          %select_n3A_1020 = arith.select %eq3A_1018, %add3A_1008, %broadcast_in_dim3A_1019 : vector<16xi1>, vector<16xi32>
          %reduce_sum3A_1021 = arith.constant true
          %reduce_sum3A_1022 = vector.broadcast %reduce_sum3A_1021 : i1 to vector<16xi1>
          %reduce_sum3A_1023 = tpu.scan <sum>, %select_n3A_1020 masked %reduce_sum3A_1022 : vector<16xi32>, vector<16xi1> -> vector<16xi32>
          %reduce_sum3A_1024 = vector.extract %reduce_sum3A_1023[15] : i32 from vector<16xi32>
          %jit3A_1025 = arith.constant 0 : i32
          %broadcast_in_dim3A_1026 = vector.broadcast %jit3A_1025 : i32 to vector<16xi32>
          %select_n3A_1027 = arith.select %eq3A_1018, %get3A_995, %broadcast_in_dim3A_1026 : vector<16xi1>, vector<16xi32>
          %reduce_sum3A_1028 = arith.constant true
          %reduce_sum3A_1029 = vector.broadcast %reduce_sum3A_1028 : i1 to vector<16xi1>
          %reduce_sum3A_1030 = tpu.scan <sum>, %select_n3A_1027 masked %reduce_sum3A_1029 : vector<16xi32>, vector<16xi1> -> vector<16xi32>
          %reduce_sum3A_1031 = vector.extract %reduce_sum3A_1030[15] : i32 from vector<16xi32>
          %gt3A = arith.constant 0 : i32
          %gt3A_1032 = arith.cmpi sgt, %reduce_sum3A_1014, %gt3A : i32
          %lt3A_1033 = arith.constant 0 : i32
          %lt3A_1034 = arith.cmpi slt, %scan3A_987, %lt3A_1033 : i32
          %and3A_1035 = arith.andi %gt3A_1032, %lt3A_1034 : i1
          %mul3A_1036 = arith.constant 16 : i32
          %mul3A_1037 = arith.muli %sub3A_991, %mul3A_1036 : i32
          %add3A_1038 = arith.addi %mul3A_1037, %sub3A_1016 : i32
          %select_n3A_1039 = arith.select %and3A_1035, %add3A_1038, %scan3A_987 : i32
          %sub3A_1040 = arith.subi %reduce_sum3A_1024, %reduce_sum3A_1031 : i32
          %select_n3A_1041 = arith.select %and3A_1035, %sub3A_1040, %scan3A_988 : i32
          %select_n3A_1042 = arith.select %and3A_1035, %reduce_sum3A_1031, %scan3A_989 : i32
          %reduce_sum3A_1043 = arith.constant true
          %reduce_sum3A_1044 = vector.broadcast %reduce_sum3A_1043 : i1 to vector<16xi1>
          %reduce_sum3A_1045 = tpu.scan <sum>, %get3A_995 masked %reduce_sum3A_1044 : vector<16xi32>, vector<16xi1> -> vector<16xi32>
          %reduce_sum3A_1046 = vector.extract %reduce_sum3A_1045[15] : i32 from vector<16xi32>
          %add3A_1047 = arith.addi %scan3A_986, %reduce_sum3A_1046 : i32
          scf.yield %add3A_1047, %select_n3A_1039, %select_n3A_1041, %select_n3A_1042 : i32, i32, i32, i32
        }
        %scan3A_975 = arith.constant 128 : i32
        %sub3A_976 = arith.subi %sub3A_25, %scan3A_974#2 : i32
        %shift_left3A = arith.constant 11 : i32
        %shift_left3A_977 = arith.shli %scan3A_23#1, %shift_left3A : i32
        %or3A = arith.ori %shift_left3A_977, %scan3A_974#1 : i32
        %le3A_978 = arith.constant 64 : i32
        %le3A_979 = arith.cmpi sle, %scan3A_974#3, %le3A_978 : i32
        %convert_element_type3A_980 = arith.extui %le3A_979 : i1 to i32
        %cond3A_981 = arith.constant 0 : i32
        %cond3A_982 = arith.constant 0 : i32
        %cond3A_983 = arith.cmpi ne, %convert_element_type3A_980, %cond3A_982 : i32
        %cond3A_984:3 = scf.if %cond3A_983 -> (i32, i32, i32) {
          %shift_left3A_985 = arith.constant 10 : i32
          %shift_left3A_986 = arith.shli %or3A, %shift_left3A_985 : i32
          %add3A_987 = arith.constant 1 : i32
          %add3A_988 = arith.addi %or3A, %add3A_987 : i32
          %shift_left3A_989 = arith.constant 10 : i32
          %shift_left3A_990 = arith.shli %add3A_988, %shift_left3A_989 : i32
          scf.yield %shift_left3A_986, %shift_left3A_990, %scan3A_974#3 : i32, i32, i32
        } else {
          "tpu.region"() ({
            %run_scoped3A = tpu.sem_alloc : memref<!tpu.dma_semaphore, #tpu.memory_space<semaphore_mem>>
            tpu.enqueue_dma source(%arg6 : memref<32768xi32, #tpu.memory_space<hbm>>) target(%arg11 : memref<32768xi32, #tpu.memory_space<vmem>>) target_semaphore(%run_scoped3A : memref<!tpu.dma_semaphore, #tpu.memory_space<semaphore_mem>>)
            tpu.wait_dma2 semaphore(%run_scoped3A : memref<!tpu.dma_semaphore, #tpu.memory_space<semaphore_mem>>) src(%arg6 : memref<32768xi32, #tpu.memory_space<hbm>>) dst(%arg11 : memref<32768xi32, #tpu.memory_space<vmem>>)
            tpu.yield
          }) : () -> ()
          %broadcast_in_dim3A_985 = vector.broadcast %or3A : i32 to vector<16xi32>
          %parallel_loop3A_986 = arith.constant 0 : i32
          %parallel_loop3A_987 = arith.constant 5120 : i32
          %parallel_loop3A_988 = arith.constant 1 : i32
          scf.for %parallel_loop3A_1011 = %parallel_loop3A_986 to %parallel_loop3A_987 step %parallel_loop3A_988  : i32 {
            %parallel_loop3A_1012 = arith.constant 16 : i32
            %parallel_loop3A_1013 = arith.muli %parallel_loop3A_1011, %parallel_loop3A_1012 : i32
            %parallel_loop3A_1014 = arith.index_cast %parallel_loop3A_1013 : i32 to index
            %parallel_loop3A_1015 = tpu.vector_load %arg10[%parallel_loop3A_1014] {strides = array<i32>} : memref<81920xf32, #tpu.memory_space<vmem>>, vector<16xf32>,
            %parallel_loop3A_1016 = vector.bitcast %parallel_loop3A_1015 : vector<16xf32> to vector<16xi32>
            %parallel_loop3A_1017 = arith.constant 10 : i32
            %parallel_loop3A_1018 = vector.broadcast %parallel_loop3A_1017 : i32 to vector<16xi32>
            %parallel_loop3A_1019 = arith.shrui %parallel_loop3A_1016, %parallel_loop3A_1018 : vector<16xi32>
            %parallel_loop3A_1020 = arith.cmpi eq, %parallel_loop3A_1019, %broadcast_in_dim3A_985 : vector<16xi32>
            %parallel_loop3A_1021 = arith.constant 1023 : i32
            %parallel_loop3A_1022 = vector.broadcast %parallel_loop3A_1021 : i32 to vector<16xi32>
            %parallel_loop3A_1023 = arith.andi %parallel_loop3A_1016, %parallel_loop3A_1022 : vector<16xi32>
            %parallel_loop3A_1024 = arith.addi %mul3A_6, %parallel_loop3A_1023 : vector<16xi32>
            tpu.vector_store_idx %arg11[%parallel_loop3A_1024], %broadcast_in_dim3A_3 masked %parallel_loop3A_1020 {add = true} : memref<32768xi32, #tpu.memory_space<vmem>>[vector<16xi32>], vector<16xi32>, vector<16xi1>
          } {sc.loop_unroll_factor = 8 : i64, sc.parallel_access}
          %scan3A_989 = arith.constant 0 : i32
          %scan3A_990 = arith.constant 0 : i32
          %scan3A_991 = arith.constant 64 : i32
          %scan3A_992 = arith.addi %scan3A_990, %scan3A_991 : i32
          %scan3A_993 = arith.constant 1 : i32
          scf.for %scan3A_1011 = %scan3A_990 to %scan3A_992 step %scan3A_993  : i32 {
            %mul3A_1012 = arith.constant 16 : i32
            %mul3A_1013 = arith.muli %scan3A_1011, %mul3A_1012 : i32
            %get3A_1014 = arith.index_cast %mul3A_1013 : i32 to index
            %get3A_1015 = tpu.vector_load %arg11[%get3A_1014] {strides = array<i32>} : memref<32768xi32, #tpu.memory_space<vmem>>, vector<16xi32>,
            %mul3A_1016 = arith.constant 16 : i32
            %mul3A_1017 = arith.muli %scan3A_1011, %mul3A_1016 : i32
            %add3A_1018 = arith.constant 2048 : i32
            %add3A_1019 = arith.addi %add3A_1018, %mul3A_1017 : i32
            %get3A_1020 = arith.index_cast %add3A_1019 : i32 to index
            %get3A_1021 = tpu.vector_load %arg11[%get3A_1020] {strides = array<i32>} : memref<32768xi32, #tpu.memory_space<vmem>>, vector<16xi32>,
            %add3A_1022 = arith.addi %get3A_1015, %get3A_1021 : vector<16xi32>
            %mul3A_1023 = arith.constant 16 : i32
            %mul3A_1024 = arith.muli %scan3A_1011, %mul3A_1023 : i32
            %add3A_1025 = arith.constant 4096 : i32
            %add3A_1026 = arith.addi %add3A_1025, %mul3A_1024 : i32
            %get3A_1027 = arith.index_cast %add3A_1026 : i32 to index
            %get3A_1028 = tpu.vector_load %arg11[%get3A_1027] {strides = array<i32>} : memref<32768xi32, #tpu.memory_space<vmem>>, vector<16xi32>,
            %add3A_1029 = arith.addi %add3A_1022, %get3A_1028 : vector<16xi32>
            %mul3A_1030 = arith.constant 16 : i32
            %mul3A_1031 = arith.muli %scan3A_1011, %mul3A_1030 : i32
            %add3A_1032 = arith.constant 6144 : i32
            %add3A_1033 = arith.addi %add3A_1032, %mul3A_1031 : i32
            %get3A_1034 = arith.index_cast %add3A_1033 : i32 to index
            %get3A_1035 = tpu.vector_load %arg11[%get3A_1034] {strides = array<i32>} : memref<32768xi32, #tpu.memory_space<vmem>>, vector<16xi32>,
            %add3A_1036 = arith.addi %add3A_1029, %get3A_1035 : vector<16xi32>
            %mul3A_1037 = arith.constant 16 : i32
            %mul3A_1038 = arith.muli %scan3A_1011, %mul3A_1037 : i32
            %add3A_1039 = arith.constant 8192 : i32
            %add3A_1040 = arith.addi %add3A_1039, %mul3A_1038 : i32
            %get3A_1041 = arith.index_cast %add3A_1040 : i32 to index
            %get3A_1042 = tpu.vector_load %arg11[%get3A_1041] {strides = array<i32>} : memref<32768xi32, #tpu.memory_space<vmem>>, vector<16xi32>,
            %add3A_1043 = arith.addi %add3A_1036, %get3A_1042 : vector<16xi32>
            %mul3A_1044 = arith.constant 16 : i32
            %mul3A_1045 = arith.muli %scan3A_1011, %mul3A_1044 : i32
            %add3A_1046 = arith.constant 10240 : i32
            %add3A_1047 = arith.addi %add3A_1046, %mul3A_1045 : i32
            %get3A_1048 = arith.index_cast %add3A_1047 : i32 to index
            %get3A_1049 = tpu.vector_load %arg11[%get3A_1048] {strides = array<i32>} : memref<32768xi32, #tpu.memory_space<vmem>>, vector<16xi32>,
            %add3A_1050 = arith.addi %add3A_1043, %get3A_1049 : vector<16xi32>
            %mul3A_1051 = arith.constant 16 : i32
            %mul3A_1052 = arith.muli %scan3A_1011, %mul3A_1051 : i32
            %add3A_1053 = arith.constant 12288 : i32
            %add3A_1054 = arith.addi %add3A_1053, %mul3A_1052 : i32
            %get3A_1055 = arith.index_cast %add3A_1054 : i32 to index
            %get3A_1056 = tpu.vector_load %arg11[%get3A_1055] {strides = array<i32>} : memref<32768xi32, #tpu.memory_space<vmem>>, vector<16xi32>,
            %add3A_1057 = arith.addi %add3A_1050, %get3A_1056 : vector<16xi32>
            %mul3A_1058 = arith.constant 16 : i32
            %mul3A_1059 = arith.muli %scan3A_1011, %mul3A_1058 : i32
            %add3A_1060 = arith.constant 14336 : i32
            %add3A_1061 = arith.addi %add3A_1060, %mul3A_1059 : i32
            %get3A_1062 = arith.index_cast %add3A_1061 : i32 to index
            %get3A_1063 = tpu.vector_load %arg11[%get3A_1062] {strides = array<i32>} : memref<32768xi32, #tpu.memory_space<vmem>>, vector<16xi32>,
            %add3A_1064 = arith.addi %add3A_1057, %get3A_1063 : vector<16xi32>
            %mul3A_1065 = arith.constant 16 : i32
            %mul3A_1066 = arith.muli %scan3A_1011, %mul3A_1065 : i32
            %add3A_1067 = arith.constant 16384 : i32
            %add3A_1068 = arith.addi %add3A_1067, %mul3A_1066 : i32
            %get3A_1069 = arith.index_cast %add3A_1068 : i32 to index
            %get3A_1070 = tpu.vector_load %arg11[%get3A_1069] {strides = array<i32>} : memref<32768xi32, #tpu.memory_space<vmem>>, vector<16xi32>,
            %add3A_1071 = arith.addi %add3A_1064, %get3A_1070 : vector<16xi32>
            %mul3A_1072 = arith.constant 16 : i32
            %mul3A_1073 = arith.muli %scan3A_1011, %mul3A_1072 : i32
            %add3A_1074 = arith.constant 18432 : i32
            %add3A_1075 = arith.addi %add3A_1074, %mul3A_1073 : i32
            %get3A_1076 = arith.index_cast %add3A_1075 : i32 to index
            %get3A_1077 = tpu.vector_load %arg11[%get3A_1076] {strides = array<i32>} : memref<32768xi32, #tpu.memory_space<vmem>>, vector<16xi32>,
            %add3A_1078 = arith.addi %add3A_1071, %get3A_1077 : vector<16xi32>
            %mul3A_1079 = arith.constant 16 : i32
            %mul3A_1080 = arith.muli %scan3A_1011, %mul3A_1079 : i32
            %add3A_1081 = arith.constant 20480 : i32
            %add3A_1082 = arith.addi %add3A_1081, %mul3A_1080 : i32
            %get3A_1083 = arith.index_cast %add3A_1082 : i32 to index
            %get3A_1084 = tpu.vector_load %arg11[%get3A_1083] {strides = array<i32>} : memref<32768xi32, #tpu.memory_space<vmem>>, vector<16xi32>,
            %add3A_1085 = arith.addi %add3A_1078, %get3A_1084 : vector<16xi32>
            %mul3A_1086 = arith.constant 16 : i32
            %mul3A_1087 = arith.muli %scan3A_1011, %mul3A_1086 : i32
            %add3A_1088 = arith.constant 22528 : i32
            %add3A_1089 = arith.addi %add3A_1088, %mul3A_1087 : i32
            %get3A_1090 = arith.index_cast %add3A_1089 : i32 to index
            %get3A_1091 = tpu.vector_load %arg11[%get3A_1090] {strides = array<i32>} : memref<32768xi32, #tpu.memory_space<vmem>>, vector<16xi32>,
            %add3A_1092 = arith.addi %add3A_1085, %get3A_1091 : vector<16xi32>
            %mul3A_1093 = arith.constant 16 : i32
            %mul3A_1094 = arith.muli %scan3A_1011, %mul3A_1093 : i32
            %add3A_1095 = arith.constant 24576 : i32
            %add3A_1096 = arith.addi %add3A_1095, %mul3A_1094 : i32
            %get3A_1097 = arith.index_cast %add3A_1096 : i32 to index
            %get3A_1098 = tpu.vector_load %arg11[%get3A_1097] {strides = array<i32>} : memref<32768xi32, #tpu.memory_space<vmem>>, vector<16xi32>,
            %add3A_1099 = arith.addi %add3A_1092, %get3A_1098 : vector<16xi32>
            %mul3A_1100 = arith.constant 16 : i32
            %mul3A_1101 = arith.muli %scan3A_1011, %mul3A_1100 : i32
            %add3A_1102 = arith.constant 26624 : i32
            %add3A_1103 = arith.addi %add3A_1102, %mul3A_1101 : i32
            %get3A_1104 = arith.index_cast %add3A_1103 : i32 to index
            %get3A_1105 = tpu.vector_load %arg11[%get3A_1104] {strides = array<i32>} : memref<32768xi32, #tpu.memory_space<vmem>>, vector<16xi32>,
            %add3A_1106 = arith.addi %add3A_1099, %get3A_1105 : vector<16xi32>
            %mul3A_1107 = arith.constant 16 : i32
            %mul3A_1108 = arith.muli %scan3A_1011, %mul3A_1107 : i32
            %add3A_1109 = arith.constant 28672 : i32
            %add3A_1110 = arith.addi %add3A_1109, %mul3A_1108 : i32
            %get3A_1111 = arith.index_cast %add3A_1110 : i32 to index
            %get3A_1112 = tpu.vector_load %arg11[%get3A_1111] {strides = array<i32>} : memref<32768xi32, #tpu.memory_space<vmem>>, vector<16xi32>,
            %add3A_1113 = arith.addi %add3A_1106, %get3A_1112 : vector<16xi32>
            %mul3A_1114 = arith.constant 16 : i32
            %mul3A_1115 = arith.muli %scan3A_1011, %mul3A_1114 : i32
            %add3A_1116 = arith.constant 30720 : i32
            %add3A_1117 = arith.addi %add3A_1116, %mul3A_1115 : i32
            %get3A_1118 = arith.index_cast %add3A_1117 : i32 to index
            %get3A_1119 = tpu.vector_load %arg11[%get3A_1118] {strides = array<i32>} : memref<32768xi32, #tpu.memory_space<vmem>>, vector<16xi32>,
            %add3A_1120 = arith.addi %add3A_1113, %get3A_1119 : vector<16xi32>
            %mul3A_1121 = arith.constant 16 : i32
            %mul3A_1122 = arith.muli %scan3A_1011, %mul3A_1121 : i32
            %swap3A_1123 = arith.index_cast %mul3A_1122 : i32 to index
            %swap3A_1124 = tpu.vector_load %arg12[%swap3A_1123] {strides = array<i32>} : memref<2048xi32, #tpu.memory_space<vmem>>, vector<16xi32>,
            tpu.vector_store %arg12[%swap3A_1123], %add3A_1120 {strides = array<i32>} : memref<2048xi32, #tpu.memory_space<vmem>>, vector<16xi32>,
          }
          %scan3A_994 = arith.constant 64 : i32
          %scan3A_995 = arith.constant 0 : i32
          %scan3A_996 = arith.constant -1 : i32
          %scan3A_997 = arith.constant 0 : i32
          %scan3A_998 = arith.constant 0 : i32
          %scan3A_999 = arith.constant 0 : i32
          %scan3A_1000 = arith.constant 64 : i32
          %scan3A_1001 = arith.addi %scan3A_999, %scan3A_1000 : i32
          %scan3A_1002 = arith.constant 1 : i32
          %scan3A_1003:4 = scf.for %scan3A_1011 = %scan3A_999 to %scan3A_1001 step %scan3A_1002 iter_args(%scan3A_1012 = %scan3A_995, %scan3A_1013 = %scan3A_996, %scan3A_1014 = %scan3A_997, %scan3A_1015 = %scan3A_998) -> (i32, i32, i32, i32)  : i32 {
            %sub3A_1016 = arith.constant 63 : i32
            %sub3A_1017 = arith.subi %sub3A_1016, %scan3A_1011 : i32
            %mul3A_1018 = arith.constant 16 : i32
            %mul3A_1019 = arith.muli %sub3A_1017, %mul3A_1018 : i32
            %get3A_1020 = arith.index_cast %mul3A_1019 : i32 to index
            %get3A_1021 = tpu.vector_load %arg12[%get3A_1020] {strides = array<i32>} : memref<2048xi32, #tpu.memory_space<vmem>>, vector<16xi32>,
            %rev3A = arith.constant 15 : i32
            %rev3A_1022 = vector.broadcast %rev3A : i32 to vector<16xi32>
            %rev3A_1023 = tpu.iota {dimensions = array<i32: 0>} : vector<16xi32>
            %rev3A_1024 = arith.subi %rev3A_1022, %rev3A_1023 : vector<16xi32>
            %rev3A_1025 = tpu.dynamic_gather %get3A_1021[%rev3A_1024] in [0] : vector<16xi32>, vector<16xi32> -> vector<16xi32>
            %cumsum3A = arith.constant true
            %cumsum3A_1026 = vector.broadcast %cumsum3A : i1 to vector<16xi1>
            %cumsum3A_1027 = tpu.scan <sum>, %rev3A_1025 masked %cumsum3A_1026 : vector<16xi32>, vector<16xi1> -> vector<16xi32>
            %rev3A_1028 = arith.constant 15 : i32
            %rev3A_1029 = vector.broadcast %rev3A_1028 : i32 to vector<16xi32>
            %rev3A_1030 = tpu.iota {dimensions = array<i32: 0>} : vector<16xi32>
            %rev3A_1031 = arith.subi %rev3A_1029, %rev3A_1030 : vector<16xi32>
            %rev3A_1032 = tpu.dynamic_gather %cumsum3A_1027[%rev3A_1031] in [0] : vector<16xi32>, vector<16xi32> -> vector<16xi32>
            %add3A_1033 = vector.broadcast %scan3A_1012 : i32 to vector<16xi32>
            %add3A_1034 = arith.addi %add3A_1033, %rev3A_1032 : vector<16xi32>
            %ge3A_1035 = vector.broadcast %sub3A_976 : i32 to vector<16xi32>
            %ge3A_1036 = arith.cmpi sge, %add3A_1034, %ge3A_1035 : vector<16xi32>
            %convert_element_type3A_1037 = arith.extui %ge3A_1036 : vector<16xi1> to vector<16xi32>
            %reduce_sum3A = arith.constant true
            %reduce_sum3A_1038 = vector.broadcast %reduce_sum3A : i1 to vector<16xi1>
            %reduce_sum3A_1039 = tpu.scan <sum>, %convert_element_type3A_1037 masked %reduce_sum3A_1038 : vector<16xi32>, vector<16xi1> -> vector<16xi32>
            %reduce_sum3A_1040 = vector.extract %reduce_sum3A_1039[15] : i32 from vector<16xi32>
            %sub3A_1041 = arith.constant 1 : i32
            %sub3A_1042 = arith.subi %reduce_sum3A_1040, %sub3A_1041 : i32
            %eq3A_1043 = vector.broadcast %sub3A_1042 : i32 to vector<16xi32>
            %eq3A_1044 = arith.cmpi eq, %iota3A, %eq3A_1043 : vector<16xi32>
            %jit3A = arith.constant 0 : i32
            %broadcast_in_dim3A_1045 = vector.broadcast %jit3A : i32 to vector<16xi32>
            %select_n3A_1046 = arith.select %eq3A_1044, %add3A_1034, %broadcast_in_dim3A_1045 : vector<16xi1>, vector<16xi32>
            %reduce_sum3A_1047 = arith.constant true
            %reduce_sum3A_1048 = vector.broadcast %reduce_sum3A_1047 : i1 to vector<16xi1>
            %reduce_sum3A_1049 = tpu.scan <sum>, %select_n3A_1046 masked %reduce_sum3A_1048 : vector<16xi32>, vector<16xi1> -> vector<16xi32>
            %reduce_sum3A_1050 = vector.extract %reduce_sum3A_1049[15] : i32 from vector<16xi32>
            %jit3A_1051 = arith.constant 0 : i32
            %broadcast_in_dim3A_1052 = vector.broadcast %jit3A_1051 : i32 to vector<16xi32>
            %select_n3A_1053 = arith.select %eq3A_1044, %get3A_1021, %broadcast_in_dim3A_1052 : vector<16xi1>, vector<16xi32>
            %reduce_sum3A_1054 = arith.constant true
            %reduce_sum3A_1055 = vector.broadcast %reduce_sum3A_1054 : i1 to vector<16xi1>
            %reduce_sum3A_1056 = tpu.scan <sum>, %select_n3A_1053 masked %reduce_sum3A_1055 : vector<16xi32>, vector<16xi1> -> vector<16xi32>
            %reduce_sum3A_1057 = vector.extract %reduce_sum3A_1056[15] : i32 from vector<16xi32>
            %gt3A = arith.constant 0 : i32
            %gt3A_1058 = arith.cmpi sgt, %reduce_sum3A_1040, %gt3A : i32
            %lt3A_1059 = arith.constant 0 : i32
            %lt3A_1060 = arith.cmpi slt, %scan3A_1013, %lt3A_1059 : i32
            %and3A_1061 = arith.andi %gt3A_1058, %lt3A_1060 : i1
            %mul3A_1062 = arith.constant 16 : i32
            %mul3A_1063 = arith.muli %sub3A_1017, %mul3A_1062 : i32
            %add3A_1064 = arith.addi %mul3A_1063, %sub3A_1042 : i32
            %select_n3A_1065 = arith.select %and3A_1061, %add3A_1064, %scan3A_1013 : i32
            %sub3A_1066 = arith.subi %reduce_sum3A_1050, %reduce_sum3A_1057 : i32
            %select_n3A_1067 = arith.select %and3A_1061, %sub3A_1066, %scan3A_1014 : i32
            %select_n3A_1068 = arith.select %and3A_1061, %reduce_sum3A_1057, %scan3A_1015 : i32
            %reduce_sum3A_1069 = arith.constant true
            %reduce_sum3A_1070 = vector.broadcast %reduce_sum3A_1069 : i1 to vector<16xi1>
            %reduce_sum3A_1071 = tpu.scan <sum>, %get3A_1021 masked %reduce_sum3A_1070 : vector<16xi32>, vector<16xi1> -> vector<16xi32>
            %reduce_sum3A_1072 = vector.extract %reduce_sum3A_1071[15] : i32 from vector<16xi32>
            %add3A_1073 = arith.addi %scan3A_1012, %reduce_sum3A_1072 : i32
            scf.yield %add3A_1073, %select_n3A_1065, %select_n3A_1067, %select_n3A_1068 : i32, i32, i32, i32
          }
          %scan3A_1004 = arith.constant 64 : i32
          %shift_left3A_1005 = arith.constant 10 : i32
          %shift_left3A_1006 = arith.shli %or3A, %shift_left3A_1005 : i32
          %or3A_1007 = arith.ori %shift_left3A_1006, %scan3A_1003#1 : i32
          %add3A_1008 = arith.constant 1 : i32
          %add3A_1009 = arith.addi %or3A_1007, %add3A_1008 : i32
          %sub3A_1010 = arith.subi %sub3A_976, %scan3A_1003#2 : i32
          scf.yield %or3A_1007, %add3A_1009, %sub3A_1010 : i32, i32, i32
        }
        scf.yield %cond3A_984#0, %cond3A_984#1, %cond3A_984#2 : i32, i32, i32
      }
      %broadcast_in_dim3A_32 = vector.broadcast %cond3A_31#0 : i32 to vector<16xi32>
      %broadcast_in_dim3A_33 = vector.broadcast %cond3A_31#1 : i32 to vector<16xi32>
      %ne3A = arith.constant 0 : i32
      %ne3A_34 = vector.broadcast %ne3A : i32 to vector<16xi32>
      %ne3A_35 = arith.cmpi ne, %broadcast_in_dim3A_33, %ne3A_34 : vector<16xi32>
      %broadcast_in_dim3A_36 = arith.constant 0 : i32
      %broadcast_in_dim3A_37 = vector.broadcast %broadcast_in_dim3A_36 : i32 to vector<16xi32>
      %swap3A = arith.constant 0 : index
      %swap3A_38 = tpu.vector_load %arg13[%swap3A] {strides = array<i32>} : memref<256xi32, #tpu.memory_space<vmem>>, vector<16xi32>,
      tpu.vector_store %arg13[%swap3A], %broadcast_in_dim3A_37 {strides = array<i32>} : memref<256xi32, #tpu.memory_space<vmem>>, vector<16xi32>,
      %swap3A_39 = arith.constant 0 : index
      %swap3A_40 = tpu.vector_load %arg14[%swap3A_39] {strides = array<i32>} : memref<256xi32, #tpu.memory_space<vmem>>, vector<16xi32>,
      tpu.vector_store %arg14[%swap3A_39], %broadcast_in_dim3A_37 {strides = array<i32>} : memref<256xi32, #tpu.memory_space<vmem>>, vector<16xi32>,
      %swap3A_41 = arith.constant 16 : index
      %swap3A_42 = tpu.vector_load %arg13[%swap3A_41] {strides = array<i32>} : memref<256xi32, #tpu.memory_space<vmem>>, vector<16xi32>,
      tpu.vector_store %arg13[%swap3A_41], %broadcast_in_dim3A_37 {strides = array<i32>} : memref<256xi32, #tpu.memory_space<vmem>>, vector<16xi32>,
      %swap3A_43 = arith.constant 16 : index
      %swap3A_44 = tpu.vector_load %arg14[%swap3A_43] {strides = array<i32>} : memref<256xi32, #tpu.memory_space<vmem>>, vector<16xi32>,
      tpu.vector_store %arg14[%swap3A_43], %broadcast_in_dim3A_37 {strides = array<i32>} : memref<256xi32, #tpu.memory_space<vmem>>, vector<16xi32>,
      %swap3A_45 = arith.constant 32 : index
      %swap3A_46 = tpu.vector_load %arg13[%swap3A_45] {strides = array<i32>} : memref<256xi32, #tpu.memory_space<vmem>>, vector<16xi32>,
      tpu.vector_store %arg13[%swap3A_45], %broadcast_in_dim3A_37 {strides = array<i32>} : memref<256xi32, #tpu.memory_space<vmem>>, vector<16xi32>,
      %swap3A_47 = arith.constant 32 : index
      %swap3A_48 = tpu.vector_load %arg14[%swap3A_47] {strides = array<i32>} : memref<256xi32, #tpu.memory_space<vmem>>, vector<16xi32>,
      tpu.vector_store %arg14[%swap3A_47], %broadcast_in_dim3A_37 {strides = array<i32>} : memref<256xi32, #tpu.memory_space<vmem>>, vector<16xi32>,
      %swap3A_49 = arith.constant 48 : index
      %swap3A_50 = tpu.vector_load %arg13[%swap3A_49] {strides = array<i32>} : memref<256xi32, #tpu.memory_space<vmem>>, vector<16xi32>,
      tpu.vector_store %arg13[%swap3A_49], %broadcast_in_dim3A_37 {strides = array<i32>} : memref<256xi32, #tpu.memory_space<vmem>>, vector<16xi32>,
      %swap3A_51 = arith.constant 48 : index
      %swap3A_52 = tpu.vector_load %arg14[%swap3A_51] {strides = array<i32>} : memref<256xi32, #tpu.memory_space<vmem>>, vector<16xi32>,
      tpu.vector_store %arg14[%swap3A_51], %broadcast_in_dim3A_37 {strides = array<i32>} : memref<256xi32, #tpu.memory_space<vmem>>, vector<16xi32>,
      %swap3A_53 = arith.constant 64 : index
      %swap3A_54 = tpu.vector_load %arg13[%swap3A_53] {strides = array<i32>} : memref<256xi32, #tpu.memory_space<vmem>>, vector<16xi32>,
      tpu.vector_store %arg13[%swap3A_53], %broadcast_in_dim3A_37 {strides = array<i32>} : memref<256xi32, #tpu.memory_space<vmem>>, vector<16xi32>,
      %swap3A_55 = arith.constant 64 : index
      %swap3A_56 = tpu.vector_load %arg14[%swap3A_55] {strides = array<i32>} : memref<256xi32, #tpu.memory_space<vmem>>, vector<16xi32>,
      tpu.vector_store %arg14[%swap3A_55], %broadcast_in_dim3A_37 {strides = array<i32>} : memref<256xi32, #tpu.memory_space<vmem>>, vector<16xi32>,
      %swap3A_57 = arith.constant 80 : index
      %swap3A_58 = tpu.vector_load %arg13[%swap3A_57] {strides = array<i32>} : memref<256xi32, #tpu.memory_space<vmem>>, vector<16xi32>,
      tpu.vector_store %arg13[%swap3A_57], %broadcast_in_dim3A_37 {strides = array<i32>} : memref<256xi32, #tpu.memory_space<vmem>>, vector<16xi32>,
      %swap3A_59 = arith.constant 80 : index
      %swap3A_60 = tpu.vector_load %arg14[%swap3A_59] {strides = array<i32>} : memref<256xi32, #tpu.memory_space<vmem>>, vector<16xi32>,
      tpu.vector_store %arg14[%swap3A_59], %broadcast_in_dim3A_37 {strides = array<i32>} : memref<256xi32, #tpu.memory_space<vmem>>, vector<16xi32>,
      %swap3A_61 = arith.constant 96 : index
      %swap3A_62 = tpu.vector_load %arg13[%swap3A_61] {strides = array<i32>} : memref<256xi32, #tpu.memory_space<vmem>>, vector<16xi32>,
      tpu.vector_store %arg13[%swap3A_61], %broadcast_in_dim3A_37 {strides = array<i32>} : memref<256xi32, #tpu.memory_space<vmem>>, vector<16xi32>,
      %swap3A_63 = arith.constant 96 : index
      %swap3A_64 = tpu.vector_load %arg14[%swap3A_63] {strides = array<i32>} : memref<256xi32, #tpu.memory_space<vmem>>, vector<16xi32>,
      tpu.vector_store %arg14[%swap3A_63], %broadcast_in_dim3A_37 {strides = array<i32>} : memref<256xi32, #tpu.memory_space<vmem>>, vector<16xi32>,
      %swap3A_65 = arith.constant 112 : index
      %swap3A_66 = tpu.vector_load %arg13[%swap3A_65] {strides = array<i32>} : memref<256xi32, #tpu.memory_space<vmem>>, vector<16xi32>,
      tpu.vector_store %arg13[%swap3A_65], %broadcast_in_dim3A_37 {strides = array<i32>} : memref<256xi32, #tpu.memory_space<vmem>>, vector<16xi32>,
      %swap3A_67 = arith.constant 112 : index
      %swap3A_68 = tpu.vector_load %arg14[%swap3A_67] {strides = array<i32>} : memref<256xi32, #tpu.memory_space<vmem>>, vector<16xi32>,
      tpu.vector_store %arg14[%swap3A_67], %broadcast_in_dim3A_37 {strides = array<i32>} : memref<256xi32, #tpu.memory_space<vmem>>, vector<16xi32>,
      %swap3A_69 = arith.constant 128 : index
      %swap3A_70 = tpu.vector_load %arg13[%swap3A_69] {strides = array<i32>} : memref<256xi32, #tpu.memory_space<vmem>>, vector<16xi32>,
      tpu.vector_store %arg13[%swap3A_69], %broadcast_in_dim3A_37 {strides = array<i32>} : memref<256xi32, #tpu.memory_space<vmem>>, vector<16xi32>,
      %swap3A_71 = arith.constant 128 : index
      %swap3A_72 = tpu.vector_load %arg14[%swap3A_71] {strides = array<i32>} : memref<256xi32, #tpu.memory_space<vmem>>, vector<16xi32>,
      tpu.vector_store %arg14[%swap3A_71], %broadcast_in_dim3A_37 {strides = array<i32>} : memref<256xi32, #tpu.memory_space<vmem>>, vector<16xi32>,
      %swap3A_73 = arith.constant 144 : index
      %swap3A_74 = tpu.vector_load %arg13[%swap3A_73] {strides = array<i32>} : memref<256xi32, #tpu.memory_space<vmem>>, vector<16xi32>,
      tpu.vector_store %arg13[%swap3A_73], %broadcast_in_dim3A_37 {strides = array<i32>} : memref<256xi32, #tpu.memory_space<vmem>>, vector<16xi32>,
      %swap3A_75 = arith.constant 144 : index
      %swap3A_76 = tpu.vector_load %arg14[%swap3A_75] {strides = array<i32>} : memref<256xi32, #tpu.memory_space<vmem>>, vector<16xi32>,
      tpu.vector_store %arg14[%swap3A_75], %broadcast_in_dim3A_37 {strides = array<i32>} : memref<256xi32, #tpu.memory_space<vmem>>, vector<16xi32>,
      %swap3A_77 = arith.constant 160 : index
      %swap3A_78 = tpu.vector_load %arg13[%swap3A_77] {strides = array<i32>} : memref<256xi32, #tpu.memory_space<vmem>>, vector<16xi32>,
      tpu.vector_store %arg13[%swap3A_77], %broadcast_in_dim3A_37 {strides = array<i32>} : memref<256xi32, #tpu.memory_space<vmem>>, vector<16xi32>,
      %swap3A_79 = arith.constant 160 : index
      %swap3A_80 = tpu.vector_load %arg14[%swap3A_79] {strides = array<i32>} : memref<256xi32, #tpu.memory_space<vmem>>, vector<16xi32>,
      tpu.vector_store %arg14[%swap3A_79], %broadcast_in_dim3A_37 {strides = array<i32>} : memref<256xi32, #tpu.memory_space<vmem>>, vector<16xi32>,
      %swap3A_81 = arith.constant 176 : index
      %swap3A_82 = tpu.vector_load %arg13[%swap3A_81] {strides = array<i32>} : memref<256xi32, #tpu.memory_space<vmem>>, vector<16xi32>,
      tpu.vector_store %arg13[%swap3A_81], %broadcast_in_dim3A_37 {strides = array<i32>} : memref<256xi32, #tpu.memory_space<vmem>>, vector<16xi32>,
      %swap3A_83 = arith.constant 176 : index
      %swap3A_84 = tpu.vector_load %arg14[%swap3A_83] {strides = array<i32>} : memref<256xi32, #tpu.memory_space<vmem>>, vector<16xi32>,
      tpu.vector_store %arg14[%swap3A_83], %broadcast_in_dim3A_37 {strides = array<i32>} : memref<256xi32, #tpu.memory_space<vmem>>, vector<16xi32>,
      %swap3A_85 = arith.constant 0 : index
      %swap3A_86 = tpu.vector_load %arg17[%swap3A_85] {strides = array<i32>} : memref<112xi32, #tpu.memory_space<vmem>>, vector<16xi32>,
      tpu.vector_store %arg17[%swap3A_85], %broadcast_in_dim3A_37 {strides = array<i32>} : memref<112xi32, #tpu.memory_space<vmem>>, vector<16xi32>,
      %swap3A_87 = arith.constant 0 : index
      %swap3A_88 = tpu.vector_load %arg19[%swap3A_87] {strides = array<i32>} : memref<112xi32, #tpu.memory_space<vmem>>, vector<16xi32>,
      tpu.vector_store %arg19[%swap3A_87], %broadcast_in_dim3A_37 {strides = array<i32>} : memref<112xi32, #tpu.memory_space<vmem>>, vector<16xi32>,
      %swap3A_89 = arith.constant 0 : index
      %swap3A_90 = tpu.vector_load %arg20[%swap3A_89] {strides = array<i32>} : memref<112xi32, #tpu.memory_space<vmem>>, vector<16xi32>,
      tpu.vector_store %arg20[%swap3A_89], %broadcast_in_dim3A_37 {strides = array<i32>} : memref<112xi32, #tpu.memory_space<vmem>>, vector<16xi32>,
      %swap3A_91 = arith.constant 16 : index
      %swap3A_92 = tpu.vector_load %arg17[%swap3A_91] {strides = array<i32>} : memref<112xi32, #tpu.memory_space<vmem>>, vector<16xi32>,
      tpu.vector_store %arg17[%swap3A_91], %broadcast_in_dim3A_37 {strides = array<i32>} : memref<112xi32, #tpu.memory_space<vmem>>, vector<16xi32>,
      %swap3A_93 = arith.constant 16 : index
      %swap3A_94 = tpu.vector_load %arg19[%swap3A_93] {strides = array<i32>} : memref<112xi32, #tpu.memory_space<vmem>>, vector<16xi32>,
      tpu.vector_store %arg19[%swap3A_93], %broadcast_in_dim3A_37 {strides = array<i32>} : memref<112xi32, #tpu.memory_space<vmem>>, vector<16xi32>,
      %swap3A_95 = arith.constant 16 : index
      %swap3A_96 = tpu.vector_load %arg20[%swap3A_95] {strides = array<i32>} : memref<112xi32, #tpu.memory_space<vmem>>, vector<16xi32>,
      tpu.vector_store %arg20[%swap3A_95], %broadcast_in_dim3A_37 {strides = array<i32>} : memref<112xi32, #tpu.memory_space<vmem>>, vector<16xi32>,
      %swap3A_97 = arith.constant 32 : index
      %swap3A_98 = tpu.vector_load %arg17[%swap3A_97] {strides = array<i32>} : memref<112xi32, #tpu.memory_space<vmem>>, vector<16xi32>,
      tpu.vector_store %arg17[%swap3A_97], %broadcast_in_dim3A_37 {strides = array<i32>} : memref<112xi32, #tpu.memory_space<vmem>>, vector<16xi32>,
      %swap3A_99 = arith.constant 32 : index
      %swap3A_100 = tpu.vector_load %arg19[%swap3A_99] {strides = array<i32>} : memref<112xi32, #tpu.memory_space<vmem>>, vector<16xi32>,
      tpu.vector_store %arg19[%swap3A_99], %broadcast_in_dim3A_37 {strides = array<i32>} : memref<112xi32, #tpu.memory_space<vmem>>, vector<16xi32>,
      %swap3A_101 = arith.constant 32 : index
      %swap3A_102 = tpu.vector_load %arg20[%swap3A_101] {strides = array<i32>} : memref<112xi32, #tpu.memory_space<vmem>>, vector<16xi32>,
      tpu.vector_store %arg20[%swap3A_101], %broadcast_in_dim3A_37 {strides = array<i32>} : memref<112xi32, #tpu.memory_space<vmem>>, vector<16xi32>,
      %swap3A_103 = arith.constant 48 : index
      %swap3A_104 = tpu.vector_load %arg17[%swap3A_103] {strides = array<i32>} : memref<112xi32, #tpu.memory_space<vmem>>, vector<16xi32>,
      tpu.vector_store %arg17[%swap3A_103], %broadcast_in_dim3A_37 {strides = array<i32>} : memref<112xi32, #tpu.memory_space<vmem>>, vector<16xi32>,
      %swap3A_105 = arith.constant 48 : index
      %swap3A_106 = tpu.vector_load %arg19[%swap3A_105] {strides = array<i32>} : memref<112xi32, #tpu.memory_space<vmem>>, vector<16xi32>,
      tpu.vector_store %arg19[%swap3A_105], %broadcast_in_dim3A_37 {strides = array<i32>} : memref<112xi32, #tpu.memory_space<vmem>>, vector<16xi32>,
      %swap3A_107 = arith.constant 48 : index
      %swap3A_108 = tpu.vector_load %arg20[%swap3A_107] {strides = array<i32>} : memref<112xi32, #tpu.memory_space<vmem>>, vector<16xi32>,
      tpu.vector_store %arg20[%swap3A_107], %broadcast_in_dim3A_37 {strides = array<i32>} : memref<112xi32, #tpu.memory_space<vmem>>, vector<16xi32>,
      %swap3A_109 = arith.constant 64 : index
      %swap3A_110 = tpu.vector_load %arg17[%swap3A_109] {strides = array<i32>} : memref<112xi32, #tpu.memory_space<vmem>>, vector<16xi32>,
      tpu.vector_store %arg17[%swap3A_109], %broadcast_in_dim3A_37 {strides = array<i32>} : memref<112xi32, #tpu.memory_space<vmem>>, vector<16xi32>,
      %swap3A_111 = arith.constant 64 : index
      %swap3A_112 = tpu.vector_load %arg19[%swap3A_111] {strides = array<i32>} : memref<112xi32, #tpu.memory_space<vmem>>, vector<16xi32>,
      tpu.vector_store %arg19[%swap3A_111], %broadcast_in_dim3A_37 {strides = array<i32>} : memref<112xi32, #tpu.memory_space<vmem>>, vector<16xi32>,
      %swap3A_113 = arith.constant 64 : index
      %swap3A_114 = tpu.vector_load %arg20[%swap3A_113] {strides = array<i32>} : memref<112xi32, #tpu.memory_space<vmem>>, vector<16xi32>,
      tpu.vector_store %arg20[%swap3A_113], %broadcast_in_dim3A_37 {strides = array<i32>} : memref<112xi32, #tpu.memory_space<vmem>>, vector<16xi32>,
      %swap3A_115 = arith.constant 80 : index
      %swap3A_116 = tpu.vector_load %arg17[%swap3A_115] {strides = array<i32>} : memref<112xi32, #tpu.memory_space<vmem>>, vector<16xi32>,
      tpu.vector_store %arg17[%swap3A_115], %broadcast_in_dim3A_37 {strides = array<i32>} : memref<112xi32, #tpu.memory_space<vmem>>, vector<16xi32>,
      %swap3A_117 = arith.constant 80 : index
      %swap3A_118 = tpu.vector_load %arg19[%swap3A_117] {strides = array<i32>} : memref<112xi32, #tpu.memory_space<vmem>>, vector<16xi32>,
      tpu.vector_store %arg19[%swap3A_117], %broadcast_in_dim3A_37 {strides = array<i32>} : memref<112xi32, #tpu.memory_space<vmem>>, vector<16xi32>,
      %swap3A_119 = arith.constant 80 : index
      %swap3A_120 = tpu.vector_load %arg20[%swap3A_119] {strides = array<i32>} : memref<112xi32, #tpu.memory_space<vmem>>, vector<16xi32>,
      tpu.vector_store %arg20[%swap3A_119], %broadcast_in_dim3A_37 {strides = array<i32>} : memref<112xi32, #tpu.memory_space<vmem>>, vector<16xi32>,
      %swap3A_121 = arith.constant 96 : index
      %swap3A_122 = tpu.vector_load %arg17[%swap3A_121] {strides = array<i32>} : memref<112xi32, #tpu.memory_space<vmem>>, vector<16xi32>,
      tpu.vector_store %arg17[%swap3A_121], %broadcast_in_dim3A_37 {strides = array<i32>} : memref<112xi32, #tpu.memory_space<vmem>>, vector<16xi32>,
      %swap3A_123 = arith.constant 96 : index
      %swap3A_124 = tpu.vector_load %arg19[%swap3A_123] {strides = array<i32>} : memref<112xi32, #tpu.memory_space<vmem>>, vector<16xi32>,
      tpu.vector_store %arg19[%swap3A_123], %broadcast_in_dim3A_37 {strides = array<i32>} : memref<112xi32, #tpu.memory_space<vmem>>, vector<16xi32>,
      %swap3A_125 = arith.constant 96 : index
      %swap3A_126 = tpu.vector_load %arg20[%swap3A_125] {strides = array<i32>} : memref<112xi32, #tpu.memory_space<vmem>>, vector<16xi32>,
      tpu.vector_store %arg20[%swap3A_125], %broadcast_in_dim3A_37 {strides = array<i32>} : memref<112xi32, #tpu.memory_space<vmem>>, vector<16xi32>,
      %scan3A_127 = arith.constant 0 : i32
      %scan3A_128 = arith.constant 0 : i32
      %scan3A_129 = arith.constant 0 : i32
      %scan3A_130 = arith.constant 5120 : i32
      %scan3A_131 = arith.addi %scan3A_129, %scan3A_130 : i32
      %scan3A_132 = arith.constant 1 : i32
      %scan3A_133:2 = scf.for %scan3A_956 = %scan3A_129 to %scan3A_131 step %scan3A_132 iter_args(%scan3A_957 = %scan3A_127, %scan3A_958 = %scan3A_128) -> (i32, i32)  : i32 {
        %mul3A_959 = arith.constant 16 : i32
        %mul3A_960 = arith.muli %scan3A_956, %mul3A_959 : i32
        %get3A_961 = arith.index_cast %mul3A_960 : i32 to index
        %get3A_962 = tpu.vector_load %arg10[%get3A_961] {strides = array<i32>} : memref<81920xf32, #tpu.memory_space<vmem>>, vector<16xf32>,
        %bitcast3A_963 = vector.bitcast %get3A_962 : vector<16xf32> to vector<16xi32>
        %ge3A_964 = arith.cmpi uge, %bitcast3A_963, %broadcast_in_dim3A_32 : vector<16xi32>
        %convert_element_type3A_965 = arith.extui %ge3A_964 : vector<16xi1> to vector<16xi32>
        %reduce_sum3A = arith.constant true
        %reduce_sum3A_966 = vector.broadcast %reduce_sum3A : i1 to vector<16xi1>
        %reduce_sum3A_967 = tpu.scan <sum>, %convert_element_type3A_965 masked %reduce_sum3A_966 : vector<16xi32>, vector<16xi1> -> vector<16xi32>
        %reduce_sum3A_968 = vector.extract %reduce_sum3A_967[15] : i32 from vector<16xi32>
        %gt3A = arith.constant 0 : i32
        %gt3A_969 = arith.cmpi sgt, %reduce_sum3A_968, %gt3A : i32
        %convert_element_type3A_970 = arith.extui %gt3A_969 : i1 to i32
        %cond3A_971 = arith.constant 0 : i32
        %cond3A_972 = arith.cmpi ne, %convert_element_type3A_970, %cond3A_971 : i32
        %cond3A_973:2 = scf.if %cond3A_972 -> (i32, i32) {
          %mul3A_974 = arith.constant 16 : i32
          %mul3A_975 = arith.muli %scan3A_956, %mul3A_974 : i32
          %add3A_976 = vector.broadcast %mul3A_975 : i32 to vector<16xi32>
          %add3A_977 = arith.addi %add3A_976, %iota3A : vector<16xi32>
          %ge3A_978 = arith.cmpi uge, %bitcast3A_963, %broadcast_in_dim3A_33 : vector<16xi32>
          %and3A_979 = arith.andi %ge3A_978, %ne3A_35 : vector<16xi1>
          %convert_element_type3A_980 = arith.extui %and3A_979 : vector<16xi1> to vector<16xi32>
          %reduce_sum3A_981 = arith.constant true
          %reduce_sum3A_982 = vector.broadcast %reduce_sum3A_981 : i1 to vector<16xi1>
          %reduce_sum3A_983 = tpu.scan <sum>, %convert_element_type3A_980 masked %reduce_sum3A_982 : vector<16xi32>, vector<16xi1> -> vector<16xi32>
          %reduce_sum3A_984 = vector.extract %reduce_sum3A_983[15] : i32 from vector<16xi32>
          %bitcast3A_985 = vector.bitcast %bitcast3A_963 : vector<16xi32> to vector<16xi32>
          %swap3A_986 = arith.index_cast %scan3A_957 : i32 to index
          %swap3A_987 = tpu.vector_load %arg13[%swap3A_986] masked %and3A_979 {strides = array<i32>} : memref<256xi32, #tpu.memory_space<vmem>>, vector<16xi32>, vector<16xi1>
          tpu.vector_store %arg13[%swap3A_986], %bitcast3A_985 masked %and3A_979 {strides = array<i32>} : memref<256xi32, #tpu.memory_space<vmem>>, vector<16xi32>, vector<16xi1>
          %swap3A_988 = arith.index_cast %scan3A_957 : i32 to index
          %swap3A_989 = tpu.vector_load %arg14[%swap3A_988] masked %and3A_979 {strides = array<i32>} : memref<256xi32, #tpu.memory_space<vmem>>, vector<16xi32>, vector<16xi1>
          tpu.vector_store %arg14[%swap3A_988], %add3A_977 masked %and3A_979 {strides = array<i32>} : memref<256xi32, #tpu.memory_space<vmem>>, vector<16xi32>, vector<16xi1>
          %not3A_990 = arith.constant dense<true> : vector<16xi1>
          %not3A_991 = arith.xori %and3A_979, %not3A_990 : vector<16xi1>
          %and3A_992 = arith.andi %ge3A_964, %not3A_991 : vector<16xi1>
          %convert_element_type3A_993 = arith.extui %and3A_992 : vector<16xi1> to vector<16xi32>
          %cumsum3A = arith.constant true
          %cumsum3A_994 = vector.broadcast %cumsum3A : i1 to vector<16xi1>
          %cumsum3A_995 = tpu.scan <sum>, %convert_element_type3A_993 masked %cumsum3A_994 : vector<16xi32>, vector<16xi1> -> vector<16xi32>
          %sub3A_996 = arith.subi %cond3A_31#2, %scan3A_958 : i32
          %le3A_997 = vector.broadcast %sub3A_996 : i32 to vector<16xi32>
          %le3A_998 = arith.cmpi sle, %cumsum3A_995, %le3A_997 : vector<16xi32>
          %and3A_999 = arith.andi %and3A_992, %le3A_998 : vector<16xi1>
          %convert_element_type3A_1000 = arith.extui %and3A_999 : vector<16xi1> to vector<16xi32>
          %reduce_sum3A_1001 = arith.constant true
          %reduce_sum3A_1002 = vector.broadcast %reduce_sum3A_1001 : i1 to vector<16xi1>
          %reduce_sum3A_1003 = tpu.scan <sum>, %convert_element_type3A_1000 masked %reduce_sum3A_1002 : vector<16xi32>, vector<16xi1> -> vector<16xi32>
          %reduce_sum3A_1004 = vector.extract %reduce_sum3A_1003[15] : i32 from vector<16xi32>
          %swap3A_1005 = arith.index_cast %scan3A_958 : i32 to index
          %swap3A_1006 = tpu.vector_load %arg15[%swap3A_1005] masked %and3A_999 {strides = array<i32>} : memref<128xi32, #tpu.memory_space<vmem>>, vector<16xi32>, vector<16xi1>
          tpu.vector_store %arg15[%swap3A_1005], %bitcast3A_985 masked %and3A_999 {strides = array<i32>} : memref<128xi32, #tpu.memory_space<vmem>>, vector<16xi32>, vector<16xi1>
          %swap3A_1007 = arith.index_cast %scan3A_958 : i32 to index
          %swap3A_1008 = tpu.vector_load %arg16[%swap3A_1007] masked %and3A_999 {strides = array<i32>} : memref<128xi32, #tpu.memory_space<vmem>>, vector<16xi32>, vector<16xi1>
          tpu.vector_store %arg16[%swap3A_1007], %add3A_977 masked %and3A_999 {strides = array<i32>} : memref<128xi32, #tpu.memory_space<vmem>>, vector<16xi32>, vector<16xi1>
          %add3A_1009 = arith.addi %scan3A_957, %reduce_sum3A_984 : i32
          %add3A_1010 = arith.addi %scan3A_958, %reduce_sum3A_1004 : i32
          scf.yield %add3A_1009, %add3A_1010 : i32, i32
        } else {
          scf.yield %scan3A_957, %scan3A_958 : i32, i32
        }
        scf.yield %cond3A_973#0, %cond3A_973#1 : i32, i32
      }
      %scan3A_134 = arith.constant 5120 : i32
      %add3A_135 = arith.constant 0 : i32
      %add3A_136 = vector.broadcast %add3A_135 : i32 to vector<16xi32>
      %add3A_137 = arith.addi %add3A_136, %iota3A : vector<16xi32>
      %lt3A_138 = vector.broadcast %scan3A_133#1 : i32 to vector<16xi32>
      %lt3A_139 = arith.cmpi slt, %add3A_137, %lt3A_138 : vector<16xi32>
      %get3A = arith.constant 0 : index
      %get3A_140 = tpu.vector_load %arg15[%get3A] {strides = array<i32>} : memref<128xi32, #tpu.memory_space<vmem>>, vector<16xi32>,
      %add3A_141 = arith.constant 0 : i32
      %add3A_142 = arith.addi %scan3A_133#0, %add3A_141 : i32
      %get3A_143 = arith.index_cast %add3A_142 : i32 to index
      %get3A_144 = tpu.vector_load %arg13[%get3A_143] {strides = array<i32>} : memref<256xi32, #tpu.memory_space<vmem>>, vector<16xi32>,
      %select_n3A = arith.select %lt3A_139, %get3A_140, %get3A_144 : vector<16xi1>, vector<16xi32>
      %add3A_145 = arith.constant 0 : i32
      %add3A_146 = arith.addi %scan3A_133#0, %add3A_145 : i32
      %swap3A_147 = arith.index_cast %add3A_146 : i32 to index
      %swap3A_148 = tpu.vector_load %arg13[%swap3A_147] {strides = array<i32>} : memref<256xi32, #tpu.memory_space<vmem>>, vector<16xi32>,
      tpu.vector_store %arg13[%swap3A_147], %select_n3A {strides = array<i32>} : memref<256xi32, #tpu.memory_space<vmem>>, vector<16xi32>,
      %get3A_149 = arith.constant 0 : index
      %get3A_150 = tpu.vector_load %arg16[%get3A_149] {strides = array<i32>} : memref<128xi32, #tpu.memory_space<vmem>>, vector<16xi32>,
      %add3A_151 = arith.constant 0 : i32
      %add3A_152 = arith.addi %scan3A_133#0, %add3A_151 : i32
      %get3A_153 = arith.index_cast %add3A_152 : i32 to index
      %get3A_154 = tpu.vector_load %arg14[%get3A_153] {strides = array<i32>} : memref<256xi32, #tpu.memory_space<vmem>>, vector<16xi32>,
      %select_n3A_155 = arith.select %lt3A_139, %get3A_150, %get3A_154 : vector<16xi1>, vector<16xi32>
      %add3A_156 = arith.constant 0 : i32
      %add3A_157 = arith.addi %scan3A_133#0, %add3A_156 : i32
      %swap3A_158 = arith.index_cast %add3A_157 : i32 to index
      %swap3A_159 = tpu.vector_load %arg14[%swap3A_158] {strides = array<i32>} : memref<256xi32, #tpu.memory_space<vmem>>, vector<16xi32>,
      tpu.vector_store %arg14[%swap3A_158], %select_n3A_155 {strides = array<i32>} : memref<256xi32, #tpu.memory_space<vmem>>, vector<16xi32>,
      %add3A_160 = arith.constant 16 : i32
      %add3A_161 = vector.broadcast %add3A_160 : i32 to vector<16xi32>
      %add3A_162 = arith.addi %add3A_161, %iota3A : vector<16xi32>
      %lt3A_163 = vector.broadcast %scan3A_133#1 : i32 to vector<16xi32>
      %lt3A_164 = arith.cmpi slt, %add3A_162, %lt3A_163 : vector<16xi32>
      %get3A_165 = arith.constant 16 : index
      %get3A_166 = tpu.vector_load %arg15[%get3A_165] {strides = array<i32>} : memref<128xi32, #tpu.memory_space<vmem>>, vector<16xi32>,
      %add3A_167 = arith.constant 16 : i32
      %add3A_168 = arith.addi %scan3A_133#0, %add3A_167 : i32
      %get3A_169 = arith.index_cast %add3A_168 : i32 to index
      %get3A_170 = tpu.vector_load %arg13[%get3A_169] {strides = array<i32>} : memref<256xi32, #tpu.memory_space<vmem>>, vector<16xi32>,
      %select_n3A_171 = arith.select %lt3A_164, %get3A_166, %get3A_170 : vector<16xi1>, vector<16xi32>
      %add3A_172 = arith.constant 16 : i32
      %add3A_173 = arith.addi %scan3A_133#0, %add3A_172 : i32
      %swap3A_174 = arith.index_cast %add3A_173 : i32 to index
      %swap3A_175 = tpu.vector_load %arg13[%swap3A_174] {strides = array<i32>} : memref<256xi32, #tpu.memory_space<vmem>>, vector<16xi32>,
      tpu.vector_store %arg13[%swap3A_174], %select_n3A_171 {strides = array<i32>} : memref<256xi32, #tpu.memory_space<vmem>>, vector<16xi32>,
      %get3A_176 = arith.constant 16 : index
      %get3A_177 = tpu.vector_load %arg16[%get3A_176] {strides = array<i32>} : memref<128xi32, #tpu.memory_space<vmem>>, vector<16xi32>,
      %add3A_178 = arith.constant 16 : i32
      %add3A_179 = arith.addi %scan3A_133#0, %add3A_178 : i32
      %get3A_180 = arith.index_cast %add3A_179 : i32 to index
      %get3A_181 = tpu.vector_load %arg14[%get3A_180] {strides = array<i32>} : memref<256xi32, #tpu.memory_space<vmem>>, vector<16xi32>,
      %select_n3A_182 = arith.select %lt3A_164, %get3A_177, %get3A_181 : vector<16xi1>, vector<16xi32>
      %add3A_183 = arith.constant 16 : i32
      %add3A_184 = arith.addi %scan3A_133#0, %add3A_183 : i32
      %swap3A_185 = arith.index_cast %add3A_184 : i32 to index
      %swap3A_186 = tpu.vector_load %arg14[%swap3A_185] {strides = array<i32>} : memref<256xi32, #tpu.memory_space<vmem>>, vector<16xi32>,
      tpu.vector_store %arg14[%swap3A_185], %select_n3A_182 {strides = array<i32>} : memref<256xi32, #tpu.memory_space<vmem>>, vector<16xi32>,
      %add3A_187 = arith.constant 32 : i32
      %add3A_188 = vector.broadcast %add3A_187 : i32 to vector<16xi32>
      %add3A_189 = arith.addi %add3A_188, %iota3A : vector<16xi32>
      %lt3A_190 = vector.broadcast %scan3A_133#1 : i32 to vector<16xi32>
      %lt3A_191 = arith.cmpi slt, %add3A_189, %lt3A_190 : vector<16xi32>
      %get3A_192 = arith.constant 32 : index
      %get3A_193 = tpu.vector_load %arg15[%get3A_192] {strides = array<i32>} : memref<128xi32, #tpu.memory_space<vmem>>, vector<16xi32>,
      %add3A_194 = arith.constant 32 : i32
      %add3A_195 = arith.addi %scan3A_133#0, %add3A_194 : i32
      %get3A_196 = arith.index_cast %add3A_195 : i32 to index
      %get3A_197 = tpu.vector_load %arg13[%get3A_196] {strides = array<i32>} : memref<256xi32, #tpu.memory_space<vmem>>, vector<16xi32>,
      %select_n3A_198 = arith.select %lt3A_191, %get3A_193, %get3A_197 : vector<16xi1>, vector<16xi32>
      %add3A_199 = arith.constant 32 : i32
      %add3A_200 = arith.addi %scan3A_133#0, %add3A_199 : i32
      %swap3A_201 = arith.index_cast %add3A_200 : i32 to index
      %swap3A_202 = tpu.vector_load %arg13[%swap3A_201] {strides = array<i32>} : memref<256xi32, #tpu.memory_space<vmem>>, vector<16xi32>,
      tpu.vector_store %arg13[%swap3A_201], %select_n3A_198 {strides = array<i32>} : memref<256xi32, #tpu.memory_space<vmem>>, vector<16xi32>,
      %get3A_203 = arith.constant 32 : index
      %get3A_204 = tpu.vector_load %arg16[%get3A_203] {strides = array<i32>} : memref<128xi32, #tpu.memory_space<vmem>>, vector<16xi32>,
      %add3A_205 = arith.constant 32 : i32
      %add3A_206 = arith.addi %scan3A_133#0, %add3A_205 : i32
      %get3A_207 = arith.index_cast %add3A_206 : i32 to index
      %get3A_208 = tpu.vector_load %arg14[%get3A_207] {strides = array<i32>} : memref<256xi32, #tpu.memory_space<vmem>>, vector<16xi32>,
      %select_n3A_209 = arith.select %lt3A_191, %get3A_204, %get3A_208 : vector<16xi1>, vector<16xi32>
      %add3A_210 = arith.constant 32 : i32
      %add3A_211 = arith.addi %scan3A_133#0, %add3A_210 : i32
      %swap3A_212 = arith.index_cast %add3A_211 : i32 to index
      %swap3A_213 = tpu.vector_load %arg14[%swap3A_212] {strides = array<i32>} : memref<256xi32, #tpu.memory_space<vmem>>, vector<16xi32>,
      tpu.vector_store %arg14[%swap3A_212], %select_n3A_209 {strides = array<i32>} : memref<256xi32, #tpu.memory_space<vmem>>, vector<16xi32>,
      %add3A_214 = arith.constant 48 : i32
      %add3A_215 = vector.broadcast %add3A_214 : i32 to vector<16xi32>
      %add3A_216 = arith.addi %add3A_215, %iota3A : vector<16xi32>
      %lt3A_217 = vector.broadcast %scan3A_133#1 : i32 to vector<16xi32>
      %lt3A_218 = arith.cmpi slt, %add3A_216, %lt3A_217 : vector<16xi32>
      %get3A_219 = arith.constant 48 : index
      %get3A_220 = tpu.vector_load %arg15[%get3A_219] {strides = array<i32>} : memref<128xi32, #tpu.memory_space<vmem>>, vector<16xi32>,
      %add3A_221 = arith.constant 48 : i32
      %add3A_222 = arith.addi %scan3A_133#0, %add3A_221 : i32
      %get3A_223 = arith.index_cast %add3A_222 : i32 to index
      %get3A_224 = tpu.vector_load %arg13[%get3A_223] {strides = array<i32>} : memref<256xi32, #tpu.memory_space<vmem>>, vector<16xi32>,
      %select_n3A_225 = arith.select %lt3A_218, %get3A_220, %get3A_224 : vector<16xi1>, vector<16xi32>
      %add3A_226 = arith.constant 48 : i32
      %add3A_227 = arith.addi %scan3A_133#0, %add3A_226 : i32
      %swap3A_228 = arith.index_cast %add3A_227 : i32 to index
      %swap3A_229 = tpu.vector_load %arg13[%swap3A_228] {strides = array<i32>} : memref<256xi32, #tpu.memory_space<vmem>>, vector<16xi32>,
      tpu.vector_store %arg13[%swap3A_228], %select_n3A_225 {strides = array<i32>} : memref<256xi32, #tpu.memory_space<vmem>>, vector<16xi32>,
      %get3A_230 = arith.constant 48 : index
      %get3A_231 = tpu.vector_load %arg16[%get3A_230] {strides = array<i32>} : memref<128xi32, #tpu.memory_space<vmem>>, vector<16xi32>,
      %add3A_232 = arith.constant 48 : i32
      %add3A_233 = arith.addi %scan3A_133#0, %add3A_232 : i32
      %get3A_234 = arith.index_cast %add3A_233 : i32 to index
      %get3A_235 = tpu.vector_load %arg14[%get3A_234] {strides = array<i32>} : memref<256xi32, #tpu.memory_space<vmem>>, vector<16xi32>,
      %select_n3A_236 = arith.select %lt3A_218, %get3A_231, %get3A_235 : vector<16xi1>, vector<16xi32>
      %add3A_237 = arith.constant 48 : i32
      %add3A_238 = arith.addi %scan3A_133#0, %add3A_237 : i32
      %swap3A_239 = arith.index_cast %add3A_238 : i32 to index
      %swap3A_240 = tpu.vector_load %arg14[%swap3A_239] {strides = array<i32>} : memref<256xi32, #tpu.memory_space<vmem>>, vector<16xi32>,
      tpu.vector_store %arg14[%swap3A_239], %select_n3A_236 {strides = array<i32>} : memref<256xi32, #tpu.memory_space<vmem>>, vector<16xi32>,
      %add3A_241 = arith.constant 64 : i32
      %add3A_242 = vector.broadcast %add3A_241 : i32 to vector<16xi32>
      %add3A_243 = arith.addi %add3A_242, %iota3A : vector<16xi32>
      %lt3A_244 = vector.broadcast %scan3A_133#1 : i32 to vector<16xi32>
      %lt3A_245 = arith.cmpi slt, %add3A_243, %lt3A_244 : vector<16xi32>
      %get3A_246 = arith.constant 64 : index
      %get3A_247 = tpu.vector_load %arg15[%get3A_246] {strides = array<i32>} : memref<128xi32, #tpu.memory_space<vmem>>, vector<16xi32>,
      %add3A_248 = arith.constant 64 : i32
      %add3A_249 = arith.addi %scan3A_133#0, %add3A_248 : i32
      %get3A_250 = arith.index_cast %add3A_249 : i32 to index
      %get3A_251 = tpu.vector_load %arg13[%get3A_250] {strides = array<i32>} : memref<256xi32, #tpu.memory_space<vmem>>, vector<16xi32>,
      %select_n3A_252 = arith.select %lt3A_245, %get3A_247, %get3A_251 : vector<16xi1>, vector<16xi32>
      %add3A_253 = arith.constant 64 : i32
      %add3A_254 = arith.addi %scan3A_133#0, %add3A_253 : i32
      %swap3A_255 = arith.index_cast %add3A_254 : i32 to index
      %swap3A_256 = tpu.vector_load %arg13[%swap3A_255] {strides = array<i32>} : memref<256xi32, #tpu.memory_space<vmem>>, vector<16xi32>,
      tpu.vector_store %arg13[%swap3A_255], %select_n3A_252 {strides = array<i32>} : memref<256xi32, #tpu.memory_space<vmem>>, vector<16xi32>,
      %get3A_257 = arith.constant 64 : index
      %get3A_258 = tpu.vector_load %arg16[%get3A_257] {strides = array<i32>} : memref<128xi32, #tpu.memory_space<vmem>>, vector<16xi32>,
      %add3A_259 = arith.constant 64 : i32
      %add3A_260 = arith.addi %scan3A_133#0, %add3A_259 : i32
      %get3A_261 = arith.index_cast %add3A_260 : i32 to index
      %get3A_262 = tpu.vector_load %arg14[%get3A_261] {strides = array<i32>} : memref<256xi32, #tpu.memory_space<vmem>>, vector<16xi32>,
      %select_n3A_263 = arith.select %lt3A_245, %get3A_258, %get3A_262 : vector<16xi1>, vector<16xi32>
      %add3A_264 = arith.constant 64 : i32
      %add3A_265 = arith.addi %scan3A_133#0, %add3A_264 : i32
      %swap3A_266 = arith.index_cast %add3A_265 : i32 to index
      %swap3A_267 = tpu.vector_load %arg14[%swap3A_266] {strides = array<i32>} : memref<256xi32, #tpu.memory_space<vmem>>, vector<16xi32>,
      tpu.vector_store %arg14[%swap3A_266], %select_n3A_263 {strides = array<i32>} : memref<256xi32, #tpu.memory_space<vmem>>, vector<16xi32>,
      %add3A_268 = arith.constant 80 : i32
      %add3A_269 = vector.broadcast %add3A_268 : i32 to vector<16xi32>
      %add3A_270 = arith.addi %add3A_269, %iota3A : vector<16xi32>
      %lt3A_271 = vector.broadcast %scan3A_133#1 : i32 to vector<16xi32>
      %lt3A_272 = arith.cmpi slt, %add3A_270, %lt3A_271 : vector<16xi32>
      %get3A_273 = arith.constant 80 : index
      %get3A_274 = tpu.vector_load %arg15[%get3A_273] {strides = array<i32>} : memref<128xi32, #tpu.memory_space<vmem>>, vector<16xi32>,
      %add3A_275 = arith.constant 80 : i32
      %add3A_276 = arith.addi %scan3A_133#0, %add3A_275 : i32
      %get3A_277 = arith.index_cast %add3A_276 : i32 to index
      %get3A_278 = tpu.vector_load %arg13[%get3A_277] {strides = array<i32>} : memref<256xi32, #tpu.memory_space<vmem>>, vector<16xi32>,
      %select_n3A_279 = arith.select %lt3A_272, %get3A_274, %get3A_278 : vector<16xi1>, vector<16xi32>
      %add3A_280 = arith.constant 80 : i32
      %add3A_281 = arith.addi %scan3A_133#0, %add3A_280 : i32
      %swap3A_282 = arith.index_cast %add3A_281 : i32 to index
      %swap3A_283 = tpu.vector_load %arg13[%swap3A_282] {strides = array<i32>} : memref<256xi32, #tpu.memory_space<vmem>>, vector<16xi32>,
      tpu.vector_store %arg13[%swap3A_282], %select_n3A_279 {strides = array<i32>} : memref<256xi32, #tpu.memory_space<vmem>>, vector<16xi32>,
      %get3A_284 = arith.constant 80 : index
      %get3A_285 = tpu.vector_load %arg16[%get3A_284] {strides = array<i32>} : memref<128xi32, #tpu.memory_space<vmem>>, vector<16xi32>,
      %add3A_286 = arith.constant 80 : i32
      %add3A_287 = arith.addi %scan3A_133#0, %add3A_286 : i32
      %get3A_288 = arith.index_cast %add3A_287 : i32 to index
      %get3A_289 = tpu.vector_load %arg14[%get3A_288] {strides = array<i32>} : memref<256xi32, #tpu.memory_space<vmem>>, vector<16xi32>,
      %select_n3A_290 = arith.select %lt3A_272, %get3A_285, %get3A_289 : vector<16xi1>, vector<16xi32>
      %add3A_291 = arith.constant 80 : i32
      %add3A_292 = arith.addi %scan3A_133#0, %add3A_291 : i32
      %swap3A_293 = arith.index_cast %add3A_292 : i32 to index
      %swap3A_294 = tpu.vector_load %arg14[%swap3A_293] {strides = array<i32>} : memref<256xi32, #tpu.memory_space<vmem>>, vector<16xi32>,
      tpu.vector_store %arg14[%swap3A_293], %select_n3A_290 {strides = array<i32>} : memref<256xi32, #tpu.memory_space<vmem>>, vector<16xi32>,
      %add3A_295 = arith.constant 96 : i32
      %add3A_296 = vector.broadcast %add3A_295 : i32 to vector<16xi32>
      %add3A_297 = arith.addi %add3A_296, %iota3A : vector<16xi32>
      %lt3A_298 = vector.broadcast %scan3A_133#1 : i32 to vector<16xi32>
      %lt3A_299 = arith.cmpi slt, %add3A_297, %lt3A_298 : vector<16xi32>
      %get3A_300 = arith.constant 96 : index
      %get3A_301 = tpu.vector_load %arg15[%get3A_300] {strides = array<i32>} : memref<128xi32, #tpu.memory_space<vmem>>, vector<16xi32>,
      %add3A_302 = arith.constant 96 : i32
      %add3A_303 = arith.addi %scan3A_133#0, %add3A_302 : i32
      %get3A_304 = arith.index_cast %add3A_303 : i32 to index
      %get3A_305 = tpu.vector_load %arg13[%get3A_304] {strides = array<i32>} : memref<256xi32, #tpu.memory_space<vmem>>, vector<16xi32>,
      %select_n3A_306 = arith.select %lt3A_299, %get3A_301, %get3A_305 : vector<16xi1>, vector<16xi32>
      %add3A_307 = arith.constant 96 : i32
      %add3A_308 = arith.addi %scan3A_133#0, %add3A_307 : i32
      %swap3A_309 = arith.index_cast %add3A_308 : i32 to index
      %swap3A_310 = tpu.vector_load %arg13[%swap3A_309] {strides = array<i32>} : memref<256xi32, #tpu.memory_space<vmem>>, vector<16xi32>,
      tpu.vector_store %arg13[%swap3A_309], %select_n3A_306 {strides = array<i32>} : memref<256xi32, #tpu.memory_space<vmem>>, vector<16xi32>,
      %get3A_311 = arith.constant 96 : index
      %get3A_312 = tpu.vector_load %arg16[%get3A_311] {strides = array<i32>} : memref<128xi32, #tpu.memory_space<vmem>>, vector<16xi32>,
      %add3A_313 = arith.constant 96 : i32
      %add3A_314 = arith.addi %scan3A_133#0, %add3A_313 : i32
      %get3A_315 = arith.index_cast %add3A_314 : i32 to index
      %get3A_316 = tpu.vector_load %arg14[%get3A_315] {strides = array<i32>} : memref<256xi32, #tpu.memory_space<vmem>>, vector<16xi32>,
      %select_n3A_317 = arith.select %lt3A_299, %get3A_312, %get3A_316 : vector<16xi1>, vector<16xi32>
      %add3A_318 = arith.constant 96 : i32
      %add3A_319 = arith.addi %scan3A_133#0, %add3A_318 : i32
      %swap3A_320 = arith.index_cast %add3A_319 : i32 to index
      %swap3A_321 = tpu.vector_load %arg14[%swap3A_320] {strides = array<i32>} : memref<256xi32, #tpu.memory_space<vmem>>, vector<16xi32>,
      tpu.vector_store %arg14[%swap3A_320], %select_n3A_317 {strides = array<i32>} : memref<256xi32, #tpu.memory_space<vmem>>, vector<16xi32>,
      %eq3A = arith.constant 0 : i32
      %eq3A_322 = vector.broadcast %eq3A : i32 to vector<16xi32>
      %eq3A_323 = arith.cmpi eq, %iota3A, %eq3A_322 : vector<16xi32>
      %broadcast_in_dim3A_324 = arith.constant 2147483647 : i32
      %broadcast_in_dim3A_325 = vector.broadcast %broadcast_in_dim3A_324 : i32 to vector<16xi32>
      %scan3A_326 = arith.constant 0 : i32
      %scan3A_327 = arith.constant 0 : i32
      %scan3A_328 = arith.constant 100 : i32
      %scan3A_329 = arith.addi %scan3A_327, %scan3A_328 : i32
      %scan3A_330 = arith.constant 1 : i32
      scf.for %scan3A_956 = %scan3A_327 to %scan3A_329 step %scan3A_330  : i32 {
        %get3A_957 = arith.constant 0 : index
        %get3A_958 = tpu.vector_load %arg13[%get3A_957] {strides = array<i32>} : memref<256xi32, #tpu.memory_space<vmem>>, vector<16xi32>,
        %bitcast3A_959 = vector.bitcast %get3A_958 : vector<16xi32> to vector<16xi32>
        %get3A_960 = arith.constant 16 : index
        %get3A_961 = tpu.vector_load %arg13[%get3A_960] {strides = array<i32>} : memref<256xi32, #tpu.memory_space<vmem>>, vector<16xi32>,
        %bitcast3A_962 = vector.bitcast %get3A_961 : vector<16xi32> to vector<16xi32>
        %get3A_963 = arith.constant 32 : index
        %get3A_964 = tpu.vector_load %arg13[%get3A_963] {strides = array<i32>} : memref<256xi32, #tpu.memory_space<vmem>>, vector<16xi32>,
        %bitcast3A_965 = vector.bitcast %get3A_964 : vector<16xi32> to vector<16xi32>
        %get3A_966 = arith.constant 48 : index
        %get3A_967 = tpu.vector_load %arg13[%get3A_966] {strides = array<i32>} : memref<256xi32, #tpu.memory_space<vmem>>, vector<16xi32>,
        %bitcast3A_968 = vector.bitcast %get3A_967 : vector<16xi32> to vector<16xi32>
        %get3A_969 = arith.constant 64 : index
        %get3A_970 = tpu.vector_load %arg13[%get3A_969] {strides = array<i32>} : memref<256xi32, #tpu.memory_space<vmem>>, vector<16xi32>,
        %bitcast3A_971 = vector.bitcast %get3A_970 : vector<16xi32> to vector<16xi32>
        %get3A_972 = arith.constant 80 : index
        %get3A_973 = tpu.vector_load %arg13[%get3A_972] {strides = array<i32>} : memref<256xi32, #tpu.memory_space<vmem>>, vector<16xi32>,
        %bitcast3A_974 = vector.bitcast %get3A_973 : vector<16xi32> to vector<16xi32>
        %get3A_975 = arith.constant 96 : index
        %get3A_976 = tpu.vector_load %arg13[%get3A_975] {strides = array<i32>} : memref<256xi32, #tpu.memory_space<vmem>>, vector<16xi32>,
        %bitcast3A_977 = vector.bitcast %get3A_976 : vector<16xi32> to vector<16xi32>
        %get3A_978 = arith.constant 112 : index
        %get3A_979 = tpu.vector_load %arg13[%get3A_978] {strides = array<i32>} : memref<256xi32, #tpu.memory_space<vmem>>, vector<16xi32>,
        %bitcast3A_980 = vector.bitcast %get3A_979 : vector<16xi32> to vector<16xi32>
        %get3A_981 = arith.constant 128 : index
        %get3A_982 = tpu.vector_load %arg13[%get3A_981] {strides = array<i32>} : memref<256xi32, #tpu.memory_space<vmem>>, vector<16xi32>,
        %bitcast3A_983 = vector.bitcast %get3A_982 : vector<16xi32> to vector<16xi32>
        %get3A_984 = arith.constant 144 : index
        %get3A_985 = tpu.vector_load %arg13[%get3A_984] {strides = array<i32>} : memref<256xi32, #tpu.memory_space<vmem>>, vector<16xi32>,
        %bitcast3A_986 = vector.bitcast %get3A_985 : vector<16xi32> to vector<16xi32>
        %get3A_987 = arith.constant 160 : index
        %get3A_988 = tpu.vector_load %arg13[%get3A_987] {strides = array<i32>} : memref<256xi32, #tpu.memory_space<vmem>>, vector<16xi32>,
        %bitcast3A_989 = vector.bitcast %get3A_988 : vector<16xi32> to vector<16xi32>
        %get3A_990 = arith.constant 176 : index
        %get3A_991 = tpu.vector_load %arg13[%get3A_990] {strides = array<i32>} : memref<256xi32, #tpu.memory_space<vmem>>, vector<16xi32>,
        %bitcast3A_992 = vector.bitcast %get3A_991 : vector<16xi32> to vector<16xi32>
        %max3A = arith.maxui %bitcast3A_959, %bitcast3A_962 : vector<16xi32>
        %max3A_993 = arith.maxui %max3A, %bitcast3A_965 : vector<16xi32>
        %max3A_994 = arith.maxui %max3A_993, %bitcast3A_968 : vector<16xi32>
        %max3A_995 = arith.maxui %max3A_994, %bitcast3A_971 : vector<16xi32>
        %max3A_996 = arith.maxui %max3A_995, %bitcast3A_974 : vector<16xi32>
        %max3A_997 = arith.maxui %max3A_996, %bitcast3A_977 : vector<16xi32>
        %max3A_998 = arith.maxui %max3A_997, %bitcast3A_980 : vector<16xi32>
        %max3A_999 = arith.maxui %max3A_998, %bitcast3A_983 : vector<16xi32>
        %max3A_1000 = arith.maxui %max3A_999, %bitcast3A_986 : vector<16xi32>
        %max3A_1001 = arith.maxui %max3A_1000, %bitcast3A_989 : vector<16xi32>
        %max3A_1002 = arith.maxui %max3A_1001, %bitcast3A_992 : vector<16xi32>
        %reduce_max3A = arith.constant true
        %reduce_max3A_1003 = vector.broadcast %reduce_max3A : i1 to vector<16xi1>
        %reduce_max3A_1004 = tpu.scan <max>, %max3A_1002 masked %reduce_max3A_1003 : vector<16xi32>, vector<16xi1> -> vector<16xi32>
        %reduce_max3A_1005 = vector.extract %reduce_max3A_1004[15] : i32 from vector<16xi32>
        %broadcast_in_dim3A_1006 = vector.broadcast %reduce_max3A_1005 : i32 to vector<16xi32>
        %get3A_1007 = arith.constant 0 : index
        %get3A_1008 = tpu.vector_load %arg14[%get3A_1007] {strides = array<i32>} : memref<256xi32, #tpu.memory_space<vmem>>, vector<16xi32>,
        %eq3A_1009 = arith.cmpi eq, %bitcast3A_959, %broadcast_in_dim3A_1006 : vector<16xi32>
        %select_n3A_1010 = arith.select %eq3A_1009, %get3A_1008, %broadcast_in_dim3A_325 : vector<16xi1>, vector<16xi32>
        %min3A = arith.minsi %broadcast_in_dim3A_325, %select_n3A_1010 : vector<16xi32>
        %get3A_1011 = arith.constant 16 : index
        %get3A_1012 = tpu.vector_load %arg14[%get3A_1011] {strides = array<i32>} : memref<256xi32, #tpu.memory_space<vmem>>, vector<16xi32>,
        %eq3A_1013 = arith.cmpi eq, %bitcast3A_962, %broadcast_in_dim3A_1006 : vector<16xi32>
        %select_n3A_1014 = arith.select %eq3A_1013, %get3A_1012, %broadcast_in_dim3A_325 : vector<16xi1>, vector<16xi32>
        %min3A_1015 = arith.minsi %min3A, %select_n3A_1014 : vector<16xi32>
        %get3A_1016 = arith.constant 32 : index
        %get3A_1017 = tpu.vector_load %arg14[%get3A_1016] {strides = array<i32>} : memref<256xi32, #tpu.memory_space<vmem>>, vector<16xi32>,
        %eq3A_1018 = arith.cmpi eq, %bitcast3A_965, %broadcast_in_dim3A_1006 : vector<16xi32>
        %select_n3A_1019 = arith.select %eq3A_1018, %get3A_1017, %broadcast_in_dim3A_325 : vector<16xi1>, vector<16xi32>
        %min3A_1020 = arith.minsi %min3A_1015, %select_n3A_1019 : vector<16xi32>
        %get3A_1021 = arith.constant 48 : index
        %get3A_1022 = tpu.vector_load %arg14[%get3A_1021] {strides = array<i32>} : memref<256xi32, #tpu.memory_space<vmem>>, vector<16xi32>,
        %eq3A_1023 = arith.cmpi eq, %bitcast3A_968, %broadcast_in_dim3A_1006 : vector<16xi32>
        %select_n3A_1024 = arith.select %eq3A_1023, %get3A_1022, %broadcast_in_dim3A_325 : vector<16xi1>, vector<16xi32>
        %min3A_1025 = arith.minsi %min3A_1020, %select_n3A_1024 : vector<16xi32>
        %get3A_1026 = arith.constant 64 : index
        %get3A_1027 = tpu.vector_load %arg14[%get3A_1026] {strides = array<i32>} : memref<256xi32, #tpu.memory_space<vmem>>, vector<16xi32>,
        %eq3A_1028 = arith.cmpi eq, %bitcast3A_971, %broadcast_in_dim3A_1006 : vector<16xi32>
        %select_n3A_1029 = arith.select %eq3A_1028, %get3A_1027, %broadcast_in_dim3A_325 : vector<16xi1>, vector<16xi32>
        %min3A_1030 = arith.minsi %min3A_1025, %select_n3A_1029 : vector<16xi32>
        %get3A_1031 = arith.constant 80 : index
        %get3A_1032 = tpu.vector_load %arg14[%get3A_1031] {strides = array<i32>} : memref<256xi32, #tpu.memory_space<vmem>>, vector<16xi32>,
        %eq3A_1033 = arith.cmpi eq, %bitcast3A_974, %broadcast_in_dim3A_1006 : vector<16xi32>
        %select_n3A_1034 = arith.select %eq3A_1033, %get3A_1032, %broadcast_in_dim3A_325 : vector<16xi1>, vector<16xi32>
        %min3A_1035 = arith.minsi %min3A_1030, %select_n3A_1034 : vector<16xi32>
        %get3A_1036 = arith.constant 96 : index
        %get3A_1037 = tpu.vector_load %arg14[%get3A_1036] {strides = array<i32>} : memref<256xi32, #tpu.memory_space<vmem>>, vector<16xi32>,
        %eq3A_1038 = arith.cmpi eq, %bitcast3A_977, %broadcast_in_dim3A_1006 : vector<16xi32>
        %select_n3A_1039 = arith.select %eq3A_1038, %get3A_1037, %broadcast_in_dim3A_325 : vector<16xi1>, vector<16xi32>
        %min3A_1040 = arith.minsi %min3A_1035, %select_n3A_1039 : vector<16xi32>
        %get3A_1041 = arith.constant 112 : index
        %get3A_1042 = tpu.vector_load %arg14[%get3A_1041] {strides = array<i32>} : memref<256xi32, #tpu.memory_space<vmem>>, vector<16xi32>,
        %eq3A_1043 = arith.cmpi eq, %bitcast3A_980, %broadcast_in_dim3A_1006 : vector<16xi32>
        %select_n3A_1044 = arith.select %eq3A_1043, %get3A_1042, %broadcast_in_dim3A_325 : vector<16xi1>, vector<16xi32>
        %min3A_1045 = arith.minsi %min3A_1040, %select_n3A_1044 : vector<16xi32>
        %get3A_1046 = arith.constant 128 : index
        %get3A_1047 = tpu.vector_load %arg14[%get3A_1046] {strides = array<i32>} : memref<256xi32, #tpu.memory_space<vmem>>, vector<16xi32>,
        %eq3A_1048 = arith.cmpi eq, %bitcast3A_983, %broadcast_in_dim3A_1006 : vector<16xi32>
        %select_n3A_1049 = arith.select %eq3A_1048, %get3A_1047, %broadcast_in_dim3A_325 : vector<16xi1>, vector<16xi32>
        %min3A_1050 = arith.minsi %min3A_1045, %select_n3A_1049 : vector<16xi32>
        %get3A_1051 = arith.constant 144 : index
        %get3A_1052 = tpu.vector_load %arg14[%get3A_1051] {strides = array<i32>} : memref<256xi32, #tpu.memory_space<vmem>>, vector<16xi32>,
        %eq3A_1053 = arith.cmpi eq, %bitcast3A_986, %broadcast_in_dim3A_1006 : vector<16xi32>
        %select_n3A_1054 = arith.select %eq3A_1053, %get3A_1052, %broadcast_in_dim3A_325 : vector<16xi1>, vector<16xi32>
        %min3A_1055 = arith.minsi %min3A_1050, %select_n3A_1054 : vector<16xi32>
        %get3A_1056 = arith.constant 160 : index
        %get3A_1057 = tpu.vector_load %arg14[%get3A_1056] {strides = array<i32>} : memref<256xi32, #tpu.memory_space<vmem>>, vector<16xi32>,
        %eq3A_1058 = arith.cmpi eq, %bitcast3A_989, %broadcast_in_dim3A_1006 : vector<16xi32>
        %select_n3A_1059 = arith.select %eq3A_1058, %get3A_1057, %broadcast_in_dim3A_325 : vector<16xi1>, vector<16xi32>
        %min3A_1060 = arith.minsi %min3A_1055, %select_n3A_1059 : vector<16xi32>
        %get3A_1061 = arith.constant 176 : index
        %get3A_1062 = tpu.vector_load %arg14[%get3A_1061] {strides = array<i32>} : memref<256xi32, #tpu.memory_space<vmem>>, vector<16xi32>,
        %eq3A_1063 = arith.cmpi eq, %bitcast3A_992, %broadcast_in_dim3A_1006 : vector<16xi32>
        %select_n3A_1064 = arith.select %eq3A_1063, %get3A_1062, %broadcast_in_dim3A_325 : vector<16xi1>, vector<16xi32>
        %min3A_1065 = arith.minsi %min3A_1060, %select_n3A_1064 : vector<16xi32>
        %reduce_min3A = arith.constant true
        %reduce_min3A_1066 = vector.broadcast %reduce_min3A : i1 to vector<16xi1>
        %reduce_min3A_1067 = arith.constant -2147483648 : i32
        %reduce_min3A_1068 = vector.broadcast %reduce_min3A_1067 : i32 to vector<16xi32>
        %reduce_min3A_1069 = arith.xori %min3A_1065, %reduce_min3A_1068 : vector<16xi32>
        %reduce_min3A_1070 = tpu.scan <min>, %reduce_min3A_1069 masked %reduce_min3A_1066 : vector<16xi32>, vector<16xi1> -> vector<16xi32>
        %reduce_min3A_1071 = arith.xori %reduce_min3A_1070, %reduce_min3A_1068 : vector<16xi32>
        %reduce_min3A_1072 = vector.extract %reduce_min3A_1071[15] : i32 from vector<16xi32>
        %broadcast_in_dim3A_1073 = vector.broadcast %reduce_min3A_1072 : i32 to vector<16xi32>
        %broadcast_in_dim3A_1074 = vector.broadcast %scan3A_956 : i32 to vector<16xi32>
        %bitcast3A_1075 = vector.bitcast %broadcast_in_dim3A_1006 : vector<16xi32> to vector<16xi32>
        tpu.vector_store_idx %arg17[%broadcast_in_dim3A_1074], %bitcast3A_1075 masked %eq3A_323 : memref<112xi32, #tpu.memory_space<vmem>>[vector<16xi32>], vector<16xi32>, vector<16xi1>
        %jit3A = arith.constant 91 : i32
        %eq3A_1076 = arith.constant 0 : i32
        %eq3A_1077 = arith.cmpi eq, %jit3A, %eq3A_1076 : i32
        %jit3A_1078 = arith.constant 1 : i32
        %select_n3A_1079 = arith.select %eq3A_1077, %jit3A_1078, %jit3A : i32
        %rem3A = vector.broadcast %select_n3A_1079 : i32 to vector<16xi32>
        %rem3A_1080 = arith.remsi %broadcast_in_dim3A_1073, %rem3A : vector<16xi32>
        %ne3A_1081 = arith.constant 0 : i32
        %ne3A_1082 = vector.broadcast %ne3A_1081 : i32 to vector<16xi32>
        %ne3A_1083 = arith.cmpi ne, %rem3A_1080, %ne3A_1082 : vector<16xi32>
        %lt3A_1084 = arith.constant 0 : i32
        %lt3A_1085 = vector.broadcast %lt3A_1084 : i32 to vector<16xi32>
        %lt3A_1086 = arith.cmpi slt, %rem3A_1080, %lt3A_1085 : vector<16xi32>
        %lt3A_1087 = arith.constant 0 : i32
        %lt3A_1088 = arith.cmpi slt, %select_n3A_1079, %lt3A_1087 : i32
        %ne3A_1089 = vector.broadcast %lt3A_1088 : i1 to vector<16xi1>
        %ne3A_1090 = vector.broadcast %ne3A_1089 : vector<16xi1> to vector<16xi1>
        %ne3A_1091 = arith.xori %lt3A_1086, %ne3A_1090 : vector<16xi1>
        %and3A_1092 = arith.andi %ne3A_1091, %ne3A_1083 : vector<16xi1>
        %add3A_1093 = vector.broadcast %select_n3A_1079 : i32 to vector<16xi32>
        %add3A_1094 = arith.addi %rem3A_1080, %add3A_1093 : vector<16xi32>
        %select_n3A_1095 = arith.select %and3A_1092, %add3A_1094, %rem3A_1080 : vector<16xi1>, vector<16xi32>
        tpu.vector_store_idx %arg19[%broadcast_in_dim3A_1074], %select_n3A_1095 masked %eq3A_323 : memref<112xi32, #tpu.memory_space<vmem>>[vector<16xi32>], vector<16xi32>, vector<16xi1>
        %jit3A_1096 = arith.constant 91 : i32
        %div3A_1097 = vector.broadcast %jit3A_1096 : i32 to vector<16xi32>
        %div3A_1098 = arith.divsi %broadcast_in_dim3A_1073, %div3A_1097 : vector<16xi32>
        %sign3A = arith.constant 0 : i32
        %sign3A_1099 = vector.broadcast %sign3A : i32 to vector<16xi32>
        %sign3A_1100 = arith.cmpi sgt, %broadcast_in_dim3A_1073, %sign3A_1099 : vector<16xi32>
        %sign3A_1101 = arith.extui %sign3A_1100 : vector<16xi1> to vector<16xi32>
        %sign3A_1102 = arith.constant 0 : i32
        %sign3A_1103 = vector.broadcast %sign3A_1102 : i32 to vector<16xi32>
        %sign3A_1104 = arith.cmpi slt, %broadcast_in_dim3A_1073, %sign3A_1103 : vector<16xi32>
        %sign3A_1105 = arith.extui %sign3A_1104 : vector<16xi1> to vector<16xi32>
        %sign3A_1106 = arith.subi %sign3A_1101, %sign3A_1105 : vector<16xi32>
        %sign3A_1107 = arith.constant 0 : i32
        %sign3A_1108 = arith.cmpi sgt, %jit3A_1096, %sign3A_1107 : i32
        %sign3A_1109 = arith.extui %sign3A_1108 : i1 to i32
        %sign3A_1110 = arith.constant 0 : i32
        %sign3A_1111 = arith.cmpi slt, %jit3A_1096, %sign3A_1110 : i32
        %sign3A_1112 = arith.extui %sign3A_1111 : i1 to i32
        %sign3A_1113 = arith.subi %sign3A_1109, %sign3A_1112 : i32
        %ne3A_1114 = vector.broadcast %sign3A_1113 : i32 to vector<16xi32>
        %ne3A_1115 = arith.cmpi ne, %sign3A_1106, %ne3A_1114 : vector<16xi32>
        %rem3A_1116 = vector.broadcast %jit3A_1096 : i32 to vector<16xi32>
        %rem3A_1117 = arith.remsi %broadcast_in_dim3A_1073, %rem3A_1116 : vector<16xi32>
        %ne3A_1118 = arith.constant 0 : i32
        %ne3A_1119 = vector.broadcast %ne3A_1118 : i32 to vector<16xi32>
        %ne3A_1120 = arith.cmpi ne, %rem3A_1117, %ne3A_1119 : vector<16xi32>
        %and3A_1121 = arith.andi %ne3A_1115, %ne3A_1120 : vector<16xi1>
        %sub3A_1122 = arith.constant 1 : i32
        %sub3A_1123 = vector.broadcast %sub3A_1122 : i32 to vector<16xi32>
        %sub3A_1124 = arith.subi %div3A_1098, %sub3A_1123 : vector<16xi32>
        %select_n3A_1125 = arith.select %and3A_1121, %sub3A_1124, %div3A_1098 : vector<16xi1>, vector<16xi32>
        tpu.vector_store_idx %arg20[%broadcast_in_dim3A_1074], %select_n3A_1125 masked %eq3A_323 : memref<112xi32, #tpu.memory_space<vmem>>[vector<16xi32>], vector<16xi32>, vector<16xi1>
        %get3A_1126 = arith.constant 0 : index
        %get3A_1127 = tpu.vector_load %arg14[%get3A_1126] {strides = array<i32>} : memref<256xi32, #tpu.memory_space<vmem>>, vector<16xi32>,
        %eq3A_1128 = arith.cmpi eq, %bitcast3A_959, %broadcast_in_dim3A_1006 : vector<16xi32>
        %eq3A_1129 = arith.cmpi eq, %get3A_1127, %broadcast_in_dim3A_1073 : vector<16xi32>
        %and3A_1130 = arith.andi %eq3A_1128, %eq3A_1129 : vector<16xi1>
        %jit3A_1131 = arith.constant 0 : i32
        %broadcast_in_dim3A_1132 = vector.broadcast %jit3A_1131 : i32 to vector<16xi32>
        %select_n3A_1133 = arith.select %and3A_1130, %broadcast_in_dim3A_1132, %bitcast3A_959 : vector<16xi1>, vector<16xi32>
        %bitcast3A_1134 = vector.bitcast %select_n3A_1133 : vector<16xi32> to vector<16xi32>
        %swap3A_1135 = arith.constant 0 : index
        %swap3A_1136 = tpu.vector_load %arg13[%swap3A_1135] {strides = array<i32>} : memref<256xi32, #tpu.memory_space<vmem>>, vector<16xi32>,
        tpu.vector_store %arg13[%swap3A_1135], %bitcast3A_1134 {strides = array<i32>} : memref<256xi32, #tpu.memory_space<vmem>>, vector<16xi32>,
        %get3A_1137 = arith.constant 16 : index
        %get3A_1138 = tpu.vector_load %arg14[%get3A_1137] {strides = array<i32>} : memref<256xi32, #tpu.memory_space<vmem>>, vector<16xi32>,
        %eq3A_1139 = arith.cmpi eq, %bitcast3A_962, %broadcast_in_dim3A_1006 : vector<16xi32>
        %eq3A_1140 = arith.cmpi eq, %get3A_1138, %broadcast_in_dim3A_1073 : vector<16xi32>
        %and3A_1141 = arith.andi %eq3A_1139, %eq3A_1140 : vector<16xi1>
        %jit3A_1142 = arith.constant 0 : i32
        %broadcast_in_dim3A_1143 = vector.broadcast %jit3A_1142 : i32 to vector<16xi32>
        %select_n3A_1144 = arith.select %and3A_1141, %broadcast_in_dim3A_1143, %bitcast3A_962 : vector<16xi1>, vector<16xi32>
        %bitcast3A_1145 = vector.bitcast %select_n3A_1144 : vector<16xi32> to vector<16xi32>
        %swap3A_1146 = arith.constant 16 : index
        %swap3A_1147 = tpu.vector_load %arg13[%swap3A_1146] {strides = array<i32>} : memref<256xi32, #tpu.memory_space<vmem>>, vector<16xi32>,
        tpu.vector_store %arg13[%swap3A_1146], %bitcast3A_1145 {strides = array<i32>} : memref<256xi32, #tpu.memory_space<vmem>>, vector<16xi32>,
        %get3A_1148 = arith.constant 32 : index
        %get3A_1149 = tpu.vector_load %arg14[%get3A_1148] {strides = array<i32>} : memref<256xi32, #tpu.memory_space<vmem>>, vector<16xi32>,
        %eq3A_1150 = arith.cmpi eq, %bitcast3A_965, %broadcast_in_dim3A_1006 : vector<16xi32>
        %eq3A_1151 = arith.cmpi eq, %get3A_1149, %broadcast_in_dim3A_1073 : vector<16xi32>
        %and3A_1152 = arith.andi %eq3A_1150, %eq3A_1151 : vector<16xi1>
        %jit3A_1153 = arith.constant 0 : i32
        %broadcast_in_dim3A_1154 = vector.broadcast %jit3A_1153 : i32 to vector<16xi32>
        %select_n3A_1155 = arith.select %and3A_1152, %broadcast_in_dim3A_1154, %bitcast3A_965 : vector<16xi1>, vector<16xi32>
        %bitcast3A_1156 = vector.bitcast %select_n3A_1155 : vector<16xi32> to vector<16xi32>
        %swap3A_1157 = arith.constant 32 : index
        %swap3A_1158 = tpu.vector_load %arg13[%swap3A_1157] {strides = array<i32>} : memref<256xi32, #tpu.memory_space<vmem>>, vector<16xi32>,
        tpu.vector_store %arg13[%swap3A_1157], %bitcast3A_1156 {strides = array<i32>} : memref<256xi32, #tpu.memory_space<vmem>>, vector<16xi32>,
        %get3A_1159 = arith.constant 48 : index
        %get3A_1160 = tpu.vector_load %arg14[%get3A_1159] {strides = array<i32>} : memref<256xi32, #tpu.memory_space<vmem>>, vector<16xi32>,
        %eq3A_1161 = arith.cmpi eq, %bitcast3A_968, %broadcast_in_dim3A_1006 : vector<16xi32>
        %eq3A_1162 = arith.cmpi eq, %get3A_1160, %broadcast_in_dim3A_1073 : vector<16xi32>
        %and3A_1163 = arith.andi %eq3A_1161, %eq3A_1162 : vector<16xi1>
        %jit3A_1164 = arith.constant 0 : i32
        %broadcast_in_dim3A_1165 = vector.broadcast %jit3A_1164 : i32 to vector<16xi32>
        %select_n3A_1166 = arith.select %and3A_1163, %broadcast_in_dim3A_1165, %bitcast3A_968 : vector<16xi1>, vector<16xi32>
        %bitcast3A_1167 = vector.bitcast %select_n3A_1166 : vector<16xi32> to vector<16xi32>
        %swap3A_1168 = arith.constant 48 : index
        %swap3A_1169 = tpu.vector_load %arg13[%swap3A_1168] {strides = array<i32>} : memref<256xi32, #tpu.memory_space<vmem>>, vector<16xi32>,
        tpu.vector_store %arg13[%swap3A_1168], %bitcast3A_1167 {strides = array<i32>} : memref<256xi32, #tpu.memory_space<vmem>>, vector<16xi32>,
        %get3A_1170 = arith.constant 64 : index
        %get3A_1171 = tpu.vector_load %arg14[%get3A_1170] {strides = array<i32>} : memref<256xi32, #tpu.memory_space<vmem>>, vector<16xi32>,
        %eq3A_1172 = arith.cmpi eq, %bitcast3A_971, %broadcast_in_dim3A_1006 : vector<16xi32>
        %eq3A_1173 = arith.cmpi eq, %get3A_1171, %broadcast_in_dim3A_1073 : vector<16xi32>
        %and3A_1174 = arith.andi %eq3A_1172, %eq3A_1173 : vector<16xi1>
        %jit3A_1175 = arith.constant 0 : i32
        %broadcast_in_dim3A_1176 = vector.broadcast %jit3A_1175 : i32 to vector<16xi32>
        %select_n3A_1177 = arith.select %and3A_1174, %broadcast_in_dim3A_1176, %bitcast3A_971 : vector<16xi1>, vector<16xi32>
        %bitcast3A_1178 = vector.bitcast %select_n3A_1177 : vector<16xi32> to vector<16xi32>
        %swap3A_1179 = arith.constant 64 : index
        %swap3A_1180 = tpu.vector_load %arg13[%swap3A_1179] {strides = array<i32>} : memref<256xi32, #tpu.memory_space<vmem>>, vector<16xi32>,
        tpu.vector_store %arg13[%swap3A_1179], %bitcast3A_1178 {strides = array<i32>} : memref<256xi32, #tpu.memory_space<vmem>>, vector<16xi32>,
        %get3A_1181 = arith.constant 80 : index
        %get3A_1182 = tpu.vector_load %arg14[%get3A_1181] {strides = array<i32>} : memref<256xi32, #tpu.memory_space<vmem>>, vector<16xi32>,
        %eq3A_1183 = arith.cmpi eq, %bitcast3A_974, %broadcast_in_dim3A_1006 : vector<16xi32>
        %eq3A_1184 = arith.cmpi eq, %get3A_1182, %broadcast_in_dim3A_1073 : vector<16xi32>
        %and3A_1185 = arith.andi %eq3A_1183, %eq3A_1184 : vector<16xi1>
        %jit3A_1186 = arith.constant 0 : i32
        %broadcast_in_dim3A_1187 = vector.broadcast %jit3A_1186 : i32 to vector<16xi32>
        %select_n3A_1188 = arith.select %and3A_1185, %broadcast_in_dim3A_1187, %bitcast3A_974 : vector<16xi1>, vector<16xi32>
        %bitcast3A_1189 = vector.bitcast %select_n3A_1188 : vector<16xi32> to vector<16xi32>
        %swap3A_1190 = arith.constant 80 : index
        %swap3A_1191 = tpu.vector_load %arg13[%swap3A_1190] {strides = array<i32>} : memref<256xi32, #tpu.memory_space<vmem>>, vector<16xi32>,
        tpu.vector_store %arg13[%swap3A_1190], %bitcast3A_1189 {strides = array<i32>} : memref<256xi32, #tpu.memory_space<vmem>>, vector<16xi32>,
        %get3A_1192 = arith.constant 96 : index
        %get3A_1193 = tpu.vector_load %arg14[%get3A_1192] {strides = array<i32>} : memref<256xi32, #tpu.memory_space<vmem>>, vector<16xi32>,
        %eq3A_1194 = arith.cmpi eq, %bitcast3A_977, %broadcast_in_dim3A_1006 : vector<16xi32>
        %eq3A_1195 = arith.cmpi eq, %get3A_1193, %broadcast_in_dim3A_1073 : vector<16xi32>
        %and3A_1196 = arith.andi %eq3A_1194, %eq3A_1195 : vector<16xi1>
        %jit3A_1197 = arith.constant 0 : i32
        %broadcast_in_dim3A_1198 = vector.broadcast %jit3A_1197 : i32 to vector<16xi32>
        %select_n3A_1199 = arith.select %and3A_1196, %broadcast_in_dim3A_1198, %bitcast3A_977 : vector<16xi1>, vector<16xi32>
        %bitcast3A_1200 = vector.bitcast %select_n3A_1199 : vector<16xi32> to vector<16xi32>
        %swap3A_1201 = arith.constant 96 : index
        %swap3A_1202 = tpu.vector_load %arg13[%swap3A_1201] {strides = array<i32>} : memref<256xi32, #tpu.memory_space<vmem>>, vector<16xi32>,
        tpu.vector_store %arg13[%swap3A_1201], %bitcast3A_1200 {strides = array<i32>} : memref<256xi32, #tpu.memory_space<vmem>>, vector<16xi32>,
        %get3A_1203 = arith.constant 112 : index
        %get3A_1204 = tpu.vector_load %arg14[%get3A_1203] {strides = array<i32>} : memref<256xi32, #tpu.memory_space<vmem>>, vector<16xi32>,
        %eq3A_1205 = arith.cmpi eq, %bitcast3A_980, %broadcast_in_dim3A_1006 : vector<16xi32>
        %eq3A_1206 = arith.cmpi eq, %get3A_1204, %broadcast_in_dim3A_1073 : vector<16xi32>
        %and3A_1207 = arith.andi %eq3A_1205, %eq3A_1206 : vector<16xi1>
        %jit3A_1208 = arith.constant 0 : i32
        %broadcast_in_dim3A_1209 = vector.broadcast %jit3A_1208 : i32 to vector<16xi32>
        %select_n3A_1210 = arith.select %and3A_1207, %broadcast_in_dim3A_1209, %bitcast3A_980 : vector<16xi1>, vector<16xi32>
        %bitcast3A_1211 = vector.bitcast %select_n3A_1210 : vector<16xi32> to vector<16xi32>
        %swap3A_1212 = arith.constant 112 : index
        %swap3A_1213 = tpu.vector_load %arg13[%swap3A_1212] {strides = array<i32>} : memref<256xi32, #tpu.memory_space<vmem>>, vector<16xi32>,
        tpu.vector_store %arg13[%swap3A_1212], %bitcast3A_1211 {strides = array<i32>} : memref<256xi32, #tpu.memory_space<vmem>>, vector<16xi32>,
        %get3A_1214 = arith.constant 128 : index
        %get3A_1215 = tpu.vector_load %arg14[%get3A_1214] {strides = array<i32>} : memref<256xi32, #tpu.memory_space<vmem>>, vector<16xi32>,
        %eq3A_1216 = arith.cmpi eq, %bitcast3A_983, %broadcast_in_dim3A_1006 : vector<16xi32>
        %eq3A_1217 = arith.cmpi eq, %get3A_1215, %broadcast_in_dim3A_1073 : vector<16xi32>
        %and3A_1218 = arith.andi %eq3A_1216, %eq3A_1217 : vector<16xi1>
        %jit3A_1219 = arith.constant 0 : i32
        %broadcast_in_dim3A_1220 = vector.broadcast %jit3A_1219 : i32 to vector<16xi32>
        %select_n3A_1221 = arith.select %and3A_1218, %broadcast_in_dim3A_1220, %bitcast3A_983 : vector<16xi1>, vector<16xi32>
        %bitcast3A_1222 = vector.bitcast %select_n3A_1221 : vector<16xi32> to vector<16xi32>
        %swap3A_1223 = arith.constant 128 : index
        %swap3A_1224 = tpu.vector_load %arg13[%swap3A_1223] {strides = array<i32>} : memref<256xi32, #tpu.memory_space<vmem>>, vector<16xi32>,
        tpu.vector_store %arg13[%swap3A_1223], %bitcast3A_1222 {strides = array<i32>} : memref<256xi32, #tpu.memory_space<vmem>>, vector<16xi32>,
        %get3A_1225 = arith.constant 144 : index
        %get3A_1226 = tpu.vector_load %arg14[%get3A_1225] {strides = array<i32>} : memref<256xi32, #tpu.memory_space<vmem>>, vector<16xi32>,
        %eq3A_1227 = arith.cmpi eq, %bitcast3A_986, %broadcast_in_dim3A_1006 : vector<16xi32>
        %eq3A_1228 = arith.cmpi eq, %get3A_1226, %broadcast_in_dim3A_1073 : vector<16xi32>
        %and3A_1229 = arith.andi %eq3A_1227, %eq3A_1228 : vector<16xi1>
        %jit3A_1230 = arith.constant 0 : i32
        %broadcast_in_dim3A_1231 = vector.broadcast %jit3A_1230 : i32 to vector<16xi32>
        %select_n3A_1232 = arith.select %and3A_1229, %broadcast_in_dim3A_1231, %bitcast3A_986 : vector<16xi1>, vector<16xi32>
        %bitcast3A_1233 = vector.bitcast %select_n3A_1232 : vector<16xi32> to vector<16xi32>
        %swap3A_1234 = arith.constant 144 : index
        %swap3A_1235 = tpu.vector_load %arg13[%swap3A_1234] {strides = array<i32>} : memref<256xi32, #tpu.memory_space<vmem>>, vector<16xi32>,
        tpu.vector_store %arg13[%swap3A_1234], %bitcast3A_1233 {strides = array<i32>} : memref<256xi32, #tpu.memory_space<vmem>>, vector<16xi32>,
        %get3A_1236 = arith.constant 160 : index
        %get3A_1237 = tpu.vector_load %arg14[%get3A_1236] {strides = array<i32>} : memref<256xi32, #tpu.memory_space<vmem>>, vector<16xi32>,
        %eq3A_1238 = arith.cmpi eq, %bitcast3A_989, %broadcast_in_dim3A_1006 : vector<16xi32>
        %eq3A_1239 = arith.cmpi eq, %get3A_1237, %broadcast_in_dim3A_1073 : vector<16xi32>
        %and3A_1240 = arith.andi %eq3A_1238, %eq3A_1239 : vector<16xi1>
        %jit3A_1241 = arith.constant 0 : i32
        %broadcast_in_dim3A_1242 = vector.broadcast %jit3A_1241 : i32 to vector<16xi32>
        %select_n3A_1243 = arith.select %and3A_1240, %broadcast_in_dim3A_1242, %bitcast3A_989 : vector<16xi1>, vector<16xi32>
        %bitcast3A_1244 = vector.bitcast %select_n3A_1243 : vector<16xi32> to vector<16xi32>
        %swap3A_1245 = arith.constant 160 : index
        %swap3A_1246 = tpu.vector_load %arg13[%swap3A_1245] {strides = array<i32>} : memref<256xi32, #tpu.memory_space<vmem>>, vector<16xi32>,
        tpu.vector_store %arg13[%swap3A_1245], %bitcast3A_1244 {strides = array<i32>} : memref<256xi32, #tpu.memory_space<vmem>>, vector<16xi32>,
        %get3A_1247 = arith.constant 176 : index
        %get3A_1248 = tpu.vector_load %arg14[%get3A_1247] {strides = array<i32>} : memref<256xi32, #tpu.memory_space<vmem>>, vector<16xi32>,
        %eq3A_1249 = arith.cmpi eq, %bitcast3A_992, %broadcast_in_dim3A_1006 : vector<16xi32>
        %eq3A_1250 = arith.cmpi eq, %get3A_1248, %broadcast_in_dim3A_1073 : vector<16xi32>
        %and3A_1251 = arith.andi %eq3A_1249, %eq3A_1250 : vector<16xi1>
        %jit3A_1252 = arith.constant 0 : i32
        %broadcast_in_dim3A_1253 = vector.broadcast %jit3A_1252 : i32 to vector<16xi32>
        %select_n3A_1254 = arith.select %and3A_1251, %broadcast_in_dim3A_1253, %bitcast3A_992 : vector<16xi1>, vector<16xi32>
        %bitcast3A_1255 = vector.bitcast %select_n3A_1254 : vector<16xi32> to vector<16xi32>
        %swap3A_1256 = arith.constant 176 : index
        %swap3A_1257 = tpu.vector_load %arg13[%swap3A_1256] {strides = array<i32>} : memref<256xi32, #tpu.memory_space<vmem>>, vector<16xi32>,
        tpu.vector_store %arg13[%swap3A_1256], %bitcast3A_1255 {strides = array<i32>} : memref<256xi32, #tpu.memory_space<vmem>>, vector<16xi32>,
      }
      %scan3A_331 = arith.constant 100 : i32
      %get3A_332 = arith.constant 0 : index
      %get3A_333 = tpu.vector_load %arg17[%get3A_332] {strides = array<i32>} : memref<112xi32, #tpu.memory_space<vmem>>, vector<16xi32>,
      %bitcast3A = vector.bitcast %get3A_333 : vector<16xi32> to vector<16xi32>
      %shift_right_logical3A = arith.constant 31 : i32
      %shift_right_logical3A_334 = vector.broadcast %shift_right_logical3A : i32 to vector<16xi32>
      %shift_right_logical3A_335 = arith.shrui %bitcast3A, %shift_right_logical3A_334 : vector<16xi32>
      %eq3A_336 = arith.constant 1 : i32
      %eq3A_337 = vector.broadcast %eq3A_336 : i32 to vector<16xi32>
      %eq3A_338 = arith.cmpi eq, %shift_right_logical3A_335, %eq3A_337 : vector<16xi32>
      %and3A = arith.constant 2147483647 : i32
      %and3A_339 = vector.broadcast %and3A : i32 to vector<16xi32>
      %and3A_340 = arith.andi %bitcast3A, %and3A_339 : vector<16xi32>
      %not3A = arith.constant dense<-1> : vector<16xi32>
      %not3A_341 = arith.xori %bitcast3A, %not3A : vector<16xi32>
      %select_n3A_342 = arith.select %eq3A_338, %and3A_340, %not3A_341 : vector<16xi1>, vector<16xi32>
      %bitcast3A_343 = vector.bitcast %select_n3A_342 : vector<16xi32> to vector<16xf32>
      %abs3A = math.absf %bitcast3A_343 : vector<16xf32>
      %neg3A = arith.constant 0.000000e+00 : f32
      %neg3A_344 = vector.broadcast %neg3A : f32 to vector<16xf32>
      %neg3A_345 = arith.subf %neg3A_344, %abs3A : vector<16xf32>
      %exp3A = math.exp %neg3A_345 : vector<16xf32>
      %ge3A = arith.constant 0.000000e+00 : f32
      %ge3A_346 = vector.broadcast %ge3A : f32 to vector<16xf32>
      %ge3A_347 = arith.cmpf oge, %bitcast3A_343, %ge3A_346 : vector<16xf32>
      %add3A_348 = arith.constant 1.000000e+00 : f32
      %add3A_349 = vector.broadcast %add3A_348 : f32 to vector<16xf32>
      %add3A_350 = arith.addf %add3A_349, %exp3A : vector<16xf32>
      %div3A = arith.constant 1.000000e+00 : f32
      %div3A_351 = vector.broadcast %div3A : f32 to vector<16xf32>
      %div3A_352 = arith.divf %div3A_351, %add3A_350 : vector<16xf32>
      %add3A_353 = arith.constant 1.000000e+00 : f32
      %add3A_354 = vector.broadcast %add3A_353 : f32 to vector<16xf32>
      %add3A_355 = arith.addf %add3A_354, %exp3A : vector<16xf32>
      %div3A_356 = arith.divf %exp3A, %add3A_355 : vector<16xf32>
      %select_n3A_357 = arith.select %ge3A_347, %div3A_352, %div3A_356 : vector<16xi1>, vector<16xf32>
      %swap3A_358 = arith.constant 0 : index
      %swap3A_359 = tpu.vector_load %arg18[%swap3A_358] {strides = array<i32>} : memref<112xf32, #tpu.memory_space<vmem>>, vector<16xf32>,
      tpu.vector_store %arg18[%swap3A_358], %select_n3A_357 {strides = array<i32>} : memref<112xf32, #tpu.memory_space<vmem>>, vector<16xf32>,
      %get3A_360 = arith.constant 16 : index
      %get3A_361 = tpu.vector_load %arg17[%get3A_360] {strides = array<i32>} : memref<112xi32, #tpu.memory_space<vmem>>, vector<16xi32>,
      %bitcast3A_362 = vector.bitcast %get3A_361 : vector<16xi32> to vector<16xi32>
      %shift_right_logical3A_363 = arith.constant 31 : i32
      %shift_right_logical3A_364 = vector.broadcast %shift_right_logical3A_363 : i32 to vector<16xi32>
      %shift_right_logical3A_365 = arith.shrui %bitcast3A_362, %shift_right_logical3A_364 : vector<16xi32>
      %eq3A_366 = arith.constant 1 : i32
      %eq3A_367 = vector.broadcast %eq3A_366 : i32 to vector<16xi32>
      %eq3A_368 = arith.cmpi eq, %shift_right_logical3A_365, %eq3A_367 : vector<16xi32>
      %and3A_369 = arith.constant 2147483647 : i32
      %and3A_370 = vector.broadcast %and3A_369 : i32 to vector<16xi32>
      %and3A_371 = arith.andi %bitcast3A_362, %and3A_370 : vector<16xi32>
      %not3A_372 = arith.constant dense<-1> : vector<16xi32>
      %not3A_373 = arith.xori %bitcast3A_362, %not3A_372 : vector<16xi32>
      %select_n3A_374 = arith.select %eq3A_368, %and3A_371, %not3A_373 : vector<16xi1>, vector<16xi32>
      %bitcast3A_375 = vector.bitcast %select_n3A_374 : vector<16xi32> to vector<16xf32>
      %abs3A_376 = math.absf %bitcast3A_375 : vector<16xf32>
      %neg3A_377 = arith.constant 0.000000e+00 : f32
      %neg3A_378 = vector.broadcast %neg3A_377 : f32 to vector<16xf32>
      %neg3A_379 = arith.subf %neg3A_378, %abs3A_376 : vector<16xf32>
      %exp3A_380 = math.exp %neg3A_379 : vector<16xf32>
      %ge3A_381 = arith.constant 0.000000e+00 : f32
      %ge3A_382 = vector.broadcast %ge3A_381 : f32 to vector<16xf32>
      %ge3A_383 = arith.cmpf oge, %bitcast3A_375, %ge3A_382 : vector<16xf32>
      %add3A_384 = arith.constant 1.000000e+00 : f32
      %add3A_385 = vector.broadcast %add3A_384 : f32 to vector<16xf32>
      %add3A_386 = arith.addf %add3A_385, %exp3A_380 : vector<16xf32>
      %div3A_387 = arith.constant 1.000000e+00 : f32
      %div3A_388 = vector.broadcast %div3A_387 : f32 to vector<16xf32>
      %div3A_389 = arith.divf %div3A_388, %add3A_386 : vector<16xf32>
      %add3A_390 = arith.constant 1.000000e+00 : f32
      %add3A_391 = vector.broadcast %add3A_390 : f32 to vector<16xf32>
      %add3A_392 = arith.addf %add3A_391, %exp3A_380 : vector<16xf32>
      %div3A_393 = arith.divf %exp3A_380, %add3A_392 : vector<16xf32>
      %select_n3A_394 = arith.select %ge3A_383, %div3A_389, %div3A_393 : vector<16xi1>, vector<16xf32>
      %swap3A_395 = arith.constant 16 : index
      %swap3A_396 = tpu.vector_load %arg18[%swap3A_395] {strides = array<i32>} : memref<112xf32, #tpu.memory_space<vmem>>, vector<16xf32>,
      tpu.vector_store %arg18[%swap3A_395], %select_n3A_394 {strides = array<i32>} : memref<112xf32, #tpu.memory_space<vmem>>, vector<16xf32>,
      %get3A_397 = arith.constant 32 : index
      %get3A_398 = tpu.vector_load %arg17[%get3A_397] {strides = array<i32>} : memref<112xi32, #tpu.memory_space<vmem>>, vector<16xi32>,
      %bitcast3A_399 = vector.bitcast %get3A_398 : vector<16xi32> to vector<16xi32>
      %shift_right_logical3A_400 = arith.constant 31 : i32
      %shift_right_logical3A_401 = vector.broadcast %shift_right_logical3A_400 : i32 to vector<16xi32>
      %shift_right_logical3A_402 = arith.shrui %bitcast3A_399, %shift_right_logical3A_401 : vector<16xi32>
      %eq3A_403 = arith.constant 1 : i32
      %eq3A_404 = vector.broadcast %eq3A_403 : i32 to vector<16xi32>
      %eq3A_405 = arith.cmpi eq, %shift_right_logical3A_402, %eq3A_404 : vector<16xi32>
      %and3A_406 = arith.constant 2147483647 : i32
      %and3A_407 = vector.broadcast %and3A_406 : i32 to vector<16xi32>
      %and3A_408 = arith.andi %bitcast3A_399, %and3A_407 : vector<16xi32>
      %not3A_409 = arith.constant dense<-1> : vector<16xi32>
      %not3A_410 = arith.xori %bitcast3A_399, %not3A_409 : vector<16xi32>
      %select_n3A_411 = arith.select %eq3A_405, %and3A_408, %not3A_410 : vector<16xi1>, vector<16xi32>
      %bitcast3A_412 = vector.bitcast %select_n3A_411 : vector<16xi32> to vector<16xf32>
      %abs3A_413 = math.absf %bitcast3A_412 : vector<16xf32>
      %neg3A_414 = arith.constant 0.000000e+00 : f32
      %neg3A_415 = vector.broadcast %neg3A_414 : f32 to vector<16xf32>
      %neg3A_416 = arith.subf %neg3A_415, %abs3A_413 : vector<16xf32>
      %exp3A_417 = math.exp %neg3A_416 : vector<16xf32>
      %ge3A_418 = arith.constant 0.000000e+00 : f32
      %ge3A_419 = vector.broadcast %ge3A_418 : f32 to vector<16xf32>
      %ge3A_420 = arith.cmpf oge, %bitcast3A_412, %ge3A_419 : vector<16xf32>
      %add3A_421 = arith.constant 1.000000e+00 : f32
      %add3A_422 = vector.broadcast %add3A_421 : f32 to vector<16xf32>
      %add3A_423 = arith.addf %add3A_422, %exp3A_417 : vector<16xf32>
      %div3A_424 = arith.constant 1.000000e+00 : f32
      %div3A_425 = vector.broadcast %div3A_424 : f32 to vector<16xf32>
      %div3A_426 = arith.divf %div3A_425, %add3A_423 : vector<16xf32>
      %add3A_427 = arith.constant 1.000000e+00 : f32
      %add3A_428 = vector.broadcast %add3A_427 : f32 to vector<16xf32>
      %add3A_429 = arith.addf %add3A_428, %exp3A_417 : vector<16xf32>
      %div3A_430 = arith.divf %exp3A_417, %add3A_429 : vector<16xf32>
      %select_n3A_431 = arith.select %ge3A_420, %div3A_426, %div3A_430 : vector<16xi1>, vector<16xf32>
      %swap3A_432 = arith.constant 32 : index
      %swap3A_433 = tpu.vector_load %arg18[%swap3A_432] {strides = array<i32>} : memref<112xf32, #tpu.memory_space<vmem>>, vector<16xf32>,
      tpu.vector_store %arg18[%swap3A_432], %select_n3A_431 {strides = array<i32>} : memref<112xf32, #tpu.memory_space<vmem>>, vector<16xf32>,
      %get3A_434 = arith.constant 48 : index
      %get3A_435 = tpu.vector_load %arg17[%get3A_434] {strides = array<i32>} : memref<112xi32, #tpu.memory_space<vmem>>, vector<16xi32>,
      %bitcast3A_436 = vector.bitcast %get3A_435 : vector<16xi32> to vector<16xi32>
      %shift_right_logical3A_437 = arith.constant 31 : i32
      %shift_right_logical3A_438 = vector.broadcast %shift_right_logical3A_437 : i32 to vector<16xi32>
      %shift_right_logical3A_439 = arith.shrui %bitcast3A_436, %shift_right_logical3A_438 : vector<16xi32>
      %eq3A_440 = arith.constant 1 : i32
      %eq3A_441 = vector.broadcast %eq3A_440 : i32 to vector<16xi32>
      %eq3A_442 = arith.cmpi eq, %shift_right_logical3A_439, %eq3A_441 : vector<16xi32>
      %and3A_443 = arith.constant 2147483647 : i32
      %and3A_444 = vector.broadcast %and3A_443 : i32 to vector<16xi32>
      %and3A_445 = arith.andi %bitcast3A_436, %and3A_444 : vector<16xi32>
      %not3A_446 = arith.constant dense<-1> : vector<16xi32>
      %not3A_447 = arith.xori %bitcast3A_436, %not3A_446 : vector<16xi32>
      %select_n3A_448 = arith.select %eq3A_442, %and3A_445, %not3A_447 : vector<16xi1>, vector<16xi32>
      %bitcast3A_449 = vector.bitcast %select_n3A_448 : vector<16xi32> to vector<16xf32>
      %abs3A_450 = math.absf %bitcast3A_449 : vector<16xf32>
      %neg3A_451 = arith.constant 0.000000e+00 : f32
      %neg3A_452 = vector.broadcast %neg3A_451 : f32 to vector<16xf32>
      %neg3A_453 = arith.subf %neg3A_452, %abs3A_450 : vector<16xf32>
      %exp3A_454 = math.exp %neg3A_453 : vector<16xf32>
      %ge3A_455 = arith.constant 0.000000e+00 : f32
      %ge3A_456 = vector.broadcast %ge3A_455 : f32 to vector<16xf32>
      %ge3A_457 = arith.cmpf oge, %bitcast3A_449, %ge3A_456 : vector<16xf32>
      %add3A_458 = arith.constant 1.000000e+00 : f32
      %add3A_459 = vector.broadcast %add3A_458 : f32 to vector<16xf32>
      %add3A_460 = arith.addf %add3A_459, %exp3A_454 : vector<16xf32>
      %div3A_461 = arith.constant 1.000000e+00 : f32
      %div3A_462 = vector.broadcast %div3A_461 : f32 to vector<16xf32>
      %div3A_463 = arith.divf %div3A_462, %add3A_460 : vector<16xf32>
      %add3A_464 = arith.constant 1.000000e+00 : f32
      %add3A_465 = vector.broadcast %add3A_464 : f32 to vector<16xf32>
      %add3A_466 = arith.addf %add3A_465, %exp3A_454 : vector<16xf32>
      %div3A_467 = arith.divf %exp3A_454, %add3A_466 : vector<16xf32>
      %select_n3A_468 = arith.select %ge3A_457, %div3A_463, %div3A_467 : vector<16xi1>, vector<16xf32>
      %swap3A_469 = arith.constant 48 : index
      %swap3A_470 = tpu.vector_load %arg18[%swap3A_469] {strides = array<i32>} : memref<112xf32, #tpu.memory_space<vmem>>, vector<16xf32>,
      tpu.vector_store %arg18[%swap3A_469], %select_n3A_468 {strides = array<i32>} : memref<112xf32, #tpu.memory_space<vmem>>, vector<16xf32>,
      %get3A_471 = arith.constant 64 : index
      %get3A_472 = tpu.vector_load %arg17[%get3A_471] {strides = array<i32>} : memref<112xi32, #tpu.memory_space<vmem>>, vector<16xi32>,
      %bitcast3A_473 = vector.bitcast %get3A_472 : vector<16xi32> to vector<16xi32>
      %shift_right_logical3A_474 = arith.constant 31 : i32
      %shift_right_logical3A_475 = vector.broadcast %shift_right_logical3A_474 : i32 to vector<16xi32>
      %shift_right_logical3A_476 = arith.shrui %bitcast3A_473, %shift_right_logical3A_475 : vector<16xi32>
      %eq3A_477 = arith.constant 1 : i32
      %eq3A_478 = vector.broadcast %eq3A_477 : i32 to vector<16xi32>
      %eq3A_479 = arith.cmpi eq, %shift_right_logical3A_476, %eq3A_478 : vector<16xi32>
      %and3A_480 = arith.constant 2147483647 : i32
      %and3A_481 = vector.broadcast %and3A_480 : i32 to vector<16xi32>
      %and3A_482 = arith.andi %bitcast3A_473, %and3A_481 : vector<16xi32>
      %not3A_483 = arith.constant dense<-1> : vector<16xi32>
      %not3A_484 = arith.xori %bitcast3A_473, %not3A_483 : vector<16xi32>
      %select_n3A_485 = arith.select %eq3A_479, %and3A_482, %not3A_484 : vector<16xi1>, vector<16xi32>
      %bitcast3A_486 = vector.bitcast %select_n3A_485 : vector<16xi32> to vector<16xf32>
      %abs3A_487 = math.absf %bitcast3A_486 : vector<16xf32>
      %neg3A_488 = arith.constant 0.000000e+00 : f32
      %neg3A_489 = vector.broadcast %neg3A_488 : f32 to vector<16xf32>
      %neg3A_490 = arith.subf %neg3A_489, %abs3A_487 : vector<16xf32>
      %exp3A_491 = math.exp %neg3A_490 : vector<16xf32>
      %ge3A_492 = arith.constant 0.000000e+00 : f32
      %ge3A_493 = vector.broadcast %ge3A_492 : f32 to vector<16xf32>
      %ge3A_494 = arith.cmpf oge, %bitcast3A_486, %ge3A_493 : vector<16xf32>
      %add3A_495 = arith.constant 1.000000e+00 : f32
      %add3A_496 = vector.broadcast %add3A_495 : f32 to vector<16xf32>
      %add3A_497 = arith.addf %add3A_496, %exp3A_491 : vector<16xf32>
      %div3A_498 = arith.constant 1.000000e+00 : f32
      %div3A_499 = vector.broadcast %div3A_498 : f32 to vector<16xf32>
      %div3A_500 = arith.divf %div3A_499, %add3A_497 : vector<16xf32>
      %add3A_501 = arith.constant 1.000000e+00 : f32
      %add3A_502 = vector.broadcast %add3A_501 : f32 to vector<16xf32>
      %add3A_503 = arith.addf %add3A_502, %exp3A_491 : vector<16xf32>
      %div3A_504 = arith.divf %exp3A_491, %add3A_503 : vector<16xf32>
      %select_n3A_505 = arith.select %ge3A_494, %div3A_500, %div3A_504 : vector<16xi1>, vector<16xf32>
      %swap3A_506 = arith.constant 64 : index
      %swap3A_507 = tpu.vector_load %arg18[%swap3A_506] {strides = array<i32>} : memref<112xf32, #tpu.memory_space<vmem>>, vector<16xf32>,
      tpu.vector_store %arg18[%swap3A_506], %select_n3A_505 {strides = array<i32>} : memref<112xf32, #tpu.memory_space<vmem>>, vector<16xf32>,
      %get3A_508 = arith.constant 80 : index
      %get3A_509 = tpu.vector_load %arg17[%get3A_508] {strides = array<i32>} : memref<112xi32, #tpu.memory_space<vmem>>, vector<16xi32>,
      %bitcast3A_510 = vector.bitcast %get3A_509 : vector<16xi32> to vector<16xi32>
      %shift_right_logical3A_511 = arith.constant 31 : i32
      %shift_right_logical3A_512 = vector.broadcast %shift_right_logical3A_511 : i32 to vector<16xi32>
      %shift_right_logical3A_513 = arith.shrui %bitcast3A_510, %shift_right_logical3A_512 : vector<16xi32>
      %eq3A_514 = arith.constant 1 : i32
      %eq3A_515 = vector.broadcast %eq3A_514 : i32 to vector<16xi32>
      %eq3A_516 = arith.cmpi eq, %shift_right_logical3A_513, %eq3A_515 : vector<16xi32>
      %and3A_517 = arith.constant 2147483647 : i32
      %and3A_518 = vector.broadcast %and3A_517 : i32 to vector<16xi32>
      %and3A_519 = arith.andi %bitcast3A_510, %and3A_518 : vector<16xi32>
      %not3A_520 = arith.constant dense<-1> : vector<16xi32>
      %not3A_521 = arith.xori %bitcast3A_510, %not3A_520 : vector<16xi32>
      %select_n3A_522 = arith.select %eq3A_516, %and3A_519, %not3A_521 : vector<16xi1>, vector<16xi32>
      %bitcast3A_523 = vector.bitcast %select_n3A_522 : vector<16xi32> to vector<16xf32>
      %abs3A_524 = math.absf %bitcast3A_523 : vector<16xf32>
      %neg3A_525 = arith.constant 0.000000e+00 : f32
      %neg3A_526 = vector.broadcast %neg3A_525 : f32 to vector<16xf32>
      %neg3A_527 = arith.subf %neg3A_526, %abs3A_524 : vector<16xf32>
      %exp3A_528 = math.exp %neg3A_527 : vector<16xf32>
      %ge3A_529 = arith.constant 0.000000e+00 : f32
      %ge3A_530 = vector.broadcast %ge3A_529 : f32 to vector<16xf32>
      %ge3A_531 = arith.cmpf oge, %bitcast3A_523, %ge3A_530 : vector<16xf32>
      %add3A_532 = arith.constant 1.000000e+00 : f32
      %add3A_533 = vector.broadcast %add3A_532 : f32 to vector<16xf32>
      %add3A_534 = arith.addf %add3A_533, %exp3A_528 : vector<16xf32>
      %div3A_535 = arith.constant 1.000000e+00 : f32
      %div3A_536 = vector.broadcast %div3A_535 : f32 to vector<16xf32>
      %div3A_537 = arith.divf %div3A_536, %add3A_534 : vector<16xf32>
      %add3A_538 = arith.constant 1.000000e+00 : f32
      %add3A_539 = vector.broadcast %add3A_538 : f32 to vector<16xf32>
      %add3A_540 = arith.addf %add3A_539, %exp3A_528 : vector<16xf32>
      %div3A_541 = arith.divf %exp3A_528, %add3A_540 : vector<16xf32>
      %select_n3A_542 = arith.select %ge3A_531, %div3A_537, %div3A_541 : vector<16xi1>, vector<16xf32>
      %swap3A_543 = arith.constant 80 : index
      %swap3A_544 = tpu.vector_load %arg18[%swap3A_543] {strides = array<i32>} : memref<112xf32, #tpu.memory_space<vmem>>, vector<16xf32>,
      tpu.vector_store %arg18[%swap3A_543], %select_n3A_542 {strides = array<i32>} : memref<112xf32, #tpu.memory_space<vmem>>, vector<16xf32>,
      %get3A_545 = arith.constant 96 : index
      %get3A_546 = tpu.vector_load %arg17[%get3A_545] {strides = array<i32>} : memref<112xi32, #tpu.memory_space<vmem>>, vector<16xi32>,
      %bitcast3A_547 = vector.bitcast %get3A_546 : vector<16xi32> to vector<16xi32>
      %shift_right_logical3A_548 = arith.constant 31 : i32
      %shift_right_logical3A_549 = vector.broadcast %shift_right_logical3A_548 : i32 to vector<16xi32>
      %shift_right_logical3A_550 = arith.shrui %bitcast3A_547, %shift_right_logical3A_549 : vector<16xi32>
      %eq3A_551 = arith.constant 1 : i32
      %eq3A_552 = vector.broadcast %eq3A_551 : i32 to vector<16xi32>
      %eq3A_553 = arith.cmpi eq, %shift_right_logical3A_550, %eq3A_552 : vector<16xi32>
      %and3A_554 = arith.constant 2147483647 : i32
      %and3A_555 = vector.broadcast %and3A_554 : i32 to vector<16xi32>
      %and3A_556 = arith.andi %bitcast3A_547, %and3A_555 : vector<16xi32>
      %not3A_557 = arith.constant dense<-1> : vector<16xi32>
      %not3A_558 = arith.xori %bitcast3A_547, %not3A_557 : vector<16xi32>
      %select_n3A_559 = arith.select %eq3A_553, %and3A_556, %not3A_558 : vector<16xi1>, vector<16xi32>
      %bitcast3A_560 = vector.bitcast %select_n3A_559 : vector<16xi32> to vector<16xf32>
      %abs3A_561 = math.absf %bitcast3A_560 : vector<16xf32>
      %neg3A_562 = arith.constant 0.000000e+00 : f32
      %neg3A_563 = vector.broadcast %neg3A_562 : f32 to vector<16xf32>
      %neg3A_564 = arith.subf %neg3A_563, %abs3A_561 : vector<16xf32>
      %exp3A_565 = math.exp %neg3A_564 : vector<16xf32>
      %ge3A_566 = arith.constant 0.000000e+00 : f32
      %ge3A_567 = vector.broadcast %ge3A_566 : f32 to vector<16xf32>
      %ge3A_568 = arith.cmpf oge, %bitcast3A_560, %ge3A_567 : vector<16xf32>
      %add3A_569 = arith.constant 1.000000e+00 : f32
      %add3A_570 = vector.broadcast %add3A_569 : f32 to vector<16xf32>
      %add3A_571 = arith.addf %add3A_570, %exp3A_565 : vector<16xf32>
      %div3A_572 = arith.constant 1.000000e+00 : f32
      %div3A_573 = vector.broadcast %div3A_572 : f32 to vector<16xf32>
      %div3A_574 = arith.divf %div3A_573, %add3A_571 : vector<16xf32>
      %add3A_575 = arith.constant 1.000000e+00 : f32
      %add3A_576 = vector.broadcast %add3A_575 : f32 to vector<16xf32>
      %add3A_577 = arith.addf %add3A_576, %exp3A_565 : vector<16xf32>
      %div3A_578 = arith.divf %exp3A_565, %add3A_577 : vector<16xf32>
      %select_n3A_579 = arith.select %ge3A_568, %div3A_574, %div3A_578 : vector<16xi1>, vector<16xf32>
      %swap3A_580 = arith.constant 96 : index
      %swap3A_581 = tpu.vector_load %arg18[%swap3A_580] {strides = array<i32>} : memref<112xf32, #tpu.memory_space<vmem>>, vector<16xf32>,
      tpu.vector_store %arg18[%swap3A_580], %select_n3A_579 {strides = array<i32>} : memref<112xf32, #tpu.memory_space<vmem>>, vector<16xf32>,
      %get3A_582 = arith.constant 0 : index
      %get3A_583 = tpu.vector_load %arg22[%get3A_582] {strides = array<i32>} : memref<16xf32, #tpu.memory_space<vmem>>, vector<16xf32>,
      %get3A_584 = arith.constant 0 : index
      %get3A_585 = tpu.vector_load %arg23[%get3A_584] {strides = array<i32>} : memref<16xf32, #tpu.memory_space<vmem>>, vector<16xf32>,
      %get3A_586 = arith.constant 0 : index
      %get3A_587 = tpu.vector_load %arg20[%get3A_586] {strides = array<i32>} : memref<112xi32, #tpu.memory_space<vmem>>, vector<16xi32>,
      %mul3A_588 = arith.constant 4 : i32
      %mul3A_589 = vector.broadcast %mul3A_588 : i32 to vector<16xi32>
      %mul3A_590 = arith.muli %get3A_587, %mul3A_589 : vector<16xi32>
      %gather3A = tpu.vector_load_idx %arg21[%mul3A_590] : memref<3600xf32, #tpu.memory_space<vmem>>[vector<16xi32>], vector<16xf32>,
      %add3A_591 = arith.constant 1 : i32
      %add3A_592 = vector.broadcast %add3A_591 : i32 to vector<16xi32>
      %add3A_593 = arith.addi %mul3A_590, %add3A_592 : vector<16xi32>
      %gather3A_594 = tpu.vector_load_idx %arg21[%add3A_593] : memref<3600xf32, #tpu.memory_space<vmem>>[vector<16xi32>], vector<16xf32>,
      %add3A_595 = arith.constant 2 : i32
      %add3A_596 = vector.broadcast %add3A_595 : i32 to vector<16xi32>
      %add3A_597 = arith.addi %mul3A_590, %add3A_596 : vector<16xi32>
      %gather3A_598 = tpu.vector_load_idx %arg21[%add3A_597] : memref<3600xf32, #tpu.memory_space<vmem>>[vector<16xi32>], vector<16xf32>,
      %add3A_599 = arith.constant 3 : i32
      %add3A_600 = vector.broadcast %add3A_599 : i32 to vector<16xi32>
      %add3A_601 = arith.addi %mul3A_590, %add3A_600 : vector<16xi32>
      %gather3A_602 = tpu.vector_load_idx %arg21[%add3A_601] : memref<3600xf32, #tpu.memory_space<vmem>>[vector<16xi32>], vector<16xf32>,
      %add3A_603 = arith.constant 0 : i32
      %add3A_604 = vector.broadcast %add3A_603 : i32 to vector<16xi32>
      %add3A_605 = arith.addi %add3A_604, %iota3A : vector<16xi32>
      %mul3A_606 = arith.constant 4 : i32
      %mul3A_607 = vector.broadcast %mul3A_606 : i32 to vector<16xi32>
      %mul3A_608 = arith.muli %add3A_605, %mul3A_607 : vector<16xi32>
      %mul3A_609 = arith.constant 5.000000e-01 : f32
      %mul3A_610 = vector.broadcast %mul3A_609 : f32 to vector<16xf32>
      %mul3A_611 = arith.mulf %mul3A_610, %gather3A_598 : vector<16xf32>
      %sub3A_612 = arith.subf %gather3A, %mul3A_611 : vector<16xf32>
      %mul3A_613 = arith.mulf %sub3A_612, %get3A_583 : vector<16xf32>
      tpu.vector_store_idx %arg24[%mul3A_608], %mul3A_613 : memref<448xf32, #tpu.memory_space<vmem>>[vector<16xi32>], vector<16xf32>,
      %add3A_614 = arith.constant 1 : i32
      %add3A_615 = vector.broadcast %add3A_614 : i32 to vector<16xi32>
      %add3A_616 = arith.addi %mul3A_608, %add3A_615 : vector<16xi32>
      %mul3A_617 = arith.constant 5.000000e-01 : f32
      %mul3A_618 = vector.broadcast %mul3A_617 : f32 to vector<16xf32>
      %mul3A_619 = arith.mulf %mul3A_618, %gather3A_602 : vector<16xf32>
      %sub3A_620 = arith.subf %gather3A_594, %mul3A_619 : vector<16xf32>
      %mul3A_621 = arith.mulf %sub3A_620, %get3A_585 : vector<16xf32>
      tpu.vector_store_idx %arg24[%add3A_616], %mul3A_621 : memref<448xf32, #tpu.memory_space<vmem>>[vector<16xi32>], vector<16xf32>,
      %add3A_622 = arith.constant 2 : i32
      %add3A_623 = vector.broadcast %add3A_622 : i32 to vector<16xi32>
      %add3A_624 = arith.addi %mul3A_608, %add3A_623 : vector<16xi32>
      %mul3A_625 = arith.constant 5.000000e-01 : f32
      %mul3A_626 = vector.broadcast %mul3A_625 : f32 to vector<16xf32>
      %mul3A_627 = arith.mulf %mul3A_626, %gather3A_598 : vector<16xf32>
      %add3A_628 = arith.addf %gather3A, %mul3A_627 : vector<16xf32>
      %mul3A_629 = arith.mulf %add3A_628, %get3A_583 : vector<16xf32>
      tpu.vector_store_idx %arg24[%add3A_624], %mul3A_629 : memref<448xf32, #tpu.memory_space<vmem>>[vector<16xi32>], vector<16xf32>,
      %add3A_630 = arith.constant 3 : i32
      %add3A_631 = vector.broadcast %add3A_630 : i32 to vector<16xi32>
      %add3A_632 = arith.addi %mul3A_608, %add3A_631 : vector<16xi32>
      %mul3A_633 = arith.constant 5.000000e-01 : f32
      %mul3A_634 = vector.broadcast %mul3A_633 : f32 to vector<16xf32>
      %mul3A_635 = arith.mulf %mul3A_634, %gather3A_602 : vector<16xf32>
      %add3A_636 = arith.addf %gather3A_594, %mul3A_635 : vector<16xf32>
      %mul3A_637 = arith.mulf %add3A_636, %get3A_585 : vector<16xf32>
      tpu.vector_store_idx %arg24[%add3A_632], %mul3A_637 : memref<448xf32, #tpu.memory_space<vmem>>[vector<16xi32>], vector<16xf32>,
      %get3A_638 = arith.constant 16 : index
      %get3A_639 = tpu.vector_load %arg20[%get3A_638] {strides = array<i32>} : memref<112xi32, #tpu.memory_space<vmem>>, vector<16xi32>,
      %mul3A_640 = arith.constant 4 : i32
      %mul3A_641 = vector.broadcast %mul3A_640 : i32 to vector<16xi32>
      %mul3A_642 = arith.muli %get3A_639, %mul3A_641 : vector<16xi32>
      %gather3A_643 = tpu.vector_load_idx %arg21[%mul3A_642] : memref<3600xf32, #tpu.memory_space<vmem>>[vector<16xi32>], vector<16xf32>,
      %add3A_644 = arith.constant 1 : i32
      %add3A_645 = vector.broadcast %add3A_644 : i32 to vector<16xi32>
      %add3A_646 = arith.addi %mul3A_642, %add3A_645 : vector<16xi32>
      %gather3A_647 = tpu.vector_load_idx %arg21[%add3A_646] : memref<3600xf32, #tpu.memory_space<vmem>>[vector<16xi32>], vector<16xf32>,
      %add3A_648 = arith.constant 2 : i32
      %add3A_649 = vector.broadcast %add3A_648 : i32 to vector<16xi32>
      %add3A_650 = arith.addi %mul3A_642, %add3A_649 : vector<16xi32>
      %gather3A_651 = tpu.vector_load_idx %arg21[%add3A_650] : memref<3600xf32, #tpu.memory_space<vmem>>[vector<16xi32>], vector<16xf32>,
      %add3A_652 = arith.constant 3 : i32
      %add3A_653 = vector.broadcast %add3A_652 : i32 to vector<16xi32>
      %add3A_654 = arith.addi %mul3A_642, %add3A_653 : vector<16xi32>
      %gather3A_655 = tpu.vector_load_idx %arg21[%add3A_654] : memref<3600xf32, #tpu.memory_space<vmem>>[vector<16xi32>], vector<16xf32>,
      %add3A_656 = arith.constant 16 : i32
      %add3A_657 = vector.broadcast %add3A_656 : i32 to vector<16xi32>
      %add3A_658 = arith.addi %add3A_657, %iota3A : vector<16xi32>
      %mul3A_659 = arith.constant 4 : i32
      %mul3A_660 = vector.broadcast %mul3A_659 : i32 to vector<16xi32>
      %mul3A_661 = arith.muli %add3A_658, %mul3A_660 : vector<16xi32>
      %mul3A_662 = arith.constant 5.000000e-01 : f32
      %mul3A_663 = vector.broadcast %mul3A_662 : f32 to vector<16xf32>
      %mul3A_664 = arith.mulf %mul3A_663, %gather3A_651 : vector<16xf32>
      %sub3A_665 = arith.subf %gather3A_643, %mul3A_664 : vector<16xf32>
      %mul3A_666 = arith.mulf %sub3A_665, %get3A_583 : vector<16xf32>
      tpu.vector_store_idx %arg24[%mul3A_661], %mul3A_666 : memref<448xf32, #tpu.memory_space<vmem>>[vector<16xi32>], vector<16xf32>,
      %add3A_667 = arith.constant 1 : i32
      %add3A_668 = vector.broadcast %add3A_667 : i32 to vector<16xi32>
      %add3A_669 = arith.addi %mul3A_661, %add3A_668 : vector<16xi32>
      %mul3A_670 = arith.constant 5.000000e-01 : f32
      %mul3A_671 = vector.broadcast %mul3A_670 : f32 to vector<16xf32>
      %mul3A_672 = arith.mulf %mul3A_671, %gather3A_655 : vector<16xf32>
      %sub3A_673 = arith.subf %gather3A_647, %mul3A_672 : vector<16xf32>
      %mul3A_674 = arith.mulf %sub3A_673, %get3A_585 : vector<16xf32>
      tpu.vector_store_idx %arg24[%add3A_669], %mul3A_674 : memref<448xf32, #tpu.memory_space<vmem>>[vector<16xi32>], vector<16xf32>,
      %add3A_675 = arith.constant 2 : i32
      %add3A_676 = vector.broadcast %add3A_675 : i32 to vector<16xi32>
      %add3A_677 = arith.addi %mul3A_661, %add3A_676 : vector<16xi32>
      %mul3A_678 = arith.constant 5.000000e-01 : f32
      %mul3A_679 = vector.broadcast %mul3A_678 : f32 to vector<16xf32>
      %mul3A_680 = arith.mulf %mul3A_679, %gather3A_651 : vector<16xf32>
      %add3A_681 = arith.addf %gather3A_643, %mul3A_680 : vector<16xf32>
      %mul3A_682 = arith.mulf %add3A_681, %get3A_583 : vector<16xf32>
      tpu.vector_store_idx %arg24[%add3A_677], %mul3A_682 : memref<448xf32, #tpu.memory_space<vmem>>[vector<16xi32>], vector<16xf32>,
      %add3A_683 = arith.constant 3 : i32
      %add3A_684 = vector.broadcast %add3A_683 : i32 to vector<16xi32>
      %add3A_685 = arith.addi %mul3A_661, %add3A_684 : vector<16xi32>
      %mul3A_686 = arith.constant 5.000000e-01 : f32
      %mul3A_687 = vector.broadcast %mul3A_686 : f32 to vector<16xf32>
      %mul3A_688 = arith.mulf %mul3A_687, %gather3A_655 : vector<16xf32>
      %add3A_689 = arith.addf %gather3A_647, %mul3A_688 : vector<16xf32>
      %mul3A_690 = arith.mulf %add3A_689, %get3A_585 : vector<16xf32>
      tpu.vector_store_idx %arg24[%add3A_685], %mul3A_690 : memref<448xf32, #tpu.memory_space<vmem>>[vector<16xi32>], vector<16xf32>,
      %get3A_691 = arith.constant 32 : index
      %get3A_692 = tpu.vector_load %arg20[%get3A_691] {strides = array<i32>} : memref<112xi32, #tpu.memory_space<vmem>>, vector<16xi32>,
      %mul3A_693 = arith.constant 4 : i32
      %mul3A_694 = vector.broadcast %mul3A_693 : i32 to vector<16xi32>
      %mul3A_695 = arith.muli %get3A_692, %mul3A_694 : vector<16xi32>
      %gather3A_696 = tpu.vector_load_idx %arg21[%mul3A_695] : memref<3600xf32, #tpu.memory_space<vmem>>[vector<16xi32>], vector<16xf32>,
      %add3A_697 = arith.constant 1 : i32
      %add3A_698 = vector.broadcast %add3A_697 : i32 to vector<16xi32>
      %add3A_699 = arith.addi %mul3A_695, %add3A_698 : vector<16xi32>
      %gather3A_700 = tpu.vector_load_idx %arg21[%add3A_699] : memref<3600xf32, #tpu.memory_space<vmem>>[vector<16xi32>], vector<16xf32>,
      %add3A_701 = arith.constant 2 : i32
      %add3A_702 = vector.broadcast %add3A_701 : i32 to vector<16xi32>
      %add3A_703 = arith.addi %mul3A_695, %add3A_702 : vector<16xi32>
      %gather3A_704 = tpu.vector_load_idx %arg21[%add3A_703] : memref<3600xf32, #tpu.memory_space<vmem>>[vector<16xi32>], vector<16xf32>,
      %add3A_705 = arith.constant 3 : i32
      %add3A_706 = vector.broadcast %add3A_705 : i32 to vector<16xi32>
      %add3A_707 = arith.addi %mul3A_695, %add3A_706 : vector<16xi32>
      %gather3A_708 = tpu.vector_load_idx %arg21[%add3A_707] : memref<3600xf32, #tpu.memory_space<vmem>>[vector<16xi32>], vector<16xf32>,
      %add3A_709 = arith.constant 32 : i32
      %add3A_710 = vector.broadcast %add3A_709 : i32 to vector<16xi32>
      %add3A_711 = arith.addi %add3A_710, %iota3A : vector<16xi32>
      %mul3A_712 = arith.constant 4 : i32
      %mul3A_713 = vector.broadcast %mul3A_712 : i32 to vector<16xi32>
      %mul3A_714 = arith.muli %add3A_711, %mul3A_713 : vector<16xi32>
      %mul3A_715 = arith.constant 5.000000e-01 : f32
      %mul3A_716 = vector.broadcast %mul3A_715 : f32 to vector<16xf32>
      %mul3A_717 = arith.mulf %mul3A_716, %gather3A_704 : vector<16xf32>
      %sub3A_718 = arith.subf %gather3A_696, %mul3A_717 : vector<16xf32>
      %mul3A_719 = arith.mulf %sub3A_718, %get3A_583 : vector<16xf32>
      tpu.vector_store_idx %arg24[%mul3A_714], %mul3A_719 : memref<448xf32, #tpu.memory_space<vmem>>[vector<16xi32>], vector<16xf32>,
      %add3A_720 = arith.constant 1 : i32
      %add3A_721 = vector.broadcast %add3A_720 : i32 to vector<16xi32>
      %add3A_722 = arith.addi %mul3A_714, %add3A_721 : vector<16xi32>
      %mul3A_723 = arith.constant 5.000000e-01 : f32
      %mul3A_724 = vector.broadcast %mul3A_723 : f32 to vector<16xf32>
      %mul3A_725 = arith.mulf %mul3A_724, %gather3A_708 : vector<16xf32>
      %sub3A_726 = arith.subf %gather3A_700, %mul3A_725 : vector<16xf32>
      %mul3A_727 = arith.mulf %sub3A_726, %get3A_585 : vector<16xf32>
      tpu.vector_store_idx %arg24[%add3A_722], %mul3A_727 : memref<448xf32, #tpu.memory_space<vmem>>[vector<16xi32>], vector<16xf32>,
      %add3A_728 = arith.constant 2 : i32
      %add3A_729 = vector.broadcast %add3A_728 : i32 to vector<16xi32>
      %add3A_730 = arith.addi %mul3A_714, %add3A_729 : vector<16xi32>
      %mul3A_731 = arith.constant 5.000000e-01 : f32
      %mul3A_732 = vector.broadcast %mul3A_731 : f32 to vector<16xf32>
      %mul3A_733 = arith.mulf %mul3A_732, %gather3A_704 : vector<16xf32>
      %add3A_734 = arith.addf %gather3A_696, %mul3A_733 : vector<16xf32>
      %mul3A_735 = arith.mulf %add3A_734, %get3A_583 : vector<16xf32>
      tpu.vector_store_idx %arg24[%add3A_730], %mul3A_735 : memref<448xf32, #tpu.memory_space<vmem>>[vector<16xi32>], vector<16xf32>,
      %add3A_736 = arith.constant 3 : i32
      %add3A_737 = vector.broadcast %add3A_736 : i32 to vector<16xi32>
      %add3A_738 = arith.addi %mul3A_714, %add3A_737 : vector<16xi32>
      %mul3A_739 = arith.constant 5.000000e-01 : f32
      %mul3A_740 = vector.broadcast %mul3A_739 : f32 to vector<16xf32>
      %mul3A_741 = arith.mulf %mul3A_740, %gather3A_708 : vector<16xf32>
      %add3A_742 = arith.addf %gather3A_700, %mul3A_741 : vector<16xf32>
      %mul3A_743 = arith.mulf %add3A_742, %get3A_585 : vector<16xf32>
      tpu.vector_store_idx %arg24[%add3A_738], %mul3A_743 : memref<448xf32, #tpu.memory_space<vmem>>[vector<16xi32>], vector<16xf32>,
      %get3A_744 = arith.constant 48 : index
      %get3A_745 = tpu.vector_load %arg20[%get3A_744] {strides = array<i32>} : memref<112xi32, #tpu.memory_space<vmem>>, vector<16xi32>,
      %mul3A_746 = arith.constant 4 : i32
      %mul3A_747 = vector.broadcast %mul3A_746 : i32 to vector<16xi32>
      %mul3A_748 = arith.muli %get3A_745, %mul3A_747 : vector<16xi32>
      %gather3A_749 = tpu.vector_load_idx %arg21[%mul3A_748] : memref<3600xf32, #tpu.memory_space<vmem>>[vector<16xi32>], vector<16xf32>,
      %add3A_750 = arith.constant 1 : i32
      %add3A_751 = vector.broadcast %add3A_750 : i32 to vector<16xi32>
      %add3A_752 = arith.addi %mul3A_748, %add3A_751 : vector<16xi32>
      %gather3A_753 = tpu.vector_load_idx %arg21[%add3A_752] : memref<3600xf32, #tpu.memory_space<vmem>>[vector<16xi32>], vector<16xf32>,
      %add3A_754 = arith.constant 2 : i32
      %add3A_755 = vector.broadcast %add3A_754 : i32 to vector<16xi32>
      %add3A_756 = arith.addi %mul3A_748, %add3A_755 : vector<16xi32>
      %gather3A_757 = tpu.vector_load_idx %arg21[%add3A_756] : memref<3600xf32, #tpu.memory_space<vmem>>[vector<16xi32>], vector<16xf32>,
      %add3A_758 = arith.constant 3 : i32
      %add3A_759 = vector.broadcast %add3A_758 : i32 to vector<16xi32>
      %add3A_760 = arith.addi %mul3A_748, %add3A_759 : vector<16xi32>
      %gather3A_761 = tpu.vector_load_idx %arg21[%add3A_760] : memref<3600xf32, #tpu.memory_space<vmem>>[vector<16xi32>], vector<16xf32>,
      %add3A_762 = arith.constant 48 : i32
      %add3A_763 = vector.broadcast %add3A_762 : i32 to vector<16xi32>
      %add3A_764 = arith.addi %add3A_763, %iota3A : vector<16xi32>
      %mul3A_765 = arith.constant 4 : i32
      %mul3A_766 = vector.broadcast %mul3A_765 : i32 to vector<16xi32>
      %mul3A_767 = arith.muli %add3A_764, %mul3A_766 : vector<16xi32>
      %mul3A_768 = arith.constant 5.000000e-01 : f32
      %mul3A_769 = vector.broadcast %mul3A_768 : f32 to vector<16xf32>
      %mul3A_770 = arith.mulf %mul3A_769, %gather3A_757 : vector<16xf32>
      %sub3A_771 = arith.subf %gather3A_749, %mul3A_770 : vector<16xf32>
      %mul3A_772 = arith.mulf %sub3A_771, %get3A_583 : vector<16xf32>
      tpu.vector_store_idx %arg24[%mul3A_767], %mul3A_772 : memref<448xf32, #tpu.memory_space<vmem>>[vector<16xi32>], vector<16xf32>,
      %add3A_773 = arith.constant 1 : i32
      %add3A_774 = vector.broadcast %add3A_773 : i32 to vector<16xi32>
      %add3A_775 = arith.addi %mul3A_767, %add3A_774 : vector<16xi32>
      %mul3A_776 = arith.constant 5.000000e-01 : f32
      %mul3A_777 = vector.broadcast %mul3A_776 : f32 to vector<16xf32>
      %mul3A_778 = arith.mulf %mul3A_777, %gather3A_761 : vector<16xf32>
      %sub3A_779 = arith.subf %gather3A_753, %mul3A_778 : vector<16xf32>
      %mul3A_780 = arith.mulf %sub3A_779, %get3A_585 : vector<16xf32>
      tpu.vector_store_idx %arg24[%add3A_775], %mul3A_780 : memref<448xf32, #tpu.memory_space<vmem>>[vector<16xi32>], vector<16xf32>,
      %add3A_781 = arith.constant 2 : i32
      %add3A_782 = vector.broadcast %add3A_781 : i32 to vector<16xi32>
      %add3A_783 = arith.addi %mul3A_767, %add3A_782 : vector<16xi32>
      %mul3A_784 = arith.constant 5.000000e-01 : f32
      %mul3A_785 = vector.broadcast %mul3A_784 : f32 to vector<16xf32>
      %mul3A_786 = arith.mulf %mul3A_785, %gather3A_757 : vector<16xf32>
      %add3A_787 = arith.addf %gather3A_749, %mul3A_786 : vector<16xf32>
      %mul3A_788 = arith.mulf %add3A_787, %get3A_583 : vector<16xf32>
      tpu.vector_store_idx %arg24[%add3A_783], %mul3A_788 : memref<448xf32, #tpu.memory_space<vmem>>[vector<16xi32>], vector<16xf32>,
      %add3A_789 = arith.constant 3 : i32
      %add3A_790 = vector.broadcast %add3A_789 : i32 to vector<16xi32>
      %add3A_791 = arith.addi %mul3A_767, %add3A_790 : vector<16xi32>
      %mul3A_792 = arith.constant 5.000000e-01 : f32
      %mul3A_793 = vector.broadcast %mul3A_792 : f32 to vector<16xf32>
      %mul3A_794 = arith.mulf %mul3A_793, %gather3A_761 : vector<16xf32>
      %add3A_795 = arith.addf %gather3A_753, %mul3A_794 : vector<16xf32>
      %mul3A_796 = arith.mulf %add3A_795, %get3A_585 : vector<16xf32>
      tpu.vector_store_idx %arg24[%add3A_791], %mul3A_796 : memref<448xf32, #tpu.memory_space<vmem>>[vector<16xi32>], vector<16xf32>,
      %get3A_797 = arith.constant 64 : index
      %get3A_798 = tpu.vector_load %arg20[%get3A_797] {strides = array<i32>} : memref<112xi32, #tpu.memory_space<vmem>>, vector<16xi32>,
      %mul3A_799 = arith.constant 4 : i32
      %mul3A_800 = vector.broadcast %mul3A_799 : i32 to vector<16xi32>
      %mul3A_801 = arith.muli %get3A_798, %mul3A_800 : vector<16xi32>
      %gather3A_802 = tpu.vector_load_idx %arg21[%mul3A_801] : memref<3600xf32, #tpu.memory_space<vmem>>[vector<16xi32>], vector<16xf32>,
      %add3A_803 = arith.constant 1 : i32
      %add3A_804 = vector.broadcast %add3A_803 : i32 to vector<16xi32>
      %add3A_805 = arith.addi %mul3A_801, %add3A_804 : vector<16xi32>
      %gather3A_806 = tpu.vector_load_idx %arg21[%add3A_805] : memref<3600xf32, #tpu.memory_space<vmem>>[vector<16xi32>], vector<16xf32>,
      %add3A_807 = arith.constant 2 : i32
      %add3A_808 = vector.broadcast %add3A_807 : i32 to vector<16xi32>
      %add3A_809 = arith.addi %mul3A_801, %add3A_808 : vector<16xi32>
      %gather3A_810 = tpu.vector_load_idx %arg21[%add3A_809] : memref<3600xf32, #tpu.memory_space<vmem>>[vector<16xi32>], vector<16xf32>,
      %add3A_811 = arith.constant 3 : i32
      %add3A_812 = vector.broadcast %add3A_811 : i32 to vector<16xi32>
      %add3A_813 = arith.addi %mul3A_801, %add3A_812 : vector<16xi32>
      %gather3A_814 = tpu.vector_load_idx %arg21[%add3A_813] : memref<3600xf32, #tpu.memory_space<vmem>>[vector<16xi32>], vector<16xf32>,
      %add3A_815 = arith.constant 64 : i32
      %add3A_816 = vector.broadcast %add3A_815 : i32 to vector<16xi32>
      %add3A_817 = arith.addi %add3A_816, %iota3A : vector<16xi32>
      %mul3A_818 = arith.constant 4 : i32
      %mul3A_819 = vector.broadcast %mul3A_818 : i32 to vector<16xi32>
      %mul3A_820 = arith.muli %add3A_817, %mul3A_819 : vector<16xi32>
      %mul3A_821 = arith.constant 5.000000e-01 : f32
      %mul3A_822 = vector.broadcast %mul3A_821 : f32 to vector<16xf32>
      %mul3A_823 = arith.mulf %mul3A_822, %gather3A_810 : vector<16xf32>
      %sub3A_824 = arith.subf %gather3A_802, %mul3A_823 : vector<16xf32>
      %mul3A_825 = arith.mulf %sub3A_824, %get3A_583 : vector<16xf32>
      tpu.vector_store_idx %arg24[%mul3A_820], %mul3A_825 : memref<448xf32, #tpu.memory_space<vmem>>[vector<16xi32>], vector<16xf32>,
      %add3A_826 = arith.constant 1 : i32
      %add3A_827 = vector.broadcast %add3A_826 : i32 to vector<16xi32>
      %add3A_828 = arith.addi %mul3A_820, %add3A_827 : vector<16xi32>
      %mul3A_829 = arith.constant 5.000000e-01 : f32
      %mul3A_830 = vector.broadcast %mul3A_829 : f32 to vector<16xf32>
      %mul3A_831 = arith.mulf %mul3A_830, %gather3A_814 : vector<16xf32>
      %sub3A_832 = arith.subf %gather3A_806, %mul3A_831 : vector<16xf32>
      %mul3A_833 = arith.mulf %sub3A_832, %get3A_585 : vector<16xf32>
      tpu.vector_store_idx %arg24[%add3A_828], %mul3A_833 : memref<448xf32, #tpu.memory_space<vmem>>[vector<16xi32>], vector<16xf32>,
      %add3A_834 = arith.constant 2 : i32
      %add3A_835 = vector.broadcast %add3A_834 : i32 to vector<16xi32>
      %add3A_836 = arith.addi %mul3A_820, %add3A_835 : vector<16xi32>
      %mul3A_837 = arith.constant 5.000000e-01 : f32
      %mul3A_838 = vector.broadcast %mul3A_837 : f32 to vector<16xf32>
      %mul3A_839 = arith.mulf %mul3A_838, %gather3A_810 : vector<16xf32>
      %add3A_840 = arith.addf %gather3A_802, %mul3A_839 : vector<16xf32>
      %mul3A_841 = arith.mulf %add3A_840, %get3A_583 : vector<16xf32>
      tpu.vector_store_idx %arg24[%add3A_836], %mul3A_841 : memref<448xf32, #tpu.memory_space<vmem>>[vector<16xi32>], vector<16xf32>,
      %add3A_842 = arith.constant 3 : i32
      %add3A_843 = vector.broadcast %add3A_842 : i32 to vector<16xi32>
      %add3A_844 = arith.addi %mul3A_820, %add3A_843 : vector<16xi32>
      %mul3A_845 = arith.constant 5.000000e-01 : f32
      %mul3A_846 = vector.broadcast %mul3A_845 : f32 to vector<16xf32>
      %mul3A_847 = arith.mulf %mul3A_846, %gather3A_814 : vector<16xf32>
      %add3A_848 = arith.addf %gather3A_806, %mul3A_847 : vector<16xf32>
      %mul3A_849 = arith.mulf %add3A_848, %get3A_585 : vector<16xf32>
      tpu.vector_store_idx %arg24[%add3A_844], %mul3A_849 : memref<448xf32, #tpu.memory_space<vmem>>[vector<16xi32>], vector<16xf32>,
      %get3A_850 = arith.constant 80 : index
      %get3A_851 = tpu.vector_load %arg20[%get3A_850] {strides = array<i32>} : memref<112xi32, #tpu.memory_space<vmem>>, vector<16xi32>,
      %mul3A_852 = arith.constant 4 : i32
      %mul3A_853 = vector.broadcast %mul3A_852 : i32 to vector<16xi32>
      %mul3A_854 = arith.muli %get3A_851, %mul3A_853 : vector<16xi32>
      %gather3A_855 = tpu.vector_load_idx %arg21[%mul3A_854] : memref<3600xf32, #tpu.memory_space<vmem>>[vector<16xi32>], vector<16xf32>,
      %add3A_856 = arith.constant 1 : i32
      %add3A_857 = vector.broadcast %add3A_856 : i32 to vector<16xi32>
      %add3A_858 = arith.addi %mul3A_854, %add3A_857 : vector<16xi32>
      %gather3A_859 = tpu.vector_load_idx %arg21[%add3A_858] : memref<3600xf32, #tpu.memory_space<vmem>>[vector<16xi32>], vector<16xf32>,
      %add3A_860 = arith.constant 2 : i32
      %add3A_861 = vector.broadcast %add3A_860 : i32 to vector<16xi32>
      %add3A_862 = arith.addi %mul3A_854, %add3A_861 : vector<16xi32>
      %gather3A_863 = tpu.vector_load_idx %arg21[%add3A_862] : memref<3600xf32, #tpu.memory_space<vmem>>[vector<16xi32>], vector<16xf32>,
      %add3A_864 = arith.constant 3 : i32
      %add3A_865 = vector.broadcast %add3A_864 : i32 to vector<16xi32>
      %add3A_866 = arith.addi %mul3A_854, %add3A_865 : vector<16xi32>
      %gather3A_867 = tpu.vector_load_idx %arg21[%add3A_866] : memref<3600xf32, #tpu.memory_space<vmem>>[vector<16xi32>], vector<16xf32>,
      %add3A_868 = arith.constant 80 : i32
      %add3A_869 = vector.broadcast %add3A_868 : i32 to vector<16xi32>
      %add3A_870 = arith.addi %add3A_869, %iota3A : vector<16xi32>
      %mul3A_871 = arith.constant 4 : i32
      %mul3A_872 = vector.broadcast %mul3A_871 : i32 to vector<16xi32>
      %mul3A_873 = arith.muli %add3A_870, %mul3A_872 : vector<16xi32>
      %mul3A_874 = arith.constant 5.000000e-01 : f32
      %mul3A_875 = vector.broadcast %mul3A_874 : f32 to vector<16xf32>
      %mul3A_876 = arith.mulf %mul3A_875, %gather3A_863 : vector<16xf32>
      %sub3A_877 = arith.subf %gather3A_855, %mul3A_876 : vector<16xf32>
      %mul3A_878 = arith.mulf %sub3A_877, %get3A_583 : vector<16xf32>
      tpu.vector_store_idx %arg24[%mul3A_873], %mul3A_878 : memref<448xf32, #tpu.memory_space<vmem>>[vector<16xi32>], vector<16xf32>,
      %add3A_879 = arith.constant 1 : i32
      %add3A_880 = vector.broadcast %add3A_879 : i32 to vector<16xi32>
      %add3A_881 = arith.addi %mul3A_873, %add3A_880 : vector<16xi32>
      %mul3A_882 = arith.constant 5.000000e-01 : f32
      %mul3A_883 = vector.broadcast %mul3A_882 : f32 to vector<16xf32>
      %mul3A_884 = arith.mulf %mul3A_883, %gather3A_867 : vector<16xf32>
      %sub3A_885 = arith.subf %gather3A_859, %mul3A_884 : vector<16xf32>
      %mul3A_886 = arith.mulf %sub3A_885, %get3A_585 : vector<16xf32>
      tpu.vector_store_idx %arg24[%add3A_881], %mul3A_886 : memref<448xf32, #tpu.memory_space<vmem>>[vector<16xi32>], vector<16xf32>,
      %add3A_887 = arith.constant 2 : i32
      %add3A_888 = vector.broadcast %add3A_887 : i32 to vector<16xi32>
      %add3A_889 = arith.addi %mul3A_873, %add3A_888 : vector<16xi32>
      %mul3A_890 = arith.constant 5.000000e-01 : f32
      %mul3A_891 = vector.broadcast %mul3A_890 : f32 to vector<16xf32>
      %mul3A_892 = arith.mulf %mul3A_891, %gather3A_863 : vector<16xf32>
      %add3A_893 = arith.addf %gather3A_855, %mul3A_892 : vector<16xf32>
      %mul3A_894 = arith.mulf %add3A_893, %get3A_583 : vector<16xf32>
      tpu.vector_store_idx %arg24[%add3A_889], %mul3A_894 : memref<448xf32, #tpu.memory_space<vmem>>[vector<16xi32>], vector<16xf32>,
      %add3A_895 = arith.constant 3 : i32
      %add3A_896 = vector.broadcast %add3A_895 : i32 to vector<16xi32>
      %add3A_897 = arith.addi %mul3A_873, %add3A_896 : vector<16xi32>
      %mul3A_898 = arith.constant 5.000000e-01 : f32
      %mul3A_899 = vector.broadcast %mul3A_898 : f32 to vector<16xf32>
      %mul3A_900 = arith.mulf %mul3A_899, %gather3A_867 : vector<16xf32>
      %add3A_901 = arith.addf %gather3A_859, %mul3A_900 : vector<16xf32>
      %mul3A_902 = arith.mulf %add3A_901, %get3A_585 : vector<16xf32>
      tpu.vector_store_idx %arg24[%add3A_897], %mul3A_902 : memref<448xf32, #tpu.memory_space<vmem>>[vector<16xi32>], vector<16xf32>,
      %get3A_903 = arith.constant 96 : index
      %get3A_904 = tpu.vector_load %arg20[%get3A_903] {strides = array<i32>} : memref<112xi32, #tpu.memory_space<vmem>>, vector<16xi32>,
      %mul3A_905 = arith.constant 4 : i32
      %mul3A_906 = vector.broadcast %mul3A_905 : i32 to vector<16xi32>
      %mul3A_907 = arith.muli %get3A_904, %mul3A_906 : vector<16xi32>
      %gather3A_908 = tpu.vector_load_idx %arg21[%mul3A_907] : memref<3600xf32, #tpu.memory_space<vmem>>[vector<16xi32>], vector<16xf32>,
      %add3A_909 = arith.constant 1 : i32
      %add3A_910 = vector.broadcast %add3A_909 : i32 to vector<16xi32>
      %add3A_911 = arith.addi %mul3A_907, %add3A_910 : vector<16xi32>
      %gather3A_912 = tpu.vector_load_idx %arg21[%add3A_911] : memref<3600xf32, #tpu.memory_space<vmem>>[vector<16xi32>], vector<16xf32>,
      %add3A_913 = arith.constant 2 : i32
      %add3A_914 = vector.broadcast %add3A_913 : i32 to vector<16xi32>
      %add3A_915 = arith.addi %mul3A_907, %add3A_914 : vector<16xi32>
      %gather3A_916 = tpu.vector_load_idx %arg21[%add3A_915] : memref<3600xf32, #tpu.memory_space<vmem>>[vector<16xi32>], vector<16xf32>,
      %add3A_917 = arith.constant 3 : i32
      %add3A_918 = vector.broadcast %add3A_917 : i32 to vector<16xi32>
      %add3A_919 = arith.addi %mul3A_907, %add3A_918 : vector<16xi32>
      %gather3A_920 = tpu.vector_load_idx %arg21[%add3A_919] : memref<3600xf32, #tpu.memory_space<vmem>>[vector<16xi32>], vector<16xf32>,
      %add3A_921 = arith.constant 96 : i32
      %add3A_922 = vector.broadcast %add3A_921 : i32 to vector<16xi32>
      %add3A_923 = arith.addi %add3A_922, %iota3A : vector<16xi32>
      %mul3A_924 = arith.constant 4 : i32
      %mul3A_925 = vector.broadcast %mul3A_924 : i32 to vector<16xi32>
      %mul3A_926 = arith.muli %add3A_923, %mul3A_925 : vector<16xi32>
      %mul3A_927 = arith.constant 5.000000e-01 : f32
      %mul3A_928 = vector.broadcast %mul3A_927 : f32 to vector<16xf32>
      %mul3A_929 = arith.mulf %mul3A_928, %gather3A_916 : vector<16xf32>
      %sub3A_930 = arith.subf %gather3A_908, %mul3A_929 : vector<16xf32>
      %mul3A_931 = arith.mulf %sub3A_930, %get3A_583 : vector<16xf32>
      tpu.vector_store_idx %arg24[%mul3A_926], %mul3A_931 : memref<448xf32, #tpu.memory_space<vmem>>[vector<16xi32>], vector<16xf32>,
      %add3A_932 = arith.constant 1 : i32
      %add3A_933 = vector.broadcast %add3A_932 : i32 to vector<16xi32>
      %add3A_934 = arith.addi %mul3A_926, %add3A_933 : vector<16xi32>
      %mul3A_935 = arith.constant 5.000000e-01 : f32
      %mul3A_936 = vector.broadcast %mul3A_935 : f32 to vector<16xf32>
      %mul3A_937 = arith.mulf %mul3A_936, %gather3A_920 : vector<16xf32>
      %sub3A_938 = arith.subf %gather3A_912, %mul3A_937 : vector<16xf32>
      %mul3A_939 = arith.mulf %sub3A_938, %get3A_585 : vector<16xf32>
      tpu.vector_store_idx %arg24[%add3A_934], %mul3A_939 : memref<448xf32, #tpu.memory_space<vmem>>[vector<16xi32>], vector<16xf32>,
      %add3A_940 = arith.constant 2 : i32
      %add3A_941 = vector.broadcast %add3A_940 : i32 to vector<16xi32>
      %add3A_942 = arith.addi %mul3A_926, %add3A_941 : vector<16xi32>
      %mul3A_943 = arith.constant 5.000000e-01 : f32
      %mul3A_944 = vector.broadcast %mul3A_943 : f32 to vector<16xf32>
      %mul3A_945 = arith.mulf %mul3A_944, %gather3A_916 : vector<16xf32>
      %add3A_946 = arith.addf %gather3A_908, %mul3A_945 : vector<16xf32>
      %mul3A_947 = arith.mulf %add3A_946, %get3A_583 : vector<16xf32>
      tpu.vector_store_idx %arg24[%add3A_942], %mul3A_947 : memref<448xf32, #tpu.memory_space<vmem>>[vector<16xi32>], vector<16xf32>,
      %add3A_948 = arith.constant 3 : i32
      %add3A_949 = vector.broadcast %add3A_948 : i32 to vector<16xi32>
      %add3A_950 = arith.addi %mul3A_926, %add3A_949 : vector<16xi32>
      %mul3A_951 = arith.constant 5.000000e-01 : f32
      %mul3A_952 = vector.broadcast %mul3A_951 : f32 to vector<16xf32>
      %mul3A_953 = arith.mulf %mul3A_952, %gather3A_920 : vector<16xf32>
      %add3A_954 = arith.addf %gather3A_912, %mul3A_953 : vector<16xf32>
      %mul3A_955 = arith.mulf %add3A_954, %get3A_585 : vector<16xf32>
      tpu.vector_store_idx %arg24[%add3A_950], %mul3A_955 : memref<448xf32, #tpu.memory_space<vmem>>[vector<16xi32>], vector<16xf32>,
      "tpu.region"() ({
        %run_scoped3A = tpu.sem_alloc : memref<!tpu.dma_semaphore, #tpu.memory_space<semaphore_mem>>
        %dma_start3A = arith.constant 0 : i32
        %dma_start3A_956 = tpu.memref_slice %arg7[%add3A, %dma_start3A] : memref<16x112xf32, #tpu.memory_space<hbm>> -> memref<1x112xf32, #tpu.memory_space<hbm>>
        %dma_start3A_957 = tpu.memref_squeeze %dma_start3A_956 : memref<1x112xf32, #tpu.memory_space<hbm>> -> memref<112xf32, #tpu.memory_space<hbm>>
        %dma_start3A_958 = arith.constant 0 : i32
        %dma_start3A_959 = tpu.memref_slice %arg7[%add3A, %dma_start3A_958] : memref<16x112xf32, #tpu.memory_space<hbm>> -> memref<1x112xf32, #tpu.memory_space<hbm>>
        %dma_start3A_960 = tpu.memref_squeeze %dma_start3A_959 : memref<1x112xf32, #tpu.memory_space<hbm>> -> memref<112xf32, #tpu.memory_space<hbm>>
        tpu.enqueue_dma source(%arg18 : memref<112xf32, #tpu.memory_space<vmem>>) target(%dma_start3A_960 : memref<112xf32, #tpu.memory_space<hbm>>) target_semaphore(%run_scoped3A : memref<!tpu.dma_semaphore, #tpu.memory_space<semaphore_mem>>)
        %dma_wait3A = arith.constant 0 : i32
        %dma_wait3A_961 = tpu.memref_slice %arg7[%add3A, %dma_wait3A] : memref<16x112xf32, #tpu.memory_space<hbm>> -> memref<1x112xf32, #tpu.memory_space<hbm>>
        %dma_wait3A_962 = tpu.memref_squeeze %dma_wait3A_961 : memref<1x112xf32, #tpu.memory_space<hbm>> -> memref<112xf32, #tpu.memory_space<hbm>>
        %dma_wait3A_963 = arith.constant 0 : i32
        %dma_wait3A_964 = tpu.memref_slice %arg7[%add3A, %dma_wait3A_963] : memref<16x112xf32, #tpu.memory_space<hbm>> -> memref<1x112xf32, #tpu.memory_space<hbm>>
        %dma_wait3A_965 = tpu.memref_squeeze %dma_wait3A_964 : memref<1x112xf32, #tpu.memory_space<hbm>> -> memref<112xf32, #tpu.memory_space<hbm>>
        tpu.wait_dma2 semaphore(%run_scoped3A : memref<!tpu.dma_semaphore, #tpu.memory_space<semaphore_mem>>) src(%arg18 : memref<112xf32, #tpu.memory_space<vmem>>) dst(%dma_wait3A_965 : memref<112xf32, #tpu.memory_space<hbm>>)
        tpu.yield
      }) : () -> ()
      "tpu.region"() ({
        %run_scoped3A = tpu.sem_alloc : memref<!tpu.dma_semaphore, #tpu.memory_space<semaphore_mem>>
        %dma_start3A = arith.constant 0 : i32
        %dma_start3A_956 = tpu.memref_slice %arg8[%add3A, %dma_start3A] : memref<16x112xi32, #tpu.memory_space<hbm>> -> memref<1x112xi32, #tpu.memory_space<hbm>>
        %dma_start3A_957 = tpu.memref_squeeze %dma_start3A_956 : memref<1x112xi32, #tpu.memory_space<hbm>> -> memref<112xi32, #tpu.memory_space<hbm>>
        %dma_start3A_958 = arith.constant 0 : i32
        %dma_start3A_959 = tpu.memref_slice %arg8[%add3A, %dma_start3A_958] : memref<16x112xi32, #tpu.memory_space<hbm>> -> memref<1x112xi32, #tpu.memory_space<hbm>>
        %dma_start3A_960 = tpu.memref_squeeze %dma_start3A_959 : memref<1x112xi32, #tpu.memory_space<hbm>> -> memref<112xi32, #tpu.memory_space<hbm>>
        tpu.enqueue_dma source(%arg19 : memref<112xi32, #tpu.memory_space<vmem>>) target(%dma_start3A_960 : memref<112xi32, #tpu.memory_space<hbm>>) target_semaphore(%run_scoped3A : memref<!tpu.dma_semaphore, #tpu.memory_space<semaphore_mem>>)
        %dma_wait3A = arith.constant 0 : i32
        %dma_wait3A_961 = tpu.memref_slice %arg8[%add3A, %dma_wait3A] : memref<16x112xi32, #tpu.memory_space<hbm>> -> memref<1x112xi32, #tpu.memory_space<hbm>>
        %dma_wait3A_962 = tpu.memref_squeeze %dma_wait3A_961 : memref<1x112xi32, #tpu.memory_space<hbm>> -> memref<112xi32, #tpu.memory_space<hbm>>
        %dma_wait3A_963 = arith.constant 0 : i32
        %dma_wait3A_964 = tpu.memref_slice %arg8[%add3A, %dma_wait3A_963] : memref<16x112xi32, #tpu.memory_space<hbm>> -> memref<1x112xi32, #tpu.memory_space<hbm>>
        %dma_wait3A_965 = tpu.memref_squeeze %dma_wait3A_964 : memref<1x112xi32, #tpu.memory_space<hbm>> -> memref<112xi32, #tpu.memory_space<hbm>>
        tpu.wait_dma2 semaphore(%run_scoped3A : memref<!tpu.dma_semaphore, #tpu.memory_space<semaphore_mem>>) src(%arg19 : memref<112xi32, #tpu.memory_space<vmem>>) dst(%dma_wait3A_965 : memref<112xi32, #tpu.memory_space<hbm>>)
        tpu.yield
      }) : () -> ()
      "tpu.region"() ({
        %run_scoped3A = tpu.sem_alloc : memref<!tpu.dma_semaphore, #tpu.memory_space<semaphore_mem>>
        %dma_start3A = arith.constant 0 : i32
        %dma_start3A_956 = tpu.memref_slice %arg9[%add3A, %dma_start3A] : memref<16x448xf32, #tpu.memory_space<hbm>> -> memref<1x448xf32, #tpu.memory_space<hbm>>
        %dma_start3A_957 = tpu.memref_squeeze %dma_start3A_956 : memref<1x448xf32, #tpu.memory_space<hbm>> -> memref<448xf32, #tpu.memory_space<hbm>>
        %dma_start3A_958 = arith.constant 0 : i32
        %dma_start3A_959 = tpu.memref_slice %arg9[%add3A, %dma_start3A_958] : memref<16x448xf32, #tpu.memory_space<hbm>> -> memref<1x448xf32, #tpu.memory_space<hbm>>
        %dma_start3A_960 = tpu.memref_squeeze %dma_start3A_959 : memref<1x448xf32, #tpu.memory_space<hbm>> -> memref<448xf32, #tpu.memory_space<hbm>>
        tpu.enqueue_dma source(%arg24 : memref<448xf32, #tpu.memory_space<vmem>>) target(%dma_start3A_960 : memref<448xf32, #tpu.memory_space<hbm>>) target_semaphore(%run_scoped3A : memref<!tpu.dma_semaphore, #tpu.memory_space<semaphore_mem>>)
        %dma_wait3A = arith.constant 0 : i32
        %dma_wait3A_961 = tpu.memref_slice %arg9[%add3A, %dma_wait3A] : memref<16x448xf32, #tpu.memory_space<hbm>> -> memref<1x448xf32, #tpu.memory_space<hbm>>
        %dma_wait3A_962 = tpu.memref_squeeze %dma_wait3A_961 : memref<1x448xf32, #tpu.memory_space<hbm>> -> memref<448xf32, #tpu.memory_space<hbm>>
        %dma_wait3A_963 = arith.constant 0 : i32
        %dma_wait3A_964 = tpu.memref_slice %arg9[%add3A, %dma_wait3A_963] : memref<16x448xf32, #tpu.memory_space<hbm>> -> memref<1x448xf32, #tpu.memory_space<hbm>>
        %dma_wait3A_965 = tpu.memref_squeeze %dma_wait3A_964 : memref<1x448xf32, #tpu.memory_space<hbm>> -> memref<448xf32, #tpu.memory_space<hbm>>
        tpu.wait_dma2 semaphore(%run_scoped3A : memref<!tpu.dma_semaphore, #tpu.memory_space<semaphore_mem>>) src(%arg24 : memref<448xf32, #tpu.memory_space<vmem>>) dst(%dma_wait3A_965 : memref<448xf32, #tpu.memory_space<hbm>>)
        tpu.yield
      }) : () -> ()
    } else {
    }
    return
  }
}

module attributes {stable_mosaic.version = 14 : i64} {
  func.func @_heads_body(%arg0: i32, %arg1: memref<1x1x900x256xf32, #tpu.memory_space<vmem>>, %arg2: memref<1x900x4xf32, #tpu.memory_space<vmem>>, %arg3: memref<256x128xf32, #tpu.memory_space<vmem>>, %arg4: memref<1x128xf32, #tpu.memory_space<vmem>>, %arg5: memref<256x256xf32, #tpu.memory_space<vmem>>, %arg6: memref<1x256xf32, #tpu.memory_space<vmem>>, %arg7: memref<256x256xf32, #tpu.memory_space<vmem>>, %arg8: memref<1x256xf32, #tpu.memory_space<vmem>>, %arg9: memref<256x128xf32, #tpu.memory_space<vmem>>, %arg10: memref<1x128xf32, #tpu.memory_space<vmem>>, %arg11: memref<1x900x91xf32, #tpu.memory_space<vmem>>, %arg12: memref<1x900x4xf32, #tpu.memory_space<vmem>>) attributes {dimension_semantics = [#tpu.dimension_semantics<arbitrary>], iteration_bounds = array<i64: 16>, scalar_prefetch = 0 : i64, scratch_operands = 0 : i64, tpu.core_type = #tpu.core_type<tc>, window_params = [{transform_indices = @transform_0, window_bounds = array<i64: 1, 1, 900, 256>}, {transform_indices = @transform_1, window_bounds = array<i64: 1, 900, 4>}, {pipeline_mode = #tpu.pipeline_mode<synchronous>, transform_indices = @transform_2, window_bounds = array<i64: 256, 128>}, {pipeline_mode = #tpu.pipeline_mode<synchronous>, transform_indices = @transform_3, window_bounds = array<i64: 1, 128>}, {pipeline_mode = #tpu.pipeline_mode<synchronous>, transform_indices = @transform_4, window_bounds = array<i64: 256, 256>}, {pipeline_mode = #tpu.pipeline_mode<synchronous>, transform_indices = @transform_5, window_bounds = array<i64: 1, 256>}, {pipeline_mode = #tpu.pipeline_mode<synchronous>, transform_indices = @transform_6, window_bounds = array<i64: 256, 256>}, {pipeline_mode = #tpu.pipeline_mode<synchronous>, transform_indices = @transform_7, window_bounds = array<i64: 1, 256>}, {pipeline_mode = #tpu.pipeline_mode<synchronous>, transform_indices = @transform_8, window_bounds = array<i64: 256, 128>}, {pipeline_mode = #tpu.pipeline_mode<synchronous>, transform_indices = @transform_9, window_bounds = array<i64: 1, 128>}, {transform_indices = @transform_10, window_bounds = array<i64: 1, 900, 91>}, {transform_indices = @transform_11, window_bounds = array<i64: 1, 900, 4>}]} {
    %get3A = arith.constant 0 : index
    %get3A_0 = arith.constant 0 : index
    %get3A_1 = arith.constant 0 : index
    %get3A_2 = arith.constant 0 : index
    %get3A_3 = vector.load %arg1[%get3A, %get3A_0, %get3A_1, %get3A_2] : memref<1x1x900x256xf32, #tpu.memory_space<vmem>>, vector<1x1x900x256xf32>
    %get3A_4 = vector.shape_cast %get3A_3 : vector<1x1x900x256xf32> to vector<900x256xf32>
    %get3A_5 = arith.constant 0 : index
    %get3A_6 = arith.constant 0 : index
    %get3A_7 = vector.load %arg3[%get3A_5, %get3A_6] : memref<256x128xf32, #tpu.memory_space<vmem>>, vector<256x128xf32>
    %dot_general3A = arith.constant dense<0.000000e+00> : vector<900x128xf32>
    %dot_general3A_8 = tpu.matmul %get3A_4, %get3A_7, %dot_general3A {dimension_numbers = #tpu.dot_dimension_numbers<[1], [0], [0], [1], [0, 0, 1, 1], [], []>, transpose_lhs_hint = false} : vector<900x256xf32>, vector<256x128xf32>, vector<900x128xf32> -> vector<900x128xf32>
    %get3A_9 = arith.constant 0 : index
    %get3A_10 = arith.constant 0 : index
    %get3A_11 = vector.load %arg4[%get3A_9, %get3A_10] : memref<1x128xf32, #tpu.memory_space<vmem>>, vector<1x128xf32>
    %add3A = vector.broadcast %get3A_11 : vector<1x128xf32> to vector<900x128xf32>
    %add3A_12 = arith.addf %dot_general3A_8, %add3A : vector<900x128xf32>
    %slice3A = vector.extract_strided_slice %add3A_12 {offsets = [0, 0], sizes = [900, 91], strides = [1, 1]} : vector<900x128xf32> to vector<900x91xf32>
    %swap3A = arith.constant 0 : index
    %swap3A_13 = arith.constant 0 : index
    %swap3A_14 = arith.constant 0 : index
    %swap3A_15 = vector.load %arg11[%swap3A, %swap3A_13, %swap3A_14] : memref<1x900x91xf32, #tpu.memory_space<vmem>>, vector<1x900x91xf32>
    %swap3A_16 = vector.shape_cast %swap3A_15 : vector<1x900x91xf32> to vector<900x91xf32>
    %swap3A_17 = vector.shape_cast %slice3A : vector<900x91xf32> to vector<1x900x91xf32>
    tpu.vector_store %arg11[%swap3A, %swap3A_13, %swap3A_14], %swap3A_17 {strides = array<i32>} : memref<1x900x91xf32, #tpu.memory_space<vmem>>, vector<1x900x91xf32>,
    %get3A_18 = arith.constant 0 : index
    %get3A_19 = arith.constant 0 : index
    %get3A_20 = vector.load %arg5[%get3A_18, %get3A_19] : memref<256x256xf32, #tpu.memory_space<vmem>>, vector<256x256xf32>
    %dot_general3A_21 = arith.constant dense<0.000000e+00> : vector<900x256xf32>
    %dot_general3A_22 = tpu.matmul %get3A_4, %get3A_20, %dot_general3A_21 {dimension_numbers = #tpu.dot_dimension_numbers<[1], [0], [0], [1], [0, 0, 1, 1], [], []>, transpose_lhs_hint = false} : vector<900x256xf32>, vector<256x256xf32>, vector<900x256xf32> -> vector<900x256xf32>
    %get3A_23 = arith.constant 0 : index
    %get3A_24 = arith.constant 0 : index
    %get3A_25 = vector.load %arg6[%get3A_23, %get3A_24] : memref<1x256xf32, #tpu.memory_space<vmem>>, vector<1x256xf32>
    %add3A_26 = vector.broadcast %get3A_25 : vector<1x256xf32> to vector<900x256xf32>
    %add3A_27 = arith.addf %dot_general3A_22, %add3A_26 : vector<900x256xf32>
    %max3A = arith.constant 0.000000e+00 : f32
    %max3A_28 = vector.broadcast %max3A : f32 to vector<900x256xf32>
    %max3A_29 = arith.maximumf %add3A_27, %max3A_28 : vector<900x256xf32>
    %get3A_30 = arith.constant 0 : index
    %get3A_31 = arith.constant 0 : index
    %get3A_32 = vector.load %arg7[%get3A_30, %get3A_31] : memref<256x256xf32, #tpu.memory_space<vmem>>, vector<256x256xf32>
    %dot_general3A_33 = arith.constant dense<0.000000e+00> : vector<900x256xf32>
    %dot_general3A_34 = tpu.matmul %max3A_29, %get3A_32, %dot_general3A_33 {dimension_numbers = #tpu.dot_dimension_numbers<[1], [0], [0], [1], [0, 0, 1, 1], [], []>, transpose_lhs_hint = false} : vector<900x256xf32>, vector<256x256xf32>, vector<900x256xf32> -> vector<900x256xf32>
    %get3A_35 = arith.constant 0 : index
    %get3A_36 = arith.constant 0 : index
    %get3A_37 = vector.load %arg8[%get3A_35, %get3A_36] : memref<1x256xf32, #tpu.memory_space<vmem>>, vector<1x256xf32>
    %add3A_38 = vector.broadcast %get3A_37 : vector<1x256xf32> to vector<900x256xf32>
    %add3A_39 = arith.addf %dot_general3A_34, %add3A_38 : vector<900x256xf32>
    %max3A_40 = arith.constant 0.000000e+00 : f32
    %max3A_41 = vector.broadcast %max3A_40 : f32 to vector<900x256xf32>
    %max3A_42 = arith.maximumf %add3A_39, %max3A_41 : vector<900x256xf32>
    %get3A_43 = arith.constant 0 : index
    %get3A_44 = arith.constant 0 : index
    %get3A_45 = vector.load %arg9[%get3A_43, %get3A_44] : memref<256x128xf32, #tpu.memory_space<vmem>>, vector<256x128xf32>
    %dot_general3A_46 = arith.constant dense<0.000000e+00> : vector<900x128xf32>
    %dot_general3A_47 = tpu.matmul %max3A_42, %get3A_45, %dot_general3A_46 {dimension_numbers = #tpu.dot_dimension_numbers<[1], [0], [0], [1], [0, 0, 1, 1], [], []>, transpose_lhs_hint = false} : vector<900x256xf32>, vector<256x128xf32>, vector<900x128xf32> -> vector<900x128xf32>
    %get3A_48 = arith.constant 0 : index
    %get3A_49 = arith.constant 0 : index
    %get3A_50 = vector.load %arg10[%get3A_48, %get3A_49] : memref<1x128xf32, #tpu.memory_space<vmem>>, vector<1x128xf32>
    %add3A_51 = vector.broadcast %get3A_50 : vector<1x128xf32> to vector<900x128xf32>
    %add3A_52 = arith.addf %dot_general3A_47, %add3A_51 : vector<900x128xf32>
    %get3A_53 = arith.constant 0 : index
    %get3A_54 = arith.constant 0 : index
    %get3A_55 = arith.constant 0 : index
    %get3A_56 = vector.load %arg2[%get3A_53, %get3A_54, %get3A_55] : memref<1x900x4xf32, #tpu.memory_space<vmem>>, vector<1x900x4xf32>
    %get3A_57 = vector.shape_cast %get3A_56 : vector<1x900x4xf32> to vector<900x4xf32>
    %jit3A = arith.constant 0.000000e+00 : f32
    %jit3A_58 = arith.constant 1.000000e+00 : f32
    %max3A_59 = vector.broadcast %jit3A : f32 to vector<900x4xf32>
    %max3A_60 = arith.maximumf %max3A_59, %get3A_57 : vector<900x4xf32>
    %min3A = vector.broadcast %jit3A_58 : f32 to vector<900x4xf32>
    %min3A_61 = arith.minimumf %min3A, %max3A_60 : vector<900x4xf32>
    %jit3A_62 = arith.constant 9.99999974E-6 : f32
    %max3A_63 = vector.broadcast %jit3A_62 : f32 to vector<900x4xf32>
    %max3A_64 = arith.maximumf %max3A_63, %min3A_61 : vector<900x4xf32>
    %sub3A = arith.constant 1.000000e+00 : f32
    %sub3A_65 = vector.broadcast %sub3A : f32 to vector<900x4xf32>
    %sub3A_66 = arith.subf %sub3A_65, %min3A_61 : vector<900x4xf32>
    %jit3A_67 = arith.constant 9.99999974E-6 : f32
    %max3A_68 = vector.broadcast %jit3A_67 : f32 to vector<900x4xf32>
    %max3A_69 = arith.maximumf %max3A_68, %sub3A_66 : vector<900x4xf32>
    %div3A = arith.divf %max3A_64, %max3A_69 : vector<900x4xf32>
    %log3A = math.log %div3A : vector<900x4xf32>
    %slice3A_70 = vector.extract_strided_slice %add3A_52 {offsets = [0, 0], sizes = [900, 4], strides = [1, 1]} : vector<900x128xf32> to vector<900x4xf32>
    %add3A_71 = arith.addf %slice3A_70, %log3A : vector<900x4xf32>
    %logistic3A = arith.negf %add3A_71 : vector<900x4xf32>
    %logistic3A_72 = math.exp %logistic3A : vector<900x4xf32>
    %logistic3A_73 = arith.constant 1.000000e+00 : f32
    %logistic3A_74 = vector.broadcast %logistic3A_73 : f32 to vector<900x4xf32>
    %logistic3A_75 = arith.addf %logistic3A_74, %logistic3A_72 : vector<900x4xf32>
    %logistic3A_76 = arith.divf %logistic3A_74, %logistic3A_75 : vector<900x4xf32>
    %swap3A_77 = arith.constant 0 : index
    %swap3A_78 = arith.constant 0 : index
    %swap3A_79 = arith.constant 0 : index
    %swap3A_80 = vector.load %arg12[%swap3A_77, %swap3A_78, %swap3A_79] : memref<1x900x4xf32, #tpu.memory_space<vmem>>, vector<1x900x4xf32>
    %swap3A_81 = vector.shape_cast %swap3A_80 : vector<1x900x4xf32> to vector<900x4xf32>
    %swap3A_82 = vector.shape_cast %logistic3A_76 : vector<900x4xf32> to vector<1x900x4xf32>
    tpu.vector_store %arg12[%swap3A_77, %swap3A_78, %swap3A_79], %swap3A_82 {strides = array<i32>} : memref<1x900x4xf32, #tpu.memory_space<vmem>>, vector<1x900x4xf32>,
    return
  }
  func.func @transform_0(%arg0: i32) -> (i32, i32, i32, i32) {
    %jit3A = arith.constant 16 : i32
    %div3A = arith.divsi %arg0, %jit3A : i32
    %sign3A = arith.constant 0 : i32
    %sign3A_0 = arith.cmpi sgt, %arg0, %sign3A : i32
    %sign3A_1 = arith.extui %sign3A_0 : i1 to i32
    %sign3A_2 = arith.constant 0 : i32
    %sign3A_3 = arith.cmpi slt, %arg0, %sign3A_2 : i32
    %sign3A_4 = arith.extui %sign3A_3 : i1 to i32
    %sign3A_5 = arith.subi %sign3A_1, %sign3A_4 : i32
    %sign3A_6 = arith.constant 0 : i32
    %sign3A_7 = arith.cmpi sgt, %jit3A, %sign3A_6 : i32
    %sign3A_8 = arith.extui %sign3A_7 : i1 to i32
    %sign3A_9 = arith.constant 0 : i32
    %sign3A_10 = arith.cmpi slt, %jit3A, %sign3A_9 : i32
    %sign3A_11 = arith.extui %sign3A_10 : i1 to i32
    %sign3A_12 = arith.subi %sign3A_8, %sign3A_11 : i32
    %ne3A = arith.cmpi ne, %sign3A_5, %sign3A_12 : i32
    %rem3A = arith.remsi %arg0, %jit3A : i32
    %ne3A_13 = arith.constant 0 : i32
    %ne3A_14 = arith.cmpi ne, %rem3A, %ne3A_13 : i32
    %and3A = arith.andi %ne3A, %ne3A_14 : i1
    %sub3A = arith.constant 1 : i32
    %sub3A_15 = arith.subi %div3A, %sub3A : i32
    %select_n3A = arith.select %and3A, %sub3A_15, %div3A : i32
    %add3A = arith.constant 5 : i32
    %add3A_16 = arith.addi %add3A, %select_n3A : i32
    %jit3A_17 = arith.constant 16 : i32
    %eq3A = arith.constant 0 : i32
    %eq3A_18 = arith.cmpi eq, %jit3A_17, %eq3A : i32
    %jit3A_19 = arith.constant 1 : i32
    %select_n3A_20 = arith.select %eq3A_18, %jit3A_19, %jit3A_17 : i32
    %rem3A_21 = arith.remsi %arg0, %select_n3A_20 : i32
    %ne3A_22 = arith.constant 0 : i32
    %ne3A_23 = arith.cmpi ne, %rem3A_21, %ne3A_22 : i32
    %lt3A = arith.constant 0 : i32
    %lt3A_24 = arith.cmpi slt, %rem3A_21, %lt3A : i32
    %lt3A_25 = arith.constant 0 : i32
    %lt3A_26 = arith.cmpi slt, %select_n3A_20, %lt3A_25 : i32
    %ne3A_27 = arith.xori %lt3A_24, %lt3A_26 : i1
    %and3A_28 = arith.andi %ne3A_27, %ne3A_23 : i1
    %add3A_29 = arith.addi %rem3A_21, %select_n3A_20 : i32
    %select_n3A_30 = arith.select %and3A_28, %add3A_29, %rem3A_21 : i32
    %c0_i32 = arith.constant 0 : i32
    %c0_i32_31 = arith.constant 0 : i32
    %c0_i32_32 = arith.constant 0 : i32
    return %add3A_16, %select_n3A_30, %c0_i32, %c0_i32_31 : i32, i32, i32, i32
  }
  func.func @transform_1(%arg0: i32) -> (i32, i32, i32) {
    %add3A = arith.constant 80 : i32
    %add3A_0 = arith.addi %add3A, %arg0 : i32
    %c0_i32 = arith.constant 0 : i32
    %c0_i32_1 = arith.constant 0 : i32
    %c0_i32_2 = arith.constant 0 : i32
    return %add3A_0, %c0_i32, %c0_i32_1 : i32, i32, i32
  }
  func.func @transform_2(%arg0: i32) -> (i32, i32) {
    %c0_i32 = arith.constant 0 : i32
    %c0_i32_0 = arith.constant 0 : i32
    %c0_i32_1 = arith.constant 0 : i32
    return %c0_i32, %c0_i32_0 : i32, i32
  }
  func.func @transform_3(%arg0: i32) -> (i32, i32) {
    %c0_i32 = arith.constant 0 : i32
    %c0_i32_0 = arith.constant 0 : i32
    %c0_i32_1 = arith.constant 0 : i32
    return %c0_i32, %c0_i32_0 : i32, i32
  }
  func.func @transform_4(%arg0: i32) -> (i32, i32) {
    %c0_i32 = arith.constant 0 : i32
    %c0_i32_0 = arith.constant 0 : i32
    %c0_i32_1 = arith.constant 0 : i32
    return %c0_i32, %c0_i32_0 : i32, i32
  }
  func.func @transform_5(%arg0: i32) -> (i32, i32) {
    %c0_i32 = arith.constant 0 : i32
    %c0_i32_0 = arith.constant 0 : i32
    %c0_i32_1 = arith.constant 0 : i32
    return %c0_i32, %c0_i32_0 : i32, i32
  }
  func.func @transform_6(%arg0: i32) -> (i32, i32) {
    %c0_i32 = arith.constant 0 : i32
    %c0_i32_0 = arith.constant 0 : i32
    %c0_i32_1 = arith.constant 0 : i32
    return %c0_i32, %c0_i32_0 : i32, i32
  }
  func.func @transform_7(%arg0: i32) -> (i32, i32) {
    %c0_i32 = arith.constant 0 : i32
    %c0_i32_0 = arith.constant 0 : i32
    %c0_i32_1 = arith.constant 0 : i32
    return %c0_i32, %c0_i32_0 : i32, i32
  }
  func.func @transform_8(%arg0: i32) -> (i32, i32) {
    %c0_i32 = arith.constant 0 : i32
    %c0_i32_0 = arith.constant 0 : i32
    %c0_i32_1 = arith.constant 0 : i32
    return %c0_i32, %c0_i32_0 : i32, i32
  }
  func.func @transform_9(%arg0: i32) -> (i32, i32) {
    %c0_i32 = arith.constant 0 : i32
    %c0_i32_0 = arith.constant 0 : i32
    %c0_i32_1 = arith.constant 0 : i32
    return %c0_i32, %c0_i32_0 : i32, i32
  }
  func.func @transform_10(%arg0: i32) -> (i32, i32, i32) {
    %c0_i32 = arith.constant 0 : i32
    %c0_i32_0 = arith.constant 0 : i32
    %c0_i32_1 = arith.constant 0 : i32
    return %arg0, %c0_i32, %c0_i32_0 : i32, i32, i32
  }
  func.func @transform_11(%arg0: i32) -> (i32, i32, i32) {
    %c0_i32 = arith.constant 0 : i32
    %c0_i32_0 = arith.constant 0 : i32
    %c0_i32_1 = arith.constant 0 : i32
    return %arg0, %c0_i32, %c0_i32_0 : i32, i32, i32
  }
}

module attributes {stable_mosaic.version = 14 : i64} {
  func.func @_heads_body4(%arg0: i32, %arg1: memref<1x1x900x256xf32, #tpu.memory_space<vmem>>, %arg2: memref<1x900x4xf32, #tpu.memory_space<vmem>>, %arg3: memref<256x128xf32, #tpu.memory_space<vmem>>, %arg4: memref<1x128xf32, #tpu.memory_space<vmem>>, %arg5: memref<256x256xf32, #tpu.memory_space<vmem>>, %arg6: memref<1x256xf32, #tpu.memory_space<vmem>>, %arg7: memref<256x256xf32, #tpu.memory_space<vmem>>, %arg8: memref<1x256xf32, #tpu.memory_space<vmem>>, %arg9: memref<256x128xf32, #tpu.memory_space<vmem>>, %arg10: memref<1x128xf32, #tpu.memory_space<vmem>>, %arg11: memref<1x1x900x91xf32, #tpu.memory_space<vmem>>, %arg12: memref<1x1x900x4xf32, #tpu.memory_space<vmem>>) attributes {dimension_semantics = [#tpu.dimension_semantics<arbitrary>], iteration_bounds = array<i64: 80>, scalar_prefetch = 0 : i64, scratch_operands = 0 : i64, tpu.core_type = #tpu.core_type<tc>, window_params = [{transform_indices = @transform_0, window_bounds = array<i64: 1, 1, 900, 256>}, {transform_indices = @transform_1, window_bounds = array<i64: 1, 900, 4>}, {pipeline_mode = #tpu.pipeline_mode<synchronous>, transform_indices = @transform_2, window_bounds = array<i64: 256, 128>}, {pipeline_mode = #tpu.pipeline_mode<synchronous>, transform_indices = @transform_3, window_bounds = array<i64: 1, 128>}, {pipeline_mode = #tpu.pipeline_mode<synchronous>, transform_indices = @transform_4, window_bounds = array<i64: 256, 256>}, {pipeline_mode = #tpu.pipeline_mode<synchronous>, transform_indices = @transform_5, window_bounds = array<i64: 1, 256>}, {pipeline_mode = #tpu.pipeline_mode<synchronous>, transform_indices = @transform_6, window_bounds = array<i64: 256, 256>}, {pipeline_mode = #tpu.pipeline_mode<synchronous>, transform_indices = @transform_7, window_bounds = array<i64: 1, 256>}, {pipeline_mode = #tpu.pipeline_mode<synchronous>, transform_indices = @transform_8, window_bounds = array<i64: 256, 128>}, {pipeline_mode = #tpu.pipeline_mode<synchronous>, transform_indices = @transform_9, window_bounds = array<i64: 1, 128>}, {transform_indices = @transform_10, window_bounds = array<i64: 1, 1, 900, 91>}, {transform_indices = @transform_11, window_bounds = array<i64: 1, 1, 900, 4>}]} {
    %get3A = arith.constant 0 : index
    %get3A_0 = arith.constant 0 : index
    %get3A_1 = arith.constant 0 : index
    %get3A_2 = arith.constant 0 : index
    %get3A_3 = vector.load %arg1[%get3A, %get3A_0, %get3A_1, %get3A_2] : memref<1x1x900x256xf32, #tpu.memory_space<vmem>>, vector<1x1x900x256xf32>
    %get3A_4 = vector.shape_cast %get3A_3 : vector<1x1x900x256xf32> to vector<900x256xf32>
    %get3A_5 = arith.constant 0 : index
    %get3A_6 = arith.constant 0 : index
    %get3A_7 = vector.load %arg3[%get3A_5, %get3A_6] : memref<256x128xf32, #tpu.memory_space<vmem>>, vector<256x128xf32>
    %dot_general3A = arith.constant dense<0.000000e+00> : vector<900x128xf32>
    %dot_general3A_8 = tpu.matmul %get3A_4, %get3A_7, %dot_general3A {dimension_numbers = #tpu.dot_dimension_numbers<[1], [0], [0], [1], [0, 0, 1, 1], [], []>, transpose_lhs_hint = false} : vector<900x256xf32>, vector<256x128xf32>, vector<900x128xf32> -> vector<900x128xf32>
    %get3A_9 = arith.constant 0 : index
    %get3A_10 = arith.constant 0 : index
    %get3A_11 = vector.load %arg4[%get3A_9, %get3A_10] : memref<1x128xf32, #tpu.memory_space<vmem>>, vector<1x128xf32>
    %add3A = vector.broadcast %get3A_11 : vector<1x128xf32> to vector<900x128xf32>
    %add3A_12 = arith.addf %dot_general3A_8, %add3A : vector<900x128xf32>
    %slice3A = vector.extract_strided_slice %add3A_12 {offsets = [0, 0], sizes = [900, 91], strides = [1, 1]} : vector<900x128xf32> to vector<900x91xf32>
    %swap3A = arith.constant 0 : index
    %swap3A_13 = arith.constant 0 : index
    %swap3A_14 = arith.constant 0 : index
    %swap3A_15 = arith.constant 0 : index
    %swap3A_16 = vector.load %arg11[%swap3A, %swap3A_13, %swap3A_14, %swap3A_15] : memref<1x1x900x91xf32, #tpu.memory_space<vmem>>, vector<1x1x900x91xf32>
    %swap3A_17 = vector.shape_cast %swap3A_16 : vector<1x1x900x91xf32> to vector<900x91xf32>
    %swap3A_18 = vector.shape_cast %slice3A : vector<900x91xf32> to vector<1x1x900x91xf32>
    tpu.vector_store %arg11[%swap3A, %swap3A_13, %swap3A_14, %swap3A_15], %swap3A_18 {strides = array<i32>} : memref<1x1x900x91xf32, #tpu.memory_space<vmem>>, vector<1x1x900x91xf32>,
    %get3A_19 = arith.constant 0 : index
    %get3A_20 = arith.constant 0 : index
    %get3A_21 = vector.load %arg5[%get3A_19, %get3A_20] : memref<256x256xf32, #tpu.memory_space<vmem>>, vector<256x256xf32>
    %dot_general3A_22 = arith.constant dense<0.000000e+00> : vector<900x256xf32>
    %dot_general3A_23 = tpu.matmul %get3A_4, %get3A_21, %dot_general3A_22 {dimension_numbers = #tpu.dot_dimension_numbers<[1], [0], [0], [1], [0, 0, 1, 1], [], []>, transpose_lhs_hint = false} : vector<900x256xf32>, vector<256x256xf32>, vector<900x256xf32> -> vector<900x256xf32>
    %get3A_24 = arith.constant 0 : index
    %get3A_25 = arith.constant 0 : index
    %get3A_26 = vector.load %arg6[%get3A_24, %get3A_25] : memref<1x256xf32, #tpu.memory_space<vmem>>, vector<1x256xf32>
    %add3A_27 = vector.broadcast %get3A_26 : vector<1x256xf32> to vector<900x256xf32>
    %add3A_28 = arith.addf %dot_general3A_23, %add3A_27 : vector<900x256xf32>
    %max3A = arith.constant 0.000000e+00 : f32
    %max3A_29 = vector.broadcast %max3A : f32 to vector<900x256xf32>
    %max3A_30 = arith.maximumf %add3A_28, %max3A_29 : vector<900x256xf32>
    %get3A_31 = arith.constant 0 : index
    %get3A_32 = arith.constant 0 : index
    %get3A_33 = vector.load %arg7[%get3A_31, %get3A_32] : memref<256x256xf32, #tpu.memory_space<vmem>>, vector<256x256xf32>
    %dot_general3A_34 = arith.constant dense<0.000000e+00> : vector<900x256xf32>
    %dot_general3A_35 = tpu.matmul %max3A_30, %get3A_33, %dot_general3A_34 {dimension_numbers = #tpu.dot_dimension_numbers<[1], [0], [0], [1], [0, 0, 1, 1], [], []>, transpose_lhs_hint = false} : vector<900x256xf32>, vector<256x256xf32>, vector<900x256xf32> -> vector<900x256xf32>
    %get3A_36 = arith.constant 0 : index
    %get3A_37 = arith.constant 0 : index
    %get3A_38 = vector.load %arg8[%get3A_36, %get3A_37] : memref<1x256xf32, #tpu.memory_space<vmem>>, vector<1x256xf32>
    %add3A_39 = vector.broadcast %get3A_38 : vector<1x256xf32> to vector<900x256xf32>
    %add3A_40 = arith.addf %dot_general3A_35, %add3A_39 : vector<900x256xf32>
    %max3A_41 = arith.constant 0.000000e+00 : f32
    %max3A_42 = vector.broadcast %max3A_41 : f32 to vector<900x256xf32>
    %max3A_43 = arith.maximumf %add3A_40, %max3A_42 : vector<900x256xf32>
    %get3A_44 = arith.constant 0 : index
    %get3A_45 = arith.constant 0 : index
    %get3A_46 = vector.load %arg9[%get3A_44, %get3A_45] : memref<256x128xf32, #tpu.memory_space<vmem>>, vector<256x128xf32>
    %dot_general3A_47 = arith.constant dense<0.000000e+00> : vector<900x128xf32>
    %dot_general3A_48 = tpu.matmul %max3A_43, %get3A_46, %dot_general3A_47 {dimension_numbers = #tpu.dot_dimension_numbers<[1], [0], [0], [1], [0, 0, 1, 1], [], []>, transpose_lhs_hint = false} : vector<900x256xf32>, vector<256x128xf32>, vector<900x128xf32> -> vector<900x128xf32>
    %get3A_49 = arith.constant 0 : index
    %get3A_50 = arith.constant 0 : index
    %get3A_51 = vector.load %arg10[%get3A_49, %get3A_50] : memref<1x128xf32, #tpu.memory_space<vmem>>, vector<1x128xf32>
    %add3A_52 = vector.broadcast %get3A_51 : vector<1x128xf32> to vector<900x128xf32>
    %add3A_53 = arith.addf %dot_general3A_48, %add3A_52 : vector<900x128xf32>
    %get3A_54 = arith.constant 0 : index
    %get3A_55 = arith.constant 0 : index
    %get3A_56 = arith.constant 0 : index
    %get3A_57 = vector.load %arg2[%get3A_54, %get3A_55, %get3A_56] : memref<1x900x4xf32, #tpu.memory_space<vmem>>, vector<1x900x4xf32>
    %get3A_58 = vector.shape_cast %get3A_57 : vector<1x900x4xf32> to vector<900x4xf32>
    %jit3A = arith.constant 0.000000e+00 : f32
    %jit3A_59 = arith.constant 1.000000e+00 : f32
    %max3A_60 = vector.broadcast %jit3A : f32 to vector<900x4xf32>
    %max3A_61 = arith.maximumf %max3A_60, %get3A_58 : vector<900x4xf32>
    %min3A = vector.broadcast %jit3A_59 : f32 to vector<900x4xf32>
    %min3A_62 = arith.minimumf %min3A, %max3A_61 : vector<900x4xf32>
    %jit3A_63 = arith.constant 9.99999974E-6 : f32
    %max3A_64 = vector.broadcast %jit3A_63 : f32 to vector<900x4xf32>
    %max3A_65 = arith.maximumf %max3A_64, %min3A_62 : vector<900x4xf32>
    %sub3A = arith.constant 1.000000e+00 : f32
    %sub3A_66 = vector.broadcast %sub3A : f32 to vector<900x4xf32>
    %sub3A_67 = arith.subf %sub3A_66, %min3A_62 : vector<900x4xf32>
    %jit3A_68 = arith.constant 9.99999974E-6 : f32
    %max3A_69 = vector.broadcast %jit3A_68 : f32 to vector<900x4xf32>
    %max3A_70 = arith.maximumf %max3A_69, %sub3A_67 : vector<900x4xf32>
    %div3A = arith.divf %max3A_65, %max3A_70 : vector<900x4xf32>
    %log3A = math.log %div3A : vector<900x4xf32>
    %slice3A_71 = vector.extract_strided_slice %add3A_53 {offsets = [0, 0], sizes = [900, 4], strides = [1, 1]} : vector<900x128xf32> to vector<900x4xf32>
    %add3A_72 = arith.addf %slice3A_71, %log3A : vector<900x4xf32>
    %logistic3A = arith.negf %add3A_72 : vector<900x4xf32>
    %logistic3A_73 = math.exp %logistic3A : vector<900x4xf32>
    %logistic3A_74 = arith.constant 1.000000e+00 : f32
    %logistic3A_75 = vector.broadcast %logistic3A_74 : f32 to vector<900x4xf32>
    %logistic3A_76 = arith.addf %logistic3A_75, %logistic3A_73 : vector<900x4xf32>
    %logistic3A_77 = arith.divf %logistic3A_75, %logistic3A_76 : vector<900x4xf32>
    %swap3A_78 = arith.constant 0 : index
    %swap3A_79 = arith.constant 0 : index
    %swap3A_80 = arith.constant 0 : index
    %swap3A_81 = arith.constant 0 : index
    %swap3A_82 = vector.load %arg12[%swap3A_78, %swap3A_79, %swap3A_80, %swap3A_81] : memref<1x1x900x4xf32, #tpu.memory_space<vmem>>, vector<1x1x900x4xf32>
    %swap3A_83 = vector.shape_cast %swap3A_82 : vector<1x1x900x4xf32> to vector<900x4xf32>
    %swap3A_84 = vector.shape_cast %logistic3A_77 : vector<900x4xf32> to vector<1x1x900x4xf32>
    tpu.vector_store %arg12[%swap3A_78, %swap3A_79, %swap3A_80, %swap3A_81], %swap3A_84 {strides = array<i32>} : memref<1x1x900x4xf32, #tpu.memory_space<vmem>>, vector<1x1x900x4xf32>,
    return
  }
  func.func @transform_0(%arg0: i32) -> (i32, i32, i32, i32) {
    %jit3A = arith.constant 16 : i32
    %div3A = arith.divsi %arg0, %jit3A : i32
    %sign3A = arith.constant 0 : i32
    %sign3A_0 = arith.cmpi sgt, %arg0, %sign3A : i32
    %sign3A_1 = arith.extui %sign3A_0 : i1 to i32
    %sign3A_2 = arith.constant 0 : i32
    %sign3A_3 = arith.cmpi slt, %arg0, %sign3A_2 : i32
    %sign3A_4 = arith.extui %sign3A_3 : i1 to i32
    %sign3A_5 = arith.subi %sign3A_1, %sign3A_4 : i32
    %sign3A_6 = arith.constant 0 : i32
    %sign3A_7 = arith.cmpi sgt, %jit3A, %sign3A_6 : i32
    %sign3A_8 = arith.extui %sign3A_7 : i1 to i32
    %sign3A_9 = arith.constant 0 : i32
    %sign3A_10 = arith.cmpi slt, %jit3A, %sign3A_9 : i32
    %sign3A_11 = arith.extui %sign3A_10 : i1 to i32
    %sign3A_12 = arith.subi %sign3A_8, %sign3A_11 : i32
    %ne3A = arith.cmpi ne, %sign3A_5, %sign3A_12 : i32
    %rem3A = arith.remsi %arg0, %jit3A : i32
    %ne3A_13 = arith.constant 0 : i32
    %ne3A_14 = arith.cmpi ne, %rem3A, %ne3A_13 : i32
    %and3A = arith.andi %ne3A, %ne3A_14 : i1
    %sub3A = arith.constant 1 : i32
    %sub3A_15 = arith.subi %div3A, %sub3A : i32
    %select_n3A = arith.select %and3A, %sub3A_15, %div3A : i32
    %add3A = arith.constant 0 : i32
    %add3A_16 = arith.addi %add3A, %select_n3A : i32
    %jit3A_17 = arith.constant 16 : i32
    %eq3A = arith.constant 0 : i32
    %eq3A_18 = arith.cmpi eq, %jit3A_17, %eq3A : i32
    %jit3A_19 = arith.constant 1 : i32
    %select_n3A_20 = arith.select %eq3A_18, %jit3A_19, %jit3A_17 : i32
    %rem3A_21 = arith.remsi %arg0, %select_n3A_20 : i32
    %ne3A_22 = arith.constant 0 : i32
    %ne3A_23 = arith.cmpi ne, %rem3A_21, %ne3A_22 : i32
    %lt3A = arith.constant 0 : i32
    %lt3A_24 = arith.cmpi slt, %rem3A_21, %lt3A : i32
    %lt3A_25 = arith.constant 0 : i32
    %lt3A_26 = arith.cmpi slt, %select_n3A_20, %lt3A_25 : i32
    %ne3A_27 = arith.xori %lt3A_24, %lt3A_26 : i1
    %and3A_28 = arith.andi %ne3A_27, %ne3A_23 : i1
    %add3A_29 = arith.addi %rem3A_21, %select_n3A_20 : i32
    %select_n3A_30 = arith.select %and3A_28, %add3A_29, %rem3A_21 : i32
    %c0_i32 = arith.constant 0 : i32
    %c0_i32_31 = arith.constant 0 : i32
    %c0_i32_32 = arith.constant 0 : i32
    return %add3A_16, %select_n3A_30, %c0_i32, %c0_i32_31 : i32, i32, i32, i32
  }
  func.func @transform_1(%arg0: i32) -> (i32, i32, i32) {
    %add3A = arith.constant 0 : i32
    %add3A_0 = arith.addi %add3A, %arg0 : i32
    %c0_i32 = arith.constant 0 : i32
    %c0_i32_1 = arith.constant 0 : i32
    %c0_i32_2 = arith.constant 0 : i32
    return %add3A_0, %c0_i32, %c0_i32_1 : i32, i32, i32
  }
  func.func @transform_2(%arg0: i32) -> (i32, i32) {
    %c0_i32 = arith.constant 0 : i32
    %c0_i32_0 = arith.constant 0 : i32
    %c0_i32_1 = arith.constant 0 : i32
    return %c0_i32, %c0_i32_0 : i32, i32
  }
  func.func @transform_3(%arg0: i32) -> (i32, i32) {
    %c0_i32 = arith.constant 0 : i32
    %c0_i32_0 = arith.constant 0 : i32
    %c0_i32_1 = arith.constant 0 : i32
    return %c0_i32, %c0_i32_0 : i32, i32
  }
  func.func @transform_4(%arg0: i32) -> (i32, i32) {
    %c0_i32 = arith.constant 0 : i32
    %c0_i32_0 = arith.constant 0 : i32
    %c0_i32_1 = arith.constant 0 : i32
    return %c0_i32, %c0_i32_0 : i32, i32
  }
  func.func @transform_5(%arg0: i32) -> (i32, i32) {
    %c0_i32 = arith.constant 0 : i32
    %c0_i32_0 = arith.constant 0 : i32
    %c0_i32_1 = arith.constant 0 : i32
    return %c0_i32, %c0_i32_0 : i32, i32
  }
  func.func @transform_6(%arg0: i32) -> (i32, i32) {
    %c0_i32 = arith.constant 0 : i32
    %c0_i32_0 = arith.constant 0 : i32
    %c0_i32_1 = arith.constant 0 : i32
    return %c0_i32, %c0_i32_0 : i32, i32
  }
  func.func @transform_7(%arg0: i32) -> (i32, i32) {
    %c0_i32 = arith.constant 0 : i32
    %c0_i32_0 = arith.constant 0 : i32
    %c0_i32_1 = arith.constant 0 : i32
    return %c0_i32, %c0_i32_0 : i32, i32
  }
  func.func @transform_8(%arg0: i32) -> (i32, i32) {
    %c0_i32 = arith.constant 0 : i32
    %c0_i32_0 = arith.constant 0 : i32
    %c0_i32_1 = arith.constant 0 : i32
    return %c0_i32, %c0_i32_0 : i32, i32
  }
  func.func @transform_9(%arg0: i32) -> (i32, i32) {
    %c0_i32 = arith.constant 0 : i32
    %c0_i32_0 = arith.constant 0 : i32
    %c0_i32_1 = arith.constant 0 : i32
    return %c0_i32, %c0_i32_0 : i32, i32
  }
  func.func @transform_10(%arg0: i32) -> (i32, i32, i32, i32) {
    %jit3A = arith.constant 16 : i32
    %div3A = arith.divsi %arg0, %jit3A : i32
    %sign3A = arith.constant 0 : i32
    %sign3A_0 = arith.cmpi sgt, %arg0, %sign3A : i32
    %sign3A_1 = arith.extui %sign3A_0 : i1 to i32
    %sign3A_2 = arith.constant 0 : i32
    %sign3A_3 = arith.cmpi slt, %arg0, %sign3A_2 : i32
    %sign3A_4 = arith.extui %sign3A_3 : i1 to i32
    %sign3A_5 = arith.subi %sign3A_1, %sign3A_4 : i32
    %sign3A_6 = arith.constant 0 : i32
    %sign3A_7 = arith.cmpi sgt, %jit3A, %sign3A_6 : i32
    %sign3A_8 = arith.extui %sign3A_7 : i1 to i32
    %sign3A_9 = arith.constant 0 : i32
    %sign3A_10 = arith.cmpi slt, %jit3A, %sign3A_9 : i32
    %sign3A_11 = arith.extui %sign3A_10 : i1 to i32
    %sign3A_12 = arith.subi %sign3A_8, %sign3A_11 : i32
    %ne3A = arith.cmpi ne, %sign3A_5, %sign3A_12 : i32
    %rem3A = arith.remsi %arg0, %jit3A : i32
    %ne3A_13 = arith.constant 0 : i32
    %ne3A_14 = arith.cmpi ne, %rem3A, %ne3A_13 : i32
    %and3A = arith.andi %ne3A, %ne3A_14 : i1
    %sub3A = arith.constant 1 : i32
    %sub3A_15 = arith.subi %div3A, %sub3A : i32
    %select_n3A = arith.select %and3A, %sub3A_15, %div3A : i32
    %add3A = arith.constant 0 : i32
    %add3A_16 = arith.addi %add3A, %select_n3A : i32
    %jit3A_17 = arith.constant 16 : i32
    %eq3A = arith.constant 0 : i32
    %eq3A_18 = arith.cmpi eq, %jit3A_17, %eq3A : i32
    %jit3A_19 = arith.constant 1 : i32
    %select_n3A_20 = arith.select %eq3A_18, %jit3A_19, %jit3A_17 : i32
    %rem3A_21 = arith.remsi %arg0, %select_n3A_20 : i32
    %ne3A_22 = arith.constant 0 : i32
    %ne3A_23 = arith.cmpi ne, %rem3A_21, %ne3A_22 : i32
    %lt3A = arith.constant 0 : i32
    %lt3A_24 = arith.cmpi slt, %rem3A_21, %lt3A : i32
    %lt3A_25 = arith.constant 0 : i32
    %lt3A_26 = arith.cmpi slt, %select_n3A_20, %lt3A_25 : i32
    %ne3A_27 = arith.xori %lt3A_24, %lt3A_26 : i1
    %and3A_28 = arith.andi %ne3A_27, %ne3A_23 : i1
    %add3A_29 = arith.addi %rem3A_21, %select_n3A_20 : i32
    %select_n3A_30 = arith.select %and3A_28, %add3A_29, %rem3A_21 : i32
    %c0_i32 = arith.constant 0 : i32
    %c0_i32_31 = arith.constant 0 : i32
    %c0_i32_32 = arith.constant 0 : i32
    return %add3A_16, %select_n3A_30, %c0_i32, %c0_i32_31 : i32, i32, i32, i32
  }
  func.func @transform_11(%arg0: i32) -> (i32, i32, i32, i32) {
    %jit3A = arith.constant 16 : i32
    %div3A = arith.divsi %arg0, %jit3A : i32
    %sign3A = arith.constant 0 : i32
    %sign3A_0 = arith.cmpi sgt, %arg0, %sign3A : i32
    %sign3A_1 = arith.extui %sign3A_0 : i1 to i32
    %sign3A_2 = arith.constant 0 : i32
    %sign3A_3 = arith.cmpi slt, %arg0, %sign3A_2 : i32
    %sign3A_4 = arith.extui %sign3A_3 : i1 to i32
    %sign3A_5 = arith.subi %sign3A_1, %sign3A_4 : i32
    %sign3A_6 = arith.constant 0 : i32
    %sign3A_7 = arith.cmpi sgt, %jit3A, %sign3A_6 : i32
    %sign3A_8 = arith.extui %sign3A_7 : i1 to i32
    %sign3A_9 = arith.constant 0 : i32
    %sign3A_10 = arith.cmpi slt, %jit3A, %sign3A_9 : i32
    %sign3A_11 = arith.extui %sign3A_10 : i1 to i32
    %sign3A_12 = arith.subi %sign3A_8, %sign3A_11 : i32
    %ne3A = arith.cmpi ne, %sign3A_5, %sign3A_12 : i32
    %rem3A = arith.remsi %arg0, %jit3A : i32
    %ne3A_13 = arith.constant 0 : i32
    %ne3A_14 = arith.cmpi ne, %rem3A, %ne3A_13 : i32
    %and3A = arith.andi %ne3A, %ne3A_14 : i1
    %sub3A = arith.constant 1 : i32
    %sub3A_15 = arith.subi %div3A, %sub3A : i32
    %select_n3A = arith.select %and3A, %sub3A_15, %div3A : i32
    %add3A = arith.constant 0 : i32
    %add3A_16 = arith.addi %add3A, %select_n3A : i32
    %jit3A_17 = arith.constant 16 : i32
    %eq3A = arith.constant 0 : i32
    %eq3A_18 = arith.cmpi eq, %jit3A_17, %eq3A : i32
    %jit3A_19 = arith.constant 1 : i32
    %select_n3A_20 = arith.select %eq3A_18, %jit3A_19, %jit3A_17 : i32
    %rem3A_21 = arith.remsi %arg0, %select_n3A_20 : i32
    %ne3A_22 = arith.constant 0 : i32
    %ne3A_23 = arith.cmpi ne, %rem3A_21, %ne3A_22 : i32
    %lt3A = arith.constant 0 : i32
    %lt3A_24 = arith.cmpi slt, %rem3A_21, %lt3A : i32
    %lt3A_25 = arith.constant 0 : i32
    %lt3A_26 = arith.cmpi slt, %select_n3A_20, %lt3A_25 : i32
    %ne3A_27 = arith.xori %lt3A_24, %lt3A_26 : i1
    %and3A_28 = arith.andi %ne3A_27, %ne3A_23 : i1
    %add3A_29 = arith.addi %rem3A_21, %select_n3A_20 : i32
    %select_n3A_30 = arith.select %and3A_28, %add3A_29, %rem3A_21 : i32
    %c0_i32 = arith.constant 0 : i32
    %c0_i32_31 = arith.constant 0 : i32
    %c0_i32_32 = arith.constant 0 : i32
    return %add3A_16, %select_n3A_30, %c0_i32, %c0_i32_31 : i32, i32, i32, i32
  }
}

</mosaic_0001>

<sc_bundles>
// kernel: kernel.5.cloned.1.call-start
scs
__scs_entry_jumppad:
0x0: {  	(pc) =	sbr.rel $0x88, $3  }
0x1: {  	(tag) =	ssettag $0x0;
	lr =	simm.s32 $0x1  }
0x2: {  	[smem:$0x3F95] =	sst lr;
	_ =	strace $0xD0000000  }
0x3: {  	_ = 	snop  }
0x4: {  	_ = 	snop  }
0x5: {  	_ = 	snop  }
0x6: {  	_ = 	snop  }
0x7: {  	_ = 	snop  }
__scs_overlays_trampoline_lowered:
0x8: {  	[smem:$0x3FA4] =	sst s0  }
0x9: {  	[smem:$0x3FA5] =	sst s1  }
0xa: {  	[smem:$0x3FA6] =	sst s2  }
0xb: {  	[smem:$0x3FA7] =	sst s3  }
0xc: {  	[smem:$0x3FA8] =	sst s4  }
0xd: {  	[smem:$0x3FA9] =	sst s5  }
0xe: {  	[smem:$0x3FAA] =	sst s6  }
0xf: {  	[smem:$0x3FAB] =	sst s7  }
0x10: {  	[smem:$0x3FAC] =	sst s8  }
0x11: {  	[smem:$0x3FAD] =	sst s9;
	s0 =	simm.s32 @!p0 $0x0  }
0x12: {  	s1 =	sld [smem:$0x3F93];
	s0 =	simm.s32 @p0 $0x1  }
0x13: {  	[smem:$0x3FAE] =	sst s0;
	s0 =	simm.s32 @!p1 $0x0  }
0x14: {  	s2 =	sld [smem:$0x3F92];
	s0 =	simm.s32 @p1 $0x1  }
0x15: {  	[smem:$0x3FAF] =	sst s0;
	s0 =	simm.s32 @!p2 $0x0  }
0x16: {  	s3 =	sld [smem:$0x3FDB];
	s0 =	simm.s32 @p2 $0x1  }
0x17: {  	s4 =	simm.s32 $0x1BF5;
	[smem:$0x3FB1] =	sst s0  }
0x18: {  	s0 =	sld [smem:$0x3F94];
	_ =	swait.ge [sflag:s4], $0x0  }
0x19: {  	s7 =	sld [smem:$0x3F95]  }
0x1a: {  	s8 =	sadd.s32 $0xFFFFE003, lr  }
0x1b: {  	s9 =	sadd.s32 $0xFFFFFEF7, lr;
	s5 =	simm.s32 $0xFFFFFFFF;
	p2 =	slt.u32 s8, $0xFFFFF086  }
0x1c: {  	p1 =	slt.u32 s9, $0xF7A;
	s5 =	simm.s32 @!p2 $0x0  }
0x1d: {  	s5 =	simm.s32 @p1 $0x1;
	p0 =	seq.s32 s7, s2  }
0x1e: {  	s7 =	smul.u32 @!p0 $0xF7A, s2;
	p2 =	seq.s32 @!p0 s5, $0x0  }
0x1f: {  	s9 =	smul.u32 $0xF7A, s1;
	s8 =	simm.s32 @!p0 $0x1BF5;
	p2 =	por !p2, p0  }
0x20: {  	[sflag:s8] =	ssyncset.s32 @!p0 $0xFFFFF086;
	s6 =	sadd.s32 @!p0 s3, s7;
	s7 =	simm.s32 @!p0 $0x108  }
0x21: {  	s3 =	sadd.s32 s3, s9;
	s6 =	sadd.s32 @!p0 $0x88, s6;
	s7 =	simm.s32 @p2 $0x1082  }
0x22: {  	[simem:s7], [sflag:s8] =	dma.local @!p0 [hbm:s6], $0xF7A  }
0x23: {  	s9 =	sor.u32 $0xD0000000, s2;
	s6 =	simm.s32 $0x108;
	_ =	swait.ge @!p0 [sflag:s8], $0x0  }
0x24: {  	s3 =	sadd.s32 $0x88, s3;
	s6 =	simm.s32 @!p1 $0x1082;
	[sflag:s4] =	ssyncset.s32 $0xFFFFF086  }
0x25: {  	[simem:s6], [sflag:s4] =	dma.local [hbm:s3], $0xF7A  }
0x26: {  	[smem:$0x3F95] =	sst s1;
	(tag) =	ssettag s2;
	_ =	strace s9  }
0x27: {  	s1 =	sld [smem:$0x3FA5]  }
0x28: {  	s2 =	sld [smem:$0x3FA6]  }
0x29: {  	s4 =	sld [smem:$0x3FA8]  }
0x2a: {  	p0 =	seq.s32 s5, $0x0;
	s5 =	sld [smem:$0x3FA9]  }
0x2b: {  	s6 =	sld [smem:$0x3FAA]  }
0x2c: {  	s7 =	sld [smem:$0x3FAB]  }
0x2d: {  	s3 =	simm.s32 $0x108;
	s8 =	sld [smem:$0x3FAC]  }
0x2e: {  	s3 =	simm.s32 @!p0 $0x1082;
	s9 =	sld [smem:$0x3FAD]  }
0x2f: {  	lr =	sadd.s32 s0, s3;
	s0 =	sld [smem:$0x3FA4]  }
0x30: {  	s3 =	sld [smem:$0x3FA7]  }
0x31: {  	[smem:$0x3FB0] =	sst s10  }
0x32: {  	s10 =	sld [smem:$0x3FAE];
	_ =	sdelay $0x3  }
0x33: {  	p0 =	seq.s32 s10, $0x1;
	s10 =	sld [smem:$0x3FB0];
	_ =	sdelay $0x3  }
0x34: {  	[smem:$0x3FB0] =	sst s10  }
0x35: {  	s10 =	sld [smem:$0x3FAF];
	_ =	sdelay $0x3  }
0x36: {  	p1 =	seq.s32 s10, $0x1;
	s10 =	sld [smem:$0x3FB0];
	_ =	sdelay $0x3  }
0x37: {  	[smem:$0x3FB0] =	sst s10  }
0x38: {  	s10 =	sld [smem:$0x3FB1]  }
0x39: {  	_ = 	snop;
	(pc) =	sbr.ind lr, $3  }
0x3a: {  	_ = 	snop  }
0x3b: {  	_ = 	snop  }
0x3c: {  	p2 =	seq.s32 s10, $0x1;
	s10 =	sld [smem:$0x3FB0]  }
0x3d: {  	_ =	shalt  }
0x3e: {  	_ =	shalt  }
0x3f: {  	_ =	shalt  }
0x40: {  	_ =	shalt  }
0x41: {  	_ =	shalt  }
0x42: {  	_ =	shalt  }
0x43: {  	_ =	shalt  }
0x44: {  	_ =	shalt  }
0x45: {  	_ =	shalt  }
0x46: {  	_ =	shalt  }
0x47: {  	_ =	shalt  }
0x48: {  	_ =	shalt  }
0x49: {  	_ =	shalt  }
0x4a: {  	_ =	shalt  }
0x4b: {  	_ =	shalt  }
0x4c: {  	_ =	shalt  }
0x4d: {  	_ =	shalt  }
0x4e: {  	_ =	shalt  }
0x4f: {  	_ =	shalt  }
0x50: {  	_ =	shalt  }
0x51: {  	_ =	shalt  }
0x52: {  	_ =	shalt  }
0x53: {  	_ =	shalt  }
0x54: {  	_ =	shalt  }
0x55: {  	_ =	shalt  }
0x56: {  	_ =	shalt  }
0x57: {  	_ =	shalt  }
0x58: {  	_ =	shalt  }
0x59: {  	_ =	shalt  }
0x5a: {  	_ =	shalt  }
0x5b: {  	_ =	shalt  }
0x5c: {  	_ =	shalt  }
0x5d: {  	_ =	shalt  }
0x5e: {  	_ =	shalt  }
0x5f: {  	_ =	shalt  }
0x60: {  	_ =	shalt  }
0x61: {  	_ =	shalt  }
0x62: {  	_ =	shalt  }
0x63: {  	_ =	shalt  }
0x64: {  	_ =	shalt  }
0x65: {  	_ =	shalt  }
0x66: {  	_ =	shalt  }
0x67: {  	_ =	shalt  }
0x68: {  	_ =	shalt  }
0x69: {  	_ =	shalt  }
0x6a: {  	_ =	shalt  }
0x6b: {  	_ =	shalt  }
0x6c: {  	_ =	shalt  }
0x6d: {  	_ =	shalt  }
0x6e: {  	_ =	shalt  }
0x6f: {  	_ =	shalt  }
0x70: {  	_ =	shalt  }
0x71: {  	_ =	shalt  }
0x72: {  	_ =	shalt  }
0x73: {  	_ =	shalt  }
0x74: {  	_ =	shalt  }
0x75: {  	_ =	shalt  }
0x76: {  	_ =	shalt  }
0x77: {  	_ =	shalt  }
0x78: {  	_ =	shalt  }
0x79: {  	_ =	shalt  }
0x7a: {  	_ =	shalt  }
0x7b: {  	_ =	shalt  }
0x7c: {  	_ =	shalt  }
0x7d: {  	_ =	shalt  }
0x7e: {  	_ =	shalt  }
0x7f: {  	_ =	shalt  }
0x80: {  	_ =	shalt  }
0x81: {  	_ =	shalt  }
0x82: {  	_ =	shalt  }
0x83: {  	_ =	shalt  }
0x84: {  	_ =	shalt  }
0x85: {  	_ =	shalt  }
0x86: {  	_ =	shalt  }
0x87: {  	_ =	shalt  }
.Lfunc_end0:
.L_simem_size_0:
called_computation_lowered:
.L_overlay_start_0:
0x88: {  	s2 =	sld [smem:$0x3FD9]  }
0x89: {  	s3 =	sld [smem:$0x3FFE];
	_ =	sdelay $0x1  }
0x8a: {  	s1 =	srdreg.scid  }
0x8b: {  	s0 =	sand.u32 $0x1, s1  }
0x8c: {  	s14 =	sshll.u32 s0, $0xA;
	s2 =	sadd.s32 s3, s2  }
0x8d: {  	s2 =	sadd.s32 s2, s14  }
0x8e: {  	[smem:$0x3FBC] =	sst s2  }
0x8f: {  	_ = 	snop  }
0x90: {  	s2 =	sld [smem:$0x3FD0];
	_ =	sdelay $0x2  }
0x91: {  	s15 =	simm.s32 $0xA;
	s4 =	simm.s32 $0x10  }
0x92: {  	[smem:s4], [sflag:s15] =	dma.local [hbm:s2], $0x1  }
0x93: {  	_ =	swait.eq [sflag:s15], $0x1  }
0x94: {  	s16 =	sld [smem:$0x12];
	[sflag:s15] =	ssyncset.done $0x0  }
0x95: {  	s17 =	sld [smem:$0x13];
	[sflag:s15] =	ssyncadd.s32 $0xFFFFFFFF  }
0x96: {  	s18 =	sld [smem:$0x14];
	(tm) =	ssettm $0x1  }
0x97: {  	s5 =	sld [smem:$0x3FFB];
	_ =	sdelay $0x3  }
0x98: {  	_ =	strace s5  }
0x99: {  	s5 =	sld [smem:$0x3FFC];
	_ =	sdelay $0x3  }
0x9a: {  	_ =	strace s5  }
0x9b: {  	s5 =	sld [smem:$0x3FFD];
	_ =	sdelay $0x3  }
0x9c: {  	_ =	strace s5  }
0x9d: {  	_ =	strace $0x8FFFFFFF  }
0x9e: {  	s19 =	sld [smem:$0x3FDB];
	_ =	sdelay $0x1  }
0x9f: {  	s6 =	simm.s32 $_scs_section_size  }
0xa0: {  	s7 =	simm.s32 $_size__tile_overlayer_lowered;
	s8 =	simm.s32 $_tile_overlayer_lowered  }
0xa1: {  	s22 =	simm.s32 $0x1BFF;
	s21 =	sshll.u32 s8, $0x1;
	s5 =	sadd.s32 s6, s19  }
0xa2: {  	s9 =	simm.s32 $0x0;
	s20 =	sshll.u32 s7, $0x1;
	s7 =	sadd.s32 s21, s5  }
0xa3: {  	[timem:s9], [sflag:s22] =	dma.local [hbm:s7], s20  }
0xa4: {  	_ =	swait.ge [sflag:s22], s20  }
0xa5: {  	s6 =	ssub.s32 $0x0, s20;
	[sflag:s22] =	ssyncset.done $0x0  }
0xa6: {  	[sflag:s22] =	ssyncadd.s32 s6;
	_ =	sdelay $0x1  }
0xa7: {  	s23 =	simm.s32 $0x1B8B  }
0xa8: {  	_ =	swait.ge [sflag:s23], $0x1  }
0xa9: {  	[sflag:s23] =	ssyncset.done $0x0  }
0xaa: {  	s25 =	simm.s32 $0x1B8E;
	s24 =	sld [smem:$0x3FFE];
	[sflag:s23] =	ssyncadd.s32 $0xFFFFFFFF  }
0xab: {  	s26 =	simm.s32 $execute0_lowered;
	[smem:$0x3FD2] =	sst s25  }
0xac: {  	s7 =	sshll.u32 s26, $0x1;
	_ =	strace $0x80000046;
	[dreg:$0x1] =	wrdreg $0xFFFFFFFF  }
0xad: {  	s28 =	simm.s32 $_size_execute0_lowered;
	s5 =	sadd.s32 s5, s7;
	[dreg:$0x0] =	wrdreg $0x0  }
0xae: {  	s7 =	sshll.u32 s28, $0x1;
	[dreg:$0x2] =	wrdreg s5  }
0xaf: {  	[dreg:$0x3] =	wrdreg s7  }
0xb0: {  	[dreg:$0x4] =	wrdreg $0xC0  }
0xb1: {  	_ =	task [dreg:s9], $0x5FFFF  }
0xb2: {  	[dreg:$0x1] =	wrdreg $0xFFFFFFFF  }
0xb3: {  	[dreg:$0x0] =	wrdreg $0x60  }
0xb4: {  	[dreg:$0x2] =	wrdreg s24  }
0xb5: {  	[dreg:$0x3] =	wrdreg s16  }
0xb6: {  	[dreg:$0x4] =	wrdreg s17  }
0xb7: {  	[dreg:$0x5] =	wrdreg s18  }
0xb8: {  	[dreg:$0x6] =	wrdreg $0x9  }
0xb9: {  	_ =	task.clear_ibuf [dreg:s9], $0x7FFFF;
	_ =	strace $0x90000046  }
0xba: {  	s29 =	simm.s32 $0x9;
	_ =	strace $0x80000048  }
0xbb: {  	_ =	swait.ge [sflag:s29], $0x1  }
0xbc: {  	[sflag:s29] =	ssyncadd.s32 $0xFFFFFFFF  }
0xbd: {  	_ =	strace $0x90000048  }
0xbe: {  	_ =	sfence  }
0xbf: {  	s30 =	sld [smem:$0x0];
	_ =	sdelay $0x2  }
0xc0: {  	s31 =	sshll.u32 s1, $0xD;
	s1 =	sshrl.u32 s1, $0x2  }
0xc1: {  	s3 =	sand.u32 $0x4000, s31;
	s1 =	sadd.s32 s1, s30  }
0xc2: {  	s0 =	sor.u32 s3, s0;
	s1 =	sshll.u32 s1, $0x11  }
0xc3: {  	s0 =	sor.u32 s1, s0  }
0xc4: {  	s0 =	sadd.s32 $0x8F2B, s0  }
0xc5: {  	[sflag:s0] =	ssyncadd.remote.s32 $0x1  }
0xc6: {  	_ =	sfence.sel $0xFFFF  }
0xc7: {  	[dreg:$0x0] =	wrdreg $0xFFFFFFFF;
	(pc) =	sbr.abs _section_cstart, $3  }
0xc8: {  	[dreg:$0x1] =	wrdreg $0xFFFFFFFF  }
0xc9: {  	_ =	task.clear_ibuf [dreg:s9], $0x2FFFF;
	_ =	strace $0x9FFFFFFF  }
0xca: {  	(tm) =	ssettm $0x7FFFFFFF  }
0xcb: {  	_ =	shalt  }
tec
execute0_lowered:
.L_overlay_start_1:
0x0: {  	(tag) =	ssettag $0x1  }
0x1: {  	s4 =	stileid.u32  }
0x2: {  	p0 =	sgt.u32 s4, $0x7  }
.Ltmp0:
0x3: {  	s3 =	rddreg [dreg:$0x0];
	(pc) =	sbr.rel @p0 .LBB2_30-.Ltmp0, $4  }
0x4: {  	s2 =	rddreg [dreg:$0x1]  }
0x5: {  	s1 =	rddreg [dreg:$0x2];
	s11 =	simm.s32 $0x0  }
0x6: {  	[smem:$0x7FF] =	sst s11  }
0x7: {  	s0 =	rddreg [dreg:$0x3];
	_ =	strace $0x80000047  }
0x8: {  	s4 =	srdreg.scid  }
0x9: {  	s6 =	stileid.u32;
	s9 =	sadd.s32 $0x3FD600, s3;
	s20 =	sadd.s32 $0x425A00, s3  }
0xa: {  	s14 =	simm.s32 $0x1;
	s15 =	simm.s32 $0x1CD00;
	s30 =	simm.s32 $0x1CB00  }
0xb: {  	s31 =	simm.s32 $0x1CC80;
	s4 =	sand.u32 $0x1, s4;
	[dreg:$0x7] =	wrdreg s20  }
0xc: {  	s5 =	sshrl.u32 s6, $0x2;
	s6 =	sshll.u32 s6, $0x8;
	[dreg:$0x5] =	wrdreg s30  }
0xd: {  	[dreg:$0x6] =	wrdreg s31;
	s20 =	simm.s32 $0x1DC80;
	s7 =	sshll.u32 s4, $0x7  }
0xe: {  	s6 =	sand.u32 $0x300, s6;
	s8 =	smul.u32 $0x7400, s5;
	s19 =	sshll.u32 s5, $0xA  }
0xf: {  	s24 =	smul.u32 $0xA0000, s5;
	s25 =	sshll.u32 s5, $0xC;
	s6 =	sor.u32 s7, s6  }
0x10: {  	s26 =	ssub.s32 $0x2, s4;
	s8 =	sor.u32 s8, s6;
	s7 =	sor.u32 s19, s6  }
0x11: {  	s4 =	sshrl.u32 s26, $0x1;
	s8 =	sshrl.u32 s8, $0x3;
	s7 =	sshrl.u32 s7, $0x3  }
0x12: {  	s19 =	simm.s32 $0x1CC00;
	s8 =	sadd.s32 s8, s3;
	s2 =	sadd.s32 s2, s7  }
0x13: {  	s10 =	sadd.s32 s7, s3;
	s1 =	sadd.s32 s1, s7;
	[dreg:$0xb] =	wrdreg s2  }
0x14: {  	v0 =	vlaneseq.u32;
	v2 =	vimm.s32 $0x1;
	v10 =	vimm.s32 $0xECA86420;
	s3 =	ssub.s32 s26, s4;
	s21 =	sadd.s32 $0x3FB800, s8;
	[dreg:$0xc] =	wrdreg s1  }
0x15: {  	v4 =	vimm.s32 $0x0;
	vm0 =	vcmask $0xB08;
	vm1 =	vcmask $0x1310;
	s22 =	sadd.s32 $0x425600, s10;
	s23 =	sadd.s32 $0x425800, s10;
	[dreg:$0x8] =	wrdreg s21  }
0x16: {  	vm2 =	vmmov $0xff;
	v13 =	vimm.s32 $0x0;
	v3 =	vmul.u32 $0xFFFFFFFF, v0;
	s1 =	sor.u32 s25, s6;
	s2 =	sor.u32 s24, s6;
	[dreg:$0x9] =	wrdreg s22  }
0x17: {  	v1 =	vmul.u32 $0x800, v0;
	v5 =	vor.u32 $0x10, v0;
	v6 =	vor.u32 $0x20, v0;
	s29 =	smax.u32 s3, $0x1;
	[dreg:$0xa] =	wrdreg s23;
	s1 =	sshrl.u32 s1, $0x3  }
0x18: {  	v7 =	vor.u32 $0x30, v0;
	v8 =	vor.u32 $0x40, v0;
	v11 =	vunpack.c.l.s4.s8 v10;
	s2 =	sshrl.u32 s2, $0x3;
	[dreg:$0xf] =	wrdreg s29;
	s0 =	sadd.s32 s0, s1  }
0x19: {  	v9 =	vor.u32 $0x50, v0;
	v10 =	vor.u32 $0x60, v0;
	v13 =	vsel vm2, $0xFFFFFFFF, v13;
	s22 =	simm.s32 $0x0;
	s28 =	sadd.s32 s9, s2;
	[dreg:$0xd] =	wrdreg s0  }
0x1a: {  	v12 =	vmul.u32 $0x2, v0;
	[tilespmem:$0x1FFF0] =	vst v13;
	v3 =	vadd.s32 $0xF, v3;
	v11 =	vunpack.c.0.s8.s32 v11;
	s1 =	simm.s32 $0x80;
	s2 =	simm.s32 $0x400;
	[dreg:$0xe] =	wrdreg s28  }
.LBB2_2:
0x1b: {  	s0 =	rddreg [dreg:$0xe]  }
0x1c: {  	[tilespmem:s11], [sflag:$0x1] =	stream.strided.gather [hbm4b:s0+s1], $0x14000, s2, s1, $0x38;
	[tilespmem:$0x1DE80] =	vst v63  }
0x1d: {  	_ =	swait.ge [sflag:s14], $0x14000  }
0x1e: {  	[sflag:s14] =	ssyncset.done $0x0  }
0x1f: {  	s24 =	rddreg [dreg:$0x8];
	[sflag:s14] =	ssyncadd.s32 $0xFFFEC000  }
0x20: {  	[tilespmem:s15], [sflag:$0x1] =	stream.strided.gather [hbm4b:s24+s1], $0xE80, s2, s1, $0x38;
	[tilespmem:$0x1DE80] =	vst v63  }
0x21: {  	_ =	swait.ge [sflag:s14], $0xE80  }
0x22: {  	[sflag:s14] =	ssyncset.done $0x0  }
0x23: {  	s26 =	simm.s32 $0x1DB80;
	s25 =	rddreg [dreg:$0x9];
	[sflag:s14] =	ssyncadd.s32 $0xFFFFF180  }
0x24: {  	[tilespmem:s26], [sflag:$0x1] =	stream.linear.gather [hbm4b:s25+s11], $0x80, $0x38;
	[tilespmem:$0x1DE80] =	vst v63  }
0x25: {  	_ =	swait.ge [sflag:s14], $0x80  }
0x26: {  	[sflag:s14] =	ssyncset.done $0x0  }
0x27: {  	s29 =	simm.s32 $0x1DC00;
	s28 =	rddreg [dreg:$0xa];
	[sflag:s14] =	ssyncadd.s32 $0xFFFFFF80  }
0x28: {  	[tilespmem:s29], [sflag:$0x1] =	stream.linear.gather [hbm4b:s28+s11], $0x80, $0x38;
	[tilespmem:$0x1DE80] =	vst v63  }
0x29: {  	_ =	swait.ge [sflag:s14], $0x80  }
0x2a: {  	[sflag:s14] =	ssyncset.done $0x0  }
0x2b: {  	s31 =	simm.s32 $0x14000;
	s30 =	rddreg [dreg:$0x7];
	[sflag:s14] =	ssyncadd.s32 $0xFFFFFF80  }
0x2c: {  	[tilespmem:s31], [sflag:$0x1] =	stream.linear.gather [hbm4b:s30+s11], $0x8000, $0x38;
	[tilespmem:$0x1DE80] =	vst v63  }
0x2d: {  	_ =	swait.ge [sflag:s14], $0x8000  }
0x2e: {  	[sflag:s14] =	ssyncset.done $0x0  }
0x2f: {  	s1 =	simm.s32 $0x40;
	[sflag:s14] =	ssyncadd.s32 $0xFFFF8000  }
0x30: {  	v13 =	vld [tilespmem:s1+$0x30]  }
0x31: {  	v14 =	vld [tilespmem:s1+$0xFFFFFFD0]  }
0x32: {  	v15 =	vld [tilespmem:s1+$0xFFFFFFE0]  }
0x33: {  	v17 =	vld [tilespmem:s1+$0x0]  }
0x34: {  	v19 =	vld [tilespmem:s1+$0x10]  }
0x35: {  	v21 =	vld [tilespmem:s1+$0x20];
	_ =	sdelay $0x2  }
0x36: {  	v16 =	vld [tilespmem:s1+$0xFFFFFFF0]  }
0x37: {  	v18 =	vshra.s32 v13, $0x1F;
	v20 =	vshra.s32 v14, $0x1F;
	v23 =	vshra.s32 v15, $0x1F  }
0x38: {  	v25 =	vshra.s32 v17, $0x1F;
	v27 =	vshra.s32 v19, $0x1F;
	v28 =	vshra.s32 v21, $0x1F  }
0x39: {  	v18 =	vor.u32 $0x80000000, v18;
	v20 =	vor.u32 $0x80000000, v20;
	v25 =	vor.u32 $0x80000000, v25  }
0x3a: {  	v27 =	vor.u32 $0x80000000, v27;
	v28 =	vor.u32 $0x80000000, v28;
	v24 =	vxor.u32 v13, v18  }
0x3b: {  	v22 =	vld [tilespmem:s1+$0xFFFFFFC0];
	v13 =	vor.u32 $0x80000000, v23;
	v18 =	vshra.s32 v16, $0x1F;
	v14 =	vxor.u32 v14, v20  }
0x3c: {  	v30 =	vxor.u32 v17, v25;
	v23 =	vshrl.u32 v24, $0x15;
	v18 =	vor.u32 $0x80000000, v18  }
0x3d: {  	v29 =	vxor.u32 v15, v13;
	v15 =	vxor.u32 v19, v27;
	v13 =	vxor.u32 v21, v28  }
0x3e: {  	[tilespmem:s1+$0xFFFFFFD0] =	vst v14;
	v14 =	vshrl.u32 v14, $0x15;
	v20 =	vshrl.u32 v30, $0x15;
	v26 =	vand.u32 $0x780, v23  }
0x3f: {  	v23 =	vand.u32 $0x7F, v23;
	v19 =	vshrl.u32 v29, $0x15;
	v26 =	vor.u32 v1, v26  }
0x40: {  	v17 =	vshrl.u32 v15, $0x15;
	v23 =	vor.u32 v23, v26;
	v26 =	vshra.s32 v22, $0x1F  }
0x41: {  	[tilespmem:s1+$0x30] =	vst v24;
	v24 =	vand.u32 $0x780, v14;
	v31 =	vand.u32 $0x780, v20;
	v26 =	vor.u32 $0x80000000, v26  }
0x42: {  	[tilespmem:s1+$0x0] =	vst v30;
	v25 =	vand.u32 $0x780, v19;
	v27 =	vand.u32 $0x780, v17;
	v22 =	vxor.u32 v22, v26  }
0x43: {  	[tilespmem:s1+$0xFFFFFFE0] =	vst v29;
	v25 =	vor.u32 v1, v25;
	v26 =	vxor.u32 v16, v18;
	v18 =	vshrl.u32 v22, $0x15  }
0x44: {  	v16 =	vshrl.u32 v13, $0x15;
	v21 =	vshrl.u32 v26, $0x15;
	[tilespmem:s1+$0xFFFFFFC0] =	vst v22;
	v22 =	vand.u32 $0x780, v18  }
0x45: {  	s4 =	simm.s32 $0x0;
	v28 =	vand.u32 $0x780, v16;
	v29 =	vand.u32 $0x780, v21;
	[tilespmem:v23+s31+$0x0] =	vst.idx.add.s32.msk $0xffff, v2;
	v23 =	vor.u32 v1, v22  }
0x46: {  	s5 =	simm.s32 $0xC0;
	s16 =	simm.s32 $0x14000;
	s0 =	simm.s32 $0x1C000;
	[tilespmem:s1+$0xFFFFFFF0] =	vst v26;
	v22 =	vor.u32 v1, v24;
	v26 =	vor.u32 v1, v29;
	v24 =	vor.u32 v1, v31  }
.LBB2_3:
0x47: {  	v29 =	vld [tilespmem:s5+$0x30];
	s4 =	sadd.s32 $0x8, s4;
	v18 =	vand.u32 $0x7F, v18;
	[tilespmem:s1+$0x10] =	vst v15;
	v15 =	vor.u32 v1, v27;
	v27 =	vor.u32 v1, v28  }
0x48: {  	v14 =	vand.u32 $0x7F, v14;
	v19 =	vand.u32 $0x7F, v19;
	v21 =	vand.u32 $0x7F, v21;
	v28 =	vld [tilespmem:s5+$0xFFFFFFD0];
	p0 =	slt.u32 s4, $0x13F8;
	[tilespmem:s1+$0x20] =	vst v13;
	s1 =	smov.u32 s5  }
0x49: {  	v20 =	vand.u32 $0x7F, v20;
	v17 =	vand.u32 $0x7F, v17;
	v16 =	vand.u32 $0x7F, v16;
	v13 =	vld [tilespmem:s5+$0xFFFFFFE0]  }
0x4a: {  	v18 =	vor.u32 v18, v23;
	v22 =	vor.u32 v14, v22;
	v14 =	vor.u32 v19, v25;
	v30 =	vld [tilespmem:s5+$0xFFFFFFF0]  }
0x4b: {  	v21 =	vor.u32 v21, v26;
	v20 =	vor.u32 v20, v24;
	v15 =	vor.u32 v17, v15;
	v19 =	vld [tilespmem:s5+$0x0]  }
0x4c: {  	v16 =	vor.u32 v16, v27;
	v17 =	vld [tilespmem:s5+$0x10];
	v23 =	vshra.s32 v29, $0x1F  }
0x4d: {  	v24 =	vshra.s32 v28, $0x1F;
	v25 =	vld [tilespmem:s5+$0x20];
	v23 =	vor.u32 $0x80000000, v23  }
0x4e: {  	v26 =	vld [tilespmem:s5+$0xFFFFFFC0];
	v24 =	vor.u32 $0x80000000, v24;
	v27 =	vshra.s32 v13, $0x1F;
	v23 =	vxor.u32 v29, v23  }
0x4f: {  	v27 =	vor.u32 $0x80000000, v27;
	v29 =	vshra.s32 v30, $0x1F;
	v31 =	vshrl.u32 v23, $0x15;
	[tilespmem:v18+s16+$0x0] =	vst.idx.add.s32.msk $0xffff, v2  }
0x50: {  	v18 =	vor.u32 $0x80000000, v29;
	v29 =	vshra.s32 v19, $0x1F;
	v32 =	vand.u32 $0x780, v31;
	[tilespmem:v21+s16+$0x0] =	vst.idx.add.s32.msk $0xffff, v2  }
0x51: {  	v31 =	vand.u32 $0x7F, v31;
	v21 =	vshra.s32 v17, $0x1F;
	v32 =	vor.u32 v1, v32;
	[tilespmem:v14+s16+$0x0] =	vst.idx.add.s32.msk $0xffff, v2  }
0x52: {  	v14 =	vor.u32 $0x80000000, v29;
	v29 =	vshra.s32 v25, $0x1F;
	v31 =	vor.u32 v31, v32;
	[tilespmem:v20+s16+$0x0] =	vst.idx.add.s32.msk $0xffff, v2  }
0x53: {  	v21 =	vor.u32 $0x80000000, v21;
	v20 =	vshra.s32 v26, $0x1F;
	v29 =	vor.u32 $0x80000000, v29;
	[tilespmem:v15+s16+$0x0] =	vst.idx.add.s32.msk $0xffff, v2  }
0x54: {  	v15 =	vor.u32 $0x80000000, v20;
	v20 =	vxor.u32 v28, v24;
	v24 =	vxor.u32 v13, v27;
	[tilespmem:v16+s16+$0x0] =	vst.idx.add.s32.msk $0xffff, v2  }
0x55: {  	v16 =	vxor.u32 v26, v15;
	[tilespmem:s5+$0xFFFFFFD0] =	vst v20;
	v26 =	vxor.u32 v30, v18;
	v30 =	vxor.u32 v19, v14  }
0x56: {  	s2 =	simm.s32 $0x14000;
	v13 =	vxor.u32 v25, v29;
	v15 =	vxor.u32 v17, v21;
	v18 =	vshrl.u32 v16, $0x15;
	[tilespmem:s5+$0x30] =	vst v23  }
0x57: {  	s23 =	simm.s32 $0x0;
	v14 =	vshrl.u32 v20, $0x15;
	v19 =	vshrl.u32 v24, $0x15;
	v21 =	vshrl.u32 v26, $0x15;
	[tilespmem:v31+s2+$0x0] =	vst.idx.add.s32.msk $0xffff, v2  }
.Ltmp1:
0x58: {  	v20 =	vshrl.u32 v30, $0x15;
	v17 =	vshrl.u32 v15, $0x15;
	[tilespmem:s5+$0xFFFFFFC0] =	vst v16;
	v16 =	vshrl.u32 v13, $0x15;
	(pc) =	sbr.rel @p0 .LBB2_3-.Ltmp1, $4  }
0x59: {  	v25 =	vand.u32 $0x780, v14;
	v29 =	vand.u32 $0x780, v19;
	v23 =	vand.u32 $0x780, v18;
	[tilespmem:v22+s16+$0x0] =	vst.idx.add.s32.msk $0xffff, v2;
	s16 =	smov.u32 s2  }
0x5a: {  	v31 =	vand.u32 $0x780, v20;
	v27 =	vand.u32 $0x780, v17;
	[tilespmem:s5+$0xFFFFFFE0] =	vst v24;
	v24 =	vand.u32 $0x780, v21  }
0x5b: {  	v23 =	vor.u32 v1, v23;
	v22 =	vor.u32 v1, v25;
	v28 =	vand.u32 $0x780, v16;
	[tilespmem:s5+$0xFFFFFFF0] =	vst v26  }
0x5c: {  	v25 =	vor.u32 v1, v29;
	v26 =	vor.u32 v1, v24;
	v24 =	vor.u32 v1, v31;
	s5 =	sadd.s32 $0x80, s5;
	[tilespmem:s1+$0x0] =	vst v30  }
0x5d: {  	v18 =	vand.u32 $0x7F, v18  }
0x5e: {  	v21 =	vand.u32 $0x7F, v21;
	v18 =	vor.u32 v18, v23  }
0x5f: {  	v19 =	vand.u32 $0x7F, v19;
	v21 =	vor.u32 v21, v26  }
0x60: {  	v20 =	vand.u32 $0x7F, v20;
	v19 =	vor.u32 v19, v25  }
0x61: {  	[tilespmem:s1+$0x10] =	vst v15;
	v15 =	vor.u32 v1, v27;
	v17 =	vand.u32 $0x7F, v17;
	v20 =	vor.u32 v20, v24  }
0x62: {  	v55 =	vor.u32 v1, v28;
	[tilespmem:s1+$0x20] =	vst v13;
	v13 =	vand.u32 $0x7F, v16;
	v15 =	vor.u32 v17, v15  }
0x63: {  	v14 =	vand.u32 $0x7F, v14;
	v13 =	vor.u32 v13, v55;
	[tilespmem:v18+s16+$0x0] =	vst.idx.add.s32.msk $0xffff, v2  }
0x64: {  	v14 =	vor.u32 v14, v22;
	[tilespmem:v21+s16+$0x0] =	vst.idx.add.s32.msk $0xffff, v2  }
0x65: {  	[tilespmem:v19+s16+$0x0] =	vst.idx.add.s32.msk $0xffff, v2  }
0x66: {  	[tilespmem:v20+s16+$0x0] =	vst.idx.add.s32.msk $0xffff, v2  }
0x67: {  	[tilespmem:v15+s16+$0x0] =	vst.idx.add.s32.msk $0xffff, v2  }
0x68: {  	[tilespmem:v13+s16+$0x0] =	vst.idx.add.s32.msk $0xffff, v2  }
0x69: {  	s30 =	sand.u32 $0x7F0, s23;
	[tilespmem:v14+s16+$0x0] =	vst.idx.add.s32.msk $0xffff, v2  }
0x6a: {  	v13 =	vld [tilespmem:s30+$0x14800]  }
0x6b: {  	v14 =	vld [tilespmem:s2+$0x0]  }
0x6c: {  	v15 =	vld [tilespmem:s30+$0x15000]  }
0x6d: {  	v56 =	vld [tilespmem:s30+$0x15800]  }
0x6e: {  	v57 =	vld [tilespmem:s30+$0x16000]  }
0x6f: {  	v18 =	vld [tilespmem:s30+$0x16800]  }
0x70: {  	v13 =	vadd.s32 v14, v13;
	v14 =	vld [tilespmem:s30+$0x17000]  }
0x71: {  	v13 =	vadd.s32 v15, v13;
	v15 =	vld [tilespmem:s30+$0x17800]  }
0x72: {  	v58 =	vld [tilespmem:s30+$0x18000];
	v13 =	vadd.s32 v56, v13  }
0x73: {  	v59 =	vld [tilespmem:s30+$0x18800];
	v13 =	vadd.s32 v57, v13  }
0x74: {  	v60 =	vld [tilespmem:s30+$0x19000];
	v13 =	vadd.s32 v18, v13  }
0x75: {  	v13 =	vadd.s32 v14, v13;
	v14 =	vld [tilespmem:s30+$0x19800]  }
0x76: {  	v13 =	vadd.s32 v15, v13;
	v15 =	vld [tilespmem:s30+$0x1A000]  }
0x77: {  	v61 =	vld [tilespmem:s30+$0x1A800];
	v13 =	vadd.s32 v58, v13  }
0x78: {  	v62 =	vld [tilespmem:s30+$0x1B000];
	v13 =	vadd.s32 v59, v13  }
0x79: {  	v63 =	vld [tilespmem:s30+$0x1B800];
	v13 =	vadd.s32 v60, v13  }
0x7a: {  	v13 =	vadd.s32 v14, v13  }
0x7b: {  	v13 =	vadd.s32 v15, v13  }
0x7c: {  	v13 =	vadd.s32 v61, v13  }
0x7d: {  	v13 =	vadd.s32 v62, v13  }
0x7e: {  	s31 =	simm.s32 $0x10;
	v13 =	vadd.s32 v63, v13  }
0x7f: {  	s1 =	sand.u32 $0x7F0, s31;
	[tilespmem:s0+$0x0] =	vst v13  }
0x80: {  	s3 =	simm.s32 $0x20;
	s2 =	simm.s32 $0x14010;
	v13 =	vld [tilespmem:s1+$0x14800]  }
.LBB2_5:
0x81: {  	p0 =	sne.s32 s3, $0x7F0;
	v14 =	vld [tilespmem:s2+$0x0]  }
0x82: {  	v15 =	vld [tilespmem:s1+$0x15000]  }
0x83: {  	v16 =	vld [tilespmem:s1+$0x15800]  }
0x84: {  	v17 =	vld [tilespmem:s1+$0x16000]  }
0x85: {  	v18 =	vld [tilespmem:s1+$0x16800]  }
0x86: {  	v13 =	vadd.s32 v14, v13;
	v14 =	vld [tilespmem:s1+$0x17000]  }
0x87: {  	v13 =	vadd.s32 v15, v13;
	v15 =	vld [tilespmem:s1+$0x17800]  }
0x88: {  	v13 =	vadd.s32 v16, v13;
	v16 =	vld [tilespmem:s1+$0x18000]  }
0x89: {  	v13 =	vadd.s32 v17, v13;
	v17 =	vld [tilespmem:s1+$0x18800]  }
0x8a: {  	v13 =	vadd.s32 v18, v13;
	v18 =	vld [tilespmem:s1+$0x19000]  }
0x8b: {  	v13 =	vadd.s32 v14, v13;
	v14 =	vld [tilespmem:s1+$0x19800]  }
0x8c: {  	v13 =	vadd.s32 v15, v13;
	v15 =	vld [tilespmem:s1+$0x1A000]  }
0x8d: {  	v13 =	vadd.s32 v16, v13;
	v16 =	vld [tilespmem:s1+$0x1A800]  }
0x8e: {  	v13 =	vadd.s32 v17, v13;
	v17 =	vld [tilespmem:s1+$0x1B000]  }
0x8f: {  	v13 =	vadd.s32 v18, v13;
	v18 =	vld [tilespmem:s1+$0x1B800]  }
0x90: {  	v13 =	vadd.s32 v14, v13  }
0x91: {  	v13 =	vadd.s32 v15, v13  }
.Ltmp2:
0x92: {  	v13 =	vadd.s32 v16, v13;
	(pc) =	sbr.rel @p0 .LBB2_5-.Ltmp2, $4  }
0x93: {  	v13 =	vadd.s32 v17, v13  }
0x94: {  	s0 =	sadd.s32 $0x10, s0;
	v13 =	vadd.s32 v18, v13  }
0x95: {  	s1 =	sand.u32 $0x7F0, s3;
	[tilespmem:s0+$0x0] =	vst v13  }
0x96: {  	s2 =	sadd.s32 $0x10, s2;
	s3 =	sadd.s32 $0x10, s3;
	v13 =	vld [tilespmem:s1+$0x14800]  }
0x97: {  	v14 =	vld [tilespmem:s2+$0x0]  }
0x98: {  	v15 =	vld [tilespmem:s1+$0x15000]  }
0x99: {  	v16 =	vld [tilespmem:s1+$0x15800]  }
0x9a: {  	v17 =	vld [tilespmem:s1+$0x16000]  }
0x9b: {  	v18 =	vld [tilespmem:s1+$0x16800]  }
0x9c: {  	v13 =	vadd.s32 v14, v13;
	v14 =	vld [tilespmem:s1+$0x17000]  }
0x9d: {  	v13 =	vadd.s32 v15, v13;
	v15 =	vld [tilespmem:s1+$0x17800]  }
0x9e: {  	v13 =	vadd.s32 v16, v13;
	v16 =	vld [tilespmem:s1+$0x18000]  }
0x9f: {  	v13 =	vadd.s32 v17, v13;
	v17 =	vld [tilespmem:s1+$0x18800]  }
0xa0: {  	v13 =	vadd.s32 v18, v13;
	v18 =	vld [tilespmem:s1+$0x19000]  }
0xa1: {  	v13 =	vadd.s32 v14, v13;
	v14 =	vld [tilespmem:s1+$0x19800]  }
0xa2: {  	v13 =	vadd.s32 v15, v13;
	v15 =	vld [tilespmem:s1+$0x1A000]  }
0xa3: {  	v13 =	vadd.s32 v16, v13;
	v16 =	vld [tilespmem:s1+$0x1A800]  }
0xa4: {  	v13 =	vadd.s32 v17, v13;
	v17 =	vld [tilespmem:s1+$0x1B000]  }
0xa5: {  	v13 =	vadd.s32 v18, v13;
	v18 =	vld [tilespmem:s1+$0x1B800]  }
0xa6: {  	v13 =	vadd.s32 v14, v13  }
0xa7: {  	v13 =	vadd.s32 v15, v13  }
0xa8: {  	v13 =	vadd.s32 v16, v13  }
0xa9: {  	v13 =	vadd.s32 v17, v13  }
0xaa: {  	s0 =	sadd.s32 $0x10, s0;
	v13 =	vadd.s32 v18, v13  }
0xab: {  	s2 =	simm.s32 $0x1C7F0;
	[tilespmem:s0+$0x0] =	vst v13  }
0xac: {  	v13 =	vld [tilespmem:s2+$0x0];
	_ =	sdelay $0x4  }
0xad: {  	(xrf0) =	vadd.scan.msk.s32 $0xffff, v13;
	_ =	sdelay $0x2  }
0xae: {  	s3 =	simm.s32 $0x1C7E0  }
0xaf: {  	v21 =	vld [tilespmem:s3+$0x0];
	v14 =	vperm.xlane v13, v3;
	_ =	sdelay $0x1  }
0xb0: {  	(xrf0) =	vadd.scan.msk.s32 $0xffff, v14;
	v15, _, _ =	vpop (xrf0)  }
0xb1: {  	(v2sf) =	vpush v15, $0xF;
	_ =	sdelay $0x1  }
0xb2: {  	(xrf0) =	vadd.scan.msk.s32 $0xffff, v21;
	_ =	sdelay $0x2  }
0xb3: {  	v15 =	vperm.xlane v21, v3;
	v14, _, _ =	vpop (xrf0)  }
0xb4: {  	s4 =	simm.s32 $0x1C7D0;
	v14 =	vperm.xlane v14, v3  }
0xb5: {  	v20 =	vld [tilespmem:s4+$0x0];
	(xrf0) =	vadd.scan.msk.s32 $0xffff, v15  }
0xb6: {  	v16, _, _ =	vpop (xrf0);
	v14 =	vadd.s32 s23, v14  }
0xb7: {  	(v2sf) =	vpush v16, $0xF;
	vm3 =	vgt.s32 v14, $0x63  }
0xb8: {  	v15 =	vsel vm3, $0x1, v4;
	_ =	sdelay $0x1  }
0xb9: {  	(xrf0) =	vadd.scan.msk.s32 $0xffff, v20  }
0xba: {  	s5 =	simm.s32 $0x1C7C0;
	v16 =	vperm.xlane v20, v3;
	(xrf0) =	vadd.scan.msk.s32 $0xffff, v15;
	v15, _, _ =	vpop (xrf0)  }
0xbb: {  	v17 =	vld [tilespmem:s5+$0x0];
	v15 =	vperm.xlane v15, v3  }
0xbc: {  	(xrf0) =	vadd.scan.msk.s32 $0xffff, v16;
	s6 =	spop (v2sf)  }
0xbd: {  	s0 =	sadd.s32 $0x0, s6  }
0xbe: {  	v22 =	vadd.s32 s0, v15  }
0xbf: {  	v15, _, _ =	vpop (xrf0);
	vm3 =	vgt.s32 v22, $0x63  }
0xc0: {  	(xrf0) =	vadd.scan.msk.s32 $0xffff, v17;
	(v2sf) =	vpush v15, $0xF;
	v15, _, _ =	vpop (xrf0);
	v16 =	vsel vm3, $0x1, v4  }
0xc1: {  	(v2sf) =	vpush v15, $0xF;
	(xrf0) =	vadd.scan.msk.s32 $0xffff, v16  }
0xc2: {  	v15, _, _ =	vpop (xrf0)  }
0xc3: {  	s7 =	simm.s32 $0x1C7B0;
	v15 =	vperm.xlane v15, v3  }
0xc4: {  	v16 =	vld [tilespmem:s7+$0x0]  }
0xc5: {  	s8 =	spop (v2sf)  }
0xc6: {  	v18 =	vperm.xlane v17, v3;
	s0 =	sadd.s32 s0, s8;
	v19, _, _ =	vpop (xrf0)  }
0xc7: {  	(v2sf) =	vpush v19, $0xF;
	v23 =	vadd.s32 s0, v15;
	v15, _, _ =	vpop (xrf0)  }
0xc8: {  	(xrf0) =	vadd.scan.msk.s32 $0xffff, v18;
	vm3 =	vgt.s32 v23, $0x63;
	(v2sf) =	vpush v15, $0xF  }
0xc9: {  	(xrf0) =	vadd.scan.msk.s32 $0xffff, v16;
	v15 =	vsel vm3, $0x1, v4  }
0xca: {  	(xrf0) =	vadd.scan.msk.s32 $0xffff, v15;
	_ =	sdelay $0x1  }
0xcb: {  	v19 =	vperm.xlane v16, v3  }
0xcc: {  	s9 =	simm.s32 $0x1C7A0  }
0xcd: {  	v18, _, _ =	vpop (xrf0);
	v15 =	vld [tilespmem:s9+$0x0]  }
0xce: {  	v18 =	vperm.xlane v18, v3;
	(xrf0) =	vadd.scan.msk.s32 $0xffff, v19;
	v24, _, _ =	vpop (xrf0);
	s10 =	spop (v2sf)  }
0xcf: {  	(v2sf) =	vpush v24, $0xF;
	v19, _, _ =	vpop (xrf0);
	s11 =	spop (v2sf);
	s0 =	sadd.s32 s0, s10  }
0xd0: {  	(v2sf) =	vpush v19, $0xF;
	v19 =	vadd.s32 s0, v18;
	s12 =	sadd.s32 $0xFFFFFFFF, s11  }
0xd1: {  	vm3 =	vgt.s32 v19, $0x63;
	v18 =	vmov s12  }
0xd2: {  	(xrf0) =	vadd.scan.msk.s32 $0xffff, v15;
	v54 =	vsel vm3, $0x1, v4;
	vm3 =	veq.s32 v18, v0  }
0xd3: {  	(xrf0) =	vadd.scan.msk.s32 $0xffff, v54;
	v14 =	vnsel vm3, $0x0, v14  }
0xd4: {  	v13 =	vnsel vm3, $0x0, v13;
	(xrf0) =	vadd.scan.msk.s32 $0xffff, v14;
	v18, _, _ =	vpop (xrf0)  }
0xd5: {  	s13 =	simm.s32 $0x1C790;
	s16 =	spop (v2sf);
	(xrf0) =	vadd.scan.msk.s32 $0xffff, v13;
	v13 =	vperm.xlane v18, v3  }
0xd6: {  	v55 =	vperm.xlane v15, v3;
	s4 =	sadd.s32 s0, s16;
	v14 =	vld [tilespmem:s13+$0x0];
	s3 =	spop (v2sf)  }
0xd7: {  	v18 =	vadd.s32 s4, v13;
	s17 =	sadd.s32 $0xFFFFFFFF, s3  }
0xd8: {  	(xrf0) =	vadd.scan.msk.s32 $0xffff, v55;
	vm3 =	vgt.s32 v18, $0x63;
	v56 =	vmov s17  }
0xd9: {  	v25 =	vsel vm3, $0x1, v4;
	vm3 =	veq.s32 v56, v0  }
0xda: {  	v13, _, _ =	vpop (xrf0);
	v22 =	vnsel vm3, $0x0, v22  }
0xdb: {  	v57, _, _ =	vpop (xrf0);
	(xrf0) =	vadd.scan.msk.s32 $0xffff, v14;
	v21 =	vnsel vm3, $0x0, v21  }
0xdc: {  	(xrf0) =	vadd.scan.msk.s32 $0xffff, v25;
	v58, _, _ =	vpop (xrf0)  }
0xdd: {  	(xrf0) =	vadd.scan.msk.s32 $0xffff, v22;
	v22, _, _ =	vpop (xrf0)  }
0xde: {  	p1 =	por $0x1, $0x1;
	(xrf0) =	vadd.scan.msk.s32 $0xffff, v21;
	v21, _, _ =	vpop (xrf0)  }
0xdf: {  	s24 =	simm.s32 $0xFFFFFFFF;
	s21 =	simm.s32 $0x1C780;
	p0 =	sgt.s32 s11, $0x0;
	(v2sf) =	vpush v13, $0xF;
	v21 =	vperm.xlane v21, v3  }
0xe0: {  	s30 =	simm.s32 $0x77F;
	s28 =	simm.s32 $0x76F;
	p0 =	por !p1, !p0;
	(v2sf) =	vpush v57, $0xF  }
0xe1: {  	p0 =	por !p0, !p0;
	s0 =	sadd.s32 $0x7EF, s11;
	s18 =	spop (v2sf);
	(v2sf) =	vpush v58, $0xF  }
0xe2: {  	s26 =	simm.s32 $0x75F;
	s24 =	smov.u32 @p0 s0;
	s31 =	sadd.s32 s4, s18;
	(v2sf) =	vpush v22, $0xF;
	v60, _, _ =	vpop (xrf0)  }
0xe3: {  	p2 =	slt.s32 s24, $0x0;
	p5 =	sgt.s32 s3, $0x0;
	v13 =	vld [tilespmem:s21+$0x0];
	s5 =	spop (v2sf);
	(v2sf) =	vpush v60, $0xF;
	v22 =	vadd.s32 s31, v21;
	v21, _, _ =	vpop (xrf0)  }
0xe4: {  	s29 =	simm.s32 $0x74F;
	s1 =	simm.s32 $0x79F;
	p1 =	por !p2, !p5;
	(v2sf) =	vpush v21, $0xF;
	v21, _, _ =	vpop (xrf0)  }
0xe5: {  	s16 =	simm.s32 $0x7AF;
	s3 =	sadd.s32 $0x7DF, s3;
	v59 =	vperm.xlane v14, v3;
	p1 =	por !p1, !p1;
	v63, _, _ =	vpop (xrf0);
	(v2sf) =	vpush v21, $0xF  }
0xe6: {  	s0 =	simm.s32 $0x78F;
	s24 =	smov.u32 @p1 s3;
	s25 =	sadd.s32 $0xFFFFFFFF, s5;
	(v2sf) =	vpush v63, $0xF  }
0xe7: {  	p0 =	por p0, p0;
	p3 =	slt.s32 s24, $0x0;
	(xrf0) =	vadd.scan.msk.s32 $0xffff, v59;
	p6 =	sgt.s32 s5, $0x0;
	v61 =	vmov s25;
	vm3 =	vgt.s32 v22, $0x63  }
0xe8: {  	p0 =	por p0, p0;
	s17 =	simm.s32 $0x7BF;
	p2 =	por !p3, !p6;
	(xrf0) =	vadd.scan.msk.s32 $0xffff, v13;
	v62 =	vsel vm3, $0x1, v4;
	vm3 =	veq.s32 v61, v0  }
0xe9: {  	p1 =	por p1, p1;
	s2 =	sadd.s32 $0x7CF, s5;
	p2 =	por !p2, !p2;
	v23 =	vnsel vm3, $0x0, v23;
	(xrf0) =	vadd.scan.msk.s32 $0xffff, v62  }
0xea: {  	s25 =	simm.s32 $0x0;
	s24 =	smov.u32 @p2 s2;
	s2 =	simm.s32 $0x73F;
	v21 =	vnsel vm3, $0x0, v20;
	(xrf0) =	vadd.scan.msk.s32 $0xffff, v23  }
.LBB2_7:
0xeb: {  	p3 =	sne.s32 s2, $0xFFFFFFFF;
	s21 =	sadd.s32 $0xFFFFFFF0, s21;
	s3 =	smov.u32 s30  }
0xec: {  	s30 =	smov.u32 s28;
	s28 =	smov.u32 s26;
	s26 =	smov.u32 s29  }
0xed: {  	(xrf0) =	vadd.scan.msk.s32 $0xffff, v21;
	v20 =	vmovc v13;
	v21 =	vmov v19;
	v19 =	vmov v18;
	v18 =	vmov v22;
	p4 =	por p0, p0;
	p0 =	por p1, p1;
	p1 =	por p2, p2  }
0xee: {  	s29 =	smov.u32 s2;
	v13 =	vld [tilespmem:s21+$0x0];
	v22, _, _ =	vpop (xrf0);
	s4 =	spop (v2sf)  }
0xef: {  	p5 =	slt.s32 s24, $0x0;
	v25 =	vperm.xlane v20, v3;
	v22 =	vperm.xlane v22, v3;
	s5 =	spop (v2sf)  }
0xf0: {  	s31 =	sadd.s32 s31, s4;
	v24, _, _ =	vpop (xrf0);
	p2 =	sgt.s32 s5, $0x0;
	s4 =	sadd.s32 $0xFFFFFFFF, s5  }
.Ltmp3:
0xf1: {  	(xrf0) =	vadd.scan.msk.s32 $0xffff, v25;
	(v2sf) =	vpush v24, $0xF;
	v22 =	vadd.s32 s31, v22;
	v23, _, _ =	vpop (xrf0);
	p2 =	por !p5, !p2;
	s6 =	spop (v2sf);
	(pc) =	sbr.rel @p3 .LBB2_7-.Ltmp3, $4  }
0xf2: {  	v26 =	vmov s4;
	s4 =	sadd.s32 s17, s5;
	vm3 =	vgt.s32 v22, $0x63;
	(v2sf) =	vpush v23, $0xF;
	p2 =	por !p2, !p2;
	v24, _, _ =	vpop (xrf0);
	s5 =	spop (v2sf)  }
0xf3: {  	(xrf0) =	vadd.scan.msk.s32 $0xffff, v13;
	v25 =	vsel vm3, $0x1, v4;
	vm3 =	veq.s32 v26, v0;
	s24 =	smov.u32 @p2 s4;
	v23, _, _ =	vpop (xrf0);
	s4 =	ssub.s32 s6, s5;
	s23 =	smov.u32 @p4 s5  }
0xf4: {  	s17 =	smov.u32 s16;
	s16 =	smov.u32 s1;
	(xrf0) =	vadd.scan.msk.s32 $0xffff, v25;
	v25 =	vnsel vm3, $0x0, v21;
	v21 =	vnsel vm3, $0x0, v17;
	(v2sf) =	vpush v24, $0xF;
	s25 =	smov.u32 @p4 s4;
	v17 =	vmovc v16  }
0xf5: {  	s2 =	sadd.s32 $0xFFFFFFF0, s2;
	s1 =	smov.u32 s0;
	s0 =	smov.u32 s3;
	v16 =	vmovc v15;
	v15 =	vmov v14;
	v14 =	vmov v20;
	(xrf0) =	vadd.scan.msk.s32 $0xffff, v25;
	(v2sf) =	vpush v23, $0xF  }
0xf6: {  	_ = 	snop  }
0xf7: {  	s2 =	sadd.s32 $0xFFFFFFF0, s21  }
0xf8: {  	v20 =	vld [tilespmem:s2+$0x0];
	v23, _, _ =	vpop (xrf0)  }
0xf9: {  	s3 =	spop (v2sf);
	v23 =	vperm.xlane v23, v3;
	v24, _, _ =	vpop (xrf0)  }
0xfa: {  	v25 =	vperm.xlane v13, v3;
	s4 =	spop (v2sf);
	s3 =	sadd.s32 s31, s3;
	(v2sf) =	vpush v24, $0xF;
	v34, _, _ =	vpop (xrf0)  }
0xfb: {  	(xrf0) =	vadd.scan.msk.s32 $0xffff, v21;
	s5 =	sadd.s32 $0xFFFFFFFF, s4;
	v23 =	vadd.s32 s3, v23;
	(v2sf) =	vpush v34, $0xF  }
0xfc: {  	s2 =	sadd.s32 $0xFFFFFFF0, s2;
	(xrf0) =	vadd.scan.msk.s32 $0xffff, v25;
	v35 =	vmov s5;
	vm3 =	vgt.s32 v23, $0x63  }
0xfd: {  	v37 =	vld [tilespmem:s2+$0x0];
	(xrf0) =	vadd.scan.msk.s32 $0xffff, v20;
	v36 =	vsel vm3, $0x1, v4;
	vm3 =	veq.s32 v35, v0  }
0xfe: {  	(xrf0) =	vadd.scan.msk.s32 $0xffff, v36;
	v19 =	vnsel vm3, $0x0, v19  }
0xff: {  	v38 =	vperm.xlane v20, v3;
	v17 =	vnsel vm3, $0x0, v17;
	(xrf0) =	vadd.scan.msk.s32 $0xffff, v19  }
0x100: {  	v39, _, _ =	vpop (xrf0);
	(xrf0) =	vadd.scan.msk.s32 $0xffff, v17  }
0x101: {  	v40, _, _ =	vpop (xrf0);
	(xrf0) =	vadd.scan.msk.s32 $0xffff, v38  }
0x102: {  	s5 =	spop (v2sf);
	v41, _, _ =	vpop (xrf0);
	(xrf0) =	vadd.scan.msk.s32 $0xffff, v37  }
0x103: {  	s21 =	spop (v2sf);
	(v2sf) =	vpush v39, $0xF;
	v42, _, _ =	vpop (xrf0)  }
0x104: {  	(v2sf) =	vpush v40, $0xF;
	s7 =	spop (v2sf);
	v43 =	vperm.xlane v41, v3;
	v44, _, _ =	vpop (xrf0)  }
0x105: {  	s6 =	spop (v2sf);
	s3 =	sadd.s32 s3, s7;
	(v2sf) =	vpush v42, $0xF;
	v45, _, _ =	vpop (xrf0)  }
0x106: {  	v19 =	vadd.s32 s3, v43;
	s13 =	sadd.s32 $0xFFFFFFFF, s6;
	(v2sf) =	vpush v44, $0xF;
	v46, _, _ =	vpop (xrf0)  }
0x107: {  	s2 =	sadd.s32 $0xFFFFFFF0, s2;
	s31 =	spop (v2sf);
	vm3 =	vgt.s32 v19, $0x63;
	v47 =	vmov s13;
	(v2sf) =	vpush v45, $0xF;
	v48, _, _ =	vpop (xrf0)  }
0x108: {  	v49 =	vld [tilespmem:s2+$0x0];
	s10 =	spop (v2sf);
	v26 =	vsel vm3, $0x1, v4;
	vm3 =	veq.s32 v47, v0;
	(v2sf) =	vpush v46, $0xF;
	v50, _, _ =	vpop (xrf0)  }
0x109: {  	v18 =	vnsel vm3, $0x0, v18;
	(xrf0) =	vadd.scan.msk.s32 $0xffff, v26;
	v24 =	vperm.xlane v48, v3;
	s18 =	spop (v2sf);
	(v2sf) =	vpush v50, $0xF  }
0x10a: {  	v51 =	vperm.xlane v37, v3;
	v16 =	vnsel vm3, $0x0, v16;
	(xrf0) =	vadd.scan.msk.s32 $0xffff, v18;
	s11 =	spop (v2sf);
	s2 =	sadd.s32 s3, s18  }
0x10b: {  	(xrf0) =	vadd.scan.msk.s32 $0xffff, v16;
	v52 =	vadd.s32 s2, v24;
	s7 =	sadd.s32 $0xFFFFFFFF, s11  }
0x10c: {  	(xrf0) =	vadd.scan.msk.s32 $0xffff, v51;
	vm3 =	vgt.s32 v52, $0x63;
	v53 =	vmov s7  }
0x10d: {  	(xrf0) =	vadd.scan.msk.s32 $0xffff, v49;
	v54 =	vsel vm3, $0x1, v4;
	vm3 =	veq.s32 v53, v0  }
0x10e: {  	(xrf0) =	vadd.scan.msk.s32 $0xffff, v54;
	v18 =	vnsel vm3, $0x0, v22;
	v15 =	vnsel vm3, $0x0, v15  }
0x10f: {  	v56 =	vperm.xlane v49, v3;
	v55, _, _ =	vpop (xrf0);
	(xrf0) =	vadd.scan.msk.s32 $0xffff, v18  }
0x110: {  	v57, _, _ =	vpop (xrf0);
	(xrf0) =	vadd.scan.msk.s32 $0xffff, v15  }
0x111: {  	v15, _, _ =	vpop (xrf0);
	(xrf0) =	vadd.scan.msk.s32 $0xffff, v56  }
0x112: {  	s18 =	spop (v2sf);
	v58, _, _ =	vpop (xrf0)  }
0x113: {  	s12 =	spop (v2sf);
	v59, _, _ =	vpop (xrf0)  }
0x114: {  	s8 =	spop (v2sf);
	v60, _, _ =	vpop (xrf0)  }
0x115: {  	v18 =	vperm.xlane v58, v3;
	s9 =	spop (v2sf);
	v27, _, _ =	vpop (xrf0)  }
0x116: {  	(v2sf) =	vpush v55, $0xF;
	s2 =	sadd.s32 s2, s8;
	s7 =	spop (v2sf);
	v61, _, _ =	vpop (xrf0)  }
0x117: {  	(v2sf) =	vpush v57, $0xF;
	s13 =	sadd.s32 $0xFFFFFFFF, s9;
	v18 =	vadd.s32 s2, v18;
	s8 =	spop (v2sf);
	v62, _, _ =	vpop (xrf0)  }
0x118: {  	v28 =	vmov s13;
	vm3 =	vgt.s32 v18, $0x63;
	s13 =	spop (v2sf);
	v24 =	vperm.xlane v62, v3  }
0x119: {  	(v2sf) =	vpush v15, $0xF;
	v15 =	vsel vm3, $0x1, v4;
	vm3 =	veq.s32 v28, v0;
	s2 =	sadd.s32 s2, s13  }
0x11a: {  	(xrf0) =	vadd.scan.msk.s32 $0xffff, v15;
	v15 =	vnsel vm3, $0x0, v23;
	v63 =	vadd.s32 s2, v24  }
0x11b: {  	v14 =	vnsel vm3, $0x0, v14;
	(xrf0) =	vadd.scan.msk.s32 $0xffff, v15;
	vm3 =	vgt.s32 v63, $0x63  }
0x11c: {  	(xrf0) =	vadd.scan.msk.s32 $0xffff, v14;
	v14 =	vsel vm3, $0x1, v4  }
0x11d: {  	(v2sf) =	vpush v59, $0xF;
	(xrf0) =	vadd.scan.msk.s32 $0xffff, v14  }
0x11e: {  	(v2sf) =	vpush v60, $0xF  }
0x11f: {  	(v2sf) =	vpush v27, $0xF  }
0x120: {  	(v2sf) =	vpush v61, $0xF;
	v14, _, _ =	vpop (xrf0)  }
0x121: {  	(v2sf) =	vpush v14, $0xF;
	v14, _, _ =	vpop (xrf0)  }
0x122: {  	v15, _, _ =	vpop (xrf0);
	(v2sf) =	vpush v14, $0xF  }
0x123: {  	(v2sf) =	vpush v15, $0xF;
	v14, _, _ =	vpop (xrf0)  }
0x124: {  	(v2sf) =	vpush v14, $0xF;
	_ =	sdelay $0x1  }
0x125: {  	p4 =	slt.s32 s24, $0x0  }
0x126: {  	p0 =	por p0, p0;
	p1 =	por p1, p1;
	p3 =	sgt.s32 s4, $0x0  }
0x127: {  	p3 =	por !p4, !p3;
	p4 =	por p2, p2;
	p2 =	por p1, p1  }
0x128: {  	p3 =	por !p3, !p3;
	s5 =	ssub.s32 s5, s21;
	s2 =	spop (v2sf)  }
0x129: {  	s23 =	smov.u32 @p0 s21;
	s3 =	sadd.s32 s17, s4;
	s4 =	spop (v2sf)  }
0x12a: {  	s25 =	smov.u32 @p0 s5;
	s24 =	smov.u32 @p3 s3;
	s3 =	spop (v2sf)  }
0x12b: {  	p5 =	sgt.s32 s6, $0x0;
	s5 =	sadd.s32 s16, s6;
	s17 =	spop (v2sf)  }
0x12c: {  	s6 =	ssub.s32 s31, s10;
	p6 =	slt.s32 s24, $0x0;
	s13 =	spop (v2sf)  }
0x12d: {  	s23 =	smov.u32 @p2 s10;
	p1 =	por !p6, !p5;
	s16 =	spop (v2sf)  }
0x12e: {  	p0 =	por !p1, !p1;
	s21 =	sadd.s32 $0xFFFFFFFF, s2;
	s10 =	spop (v2sf)  }
0x12f: {  	s25 =	smov.u32 @p2 s6;
	s24 =	smov.u32 @p0 s5;
	v14 =	vmov s21;
	s5 =	spop (v2sf)  }
0x130: {  	p3 =	por p3, p3;
	vm3 =	veq.s32 v14, v0;
	s31 =	sadd.s32 $0xFFFFFFFF, s13;
	s6 =	spop (v2sf)  }
0x131: {  	p5 =	sgt.s32 s11, $0x0;
	s17 =	sadd.s32 s1, s11;
	v14 =	vnsel vm3, $0x0, v19;
	v15 =	vmov s31;
	s11 =	spop (v2sf)  }
0x132: {  	p1 =	por p4, p4;
	v13 =	vnsel vm3, $0x0, v13;
	(xrf0) =	vadd.scan.msk.s32 $0xffff, v14;
	vm3 =	veq.s32 v15, v0;
	s21 =	sadd.s32 $0xFFFFFFFF, s5;
	s31 =	spop (v2sf)  }
0x133: {  	p0 =	por p0, p0;
	p6 =	slt.s32 s24, $0x0;
	(xrf0) =	vadd.scan.msk.s32 $0xffff, v13;
	v13 =	vnsel vm3, $0x0, v52;
	v14 =	vmov s21;
	s21 =	sadd.s32 $0xFFFFFFFF, s31  }
0x134: {  	p2 =	por p1, p1;
	p0 =	por p0, p0;
	p4 =	por !p6, !p5;
	v15 =	vnsel vm3, $0x0, v20;
	(xrf0) =	vadd.scan.msk.s32 $0xffff, v13;
	vm3 =	veq.s32 v14, v0;
	v13 =	vmov s21  }
0x135: {  	s23 =	smov.u32 @p2 s12;
	p1 =	por !p4, !p4;
	p4 =	por p0, p0;
	(xrf0) =	vadd.scan.msk.s32 $0xffff, v15;
	v14 =	vnsel vm3, $0x0, v18;
	v15 =	vnsel vm3, $0x0, v37;
	vm3 =	veq.s32 v13, v0  }
0x136: {  	p5 =	sgt.s32 s9, $0x0;
	s0 =	sadd.s32 s0, s9;
	s24 =	smov.u32 @p1 s17;
	(xrf0) =	vadd.scan.msk.s32 $0xffff, v14;
	v13 =	vnsel vm3, $0x0, v63  }
0x137: {  	s17 =	ssub.s32 s18, s12;
	p1 =	por p1, p1;
	p6 =	slt.s32 s24, $0x0;
	(xrf0) =	vadd.scan.msk.s32 $0xffff, v15  }
0x138: {  	s25 =	smov.u32 @p2 s17;
	p5 =	por !p6, !p5;
	p6 =	por p3, p3;
	v14, _, _ =	vpop (xrf0);
	v15 =	vnsel vm3, $0x0, v49;
	(xrf0) =	vadd.scan.msk.s32 $0xffff, v13  }
0x139: {  	p1 =	por p1, p1;
	p2 =	por !p5, !p5;
	p3 =	por p6, p6;
	(v2sf) =	vpush v14, $0xF;
	v13, _, _ =	vpop (xrf0);
	(xrf0) =	vadd.scan.msk.s32 $0xffff, v15  }
0x13a: {  	p5 =	sgt.s32 s2, $0x0;
	s24 =	smov.u32 @p2 s0;
	s0 =	ssub.s32 s7, s8;
	v14, _, _ =	vpop (xrf0);
	(v2sf) =	vpush v13, $0xF  }
0x13b: {  	s23 =	smov.u32 @p3 s8;
	p2 =	por p2, p2;
	p6 =	slt.s32 s24, $0x0;
	v13, _, _ =	vpop (xrf0);
	(v2sf) =	vpush v14, $0xF  }
0x13c: {  	s25 =	smov.u32 @p3 s0;
	s0 =	sadd.s32 s30, s2;
	p3 =	por !p6, !p5;
	(v2sf) =	vpush v13, $0xF;
	v13, _, _ =	vpop (xrf0)  }
0x13d: {  	s23 =	smov.u32 @p4 s3;
	p2 =	por p2, p2;
	p0 =	por !p3, !p3;
	v14, _, _ =	vpop (xrf0);
	(v2sf) =	vpush v13, $0xF  }
0x13e: {  	p5 =	por p1, p1;
	s24 =	smov.u32 @p0 s0;
	s0 =	ssub.s32 s4, s3;
	(v2sf) =	vpush v14, $0xF;
	v13, _, _ =	vpop (xrf0)  }
0x13f: {  	s25 =	smov.u32 @p4 s0;
	p4 =	sgt.s32 s13, $0x0;
	p6 =	slt.s32 s24, $0x0;
	v14, _, _ =	vpop (xrf0);
	(v2sf) =	vpush v13, $0xF  }
0x140: {  	p2 =	por p2, p2;
	s23 =	smov.u32 @p5 s10;
	p4 =	por !p6, !p4;
	(v2sf) =	vpush v14, $0xF  }
0x141: {  	p0 =	por p0, p0;
	s0 =	sadd.s32 s28, s13;
	p1 =	por !p4, !p4  }
0x142: {  	p0 =	por p0, p0;
	s24 =	smov.u32 @p1 s0;
	s0 =	ssub.s32 s16, s10  }
0x143: {  	p1 =	por p1, p1;
	s25 =	smov.u32 @p5 s0;
	p5 =	sgt.s32 s5, $0x0  }
0x144: {  	p6 =	slt.s32 s24, $0x0;
	s0 =	sadd.s32 s26, s5;
	p1 =	por p1, p1  }
0x145: {  	s23 =	smov.u32 @p2 s11;
	p3 =	por !p6, !p5;
	p1 =	por p1, p1  }
0x146: {  	p3 =	por !p3, !p3;
	p5 =	sgt.s32 s31, $0x0;
	s1 =	sadd.s32 s29, s31  }
0x147: {  	s24 =	smov.u32 @p3 s0;
	s0 =	ssub.s32 s6, s11;
	p3 =	por p3, p3  }
0x148: {  	s25 =	smov.u32 @p2 s0;
	p6 =	slt.s32 s24, $0x0;
	s28 =	spop (v2sf)  }
0x149: {  	p2 =	por p0, p0;
	p0 =	por !p6, !p5;
	s2 =	spop (v2sf)  }
0x14a: {  	p5 =	por p3, p3;
	s0 =	ssub.s32 s28, s2;
	s29 =	spop (v2sf)  }
0x14b: {  	p0 =	por !p0, !p0;
	s25 =	smov.u32 @p2 s0;
	s0 =	spop (v2sf)  }
0x14c: {  	p6 =	por p0, p0;
	s23 =	smov.u32 @p2 s2;
	s30 =	spop (v2sf)  }
0x14d: {  	s2 =	ssub.s32 s29, s0;
	s23 =	smov.u32 @p1 s0;
	s0 =	spop (v2sf)  }
0x14e: {  	p3 =	por p6, p6;
	p2 =	por p5, p5;
	s31 =	spop (v2sf)  }
0x14f: {  	p3 =	por p3, p3;
	s23 =	smov.u32 @p2 s0;
	s5 =	spop (v2sf)  }
0x150: {  	s23 =	smov.u32 @p3 s5  }
0x151: {  	s25 =	smov.u32 @p1 s2;
	p1 =	sgt.s32 s23, $0x40  }
.Ltmp4:
0x152: {  	_ = 	snop;
	(pc) =	sbr.rel @p1 .LBB2_10-.Ltmp4, $4  }
0x153: {  	_ = 	snop  }
0x154: {  	s0 =	ssub.s32 s30, s0  }
0x155: {  	s25 =	smov.u32 @p2 s0;
	s0 =	ssub.s32 s31, s5  }
0x156: {  	s24 =	smov.u32 @p0 s1;
	s25 =	smov.u32 @p3 s0  }
.Ltmp5:
0x157: {  	(pc) =	sbr.rel .LBB2_25-.Ltmp5, $3  }
0x158: {  	_ =	sdelay $0x1  }
0x159: {  	s24 =	sshll.u32 s24, $0x15  }
0x15a: {  	s1 =	sadd.s32 $0x200000, s24  }
.LBB2_10:
0x15b: {  	s0 =	simm.s32 $0x0;
	s1 =	rddreg [dreg:$0x7];
	s2 =	simm.s32 $0x14000  }
0x15c: {  	[tilespmem:s2], [sflag:$0x1] =	stream.linear.gather [hbm4b:s1+s0], $0x8000, $0x38;
	[tilespmem:$0x1DE80] =	vst v63  }
0x15d: {  	_ =	swait.ge [sflag:s14], $0x8000  }
0x15e: {  	[sflag:s14] =	ssyncset.done $0x0  }
0x15f: {  	s31 =	simm.s32 $0x40;
	[sflag:s14] =	ssyncadd.s32 $0xFFFF8000  }
0x160: {  	v15 =	vld [tilespmem:s31+$0xFFFFFFD0]  }
0x161: {  	v14 =	vld [tilespmem:s31+$0x30]  }
0x162: {  	v16 =	vld [tilespmem:s31+$0xFFFFFFF0]  }
0x163: {  	v17 =	vld [tilespmem:s31+$0xFFFFFFC0];
	_ =	sdelay $0x1  }
0x164: {  	v25 =	vld [tilespmem:s31+$0xFFFFFFE0]  }
0x165: {  	v13 =	vmov s24;
	v18 =	vld [tilespmem:s31+$0x10]  }
0x166: {  	v19 =	vshrl.u32 v15, $0xA;
	v15 =	vshrl.u32 v15, $0x15;
	v20 =	vshrl.u32 v14, $0xA  }
0x167: {  	v22 =	vshrl.u32 v16, $0xA;
	v23 =	vshrl.u32 v17, $0x15;
	v19 =	vand.u32 $0x7FF, v19  }
0x168: {  	v21 =	vld [tilespmem:s31+$0x0];
	vm6 =	veq.s32 v15, v13;
	v15 =	vshrl.u32 v16, $0x15;
	v16 =	vand.u32 $0x7FF, v20  }
0x169: {  	v24 =	vld [tilespmem:s31+$0x20];
	vm5 =	veq.s32 v23, v13;
	v23 =	vshrl.u32 v25, $0xA;
	v26 =	vor.u32 v1, v19  }
0x16a: {  	vm3 =	veq.s32 v15, v13;
	v19 =	vshrl.u32 v17, $0xA;
	v15 =	vshrl.u32 v18, $0x15  }
0x16b: {  	v18 =	vshrl.u32 v18, $0xA;
	v17 =	vand.u32 $0x7FF, v22;
	v22 =	vshrl.u32 v25, $0x15  }
0x16c: {  	vm3 =	vmmov vm3;
	vm4 =	veq.s32 v15, v13;
	v15 =	vand.u32 $0x7FF, v18  }
0x16d: {  	s1 =	simm.s32 $0x14000;
	v18 =	vshrl.u32 v21, $0xA;
	v20 =	vand.u32 $0x7FF, v19;
	v19 =	vshrl.u32 v21, $0x15  }
0x16e: {  	s4 =	ssub.s32 $0x64, s25;
	s0 =	simm.s32 $0x0;
	s2 =	simm.s32 $0xC0;
	v21 =	vshrl.u32 v24, $0x15;
	v24 =	vshrl.u32 v24, $0xA;
	v15 =	vor.u32 v1, v15;
	[tilespmem:v26+s1+$0x0] =	vst.idx.add.s32.msk vm6, v2  }
.LBB2_11:
0x16f: {  	v25 =	vld [tilespmem:s2+$0x10];
	s0 =	sadd.s32 $0x8, s0;
	vm6 =	veq.s32 v22, v13;
	v22 =	vand.u32 $0x7FF, v23;
	v23 =	vand.u32 $0x7FF, v24  }
0x170: {  	vm9 =	veq.s32 v21, v13;
	v21 =	vshrl.u32 v14, $0x15;
	v24 =	vld [tilespmem:s2+$0xFFFFFFD0];
	p0 =	slt.u32 s0, $0x13F8;
	v22 =	vor.u32 v1, v22  }
0x171: {  	v23 =	vor.u32 v1, v23;
	vm7 =	veq.s32 v21, v13;
	v21 =	vor.u32 v1, v16;
	v14 =	vld [tilespmem:s2+$0x30]  }
0x172: {  	v20 =	vor.u32 v1, v20;
	v16 =	vld [tilespmem:s2+$0xFFFFFFF0]  }
0x173: {  	v26 =	vld [tilespmem:s2+$0xFFFFFFC0]  }
0x174: {  	v17 =	vor.u32 v1, v17;
	vm10 =	veq.s32 v19, v13;
	v18 =	vand.u32 $0x7FF, v18;
	v27 =	vld [tilespmem:s2+$0x0]  }
0x175: {  	v18 =	vor.u32 v1, v18;
	v19 =	vshrl.u32 v24, $0x15;
	v24 =	vshrl.u32 v24, $0xA;
	v28 =	vld [tilespmem:s2+$0xFFFFFFE0]  }
0x176: {  	v24 =	vand.u32 $0x7FF, v24;
	v29 =	vshrl.u32 v14, $0xA;
	[tilespmem:v23+s1+$0x0] =	vst.idx.add.s32.msk vm9, v2  }
0x177: {  	vm9 =	veq.s32 v19, v13;
	v19 =	vshrl.u32 v16, $0x15;
	v23 =	vshrl.u32 v16, $0xA;
	[tilespmem:v20+s1+$0x0] =	vst.idx.add.s32.msk vm5, v2  }
0x178: {  	v24 =	vor.u32 v1, v24;
	v20 =	vshrl.u32 v26, $0x15;
	vm5 =	veq.s32 v19, v13;
	v30 =	vld [tilespmem:s2+$0x20]  }
0x179: {  	v19 =	vshrl.u32 v26, $0xA;
	[tilespmem:v17+s1+$0x0] =	vst.idx.add.s32.msk vm3, v2;
	vm3 =	vmmov vm5  }
.Ltmp6:
0x17a: {  	v16 =	vand.u32 $0x7FF, v29;
	v26 =	vshrl.u32 v25, $0x15;
	v25 =	vshrl.u32 v25, $0xA;
	[tilespmem:v15+s1+$0x0] =	vst.idx.add.s32.msk vm4, v2;
	(pc) =	sbr.rel @p0 .LBB2_11-.Ltmp6, $4  }
0x17b: {  	v17 =	vand.u32 $0x7FF, v23;
	vm4 =	veq.s32 v26, v13;
	v15 =	vand.u32 $0x7FF, v25;
	[tilespmem:v18+s1+$0x0] =	vst.idx.add.s32.msk vm10, v2  }
0x17c: {  	vm5 =	veq.s32 v20, v13;
	v18 =	vshrl.u32 v27, $0xA;
	v15 =	vor.u32 v1, v15;
	[tilespmem:v21+s1+$0x0] =	vst.idx.add.s32.msk vm7, v2  }
0x17d: {  	v20 =	vand.u32 $0x7FF, v19;
	v19 =	vshrl.u32 v27, $0x15;
	v21 =	vshrl.u32 v30, $0x15;
	[tilespmem:v22+s1+$0x0] =	vst.idx.add.s32.msk vm6, v2  }
0x17e: {  	s2 =	sadd.s32 $0x80, s2;
	v23 =	vshrl.u32 v28, $0xA;
	v22 =	vshrl.u32 v28, $0x15;
	[tilespmem:v24+s1+$0x0] =	vst.idx.add.s32.msk vm9, v2;
	v24 =	vshrl.u32 v30, $0xA  }
0x17f: {  	_ = 	snop  }
0x180: {  	v24 =	vand.u32 $0x7FF, v24;
	v20 =	vor.u32 v1, v20  }
0x181: {  	vm6 =	veq.s32 v21, v13;
	v17 =	vor.u32 v1, v17;
	v14 =	vshrl.u32 v14, $0x15  }
0x182: {  	vm7 =	veq.s32 v19, v13;
	v18 =	vand.u32 $0x7FF, v18;
	v56 =	vor.u32 v1, v24  }
0x183: {  	vm9 =	veq.s32 v14, v13;
	v14 =	vor.u32 v1, v18  }
0x184: {  	vm10 =	veq.s32 v22, v13;
	v16 =	vor.u32 v1, v16;
	[tilespmem:v15+s1+$0x0] =	vst.idx.add.s32.msk vm4, v2;
	v13 =	vand.u32 $0x7FF, v23  }
0x185: {  	v13 =	vor.u32 v1, v13;
	[tilespmem:v20+s1+$0x0] =	vst.idx.add.s32.msk vm5, v2  }
0x186: {  	[tilespmem:v17+s1+$0x0] =	vst.idx.add.s32.msk vm3, v2  }
0x187: {  	[tilespmem:v56+s1+$0x0] =	vst.idx.add.s32.msk vm6, v2  }
0x188: {  	[tilespmem:v14+s1+$0x0] =	vst.idx.add.s32.msk vm7, v2  }
0x189: {  	s2 =	simm.s32 $0x0;
	[tilespmem:v16+s1+$0x0] =	vst.idx.add.s32.msk vm9, v2  }
0x18a: {  	s2 =	sand.u32 $0x7F0, s2;
	[tilespmem:v13+s1+$0x0] =	vst.idx.add.s32.msk vm10, v2  }
0x18b: {  	v13 =	vld [tilespmem:s2+$0x14800]  }
0x18c: {  	v14 =	vld [tilespmem:s1+$0x0]  }
0x18d: {  	v15 =	vld [tilespmem:s2+$0x15000]  }
0x18e: {  	v16 =	vld [tilespmem:s2+$0x15800]  }
0x18f: {  	v17 =	vld [tilespmem:s2+$0x16000]  }
0x190: {  	v57 =	vld [tilespmem:s2+$0x16800]  }
0x191: {  	v13 =	vadd.s32 v14, v13;
	v14 =	vld [tilespmem:s2+$0x17000]  }
0x192: {  	v13 =	vadd.s32 v15, v13;
	v15 =	vld [tilespmem:s2+$0x17800]  }
0x193: {  	v58 =	vld [tilespmem:s2+$0x18000];
	v13 =	vadd.s32 v16, v13  }
0x194: {  	v59 =	vld [tilespmem:s2+$0x18800];
	v13 =	vadd.s32 v17, v13  }
0x195: {  	v60 =	vld [tilespmem:s2+$0x19000];
	v13 =	vadd.s32 v57, v13  }
0x196: {  	v13 =	vadd.s32 v14, v13;
	v14 =	vld [tilespmem:s2+$0x19800]  }
0x197: {  	v13 =	vadd.s32 v15, v13;
	v15 =	vld [tilespmem:s2+$0x1A000]  }
0x198: {  	v61 =	vld [tilespmem:s2+$0x1A800];
	v13 =	vadd.s32 v58, v13  }
0x199: {  	v62 =	vld [tilespmem:s2+$0x1B000];
	v13 =	vadd.s32 v59, v13  }
0x19a: {  	v63 =	vld [tilespmem:s2+$0x1B800];
	v13 =	vadd.s32 v60, v13  }
0x19b: {  	v13 =	vadd.s32 v14, v13  }
0x19c: {  	v13 =	vadd.s32 v15, v13  }
0x19d: {  	v13 =	vadd.s32 v61, v13  }
0x19e: {  	v13 =	vadd.s32 v62, v13  }
0x19f: {  	s0 =	simm.s32 $0x1C000;
	s31 =	simm.s32 $0x10;
	v13 =	vadd.s32 v63, v13  }
0x1a0: {  	s1 =	sand.u32 $0x7F0, s31;
	[tilespmem:s0+$0x0] =	vst v13  }
0x1a1: {  	s3 =	simm.s32 $0x20;
	s2 =	simm.s32 $0x14010;
	v13 =	vld [tilespmem:s1+$0x14800]  }
.LBB2_13:
0x1a2: {  	p0 =	seq.s32 s3, $0x7F0;
	v14 =	vld [tilespmem:s2+$0x0]  }
0x1a3: {  	v15 =	vld [tilespmem:s1+$0x15000]  }
0x1a4: {  	v16 =	vld [tilespmem:s1+$0x15800]  }
0x1a5: {  	v17 =	vld [tilespmem:s1+$0x16000]  }
0x1a6: {  	v18 =	vld [tilespmem:s1+$0x16800]  }
0x1a7: {  	v13 =	vadd.s32 v14, v13;
	v14 =	vld [tilespmem:s1+$0x17000]  }
0x1a8: {  	v13 =	vadd.s32 v15, v13;
	v15 =	vld [tilespmem:s1+$0x17800]  }
0x1a9: {  	v13 =	vadd.s32 v16, v13;
	v16 =	vld [tilespmem:s1+$0x18000]  }
0x1aa: {  	v13 =	vadd.s32 v17, v13;
	v17 =	vld [tilespmem:s1+$0x18800]  }
0x1ab: {  	v13 =	vadd.s32 v18, v13;
	v18 =	vld [tilespmem:s1+$0x19000]  }
0x1ac: {  	v13 =	vadd.s32 v14, v13;
	v14 =	vld [tilespmem:s1+$0x19800]  }
0x1ad: {  	v13 =	vadd.s32 v15, v13;
	v15 =	vld [tilespmem:s1+$0x1A000]  }
0x1ae: {  	v13 =	vadd.s32 v16, v13;
	v16 =	vld [tilespmem:s1+$0x1A800]  }
0x1af: {  	v13 =	vadd.s32 v17, v13;
	v17 =	vld [tilespmem:s1+$0x1B000]  }
0x1b0: {  	v13 =	vadd.s32 v18, v13;
	v18 =	vld [tilespmem:s1+$0x1B800]  }
0x1b1: {  	v13 =	vadd.s32 v14, v13  }
0x1b2: {  	v13 =	vadd.s32 v15, v13  }
.Ltmp7:
0x1b3: {  	v13 =	vadd.s32 v16, v13;
	(pc) =	sbr.rel @!p0 .LBB2_13-.Ltmp7, $4  }
0x1b4: {  	v13 =	vadd.s32 v17, v13  }
0x1b5: {  	s0 =	sadd.s32 $0x10, s0;
	v13 =	vadd.s32 v18, v13  }
0x1b6: {  	s1 =	sand.u32 $0x7F0, s3;
	[tilespmem:s0+$0x0] =	vst v13  }
0x1b7: {  	s2 =	sadd.s32 $0x10, s2;
	s3 =	sadd.s32 $0x10, s3;
	v13 =	vld [tilespmem:s1+$0x14800]  }
0x1b8: {  	v14 =	vld [tilespmem:s2+$0x0]  }
0x1b9: {  	v15 =	vld [tilespmem:s1+$0x15000]  }
0x1ba: {  	v16 =	vld [tilespmem:s1+$0x15800]  }
0x1bb: {  	v17 =	vld [tilespmem:s1+$0x16000]  }
0x1bc: {  	v18 =	vld [tilespmem:s1+$0x16800]  }
0x1bd: {  	v13 =	vadd.s32 v14, v13;
	v14 =	vld [tilespmem:s1+$0x17000]  }
0x1be: {  	v13 =	vadd.s32 v15, v13;
	v15 =	vld [tilespmem:s1+$0x17800]  }
0x1bf: {  	v13 =	vadd.s32 v16, v13;
	v16 =	vld [tilespmem:s1+$0x18000]  }
0x1c0: {  	v13 =	vadd.s32 v17, v13;
	v17 =	vld [tilespmem:s1+$0x18800]  }
0x1c1: {  	v13 =	vadd.s32 v18, v13;
	v18 =	vld [tilespmem:s1+$0x19000]  }
0x1c2: {  	v13 =	vadd.s32 v14, v13;
	v14 =	vld [tilespmem:s1+$0x19800]  }
0x1c3: {  	v13 =	vadd.s32 v15, v13;
	v15 =	vld [tilespmem:s1+$0x1A000]  }
0x1c4: {  	v13 =	vadd.s32 v16, v13;
	v16 =	vld [tilespmem:s1+$0x1A800]  }
0x1c5: {  	v13 =	vadd.s32 v17, v13;
	v17 =	vld [tilespmem:s1+$0x1B000]  }
0x1c6: {  	v13 =	vadd.s32 v18, v13;
	v18 =	vld [tilespmem:s1+$0x1B800]  }
0x1c7: {  	v13 =	vadd.s32 v14, v13  }
0x1c8: {  	v13 =	vadd.s32 v15, v13  }
0x1c9: {  	v13 =	vadd.s32 v16, v13  }
0x1ca: {  	v13 =	vadd.s32 v17, v13  }
0x1cb: {  	s0 =	sadd.s32 $0x10, s0;
	v13 =	vadd.s32 v18, v13  }
0x1cc: {  	s2 =	simm.s32 $0x1C7F0;
	[tilespmem:s0+$0x0] =	vst v13  }
0x1cd: {  	v14 =	vld [tilespmem:s2+$0x0];
	_ =	sdelay $0x4  }
0x1ce: {  	(xrf0) =	vadd.scan.msk.s32 $0xffff, v14;
	_ =	sdelay $0x2  }
0x1cf: {  	s3 =	simm.s32 $0x1C7E0  }
0x1d0: {  	v22 =	vld [tilespmem:s3+$0x0];
	v15 =	vperm.xlane v14, v3;
	_ =	sdelay $0x1  }
0x1d1: {  	(xrf0) =	vadd.scan.msk.s32 $0xffff, v15;
	v16, _, _ =	vpop (xrf0)  }
0x1d2: {  	(v2sf) =	vpush v16, $0xF;
	_ =	sdelay $0x1  }
0x1d3: {  	(xrf0) =	vadd.scan.msk.s32 $0xffff, v22;
	_ =	sdelay $0x2  }
0x1d4: {  	v16 =	vperm.xlane v22, v3;
	v15, _, _ =	vpop (xrf0)  }
0x1d5: {  	[dreg:$0x10] =	wrdreg s4;
	v13 =	vmov s4;
	s4 =	simm.s32 $0x1C7D0;
	v15 =	vperm.xlane v15, v3  }
0x1d6: {  	s23 =	simm.s32 $0x0;
	v21 =	vld [tilespmem:s4+$0x0];
	(xrf0) =	vadd.scan.msk.s32 $0xffff, v16  }
0x1d7: {  	v17, _, _ =	vpop (xrf0);
	v15 =	vadd.s32 s23, v15  }
0x1d8: {  	(v2sf) =	vpush v17, $0xF;
	vm3 =	vge.s32 v15, v13  }
0x1d9: {  	v16 =	vsel vm3, $0x1, v4;
	_ =	sdelay $0x1  }
0x1da: {  	(xrf0) =	vadd.scan.msk.s32 $0xffff, v21  }
0x1db: {  	s5 =	simm.s32 $0x1C7C0;
	v17 =	vperm.xlane v21, v3;
	(xrf0) =	vadd.scan.msk.s32 $0xffff, v16;
	v16, _, _ =	vpop (xrf0)  }
0x1dc: {  	v18 =	vld [tilespmem:s5+$0x0];
	v16 =	vperm.xlane v16, v3  }
0x1dd: {  	(xrf0) =	vadd.scan.msk.s32 $0xffff, v17;
	s6 =	spop (v2sf)  }
0x1de: {  	s0 =	sadd.s32 $0x0, s6  }
0x1df: {  	v23 =	vadd.s32 s0, v16  }
0x1e0: {  	v16, _, _ =	vpop (xrf0);
	vm3 =	vge.s32 v23, v13  }
0x1e1: {  	(xrf0) =	vadd.scan.msk.s32 $0xffff, v18;
	(v2sf) =	vpush v16, $0xF;
	v16, _, _ =	vpop (xrf0);
	v17 =	vsel vm3, $0x1, v4  }
0x1e2: {  	(v2sf) =	vpush v16, $0xF;
	(xrf0) =	vadd.scan.msk.s32 $0xffff, v17  }
0x1e3: {  	v16, _, _ =	vpop (xrf0)  }
0x1e4: {  	s7 =	simm.s32 $0x1C7B0;
	v16 =	vperm.xlane v16, v3  }
0x1e5: {  	v17 =	vld [tilespmem:s7+$0x0]  }
0x1e6: {  	s8 =	spop (v2sf)  }
0x1e7: {  	v19 =	vperm.xlane v18, v3;
	s0 =	sadd.s32 s0, s8;
	v20, _, _ =	vpop (xrf0)  }
0x1e8: {  	(v2sf) =	vpush v20, $0xF;
	v24 =	vadd.s32 s0, v16;
	v16, _, _ =	vpop (xrf0)  }
0x1e9: {  	(xrf0) =	vadd.scan.msk.s32 $0xffff, v19;
	vm3 =	vge.s32 v24, v13;
	(v2sf) =	vpush v16, $0xF  }
0x1ea: {  	(xrf0) =	vadd.scan.msk.s32 $0xffff, v17;
	v16 =	vsel vm3, $0x1, v4  }
0x1eb: {  	(xrf0) =	vadd.scan.msk.s32 $0xffff, v16;
	_ =	sdelay $0x1  }
0x1ec: {  	v20 =	vperm.xlane v17, v3  }
0x1ed: {  	s9 =	simm.s32 $0x1C7A0  }
0x1ee: {  	v19, _, _ =	vpop (xrf0);
	v16 =	vld [tilespmem:s9+$0x0]  }
0x1ef: {  	v19 =	vperm.xlane v19, v3;
	(xrf0) =	vadd.scan.msk.s32 $0xffff, v20;
	v25, _, _ =	vpop (xrf0);
	s10 =	spop (v2sf)  }
0x1f0: {  	(v2sf) =	vpush v25, $0xF;
	v20, _, _ =	vpop (xrf0);
	s11 =	spop (v2sf);
	s0 =	sadd.s32 s0, s10  }
0x1f1: {  	(v2sf) =	vpush v20, $0xF;
	v20 =	vadd.s32 s0, v19;
	s12 =	sadd.s32 $0xFFFFFFFF, s11  }
0x1f2: {  	vm3 =	vge.s32 v20, v13;
	v19 =	vmov s12  }
0x1f3: {  	(xrf0) =	vadd.scan.msk.s32 $0xffff, v16;
	v54 =	vsel vm3, $0x1, v4;
	vm3 =	veq.s32 v19, v0  }
0x1f4: {  	(xrf0) =	vadd.scan.msk.s32 $0xffff, v54;
	v15 =	vnsel vm3, $0x0, v15  }
0x1f5: {  	v14 =	vnsel vm3, $0x0, v14;
	(xrf0) =	vadd.scan.msk.s32 $0xffff, v15;
	v19, _, _ =	vpop (xrf0)  }
0x1f6: {  	s13 =	simm.s32 $0x1C790;
	s16 =	spop (v2sf);
	(xrf0) =	vadd.scan.msk.s32 $0xffff, v14;
	v14 =	vperm.xlane v19, v3  }
0x1f7: {  	v55 =	vperm.xlane v16, v3;
	s5 =	sadd.s32 s0, s16;
	v15 =	vld [tilespmem:s13+$0x0];
	s3 =	spop (v2sf)  }
0x1f8: {  	v19 =	vadd.s32 s5, v14;
	s17 =	sadd.s32 $0xFFFFFFFF, s3  }
0x1f9: {  	(xrf0) =	vadd.scan.msk.s32 $0xffff, v55;
	vm3 =	vge.s32 v19, v13;
	v56 =	vmov s17  }
0x1fa: {  	v26 =	vsel vm3, $0x1, v4;
	vm3 =	veq.s32 v56, v0  }
0x1fb: {  	v14, _, _ =	vpop (xrf0);
	v23 =	vnsel vm3, $0x0, v23  }
0x1fc: {  	v57, _, _ =	vpop (xrf0);
	(xrf0) =	vadd.scan.msk.s32 $0xffff, v15;
	v22 =	vnsel vm3, $0x0, v22  }
0x1fd: {  	(xrf0) =	vadd.scan.msk.s32 $0xffff, v26;
	v58, _, _ =	vpop (xrf0)  }
0x1fe: {  	(xrf0) =	vadd.scan.msk.s32 $0xffff, v23;
	v23, _, _ =	vpop (xrf0)  }
0x1ff: {  	s26 =	simm.s32 $0xFFFFFFFF;
	(xrf0) =	vadd.scan.msk.s32 $0xffff, v22;
	v22, _, _ =	vpop (xrf0)  }
0x200: {  	p1 =	por $0x1, $0x1;
	s21 =	simm.s32 $0x7BF;
	p0 =	sgt.s32 s11, $0x0;
	(v2sf) =	vpush v14, $0xF;
	v22 =	vperm.xlane v22, v3  }
0x201: {  	s30 =	simm.s32 $0x76F;
	s29 =	simm.s32 $0x75F;
	p0 =	por !p1, !p0;
	(v2sf) =	vpush v57, $0xF  }
0x202: {  	p0 =	por !p0, !p0;
	s0 =	sadd.s32 $0x7EF, s11;
	s18 =	spop (v2sf);
	(v2sf) =	vpush v58, $0xF  }
0x203: {  	s4 =	simm.s32 $0x1C780;
	s26 =	smov.u32 @p0 s0;
	s5 =	sadd.s32 s5, s18;
	(v2sf) =	vpush v23, $0xF;
	v60, _, _ =	vpop (xrf0)  }
0x204: {  	p2 =	slt.s32 s26, $0x0;
	p5 =	sgt.s32 s3, $0x0;
	v14 =	vld [tilespmem:s4+$0x0];
	s6 =	spop (v2sf);
	(v2sf) =	vpush v60, $0xF;
	v23 =	vadd.s32 s5, v22;
	v22, _, _ =	vpop (xrf0)  }
0x205: {  	s31 =	simm.s32 $0x74F;
	s28 =	simm.s32 $0x0;
	p1 =	por !p2, !p5;
	(v2sf) =	vpush v22, $0xF;
	v22, _, _ =	vpop (xrf0)  }
0x206: {  	s1 =	simm.s32 $0x78F;
	s3 =	sadd.s32 $0x7DF, s3;
	v59 =	vperm.xlane v15, v3;
	p1 =	por !p1, !p1;
	v63, _, _ =	vpop (xrf0);
	(v2sf) =	vpush v22, $0xF  }
0x207: {  	s16 =	simm.s32 $0x79F;
	s26 =	smov.u32 @p1 s3;
	s25 =	sadd.s32 $0xFFFFFFFF, s6;
	(v2sf) =	vpush v63, $0xF  }
0x208: {  	p0 =	por p0, p0;
	p3 =	slt.s32 s26, $0x0;
	(xrf0) =	vadd.scan.msk.s32 $0xffff, v59;
	p6 =	sgt.s32 s6, $0x0;
	v61 =	vmov s25;
	vm3 =	vge.s32 v23, v13  }
0x209: {  	s0 =	simm.s32 $0x77F;
	p0 =	por p0, p0;
	p2 =	por !p3, !p6;
	(xrf0) =	vadd.scan.msk.s32 $0xffff, v14;
	v62 =	vsel vm3, $0x1, v4;
	vm3 =	veq.s32 v61, v0  }
0x20a: {  	s17 =	simm.s32 $0x7AF;
	s2 =	sadd.s32 $0x7CF, s6;
	p2 =	por !p2, !p2;
	v24 =	vnsel vm3, $0x0, v24;
	(xrf0) =	vadd.scan.msk.s32 $0xffff, v62  }
0x20b: {  	p1 =	por p1, p1;
	s26 =	smov.u32 @p2 s2;
	s2 =	simm.s32 $0x73F;
	v22 =	vnsel vm3, $0x0, v21;
	(xrf0) =	vadd.scan.msk.s32 $0xffff, v24  }
.LBB2_15:
0x20c: {  	p3 =	sne.s32 s2, $0xFFFFFFFF;
	s4 =	sadd.s32 $0xFFFFFFF0, s4;
	s3 =	smov.u32 s0  }
0x20d: {  	s0 =	smov.u32 s30;
	s30 =	smov.u32 s29;
	s29 =	smov.u32 s31  }
0x20e: {  	(xrf0) =	vadd.scan.msk.s32 $0xffff, v22;
	v21 =	vmovc v14;
	v22 =	vmov v20;
	v20 =	vmov v19;
	v19 =	vmov v23;
	p4 =	por p0, p0;
	p0 =	por p1, p1;
	p1 =	por p2, p2  }
0x20f: {  	s31 =	smov.u32 s2;
	v14 =	vld [tilespmem:s4+$0x0];
	v23, _, _ =	vpop (xrf0);
	s6 =	spop (v2sf)  }
0x210: {  	p5 =	slt.s32 s26, $0x0;
	v26 =	vperm.xlane v21, v3;
	v23 =	vperm.xlane v23, v3;
	s7 =	spop (v2sf)  }
0x211: {  	s5 =	sadd.s32 s5, s6;
	v25, _, _ =	vpop (xrf0);
	p2 =	sgt.s32 s7, $0x0;
	s6 =	sadd.s32 $0xFFFFFFFF, s7  }
.Ltmp8:
0x212: {  	(xrf0) =	vadd.scan.msk.s32 $0xffff, v26;
	(v2sf) =	vpush v25, $0xF;
	v23 =	vadd.s32 s5, v23;
	v24, _, _ =	vpop (xrf0);
	p2 =	por !p5, !p2;
	s8 =	spop (v2sf);
	(pc) =	sbr.rel @p3 .LBB2_15-.Ltmp8, $4  }
0x213: {  	v27 =	vmov s6;
	s6 =	sadd.s32 s21, s7;
	vm3 =	vge.s32 v23, v13;
	(v2sf) =	vpush v24, $0xF;
	p2 =	por !p2, !p2;
	v25, _, _ =	vpop (xrf0);
	s7 =	spop (v2sf)  }
0x214: {  	(xrf0) =	vadd.scan.msk.s32 $0xffff, v14;
	v26 =	vsel vm3, $0x1, v4;
	vm3 =	veq.s32 v27, v0;
	s26 =	smov.u32 @p2 s6;
	v24, _, _ =	vpop (xrf0);
	s6 =	ssub.s32 s8, s7;
	s23 =	smov.u32 @p4 s7  }
0x215: {  	s21 =	smov.u32 s17;
	s17 =	smov.u32 s16;
	(xrf0) =	vadd.scan.msk.s32 $0xffff, v26;
	v26 =	vnsel vm3, $0x0, v22;
	v22 =	vnsel vm3, $0x0, v18;
	(v2sf) =	vpush v25, $0xF;
	s28 =	smov.u32 @p4 s6;
	v18 =	vmovc v17  }
0x216: {  	s2 =	sadd.s32 $0xFFFFFFF0, s2;
	s16 =	smov.u32 s1;
	s1 =	smov.u32 s3;
	v17 =	vmovc v16;
	v16 =	vmov v15;
	v15 =	vmov v21;
	(xrf0) =	vadd.scan.msk.s32 $0xffff, v26;
	(v2sf) =	vpush v24, $0xF  }
0x217: {  	_ = 	snop  }
0x218: {  	s2 =	sadd.s32 $0xFFFFFFF0, s4  }
0x219: {  	v21 =	vld [tilespmem:s2+$0x0];
	v24, _, _ =	vpop (xrf0)  }
0x21a: {  	s3 =	spop (v2sf);
	v24 =	vperm.xlane v24, v3;
	v25, _, _ =	vpop (xrf0)  }
0x21b: {  	v26 =	vperm.xlane v14, v3;
	s4 =	spop (v2sf);
	s3 =	sadd.s32 s5, s3;
	(v2sf) =	vpush v25, $0xF;
	v32, _, _ =	vpop (xrf0)  }
0x21c: {  	(xrf0) =	vadd.scan.msk.s32 $0xffff, v22;
	s13 =	sadd.s32 $0xFFFFFFFF, s4;
	v24 =	vadd.s32 s3, v24;
	(v2sf) =	vpush v32, $0xF  }
0x21d: {  	s2 =	sadd.s32 $0xFFFFFFF0, s2;
	(xrf0) =	vadd.scan.msk.s32 $0xffff, v26;
	v33 =	vmov s13;
	vm3 =	vge.s32 v24, v13  }
0x21e: {  	v35 =	vld [tilespmem:s2+$0x0];
	(xrf0) =	vadd.scan.msk.s32 $0xffff, v21;
	v34 =	vsel vm3, $0x1, v4;
	vm3 =	veq.s32 v33, v0  }
0x21f: {  	(xrf0) =	vadd.scan.msk.s32 $0xffff, v34;
	v20 =	vnsel vm3, $0x0, v20  }
0x220: {  	v36 =	vperm.xlane v21, v3;
	v18 =	vnsel vm3, $0x0, v18;
	(xrf0) =	vadd.scan.msk.s32 $0xffff, v20  }
0x221: {  	v37, _, _ =	vpop (xrf0);
	(xrf0) =	vadd.scan.msk.s32 $0xffff, v18  }
0x222: {  	v38, _, _ =	vpop (xrf0);
	(xrf0) =	vadd.scan.msk.s32 $0xffff, v36  }
0x223: {  	s6 =	spop (v2sf);
	v39, _, _ =	vpop (xrf0);
	(xrf0) =	vadd.scan.msk.s32 $0xffff, v35  }
0x224: {  	s7 =	spop (v2sf);
	(v2sf) =	vpush v37, $0xF;
	v40, _, _ =	vpop (xrf0)  }
0x225: {  	(v2sf) =	vpush v38, $0xF;
	s8 =	spop (v2sf);
	v41 =	vperm.xlane v39, v3;
	v42, _, _ =	vpop (xrf0)  }
0x226: {  	s5 =	spop (v2sf);
	s3 =	sadd.s32 s3, s8;
	(v2sf) =	vpush v40, $0xF;
	v43, _, _ =	vpop (xrf0)  }
0x227: {  	v20 =	vadd.s32 s3, v41;
	s18 =	sadd.s32 $0xFFFFFFFF, s5;
	(v2sf) =	vpush v42, $0xF;
	v44, _, _ =	vpop (xrf0)  }
0x228: {  	s2 =	sadd.s32 $0xFFFFFFF0, s2;
	s10 =	spop (v2sf);
	vm3 =	vge.s32 v20, v13;
	v45 =	vmov s18;
	(v2sf) =	vpush v43, $0xF;
	v46, _, _ =	vpop (xrf0)  }
0x229: {  	v47 =	vld [tilespmem:s2+$0x0];
	s12 =	spop (v2sf);
	v27 =	vsel vm3, $0x1, v4;
	vm3 =	veq.s32 v45, v0;
	(v2sf) =	vpush v44, $0xF;
	v48, _, _ =	vpop (xrf0)  }
0x22a: {  	v19 =	vnsel vm3, $0x0, v19;
	(xrf0) =	vadd.scan.msk.s32 $0xffff, v27;
	v25 =	vperm.xlane v46, v3;
	s25 =	spop (v2sf);
	(v2sf) =	vpush v48, $0xF  }
0x22b: {  	v49 =	vperm.xlane v35, v3;
	v17 =	vnsel vm3, $0x0, v17;
	(xrf0) =	vadd.scan.msk.s32 $0xffff, v19;
	s11 =	spop (v2sf);
	s2 =	sadd.s32 s3, s25  }
0x22c: {  	(xrf0) =	vadd.scan.msk.s32 $0xffff, v17;
	v50 =	vadd.s32 s2, v25;
	s8 =	sadd.s32 $0xFFFFFFFF, s11  }
0x22d: {  	(xrf0) =	vadd.scan.msk.s32 $0xffff, v49;
	vm3 =	vge.s32 v50, v13;
	v51 =	vmov s8  }
0x22e: {  	(xrf0) =	vadd.scan.msk.s32 $0xffff, v47;
	v52 =	vsel vm3, $0x1, v4;
	vm3 =	veq.s32 v51, v0  }
0x22f: {  	(xrf0) =	vadd.scan.msk.s32 $0xffff, v52;
	v19 =	vnsel vm3, $0x0, v23  }
0x230: {  	v54 =	vperm.xlane v47, v3;
	v53, _, _ =	vpop (xrf0);
	v16 =	vnsel vm3, $0x0, v16;
	(xrf0) =	vadd.scan.msk.s32 $0xffff, v19  }
0x231: {  	v55, _, _ =	vpop (xrf0);
	(xrf0) =	vadd.scan.msk.s32 $0xffff, v16  }
0x232: {  	v56, _, _ =	vpop (xrf0);
	(xrf0) =	vadd.scan.msk.s32 $0xffff, v54  }
0x233: {  	s13 =	spop (v2sf);
	v57, _, _ =	vpop (xrf0)  }
0x234: {  	s3 =	spop (v2sf);
	v58, _, _ =	vpop (xrf0)  }
0x235: {  	s9 =	spop (v2sf);
	v59, _, _ =	vpop (xrf0)  }
0x236: {  	v19 =	vperm.xlane v57, v3;
	s18 =	spop (v2sf);
	v28, _, _ =	vpop (xrf0)  }
0x237: {  	s2 =	sadd.s32 s2, s9;
	s8 =	spop (v2sf);
	v60, _, _ =	vpop (xrf0)  }
0x238: {  	v19 =	vadd.s32 s2, v19;
	s25 =	sadd.s32 $0xFFFFFFFF, s18;
	s9 =	spop (v2sf);
	v61, _, _ =	vpop (xrf0)  }
0x239: {  	vm3 =	vge.s32 v19, v13;
	v29 =	vmov s25;
	s25 =	spop (v2sf);
	v25 =	vperm.xlane v61, v3  }
0x23a: {  	v62 =	vsel vm3, $0x1, v4;
	vm3 =	veq.s32 v29, v0;
	s2 =	sadd.s32 s2, s25  }
0x23b: {  	(v2sf) =	vpush v53, $0xF;
	(xrf0) =	vadd.scan.msk.s32 $0xffff, v62;
	v63 =	vnsel vm3, $0x0, v24;
	v25 =	vadd.s32 s2, v25  }
0x23c: {  	(v2sf) =	vpush v55, $0xF;
	v15 =	vnsel vm3, $0x0, v15;
	(xrf0) =	vadd.scan.msk.s32 $0xffff, v63;
	vm3 =	vge.s32 v25, v13  }
0x23d: {  	(v2sf) =	vpush v56, $0xF;
	(xrf0) =	vadd.scan.msk.s32 $0xffff, v15;
	v13 =	vsel vm3, $0x1, v4  }
0x23e: {  	(v2sf) =	vpush v58, $0xF;
	(xrf0) =	vadd.scan.msk.s32 $0xffff, v13  }
0x23f: {  	(v2sf) =	vpush v59, $0xF  }
0x240: {  	(v2sf) =	vpush v28, $0xF  }
0x241: {  	(v2sf) =	vpush v60, $0xF;
	v13, _, _ =	vpop (xrf0)  }
0x242: {  	(v2sf) =	vpush v13, $0xF;
	v13, _, _ =	vpop (xrf0)  }
0x243: {  	v15, _, _ =	vpop (xrf0);
	(v2sf) =	vpush v13, $0xF  }
0x244: {  	(v2sf) =	vpush v15, $0xF;
	v13, _, _ =	vpop (xrf0)  }
0x245: {  	(v2sf) =	vpush v13, $0xF  }
0x246: {  	p4 =	slt.s32 s26, $0x0;
	p3 =	sgt.s32 s4, $0x0  }
0x247: {  	p1 =	por p1, p1;
	p3 =	por !p4, !p3  }
0x248: {  	p0 =	por p0, p0;
	p1 =	por p1, p1;
	p3 =	por !p3, !p3  }
0x249: {  	s23 =	smov.u32 @p0 s7;
	p6 =	sgt.s32 s5, $0x0;
	s2 =	sadd.s32 s21, s4  }
0x24a: {  	s26 =	smov.u32 @p3 s2;
	s2 =	ssub.s32 s6, s7;
	s21 =	spop (v2sf)  }
0x24b: {  	p5 =	slt.s32 s26, $0x0;
	s28 =	smov.u32 @p0 s2;
	s4 =	spop (v2sf)  }
0x24c: {  	s2 =	sadd.s32 s17, s5;
	p4 =	por !p5, !p6;
	s6 =	spop (v2sf)  }
0x24d: {  	s5 =	sadd.s32 $0xFFFFFFFF, s21;
	p0 =	por !p4, !p4;
	s25 =	spop (v2sf)  }
0x24e: {  	s26 =	smov.u32 @p0 s2;
	s2 =	ssub.s32 s10, s12;
	s10 =	spop (v2sf)  }
0x24f: {  	s23 =	smov.u32 @p1 s12;
	v13 =	vmov s5;
	s12 =	spop (v2sf)  }
0x250: {  	p2 =	por p2, p2;
	vm3 =	veq.s32 v13, v0;
	s17 =	spop (v2sf)  }
0x251: {  	p2 =	por p2, p2;
	s7 =	sadd.s32 $0xFFFFFFFF, s10;
	v13 =	vnsel vm3, $0x0, v20;
	s5 =	spop (v2sf)  }
0x252: {  	p2 =	por p2, p2;
	(xrf0) =	vadd.scan.msk.s32 $0xffff, v13;
	v13 =	vmov s7;
	s7 =	spop (v2sf)  }
0x253: {  	p5 =	sgt.s32 s11, $0x0;
	s28 =	smov.u32 @p1 s2;
	s2 =	spop (v2sf)  }
0x254: {  	s11 =	sadd.s32 s16, s11;
	v14 =	vnsel vm3, $0x0, v14;
	vm3 =	veq.s32 v13, v0;
	s16 =	sadd.s32 $0xFFFFFFFF, s5;
	s25 =	spop (v2sf)  }
0x255: {  	s13 =	ssub.s32 s13, s3;
	p6 =	slt.s32 s26, $0x0;
	(xrf0) =	vadd.scan.msk.s32 $0xffff, v14;
	v13 =	vnsel vm3, $0x0, v50;
	v14 =	vmov s16;
	s16 =	sadd.s32 $0xFFFFFFFF, s25  }
0x256: {  	s23 =	smov.u32 @p2 s3;
	s1 =	sadd.s32 s1, s18;
	p1 =	por !p6, !p5;
	(xrf0) =	vadd.scan.msk.s32 $0xffff, v13;
	v13 =	vmov s16  }
0x257: {  	p3 =	por p3, p3;
	p0 =	por p0, p0;
	p1 =	por !p1, !p1;
	v15 =	vnsel vm3, $0x0, v21;
	vm3 =	veq.s32 v14, v0  }
0x258: {  	s0 =	sadd.s32 s0, s21;
	p0 =	por p0, p0;
	s26 =	smov.u32 @p1 s11;
	(xrf0) =	vadd.scan.msk.s32 $0xffff, v15;
	v14 =	vnsel vm3, $0x0, v19  }
0x259: {  	p5 =	sgt.s32 s18, $0x0;
	s28 =	smov.u32 @p2 s13;
	p6 =	slt.s32 s26, $0x0;
	v15 =	vnsel vm3, $0x0, v35;
	(xrf0) =	vadd.scan.msk.s32 $0xffff, v14;
	vm3 =	veq.s32 v13, v0;
	v13, _, _ =	vpop (xrf0)  }
0x25a: {  	p4 =	por p0, p0;
	p1 =	por p1, p1;
	p5 =	por !p6, !p5;
	(xrf0) =	vadd.scan.msk.s32 $0xffff, v15;
	v14 =	vnsel vm3, $0x0, v25;
	(v2sf) =	vpush v13, $0xF;
	v13 =	vnsel vm3, $0x0, v47  }
0x25b: {  	p1 =	por p1, p1;
	p6 =	por p3, p3;
	p2 =	por !p5, !p5;
	(xrf0) =	vadd.scan.msk.s32 $0xffff, v14  }
0x25c: {  	p3 =	por p6, p6;
	p5 =	sgt.s32 s21, $0x0;
	s26 =	smov.u32 @p2 s1;
	v15, _, _ =	vpop (xrf0);
	(xrf0) =	vadd.scan.msk.s32 $0xffff, v13  }
0x25d: {  	s1 =	ssub.s32 s8, s9;
	s23 =	smov.u32 @p3 s9;
	p6 =	slt.s32 s26, $0x0;
	(v2sf) =	vpush v15, $0xF;
	v13, _, _ =	vpop (xrf0)  }
0x25e: {  	p2 =	por p2, p2;
	s28 =	smov.u32 @p3 s1;
	p3 =	por !p6, !p5;
	v14, _, _ =	vpop (xrf0);
	(v2sf) =	vpush v13, $0xF  }
0x25f: {  	s23 =	smov.u32 @p4 s6;
	p2 =	por p2, p2;
	p0 =	por !p3, !p3;
	(v2sf) =	vpush v14, $0xF;
	v13, _, _ =	vpop (xrf0)  }
0x260: {  	p5 =	por p1, p1;
	s26 =	smov.u32 @p0 s0;
	s0 =	ssub.s32 s4, s6;
	v14, _, _ =	vpop (xrf0);
	(v2sf) =	vpush v13, $0xF  }
0x261: {  	s28 =	smov.u32 @p4 s0;
	p4 =	sgt.s32 s10, $0x0;
	p6 =	slt.s32 s26, $0x0;
	(v2sf) =	vpush v14, $0xF;
	v13, _, _ =	vpop (xrf0)  }
0x262: {  	p2 =	por p2, p2;
	s23 =	smov.u32 @p5 s17;
	p4 =	por !p6, !p4;
	v14, _, _ =	vpop (xrf0);
	(v2sf) =	vpush v13, $0xF  }
0x263: {  	p0 =	por p0, p0;
	s0 =	sadd.s32 s30, s10;
	p1 =	por !p4, !p4;
	(v2sf) =	vpush v14, $0xF  }
0x264: {  	p0 =	por p0, p0;
	s26 =	smov.u32 @p1 s0;
	s0 =	ssub.s32 s12, s17  }
0x265: {  	s28 =	smov.u32 @p5 s0;
	p5 =	sgt.s32 s5, $0x0;
	p6 =	slt.s32 s26, $0x0  }
0x266: {  	p0 =	por p0, p0;
	p1 =	por p1, p1;
	p3 =	por !p6, !p5  }
0x267: {  	s0 =	sadd.s32 s29, s5;
	p1 =	por p1, p1;
	p3 =	por !p3, !p3  }
0x268: {  	s23 =	smov.u32 @p2 s2;
	s26 =	smov.u32 @p3 s0;
	s0 =	ssub.s32 s7, s2  }
0x269: {  	p3 =	por p3, p3;
	p5 =	sgt.s32 s25, $0x0;
	p6 =	slt.s32 s26, $0x0  }
0x26a: {  	s28 =	smov.u32 @p2 s0;
	s1 =	sadd.s32 s31, s25;
	p2 =	por !p6, !p5  }
0x26b: {  	p5 =	por p3, p3;
	p2 =	por !p2, !p2;
	s21 =	spop (v2sf)  }
0x26c: {  	s26 =	smov.u32 @p2 s1;
	p2 =	por p2, p2;
	s2 =	spop (v2sf)  }
0x26d: {  	p6 =	por p2, p2;
	s0 =	ssub.s32 s21, s2;
	s25 =	spop (v2sf)  }
0x26e: {  	s23 =	smov.u32 @p0 s2;
	s28 =	smov.u32 @p0 s0;
	s1 =	spop (v2sf)  }
0x26f: {  	p0 =	por p1, p1;
	s0 =	ssub.s32 s25, s1;
	s29 =	spop (v2sf)  }
0x270: {  	p1 =	por p6, p6;
	s28 =	smov.u32 @p0 s0;
	s0 =	spop (v2sf)  }
0x271: {  	s23 =	smov.u32 @p0 s1;
	p0 =	por p5, p5;
	s30 =	spop (v2sf)  }
0x272: {  	s1 =	ssub.s32 s29, s0;
	s23 =	smov.u32 @p0 s0;
	s0 =	spop (v2sf)  }
0x273: {  	s23 =	smov.u32 @p1 s0  }
0x274: {  	s28 =	smov.u32 @p0 s1;
	p0 =	sgt.s32 s23, $0x40  }
.Ltmp9:
0x275: {  	_ = 	snop;
	(pc) =	sbr.rel @p0 .LBB2_18-.Ltmp9, $4  }
0x276: {  	_ = 	snop  }
0x277: {  	s31 =	sshll.u32 s24, $0xB  }
0x278: {  	s2 =	ssub.s32 s30, s0;
	s0 =	sor.u32 s31, s26  }
0x279: {  	s28 =	smov.u32 @p1 s2;
	s24 =	sshll.u32 s0, $0xA  }
.Ltmp10:
0x27a: {  	(pc) =	sbr.rel .LBB2_25-.Ltmp10, $2  }
0x27b: {  	_ =	sdelay $0x2  }
0x27c: {  	s1 =	sadd.s32 $0x400, s24  }
.LBB2_18:
0x27d: {  	s1 =	simm.s32 $0x0;
	s2 =	rddreg [dreg:$0x7];
	s3 =	simm.s32 $0x14000  }
0x27e: {  	[tilespmem:s3], [sflag:$0x1] =	stream.linear.gather [hbm4b:s2+s1], $0x8000, $0x38;
	[tilespmem:$0x1DE80] =	vst v63  }
0x27f: {  	_ =	swait.ge [sflag:s14], $0x8000  }
0x280: {  	[sflag:s14] =	ssyncset.done $0x0  }
0x281: {  	s30 =	simm.s32 $0x40;
	[sflag:s14] =	ssyncadd.s32 $0xFFFF8000  }
0x282: {  	v16 =	vld [tilespmem:s30+$0x0]  }
0x283: {  	v17 =	vld [tilespmem:s30+$0x10]  }
0x284: {  	v20 =	vld [tilespmem:s30+$0x20]  }
0x285: {  	v15 =	vld [tilespmem:s30+$0xFFFFFFF0];
	_ =	sdelay $0x1  }
0x286: {  	v13 =	vmov s0;
	v18 =	vld [tilespmem:s30+$0x30];
	v19 =	vshrl.u32 v16, $0xA  }
0x287: {  	v16 =	vand.u32 $0x3FF, v16;
	v21 =	vshrl.u32 v17, $0xA;
	vm4 =	veq.s32 v19, v13;
	v19 =	vld [tilespmem:s30+$0xFFFFFFD0]  }
0x288: {  	v14 =	vld [tilespmem:s30+$0xFFFFFFC0];
	v17 =	vand.u32 $0x3FF, v17;
	vm3 =	veq.s32 v21, v13;
	v21 =	vshrl.u32 v20, $0xA  }
0x289: {  	s31 =	rddreg [dreg:$0x10];
	v23 =	vand.u32 $0x3FF, v20;
	v22 =	vshrl.u32 v15, $0xA;
	vm5 =	veq.s32 v21, v13  }
0x28a: {  	s0 =	simm.s32 $0x0;
	s2 =	simm.s32 $0xC0;
	s4 =	ssub.s32 s31, s28;
	v16 =	vor.u32 v1, v16;
	v17 =	vor.u32 v1, v17;
	v20 =	vld [tilespmem:s30+$0xFFFFFFE0];
	v21 =	vor.u32 v1, v23  }
.LBB2_19:
0x28b: {  	v23 =	vld [tilespmem:s2+$0x0];
	s0 =	sadd.s32 $0x8, s0;
	v24 =	vand.u32 $0x3FF, v15;
	v25 =	vshrl.u32 v18, $0xA;
	v18 =	vand.u32 $0x3FF, v18  }
0x28c: {  	v27 =	vshrl.u32 v19, $0xA;
	v19 =	vand.u32 $0x3FF, v19;
	vm7 =	veq.s32 v22, v13;
	v26 =	vld [tilespmem:s2+$0x10];
	p0 =	slt.u32 s0, $0x13F8  }
0x28d: {  	v22 =	vshrl.u32 v14, $0xA;
	v28 =	vor.u32 v1, v19;
	v24 =	vor.u32 v1, v24;
	v15 =	vld [tilespmem:s2+$0xFFFFFFF0]  }
0x28e: {  	s1 =	simm.s32 $0x14000;
	v19 =	vand.u32 $0x3FF, v14;
	vm9 =	veq.s32 v27, v13;
	vm10 =	veq.s32 v25, v13;
	v14 =	vld [tilespmem:s2+$0xFFFFFFC0]  }
0x28f: {  	vm6 =	veq.s32 v22, v13;
	v22 =	vshrl.u32 v20, $0xA;
	[tilespmem:v21+s1+$0x0] =	vst.idx.add.s32.msk vm5, v2;
	v21 =	vor.u32 v1, v18  }
0x290: {  	v25 =	vor.u32 v1, v19;
	v19 =	vand.u32 $0x3FF, v20;
	vm5 =	veq.s32 v22, v13;
	[tilespmem:v16+s1+$0x0] =	vst.idx.add.s32.msk vm4, v2  }
0x291: {  	v20 =	vor.u32 v1, v19;
	v18 =	vld [tilespmem:s2+$0x30]  }
0x292: {  	v19 =	vld [tilespmem:s2+$0xFFFFFFD0]  }
0x293: {  	v22 =	vld [tilespmem:s2+$0x20]  }
0x294: {  	[tilespmem:v17+s1+$0x0] =	vst.idx.add.s32.msk vm3, v2  }
0x295: {  	v16 =	vshrl.u32 v23, $0xA;
	v17 =	vand.u32 $0x3FF, v23;
	[tilespmem:v24+s1+$0x0] =	vst.idx.add.s32.msk vm7, v2  }
.Ltmp11:
0x296: {  	v23 =	vshrl.u32 v26, $0xA;
	v24 =	vand.u32 $0x3FF, v26;
	[tilespmem:v21+s1+$0x0] =	vst.idx.add.s32.msk vm10, v2;
	(pc) =	sbr.rel @p0 .LBB2_19-.Ltmp11, $4  }
0x297: {  	vm4 =	veq.s32 v16, v13;
	v16 =	vor.u32 v1, v17;
	[tilespmem:v28+s1+$0x0] =	vst.idx.add.s32.msk vm9, v2  }
0x298: {  	vm3 =	veq.s32 v23, v13;
	v21 =	vshrl.u32 v22, $0xA;
	v23 =	vand.u32 $0x3FF, v22;
	[tilespmem:v20+s1+$0x0] =	vst.idx.add.s32.msk vm5, v2  }
0x299: {  	v17 =	vor.u32 v1, v24;
	v22 =	vshrl.u32 v15, $0xA;
	vm5 =	veq.s32 v21, v13;
	[tilespmem:v25+s1+$0x0] =	vst.idx.add.s32.msk vm6, v2  }
0x29a: {  	v21 =	vor.u32 v1, v23;
	v20 =	vld [tilespmem:s2+$0xFFFFFFE0];
	s2 =	sadd.s32 $0x80, s2  }
0x29b: {  	_ = 	snop  }
0x29c: {  	v15 =	vand.u32 $0x3FF, v15;
	v23 =	vshrl.u32 v18, $0xA;
	v53 =	vand.u32 $0x3FF, v18  }
0x29d: {  	v24 =	vshrl.u32 v19, $0xA;
	v54 =	vand.u32 $0x3FF, v19;
	vm6 =	veq.s32 v22, v13  }
0x29e: {  	v55 =	vshrl.u32 v14, $0xA;
	v15 =	vor.u32 v1, v15;
	vm7 =	veq.s32 v23, v13  }
0x29f: {  	v14 =	vand.u32 $0x3FF, v14;
	vm9 =	veq.s32 v24, v13;
	v18 =	vor.u32 v1, v53  }
0x2a0: {  	[tilespmem:v21+s1+$0x0] =	vst.idx.add.s32.msk vm5, v2;
	v19 =	vor.u32 v1, v54;
	vm10 =	veq.s32 v55, v13;
	v56 =	vshrl.u32 v20, $0xA  }
0x2a1: {  	[tilespmem:v16+s1+$0x0] =	vst.idx.add.s32.msk vm4, v2;
	v14 =	vor.u32 v1, v14;
	v57 =	vand.u32 $0x3FF, v20;
	vm15 =	veq.s32 v56, v13  }
0x2a2: {  	[tilespmem:v17+s1+$0x0] =	vst.idx.add.s32.msk vm3, v2;
	v13 =	vor.u32 v1, v57  }
0x2a3: {  	[tilespmem:v15+s1+$0x0] =	vst.idx.add.s32.msk vm6, v2  }
0x2a4: {  	[tilespmem:v18+s1+$0x0] =	vst.idx.add.s32.msk vm7, v2  }
0x2a5: {  	[tilespmem:v19+s1+$0x0] =	vst.idx.add.s32.msk vm9, v2  }
0x2a6: {  	s2 =	simm.s32 $0x0;
	[tilespmem:v14+s1+$0x0] =	vst.idx.add.s32.msk vm10, v2  }
0x2a7: {  	s2 =	sand.u32 $0x3F0, s2;
	[tilespmem:v13+s1+$0x0] =	vst.idx.add.s32.msk vm15, v2  }
0x2a8: {  	v13 =	vld [tilespmem:s2+$0x14800]  }
0x2a9: {  	v14 =	vld [tilespmem:s1+$0x0]  }
0x2aa: {  	v15 =	vld [tilespmem:s2+$0x15000]  }
0x2ab: {  	v16 =	vld [tilespmem:s2+$0x15800]  }
0x2ac: {  	v17 =	vld [tilespmem:s2+$0x16000]  }
0x2ad: {  	v18 =	vld [tilespmem:s2+$0x16800]  }
0x2ae: {  	v13 =	vadd.s32 v14, v13;
	v14 =	vld [tilespmem:s2+$0x17000]  }
0x2af: {  	v13 =	vadd.s32 v15, v13;
	v15 =	vld [tilespmem:s2+$0x17800]  }
0x2b0: {  	v58 =	vld [tilespmem:s2+$0x18000];
	v13 =	vadd.s32 v16, v13  }
0x2b1: {  	v59 =	vld [tilespmem:s2+$0x18800];
	v13 =	vadd.s32 v17, v13  }
0x2b2: {  	v60 =	vld [tilespmem:s2+$0x19000];
	v13 =	vadd.s32 v18, v13  }
0x2b3: {  	v13 =	vadd.s32 v14, v13;
	v14 =	vld [tilespmem:s2+$0x19800]  }
0x2b4: {  	v13 =	vadd.s32 v15, v13;
	v15 =	vld [tilespmem:s2+$0x1A000]  }
0x2b5: {  	v61 =	vld [tilespmem:s2+$0x1A800];
	v13 =	vadd.s32 v58, v13  }
0x2b6: {  	v62 =	vld [tilespmem:s2+$0x1B000];
	v13 =	vadd.s32 v59, v13  }
0x2b7: {  	v63 =	vld [tilespmem:s2+$0x1B800];
	v13 =	vadd.s32 v60, v13  }
0x2b8: {  	v13 =	vadd.s32 v14, v13  }
0x2b9: {  	v13 =	vadd.s32 v15, v13  }
0x2ba: {  	v13 =	vadd.s32 v61, v13  }
0x2bb: {  	v13 =	vadd.s32 v62, v13  }
0x2bc: {  	s0 =	simm.s32 $0x1C000;
	s31 =	simm.s32 $0x10;
	v13 =	vadd.s32 v63, v13  }
0x2bd: {  	s1 =	sand.u32 $0x3F0, s31;
	[tilespmem:s0+$0x0] =	vst v13  }
0x2be: {  	s3 =	simm.s32 $0x20;
	s2 =	simm.s32 $0x14010;
	v13 =	vld [tilespmem:s1+$0x14800]  }
.LBB2_21:
0x2bf: {  	p0 =	seq.s32 s3, $0x3F0;
	v14 =	vld [tilespmem:s2+$0x0]  }
0x2c0: {  	v15 =	vld [tilespmem:s1+$0x15000]  }
0x2c1: {  	v16 =	vld [tilespmem:s1+$0x15800]  }
0x2c2: {  	v17 =	vld [tilespmem:s1+$0x16000]  }
0x2c3: {  	v18 =	vld [tilespmem:s1+$0x16800]  }
0x2c4: {  	v13 =	vadd.s32 v14, v13;
	v14 =	vld [tilespmem:s1+$0x17000]  }
0x2c5: {  	v13 =	vadd.s32 v15, v13;
	v15 =	vld [tilespmem:s1+$0x17800]  }
0x2c6: {  	v13 =	vadd.s32 v16, v13;
	v16 =	vld [tilespmem:s1+$0x18000]  }
0x2c7: {  	v13 =	vadd.s32 v17, v13;
	v17 =	vld [tilespmem:s1+$0x18800]  }
0x2c8: {  	v13 =	vadd.s32 v18, v13;
	v18 =	vld [tilespmem:s1+$0x19000]  }
0x2c9: {  	v13 =	vadd.s32 v14, v13;
	v14 =	vld [tilespmem:s1+$0x19800]  }
0x2ca: {  	v13 =	vadd.s32 v15, v13;
	v15 =	vld [tilespmem:s1+$0x1A000]  }
0x2cb: {  	v13 =	vadd.s32 v16, v13;
	v16 =	vld [tilespmem:s1+$0x1A800]  }
0x2cc: {  	v13 =	vadd.s32 v17, v13;
	v17 =	vld [tilespmem:s1+$0x1B000]  }
0x2cd: {  	v13 =	vadd.s32 v18, v13;
	v18 =	vld [tilespmem:s1+$0x1B800]  }
0x2ce: {  	v13 =	vadd.s32 v14, v13  }
0x2cf: {  	v13 =	vadd.s32 v15, v13  }
.Ltmp12:
0x2d0: {  	v13 =	vadd.s32 v16, v13;
	(pc) =	sbr.rel @!p0 .LBB2_21-.Ltmp12, $4  }
0x2d1: {  	v13 =	vadd.s32 v17, v13  }
0x2d2: {  	s0 =	sadd.s32 $0x10, s0;
	v13 =	vadd.s32 v18, v13  }
0x2d3: {  	s1 =	sand.u32 $0x3F0, s3;
	[tilespmem:s0+$0x0] =	vst v13  }
0x2d4: {  	s2 =	sadd.s32 $0x10, s2;
	s3 =	sadd.s32 $0x10, s3;
	v13 =	vld [tilespmem:s1+$0x14800]  }
0x2d5: {  	v14 =	vld [tilespmem:s2+$0x0]  }
0x2d6: {  	v15 =	vld [tilespmem:s1+$0x15000]  }
0x2d7: {  	v16 =	vld [tilespmem:s1+$0x15800]  }
0x2d8: {  	v17 =	vld [tilespmem:s1+$0x16000]  }
0x2d9: {  	v18 =	vld [tilespmem:s1+$0x16800]  }
0x2da: {  	v13 =	vadd.s32 v14, v13;
	v14 =	vld [tilespmem:s1+$0x17000]  }
0x2db: {  	v13 =	vadd.s32 v15, v13;
	v15 =	vld [tilespmem:s1+$0x17800]  }
0x2dc: {  	v13 =	vadd.s32 v16, v13;
	v16 =	vld [tilespmem:s1+$0x18000]  }
0x2dd: {  	v13 =	vadd.s32 v17, v13;
	v17 =	vld [tilespmem:s1+$0x18800]  }
0x2de: {  	v13 =	vadd.s32 v18, v13;
	v18 =	vld [tilespmem:s1+$0x19000]  }
0x2df: {  	v13 =	vadd.s32 v14, v13;
	v14 =	vld [tilespmem:s1+$0x19800]  }
0x2e0: {  	v13 =	vadd.s32 v15, v13;
	v15 =	vld [tilespmem:s1+$0x1A000]  }
0x2e1: {  	v13 =	vadd.s32 v16, v13;
	v16 =	vld [tilespmem:s1+$0x1A800]  }
0x2e2: {  	v13 =	vadd.s32 v17, v13;
	v17 =	vld [tilespmem:s1+$0x1B000]  }
0x2e3: {  	v13 =	vadd.s32 v18, v13;
	v18 =	vld [tilespmem:s1+$0x1B800]  }
0x2e4: {  	v13 =	vadd.s32 v14, v13  }
0x2e5: {  	v13 =	vadd.s32 v15, v13  }
0x2e6: {  	v13 =	vadd.s32 v16, v13  }
0x2e7: {  	v13 =	vadd.s32 v17, v13  }
0x2e8: {  	s0 =	sadd.s32 $0x10, s0;
	v13 =	vadd.s32 v18, v13  }
0x2e9: {  	s3 =	simm.s32 $0x1C3F0;
	[tilespmem:s0+$0x0] =	vst v13  }
0x2ea: {  	v14 =	vld [tilespmem:s3+$0x0];
	_ =	sdelay $0x4  }
0x2eb: {  	(xrf0) =	vadd.scan.msk.s32 $0xffff, v14;
	_ =	sdelay $0x2  }
0x2ec: {  	[dreg:$0x11] =	wrdreg s4;
	v13 =	vmov s4;
	s4 =	simm.s32 $0x1C3E0  }
0x2ed: {  	v22 =	vld [tilespmem:s4+$0x0];
	v15 =	vperm.xlane v14, v3;
	_ =	sdelay $0x1  }
0x2ee: {  	(xrf0) =	vadd.scan.msk.s32 $0xffff, v15;
	v16, _, _ =	vpop (xrf0)  }
0x2ef: {  	(v2sf) =	vpush v16, $0xF;
	_ =	sdelay $0x1  }
0x2f0: {  	(xrf0) =	vadd.scan.msk.s32 $0xffff, v22;
	_ =	sdelay $0x2  }
0x2f1: {  	v16 =	vperm.xlane v22, v3;
	v15, _, _ =	vpop (xrf0)  }
0x2f2: {  	s5 =	simm.s32 $0x1C3D0;
	v15 =	vperm.xlane v15, v3  }
0x2f3: {  	s25 =	simm.s32 $0x0;
	v21 =	vld [tilespmem:s5+$0x0];
	(xrf0) =	vadd.scan.msk.s32 $0xffff, v16  }
0x2f4: {  	v17, _, _ =	vpop (xrf0);
	v15 =	vadd.s32 s25, v15  }
0x2f5: {  	(v2sf) =	vpush v17, $0xF;
	vm3 =	vge.s32 v15, v13  }
0x2f6: {  	v16 =	vsel vm3, $0x1, v4;
	_ =	sdelay $0x1  }
0x2f7: {  	(xrf0) =	vadd.scan.msk.s32 $0xffff, v21  }
0x2f8: {  	s6 =	simm.s32 $0x1C3C0;
	v17 =	vperm.xlane v21, v3;
	(xrf0) =	vadd.scan.msk.s32 $0xffff, v16;
	v16, _, _ =	vpop (xrf0)  }
0x2f9: {  	v18 =	vld [tilespmem:s6+$0x0];
	v16 =	vperm.xlane v16, v3  }
0x2fa: {  	(xrf0) =	vadd.scan.msk.s32 $0xffff, v17;
	s7 =	spop (v2sf)  }
0x2fb: {  	s0 =	sadd.s32 $0x0, s7  }
0x2fc: {  	v23 =	vadd.s32 s0, v16  }
0x2fd: {  	v16, _, _ =	vpop (xrf0);
	vm3 =	vge.s32 v23, v13  }
0x2fe: {  	(xrf0) =	vadd.scan.msk.s32 $0xffff, v18;
	(v2sf) =	vpush v16, $0xF;
	v16, _, _ =	vpop (xrf0);
	v17 =	vsel vm3, $0x1, v4  }
0x2ff: {  	(v2sf) =	vpush v16, $0xF;
	(xrf0) =	vadd.scan.msk.s32 $0xffff, v17  }
0x300: {  	v16, _, _ =	vpop (xrf0)  }
0x301: {  	s8 =	simm.s32 $0x1C3B0;
	v16 =	vperm.xlane v16, v3  }
0x302: {  	v17 =	vld [tilespmem:s8+$0x0]  }
0x303: {  	s9 =	spop (v2sf)  }
0x304: {  	v19 =	vperm.xlane v18, v3;
	s0 =	sadd.s32 s0, s9;
	v20, _, _ =	vpop (xrf0)  }
0x305: {  	(v2sf) =	vpush v20, $0xF;
	v24 =	vadd.s32 s0, v16;
	v16, _, _ =	vpop (xrf0)  }
0x306: {  	(xrf0) =	vadd.scan.msk.s32 $0xffff, v19;
	vm3 =	vge.s32 v24, v13;
	(v2sf) =	vpush v16, $0xF  }
0x307: {  	(xrf0) =	vadd.scan.msk.s32 $0xffff, v17;
	v16 =	vsel vm3, $0x1, v4  }
0x308: {  	(xrf0) =	vadd.scan.msk.s32 $0xffff, v16;
	_ =	sdelay $0x1  }
0x309: {  	v20 =	vperm.xlane v17, v3  }
0x30a: {  	s10 =	simm.s32 $0x1C3A0  }
0x30b: {  	v19, _, _ =	vpop (xrf0);
	v16 =	vld [tilespmem:s10+$0x0]  }
0x30c: {  	v19 =	vperm.xlane v19, v3;
	(xrf0) =	vadd.scan.msk.s32 $0xffff, v20;
	v25, _, _ =	vpop (xrf0);
	s11 =	spop (v2sf)  }
0x30d: {  	(v2sf) =	vpush v25, $0xF;
	v20, _, _ =	vpop (xrf0);
	s12 =	spop (v2sf);
	s0 =	sadd.s32 s0, s11  }
0x30e: {  	(v2sf) =	vpush v20, $0xF;
	v20 =	vadd.s32 s0, v19;
	s13 =	sadd.s32 $0xFFFFFFFF, s12  }
0x30f: {  	vm3 =	vge.s32 v20, v13;
	v19 =	vmov s13  }
0x310: {  	(xrf0) =	vadd.scan.msk.s32 $0xffff, v16;
	v54 =	vsel vm3, $0x1, v4;
	vm3 =	veq.s32 v19, v0  }
0x311: {  	(xrf0) =	vadd.scan.msk.s32 $0xffff, v54;
	v15 =	vnsel vm3, $0x0, v15  }
0x312: {  	v14 =	vnsel vm3, $0x0, v14;
	(xrf0) =	vadd.scan.msk.s32 $0xffff, v15;
	v19, _, _ =	vpop (xrf0)  }
0x313: {  	s16 =	simm.s32 $0x1C390;
	s17 =	spop (v2sf);
	(xrf0) =	vadd.scan.msk.s32 $0xffff, v14;
	v14 =	vperm.xlane v19, v3  }
0x314: {  	v55 =	vperm.xlane v16, v3;
	s5 =	sadd.s32 s0, s17;
	v15 =	vld [tilespmem:s16+$0x0];
	s3 =	spop (v2sf)  }
0x315: {  	v19 =	vadd.s32 s5, v14;
	s18 =	sadd.s32 $0xFFFFFFFF, s3  }
0x316: {  	(xrf0) =	vadd.scan.msk.s32 $0xffff, v55;
	vm3 =	vge.s32 v19, v13;
	v56 =	vmov s18  }
0x317: {  	v26 =	vsel vm3, $0x1, v4;
	vm3 =	veq.s32 v56, v0  }
0x318: {  	v14, _, _ =	vpop (xrf0);
	v23 =	vnsel vm3, $0x0, v23  }
0x319: {  	v57, _, _ =	vpop (xrf0);
	(xrf0) =	vadd.scan.msk.s32 $0xffff, v15;
	v22 =	vnsel vm3, $0x0, v22  }
0x31a: {  	(xrf0) =	vadd.scan.msk.s32 $0xffff, v26;
	v58, _, _ =	vpop (xrf0)  }
0x31b: {  	(xrf0) =	vadd.scan.msk.s32 $0xffff, v23;
	v23, _, _ =	vpop (xrf0)  }
0x31c: {  	(xrf0) =	vadd.scan.msk.s32 $0xffff, v22;
	v22, _, _ =	vpop (xrf0)  }
0x31d: {  	s26 =	simm.s32 $0xFFFFFFFF;
	p1 =	por $0x1, $0x1;
	p0 =	sgt.s32 s12, $0x0;
	(v2sf) =	vpush v14, $0xF;
	v22 =	vperm.xlane v22, v3  }
0x31e: {  	s31 =	simm.s32 $0x39F;
	s30 =	simm.s32 $0x36F;
	p0 =	por !p1, !p0;
	(v2sf) =	vpush v57, $0xF  }
0x31f: {  	p0 =	por !p0, !p0;
	s0 =	sadd.s32 $0x3EF, s12;
	s21 =	spop (v2sf);
	(v2sf) =	vpush v58, $0xF  }
0x320: {  	s4 =	simm.s32 $0x1C380;
	s26 =	smov.u32 @p0 s0;
	s5 =	sadd.s32 s5, s21;
	(v2sf) =	vpush v23, $0xF;
	v60, _, _ =	vpop (xrf0)  }
0x321: {  	p2 =	slt.s32 s26, $0x0;
	p5 =	sgt.s32 s3, $0x0;
	v14 =	vld [tilespmem:s4+$0x0];
	s6 =	spop (v2sf);
	(v2sf) =	vpush v60, $0xF;
	v23 =	vadd.s32 s5, v22;
	v22, _, _ =	vpop (xrf0)  }
0x322: {  	s29 =	simm.s32 $0x35F;
	s28 =	simm.s32 $0x34F;
	p1 =	por !p2, !p5;
	(v2sf) =	vpush v22, $0xF;
	v22, _, _ =	vpop (xrf0)  }
0x323: {  	s1 =	simm.s32 $0x38F;
	s3 =	sadd.s32 $0x3DF, s3;
	v59 =	vperm.xlane v15, v3;
	p1 =	por !p1, !p1;
	v63, _, _ =	vpop (xrf0);
	(v2sf) =	vpush v22, $0xF  }
0x324: {  	s17 =	simm.s32 $0x3BF;
	s26 =	smov.u32 @p1 s3;
	s23 =	sadd.s32 $0xFFFFFFFF, s6;
	(v2sf) =	vpush v63, $0xF  }
0x325: {  	s0 =	simm.s32 $0x37F;
	p3 =	slt.s32 s26, $0x0;
	(xrf0) =	vadd.scan.msk.s32 $0xffff, v59;
	p6 =	sgt.s32 s6, $0x0;
	v61 =	vmov s23;
	vm3 =	vge.s32 v23, v13  }
0x326: {  	p0 =	por p0, p0;
	s16 =	simm.s32 $0x3AF;
	p2 =	por !p3, !p6;
	(xrf0) =	vadd.scan.msk.s32 $0xffff, v14;
	v62 =	vsel vm3, $0x1, v4;
	vm3 =	veq.s32 v61, v0  }
0x327: {  	p0 =	por p0, p0;
	s2 =	sadd.s32 $0x3CF, s6;
	p2 =	por !p2, !p2;
	v24 =	vnsel vm3, $0x0, v24;
	(xrf0) =	vadd.scan.msk.s32 $0xffff, v62  }
0x328: {  	p1 =	por p1, p1;
	s26 =	smov.u32 @p2 s2;
	s2 =	simm.s32 $0x33F;
	v22 =	vnsel vm3, $0x0, v21;
	(xrf0) =	vadd.scan.msk.s32 $0xffff, v24  }
.LBB2_23:
0x329: {  	p3 =	sne.s32 s2, $0xFFFFFFFF;
	s4 =	sadd.s32 $0xFFFFFFF0, s4;
	s3 =	smov.u32 s30  }
0x32a: {  	s30 =	smov.u32 s29;
	s29 =	smov.u32 s28;
	s28 =	smov.u32 s2  }
0x32b: {  	(xrf0) =	vadd.scan.msk.s32 $0xffff, v22;
	v21 =	vmovc v14;
	v22 =	vmov v20;
	v20 =	vmov v19;
	v19 =	vmov v23;
	p4 =	por p0, p0;
	p0 =	por p1, p1;
	p1 =	por p2, p2  }
0x32c: {  	v14 =	vld [tilespmem:s4+$0x0];
	v23, _, _ =	vpop (xrf0);
	s6 =	spop (v2sf)  }
0x32d: {  	p5 =	slt.s32 s26, $0x0;
	v26 =	vperm.xlane v21, v3;
	v23 =	vperm.xlane v23, v3;
	s7 =	spop (v2sf)  }
0x32e: {  	s5 =	sadd.s32 s5, s6;
	v25, _, _ =	vpop (xrf0);
	p2 =	sgt.s32 s7, $0x0;
	s6 =	sadd.s32 $0xFFFFFFFF, s7  }
.Ltmp13:
0x32f: {  	(xrf0) =	vadd.scan.msk.s32 $0xffff, v26;
	(v2sf) =	vpush v25, $0xF;
	v23 =	vadd.s32 s5, v23;
	v24, _, _ =	vpop (xrf0);
	p2 =	por !p5, !p2;
	s8 =	spop (v2sf);
	(pc) =	sbr.rel @p3 .LBB2_23-.Ltmp13, $4  }
0x330: {  	v27 =	vmov s6;
	s6 =	sadd.s32 s17, s7;
	vm3 =	vge.s32 v23, v13;
	(v2sf) =	vpush v24, $0xF;
	p2 =	por !p2, !p2;
	v25, _, _ =	vpop (xrf0);
	s7 =	spop (v2sf)  }
0x331: {  	s17 =	smov.u32 s16;
	(xrf0) =	vadd.scan.msk.s32 $0xffff, v14;
	v26 =	vsel vm3, $0x1, v4;
	vm3 =	veq.s32 v27, v0;
	s26 =	smov.u32 @p2 s6;
	v24, _, _ =	vpop (xrf0);
	s6 =	ssub.s32 s8, s7  }
0x332: {  	s16 =	smov.u32 s31;
	s31 =	smov.u32 s1;
	(xrf0) =	vadd.scan.msk.s32 $0xffff, v26;
	v26 =	vnsel vm3, $0x0, v22;
	v22 =	vnsel vm3, $0x0, v18;
	(v2sf) =	vpush v25, $0xF;
	s25 =	smov.u32 @p4 s6;
	v18 =	vmovc v17  }
0x333: {  	s2 =	sadd.s32 $0xFFFFFFF0, s2;
	s1 =	smov.u32 s0;
	s0 =	smov.u32 s3;
	v17 =	vmovc v16;
	v16 =	vmov v15;
	v15 =	vmov v21;
	(xrf0) =	vadd.scan.msk.s32 $0xffff, v26;
	(v2sf) =	vpush v24, $0xF  }
0x334: {  	_ = 	snop  }
0x335: {  	s2 =	sadd.s32 $0xFFFFFFF0, s4  }
0x336: {  	v21 =	vld [tilespmem:s2+$0x0];
	v24, _, _ =	vpop (xrf0)  }
0x337: {  	s3 =	spop (v2sf);
	v24 =	vperm.xlane v24, v3;
	v25, _, _ =	vpop (xrf0)  }
0x338: {  	v26 =	vperm.xlane v14, v3;
	s4 =	spop (v2sf);
	s3 =	sadd.s32 s5, s3;
	(v2sf) =	vpush v25, $0xF;
	v32, _, _ =	vpop (xrf0)  }
0x339: {  	(xrf0) =	vadd.scan.msk.s32 $0xffff, v22;
	s11 =	sadd.s32 $0xFFFFFFFF, s4;
	v24 =	vadd.s32 s3, v24;
	(v2sf) =	vpush v32, $0xF  }
0x33a: {  	s2 =	sadd.s32 $0xFFFFFFF0, s2;
	(xrf0) =	vadd.scan.msk.s32 $0xffff, v26;
	v33 =	vmov s11;
	vm3 =	vge.s32 v24, v13  }
0x33b: {  	v35 =	vld [tilespmem:s2+$0x0];
	(xrf0) =	vadd.scan.msk.s32 $0xffff, v21;
	v34 =	vsel vm3, $0x1, v4;
	vm3 =	veq.s32 v33, v0  }
0x33c: {  	(xrf0) =	vadd.scan.msk.s32 $0xffff, v34;
	v20 =	vnsel vm3, $0x0, v20  }
0x33d: {  	v36 =	vperm.xlane v21, v3;
	v18 =	vnsel vm3, $0x0, v18;
	(xrf0) =	vadd.scan.msk.s32 $0xffff, v20  }
0x33e: {  	v37, _, _ =	vpop (xrf0);
	(xrf0) =	vadd.scan.msk.s32 $0xffff, v18  }
0x33f: {  	v38, _, _ =	vpop (xrf0);
	(xrf0) =	vadd.scan.msk.s32 $0xffff, v36  }
0x340: {  	s6 =	spop (v2sf);
	v39, _, _ =	vpop (xrf0);
	(xrf0) =	vadd.scan.msk.s32 $0xffff, v35  }
0x341: {  	s8 =	spop (v2sf);
	(v2sf) =	vpush v37, $0xF;
	v40, _, _ =	vpop (xrf0)  }
0x342: {  	(v2sf) =	vpush v38, $0xF;
	s7 =	spop (v2sf);
	v41 =	vperm.xlane v39, v3;
	v42, _, _ =	vpop (xrf0)  }
0x343: {  	s5 =	spop (v2sf);
	s3 =	sadd.s32 s3, s7;
	(v2sf) =	vpush v40, $0xF;
	v43, _, _ =	vpop (xrf0)  }
0x344: {  	v44 =	vadd.s32 s3, v41;
	s12 =	sadd.s32 $0xFFFFFFFF, s5;
	(v2sf) =	vpush v42, $0xF;
	v45, _, _ =	vpop (xrf0)  }
0x345: {  	s2 =	sadd.s32 $0xFFFFFFF0, s2;
	s21 =	spop (v2sf);
	vm3 =	vge.s32 v44, v13;
	v46 =	vmov s12;
	(v2sf) =	vpush v43, $0xF;
	v47, _, _ =	vpop (xrf0)  }
0x346: {  	v48 =	vld [tilespmem:s2+$0x0];
	s9 =	spop (v2sf);
	v27 =	vsel vm3, $0x1, v4;
	vm3 =	veq.s32 v46, v0;
	(v2sf) =	vpush v45, $0xF;
	v49, _, _ =	vpop (xrf0)  }
0x347: {  	v19 =	vnsel vm3, $0x0, v19;
	(xrf0) =	vadd.scan.msk.s32 $0xffff, v27;
	v25 =	vperm.xlane v47, v3;
	s13 =	spop (v2sf);
	(v2sf) =	vpush v49, $0xF  }
0x348: {  	v50 =	vperm.xlane v35, v3;
	v17 =	vnsel vm3, $0x0, v17;
	(xrf0) =	vadd.scan.msk.s32 $0xffff, v19;
	s7 =	spop (v2sf);
	s2 =	sadd.s32 s3, s13  }
0x349: {  	(xrf0) =	vadd.scan.msk.s32 $0xffff, v17;
	v51 =	vadd.s32 s2, v25;
	s18 =	sadd.s32 $0xFFFFFFFF, s7  }
0x34a: {  	(xrf0) =	vadd.scan.msk.s32 $0xffff, v50;
	vm3 =	vge.s32 v51, v13;
	v52 =	vmov s18  }
0x34b: {  	(xrf0) =	vadd.scan.msk.s32 $0xffff, v48;
	v53 =	vsel vm3, $0x1, v4;
	vm3 =	veq.s32 v52, v0  }
0x34c: {  	(xrf0) =	vadd.scan.msk.s32 $0xffff, v53;
	v19 =	vnsel vm3, $0x0, v23  }
0x34d: {  	v55 =	vperm.xlane v48, v3;
	v54, _, _ =	vpop (xrf0);
	v16 =	vnsel vm3, $0x0, v16;
	(xrf0) =	vadd.scan.msk.s32 $0xffff, v19  }
0x34e: {  	v56, _, _ =	vpop (xrf0);
	(xrf0) =	vadd.scan.msk.s32 $0xffff, v16  }
0x34f: {  	v57, _, _ =	vpop (xrf0);
	(xrf0) =	vadd.scan.msk.s32 $0xffff, v55  }
0x350: {  	s13 =	spop (v2sf);
	v58, _, _ =	vpop (xrf0)  }
0x351: {  	s3 =	spop (v2sf);
	v59, _, _ =	vpop (xrf0)  }
0x352: {  	s10 =	spop (v2sf);
	v60, _, _ =	vpop (xrf0)  }
0x353: {  	v19 =	vperm.xlane v58, v3;
	s11 =	spop (v2sf);
	v28, _, _ =	vpop (xrf0)  }
0x354: {  	s2 =	sadd.s32 s2, s10;
	s10 =	spop (v2sf);
	v29, _, _ =	vpop (xrf0)  }
0x355: {  	v19 =	vadd.s32 s2, v19;
	s18 =	sadd.s32 $0xFFFFFFFF, s11;
	s12 =	spop (v2sf);
	v61, _, _ =	vpop (xrf0)  }
0x356: {  	vm3 =	vge.s32 v19, v13;
	v30 =	vmov s18;
	s23 =	spop (v2sf);
	v20 =	vperm.xlane v61, v3  }
0x357: {  	v62 =	vsel vm3, $0x1, v4;
	vm3 =	veq.s32 v30, v0;
	s2 =	sadd.s32 s2, s23  }
0x358: {  	(v2sf) =	vpush v54, $0xF;
	(xrf0) =	vadd.scan.msk.s32 $0xffff, v62;
	v63 =	vnsel vm3, $0x0, v24;
	v20 =	vadd.s32 s2, v20  }
0x359: {  	(v2sf) =	vpush v56, $0xF;
	v15 =	vnsel vm3, $0x0, v15;
	(xrf0) =	vadd.scan.msk.s32 $0xffff, v63;
	vm3 =	vge.s32 v20, v13  }
0x35a: {  	(v2sf) =	vpush v57, $0xF;
	(xrf0) =	vadd.scan.msk.s32 $0xffff, v15;
	v13 =	vsel vm3, $0x1, v4  }
0x35b: {  	(v2sf) =	vpush v59, $0xF;
	(xrf0) =	vadd.scan.msk.s32 $0xffff, v13  }
0x35c: {  	(v2sf) =	vpush v60, $0xF  }
0x35d: {  	(v2sf) =	vpush v28, $0xF  }
0x35e: {  	(v2sf) =	vpush v29, $0xF;
	v13, _, _ =	vpop (xrf0)  }
0x35f: {  	(v2sf) =	vpush v13, $0xF;
	v13, _, _ =	vpop (xrf0)  }
0x360: {  	v15, _, _ =	vpop (xrf0);
	(v2sf) =	vpush v13, $0xF  }
0x361: {  	(v2sf) =	vpush v15, $0xF;
	v13, _, _ =	vpop (xrf0)  }
0x362: {  	(v2sf) =	vpush v13, $0xF;
	_ =	sdelay $0x3  }
0x363: {  	p4 =	slt.s32 s26, $0x0;
	p0 =	por p0, p0;
	p3 =	sgt.s32 s4, $0x0  }
0x364: {  	p6 =	por p1, p1;
	p3 =	por !p4, !p3;
	s23 =	spop (v2sf)  }
0x365: {  	p1 =	por !p3, !p3;
	p3 =	por p6, p6;
	s18 =	spop (v2sf)  }
0x366: {  	p5 =	sgt.s32 s5, $0x0;
	s2 =	sadd.s32 s17, s4;
	s17 =	spop (v2sf)  }
0x367: {  	s26 =	smov.u32 @p1 s2;
	s2 =	ssub.s32 s6, s8;
	s4 =	spop (v2sf)  }
0x368: {  	s25 =	smov.u32 @p0 s2;
	p6 =	slt.s32 s26, $0x0;
	s6 =	spop (v2sf)  }
0x369: {  	p0 =	por !p6, !p5;
	s2 =	sadd.s32 $0xFFFFFFFF, s23;
	s8 =	spop (v2sf)  }
0x36a: {  	p0 =	por !p0, !p0;
	s4 =	sadd.s32 s16, s5;
	v13 =	vmov s2;
	s16 =	spop (v2sf)  }
0x36b: {  	s26 =	smov.u32 @p0 s4;
	vm3 =	veq.s32 v13, v0;
	s5 =	sadd.s32 $0xFFFFFFFF, s6;
	s4 =	spop (v2sf)  }
0x36c: {  	s9 =	ssub.s32 s21, s9;
	v13 =	vnsel vm3, $0x0, v44;
	v15 =	vmov s5;
	s5 =	spop (v2sf)  }
0x36d: {  	s25 =	smov.u32 @p3 s9;
	v14 =	vnsel vm3, $0x0, v14;
	(xrf0) =	vadd.scan.msk.s32 $0xffff, v13;
	s9 =	sadd.s32 $0xFFFFFFFF, s4;
	s21 =	spop (v2sf)  }
0x36e: {  	vm3 =	veq.s32 v15, v0;
	(xrf0) =	vadd.scan.msk.s32 $0xffff, v14;
	v14 =	vmov s9;
	s9 =	spop (v2sf)  }
0x36f: {  	p2 =	por p2, p2;
	s2 =	sadd.s32 s31, s7;
	v13 =	vnsel vm3, $0x0, v51;
	s31 =	sadd.s32 $0xFFFFFFFF, s9  }
0x370: {  	p2 =	por p2, p2;
	p5 =	sgt.s32 s7, $0x0;
	p6 =	slt.s32 s26, $0x0;
	v15 =	vnsel vm3, $0x0, v21;
	(xrf0) =	vadd.scan.msk.s32 $0xffff, v13;
	vm3 =	veq.s32 v14, v0;
	v13 =	vmov s31  }
0x371: {  	p4 =	por p2, p2;
	p3 =	por !p6, !p5;
	(xrf0) =	vadd.scan.msk.s32 $0xffff, v15;
	v14 =	vnsel vm3, $0x0, v19;
	v15 =	vnsel vm3, $0x0, v35;
	vm3 =	veq.s32 v13, v0  }
0x372: {  	s3 =	ssub.s32 s13, s3;
	p1 =	por p1, p1;
	p2 =	por !p3, !p3;
	(xrf0) =	vadd.scan.msk.s32 $0xffff, v14;
	v13 =	vnsel vm3, $0x0, v20  }
0x373: {  	s1 =	sadd.s32 s1, s11;
	p1 =	por p1, p1;
	s26 =	smov.u32 @p2 s2;
	(xrf0) =	vadd.scan.msk.s32 $0xffff, v15  }
0x374: {  	s0 =	sadd.s32 s0, s23;
	p5 =	sgt.s32 s11, $0x0;
	p6 =	slt.s32 s26, $0x0;
	v14, _, _ =	vpop (xrf0);
	v15 =	vnsel vm3, $0x0, v48;
	(xrf0) =	vadd.scan.msk.s32 $0xffff, v13  }
0x375: {  	s25 =	smov.u32 @p4 s3;
	p0 =	por p0, p0;
	p3 =	por !p6, !p5;
	(v2sf) =	vpush v14, $0xF;
	v13, _, _ =	vpop (xrf0);
	(xrf0) =	vadd.scan.msk.s32 $0xffff, v15  }
0x376: {  	p4 =	por p1, p1;
	p0 =	por p0, p0;
	p1 =	por !p3, !p3;
	v14, _, _ =	vpop (xrf0);
	(v2sf) =	vpush v13, $0xF  }
0x377: {  	s2 =	ssub.s32 s10, s12;
	p2 =	por p2, p2;
	s26 =	smov.u32 @p1 s1;
	v13, _, _ =	vpop (xrf0);
	(v2sf) =	vpush v14, $0xF  }
0x378: {  	s25 =	smov.u32 @p4 s2;
	p5 =	sgt.s32 s23, $0x0;
	p6 =	slt.s32 s26, $0x0;
	(v2sf) =	vpush v13, $0xF;
	v13, _, _ =	vpop (xrf0)  }
0x379: {  	p4 =	por p0, p0;
	p2 =	por p2, p2;
	p3 =	por !p6, !p5;
	v14, _, _ =	vpop (xrf0);
	(v2sf) =	vpush v13, $0xF  }
0x37a: {  	p2 =	por p2, p2;
	p1 =	por p1, p1;
	p0 =	por !p3, !p3;
	(v2sf) =	vpush v14, $0xF;
	v13, _, _ =	vpop (xrf0)  }
0x37b: {  	p1 =	por p1, p1;
	p5 =	sgt.s32 s6, $0x0;
	s26 =	smov.u32 @p0 s0;
	v14, _, _ =	vpop (xrf0);
	(v2sf) =	vpush v13, $0xF  }
0x37c: {  	p1 =	por p1, p1;
	s0 =	ssub.s32 s18, s17;
	p6 =	slt.s32 s26, $0x0;
	(v2sf) =	vpush v14, $0xF  }
0x37d: {  	p0 =	por p0, p0;
	s25 =	smov.u32 @p4 s0;
	p3 =	por !p6, !p5  }
0x37e: {  	s0 =	sadd.s32 s30, s6;
	p4 =	sgt.s32 s4, $0x0;
	p3 =	por !p3, !p3  }
0x37f: {  	p5 =	por p0, p0;
	s26 =	smov.u32 @p3 s0;
	s0 =	ssub.s32 s8, s16  }
0x380: {  	s1 =	ssub.s32 s5, s21;
	s25 =	smov.u32 @p2 s0;
	p6 =	slt.s32 s26, $0x0  }
0x381: {  	s0 =	sadd.s32 s29, s4;
	p2 =	por !p6, !p4;
	p4 =	por p3, p3  }
0x382: {  	s25 =	smov.u32 @p1 s1;
	p1 =	por p5, p5;
	p0 =	por !p2, !p2  }
0x383: {  	p5 =	sgt.s32 s9, $0x0;
	s1 =	sadd.s32 s28, s9;
	s26 =	smov.u32 @p0 s0  }
0x384: {  	p2 =	por p4, p4;
	p6 =	slt.s32 s26, $0x0;
	s16 =	spop (v2sf)  }
0x385: {  	p0 =	por p0, p0;
	p3 =	por !p6, !p5;
	s17 =	spop (v2sf)  }
0x386: {  	p0 =	por p0, p0;
	p3 =	por !p3, !p3;
	s18 =	spop (v2sf)  }
0x387: {  	p0 =	por p0, p0;
	s26 =	smov.u32 @p3 s1;
	s21 =	spop (v2sf)  }
0x388: {  	p5 =	por p3, p3;
	s0 =	ssub.s32 s16, s17;
	s23 =	spop (v2sf)  }
0x389: {  	p6 =	por p5, p5;
	s25 =	smov.u32 @p1 s0;
	s28 =	spop (v2sf)  }
0x38a: {  	p1 =	por p2, p2;
	s0 =	ssub.s32 s18, s21;
	s29 =	spop (v2sf)  }
0x38b: {  	s25 =	smov.u32 @p1 s0;
	s1 =	ssub.s32 s23, s28;
	s30 =	spop (v2sf)  }
0x38c: {  	s25 =	smov.u32 @p0 s1;
	p0 =	por p6, p6;
	s0 =	ssub.s32 s29, s30  }
0x38d: {  	s31 =	rddreg [dreg:$0x11];
	s24 =	sor.u32 s24, s26;
	s25 =	smov.u32 @p0 s0  }
0x38e: {  	s1 =	sadd.s32 $0x1, s24;
	s23 =	ssub.s32 s31, s25  }
.LBB2_25:
0x38f: {  	[tilespmem:$0x1C800] =	vst v4  }
0x390: {  	[tilespmem:$0x1C900] =	vst v4  }
0x391: {  	[tilespmem:$0x1C810] =	vst v4  }
0x392: {  	[tilespmem:$0x1C910] =	vst v4  }
0x393: {  	[tilespmem:$0x1C820] =	vst v4  }
0x394: {  	[tilespmem:$0x1C920] =	vst v4  }
0x395: {  	[tilespmem:$0x1C830] =	vst v4  }
0x396: {  	[tilespmem:$0x1C930] =	vst v4  }
0x397: {  	[tilespmem:$0x1C840] =	vst v4  }
0x398: {  	[tilespmem:$0x1C940] =	vst v4  }
0x399: {  	[tilespmem:$0x1C850] =	vst v4  }
0x39a: {  	[tilespmem:$0x1C950] =	vst v4  }
0x39b: {  	[tilespmem:$0x1C860] =	vst v4  }
0x39c: {  	[tilespmem:$0x1C960] =	vst v4  }
0x39d: {  	[tilespmem:$0x1C870] =	vst v4  }
0x39e: {  	[tilespmem:$0x1C970] =	vst v4  }
0x39f: {  	[tilespmem:$0x1C880] =	vst v4  }
0x3a0: {  	[tilespmem:$0x1C980] =	vst v4  }
0x3a1: {  	[tilespmem:$0x1C890] =	vst v4  }
0x3a2: {  	[tilespmem:$0x1C990] =	vst v4  }
0x3a3: {  	[tilespmem:$0x1C8A0] =	vst v4  }
0x3a4: {  	[tilespmem:$0x1C9A0] =	vst v4  }
0x3a5: {  	[tilespmem:$0x1C8B0] =	vst v4  }
0x3a6: {  	[tilespmem:$0x1C9B0] =	vst v4  }
0x3a7: {  	[tilespmem:$0x1CB00] =	vst v4  }
0x3a8: {  	[tilespmem:$0x1CC00] =	vst v4  }
0x3a9: {  	[tilespmem:$0x1CC80] =	vst v4  }
0x3aa: {  	[tilespmem:$0x1CB10] =	vst v4  }
0x3ab: {  	[tilespmem:$0x1CC10] =	vst v4  }
0x3ac: {  	[tilespmem:$0x1CC90] =	vst v4  }
0x3ad: {  	[tilespmem:$0x1CB20] =	vst v4  }
0x3ae: {  	[tilespmem:$0x1CC20] =	vst v4  }
0x3af: {  	[tilespmem:$0x1CCA0] =	vst v4  }
0x3b0: {  	[tilespmem:$0x1CB30] =	vst v4  }
0x3b1: {  	[tilespmem:$0x1CC30] =	vst v4  }
0x3b2: {  	[tilespmem:$0x1CCB0] =	vst v4  }
0x3b3: {  	[tilespmem:$0x1CB40] =	vst v4  }
0x3b4: {  	[tilespmem:$0x1CC40] =	vst v4  }
0x3b5: {  	[tilespmem:$0x1CCC0] =	vst v4  }
0x3b6: {  	[tilespmem:$0x1CB50] =	vst v4  }
0x3b7: {  	[tilespmem:$0x1CC50] =	vst v4  }
0x3b8: {  	[tilespmem:$0x1CCD0] =	vst v4  }
0x3b9: {  	[tilespmem:$0x1CB60] =	vst v4  }
0x3ba: {  	[tilespmem:$0x1CC60] =	vst v4  }
0x3bb: {  	[tilespmem:$0x1CCE0] =	vst v4;
	s0 =	simm.s32 $0x0  }
0x3bc: {  	v15 =	vld [tilespmem:s0+$0x0];
	_ =	sdelay $0x3  }
0x3bd: {  	v13 =	vmov s24  }
0x3be: {  	vm3 =	vge.u32 v15, v13  }
0x3bf: {  	v14 =	vsel vm3, $0x1, v4  }
0x3c0: {  	(xrf0) =	vadd.scan.msk.s32 $0xffff, v14;
	_ =	sdelay $0x5  }
0x3c1: {  	v14, _, _ =	vpop (xrf0)  }
0x3c2: {  	(v2sf) =	vpush v14, $0xF;
	_ =	sdelay $0xc  }
0x3c3: {  	v14 =	vmov s1  }
0x3c4: {  	v14 =	vadd.s32 $0xFFFFFFFF, v14  }
0x3c5: {  	v14 =	vbroadcast v14, $0x0;
	s31 =	spop (v2sf)  }
0x3c6: {  	p0 =	slt.s32 s31, $0x1  }
0x3c7: {  	vm3 =	vge.u32 @!p0 v15, v13;
	vm4 =	vge.u32 @!p0 v14, v15  }
0x3c8: {  	v16 =	vimm.s32 @!p0 $0x0;
	vm3 =	vmand @!p0 vm3, vm4  }
0x3c9: {  	v17 =	vsel @!p0 vm3, $0x1, v16  }
0x3ca: {  	(xrf0) =	vadd.scan.msk.s32 @!p0 $0xffff, v17;
	_ =	sdelay $0x5  }
0x3cb: {  	s1 =	ssub.s32 @!p0 s23, s0;
	vm4 =	vlt.u32 @!p0 v14, v15;
	v17, _, _ =	vpop @!p0 (xrf0)  }
0x3cc: {  	vm5 =	vle.s32 @!p0 v17, s1;
	v17 =	vsel @!p0 vm4, $0x1, v16  }
0x3cd: {  	(xrf0) =	vadd.scan.msk.s32 @!p0 $0xffff, v17  }
0x3ce: {  	vm3 =	vmand @!p0 vm3, vm5  }
0x3cf: {  	v16 =	vsel @!p0 vm3, $0x1, v16  }
0x3d0: {  	(xrf0) =	vadd.scan.msk.s32 @!p0 $0xffff, v16;
	v16 =	vlaneseq.u32 @!p0  }
0x3d1: {  	[tilespmem:s0+$0x1C800] =	vst.msk @!p0 vm4, v15;
	v16 =	vor.u32 @!p0 s0, v16  }
0x3d2: {  	[tilespmem:s0+$0x1C900] =	vst.msk @!p0 vm4, v16  }
0x3d3: {  	[tilespmem:s0+$0x1CA00] =	vst.msk @!p0 vm3, v15;
	v17, _, _ =	vpop @!p0 (xrf0)  }
0x3d4: {  	s1 =	simm.s32 $0x10;
	[tilespmem:s0+$0x1CA80] =	vst.msk @!p0 vm3, v16;
	(v2sf) =	vpush @!p0 v17, $0xF  }
0x3d5: {  	v15 =	vld [tilespmem:s1+$0x0];
	_ =	sdelay $0x3  }
0x3d6: {  	v17, _, _ =	vpop @!p0 (xrf0)  }
0x3d7: {  	(v2sf) =	vpush @!p0 v17, $0xF;
	vm3 =	vge.u32 v15, v13  }
0x3d8: {  	v16 =	vsel vm3, $0x1, v4  }
0x3d9: {  	(xrf0) =	vadd.scan.msk.s32 $0xffff, v16;
	_ =	sdelay $0x5  }
0x3da: {  	v16, _, _ =	vpop (xrf0)  }
0x3db: {  	s2 =	spop @!p0 (v2sf);
	(v2sf) =	vpush v16, $0xF;
	_ =	sdelay $0x5  }
0x3dc: {  	s4 =	simm.s32 $0x20;
	s5 =	sadd.s32 @!p0 $0x0, s2;
	s2 =	spop @!p0 (v2sf)  }
0x3dd: {  	vm2 =	vmmov vm1;
	s3 =	simm.s32 $0x10;
	s5 =	smov.u32 @p0 s0;
	s6 =	sadd.s32 @!p0 $0x0, s2  }
.LBB2_26:
0x3de: {  	s2 =	smov.u32 s5;
	s5 =	smov.u32 s0;
	s0 =	smov.u32 s6  }
0x3df: {  	s0 =	smov.u32 @p0 s5;
	s5 =	smov.u32 s4;
	s4 =	sadd.s32 $0x10, s4  }
0x3e0: {  	p1 =	sne.s32 s4, $0x14000;
	_ =	sdelay $0x4  }
0x3e1: {  	s6 =	spop (v2sf)  }
0x3e2: {  	p0 =	slt.s32 s6, $0x1  }
0x3e3: {  	vm3 =	vge.u32 @!p0 v15, v13;
	v16 =	vlaneseq.u32 @!p0;
	vm4 =	vge.u32 @!p0 v14, v15  }
0x3e4: {  	vm5 =	vlt.u32 @!p0 v14, v15;
	v17 =	vimm.s32 @!p0 $0x0;
	vm3 =	vmand @!p0 vm3, vm4  }
0x3e5: {  	v16 =	vor.u32 @!p0 s1, v16;
	v18 =	vsel @!p0 vm5, $0x1, v17;
	s1 =	smov.u32 s5;
	[tilespmem:s2+$0x1C800] =	vst.msk @!p0 vm5, v15;
	v19 =	vsel @!p0 vm3, $0x1, v17  }
0x3e6: {  	[tilespmem:s2+$0x1C900] =	vst.msk @!p0 vm5, v16;
	(xrf0) =	vadd.scan.msk.s32 @!p0 $0xffff, v19  }
0x3e7: {  	(xrf0) =	vadd.scan.msk.s32 @!p0 $0xffff, v18;
	_ =	sdelay $0x4  }
0x3e8: {  	s5 =	ssub.s32 @!p0 s23, s0;
	v18, _, _ =	vpop @!p0 (xrf0)  }
0x3e9: {  	vm4 =	vle.s32 @!p0 v18, s5;
	v18, _, _ =	vpop @!p0 (xrf0)  }
0x3ea: {  	vm3 =	vmand @!p0 vm3, vm4;
	(v2sf) =	vpush @!p0 v18, $0xF  }
0x3eb: {  	v17 =	vsel @!p0 vm3, $0x1, v17;
	[tilespmem:s0+$0x1CA00] =	vst.msk @!p0 vm3, v15  }
0x3ec: {  	s3 =	sadd.s32 $0x10, s3;
	[tilespmem:s0+$0x1CA80] =	vst.msk @!p0 vm3, v16;
	(xrf0) =	vadd.scan.msk.s32 @!p0 $0xffff, v17  }
0x3ed: {  	v15 =	vld [tilespmem:s3+$0x0];
	_ =	sdelay $0x4  }
0x3ee: {  	vm3 =	vge.u32 v15, v13;
	v16, _, _ =	vpop @!p0 (xrf0)  }
0x3ef: {  	v17 =	vsel vm3, $0x1, v4;
	(v2sf) =	vpush @!p0 v16, $0xF  }
0x3f0: {  	(xrf0) =	vadd.scan.msk.s32 $0xffff, v17;
	_ =	sdelay $0x4  }
0x3f1: {  	s5 =	spop @!p0 (v2sf)  }
0x3f2: {  	v16, _, _ =	vpop (xrf0);
	s5 =	sadd.s32 @!p0 s2, s5  }
0x3f3: {  	(v2sf) =	vpush v16, $0xF;
	s5 =	smov.u32 @p0 s2;
	_ =	sdelay $0x3  }
.Ltmp14:
0x3f4: {  	(pc) =	sbr.rel @p1 .LBB2_26-.Ltmp14, $3  }
0x3f5: {  	_ =	sdelay $0x1  }
0x3f6: {  	s2 =	spop @!p0 (v2sf)  }
0x3f7: {  	s6 =	sadd.s32 @!p0 s0, s2  }
0x3f8: {  	_ =	sdelay $0x5  }
0x3f9: {  	s2 =	spop (v2sf)  }
0x3fa: {  	p1 =	slt.s32 s2, $0x1  }
0x3fb: {  	vm3 =	vge.u32 @!p1 v15, v13;
	vm4 =	vge.u32 @!p1 v14, v15  }
0x3fc: {  	v13 =	vimm.s32 @!p1 $0x0;
	vm3 =	vmand @!p1 vm3, vm4  }
0x3fd: {  	v16 =	vsel @!p1 vm3, $0x1, v13  }
0x3fe: {  	(xrf0) =	vadd.scan.msk.s32 @!p1 $0xffff, v16;
	_ =	sdelay $0x4  }
0x3ff: {  	s6 =	smov.u32 @p0 s0;
	vm4 =	vlt.u32 @!p1 v14, v15  }
0x400: {  	s0 =	ssub.s32 @!p1 s23, s6;
	v14 =	vsel @!p1 vm4, $0x1, v13;
	v16, _, _ =	vpop @!p1 (xrf0)  }
0x401: {  	(xrf0) =	vadd.scan.msk.s32 @!p1 $0xffff, v14;
	vm5 =	vle.s32 @!p1 v16, s0  }
0x402: {  	vm3 =	vmand @!p1 vm3, vm5  }
0x403: {  	v13 =	vsel @!p1 vm3, $0x1, v13  }
0x404: {  	(xrf0) =	vadd.scan.msk.s32 @!p1 $0xffff, v13;
	_ =	sdelay $0x2  }
0x405: {  	v13, _, _ =	vpop @!p1 (xrf0)  }
0x406: {  	(v2sf) =	vpush @!p1 v13, $0xF;
	_ =	sdelay $0x1  }
0x407: {  	v13, _, _ =	vpop @!p1 (xrf0)  }
0x408: {  	(v2sf) =	vpush @!p1 v13, $0xF;
	_ =	sdelay $0x8  }
0x409: {  	v13 =	vlaneseq.u32 @!p1  }
0x40a: {  	[tilespmem:s5+$0x1C800] =	vst.msk @!p1 vm4, v15;
	v13 =	vor.u32 @!p1 s1, v13  }
0x40b: {  	[tilespmem:s5+$0x1C900] =	vst.msk @!p1 vm4, v13  }
0x40c: {  	[tilespmem:s6+$0x1CA00] =	vst.msk @!p1 vm3, v15;
	s0 =	spop @!p1 (v2sf)  }
0x40d: {  	[tilespmem:s6+$0x1CA80] =	vst.msk @!p1 vm3, v13;
	s0 =	sadd.s32 @!p1 s5, s0  }
0x40e: {  	v13 =	vld [tilespmem:$0x1CA00];
	s0 =	smov.u32 @p1 s5  }
0x40f: {  	v14 =	vld [tilespmem:s0+$0x1C800];
	s1 =	spop @!p1 (v2sf)  }
0x410: {  	s1 =	sadd.s32 @!p1 s6, s1  }
0x411: {  	s1 =	smov.u32 @p1 s6  }
0x412: {  	v15 =	vmov s1  }
0x413: {  	vm3 =	vgt.s32 v15, v0  }
0x414: {  	v13 =	vsel vm3, v13, v14  }
0x415: {  	v14 =	vld [tilespmem:s0+$0x1C900];
	[tilespmem:s0+$0x1C800] =	vst v13  }
0x416: {  	v13 =	vld [tilespmem:$0x1CA80];
	_ =	sdelay $0x4  }
0x417: {  	v13 =	vsel vm3, v13, v14  }
0x418: {  	v14 =	vld [tilespmem:s0+$0x1C810];
	[tilespmem:s0+$0x1C900] =	vst v13  }
0x419: {  	v13 =	vld [tilespmem:$0x1CA10];
	_ =	sdelay $0x3  }
0x41a: {  	vm3 =	vgt.s32 v15, v5  }
0x41b: {  	v13 =	vsel vm3, v13, v14  }
0x41c: {  	v14 =	vld [tilespmem:s0+$0x1C910];
	[tilespmem:s0+$0x1C810] =	vst v13  }
0x41d: {  	v13 =	vld [tilespmem:$0x1CA90];
	_ =	sdelay $0x4  }
0x41e: {  	v13 =	vsel vm3, v13, v14  }
0x41f: {  	v14 =	vld [tilespmem:s0+$0x1C820];
	[tilespmem:s0+$0x1C910] =	vst v13  }
0x420: {  	v13 =	vld [tilespmem:$0x1CA20];
	_ =	sdelay $0x3  }
0x421: {  	vm3 =	vgt.s32 v15, v6  }
0x422: {  	v13 =	vsel vm3, v13, v14  }
0x423: {  	v14 =	vld [tilespmem:s0+$0x1C920];
	[tilespmem:s0+$0x1C820] =	vst v13  }
0x424: {  	v13 =	vld [tilespmem:$0x1CAA0];
	_ =	sdelay $0x4  }
0x425: {  	v13 =	vsel vm3, v13, v14  }
0x426: {  	v14 =	vld [tilespmem:s0+$0x1C830];
	[tilespmem:s0+$0x1C920] =	vst v13  }
0x427: {  	v13 =	vld [tilespmem:$0x1CA30];
	_ =	sdelay $0x3  }
0x428: {  	vm3 =	vgt.s32 v15, v7  }
0x429: {  	v13 =	vsel vm3, v13, v14  }
0x42a: {  	v14 =	vld [tilespmem:s0+$0x1C930];
	[tilespmem:s0+$0x1C830] =	vst v13  }
0x42b: {  	v13 =	vld [tilespmem:$0x1CAB0];
	_ =	sdelay $0x4  }
0x42c: {  	v13 =	vsel vm3, v13, v14  }
0x42d: {  	v14 =	vld [tilespmem:s0+$0x1C840];
	[tilespmem:s0+$0x1C930] =	vst v13  }
0x42e: {  	v13 =	vld [tilespmem:$0x1CA40];
	_ =	sdelay $0x3  }
0x42f: {  	vm3 =	vgt.s32 v15, v8  }
0x430: {  	v13 =	vsel vm3, v13, v14  }
0x431: {  	v14 =	vld [tilespmem:s0+$0x1C940];
	[tilespmem:s0+$0x1C840] =	vst v13  }
0x432: {  	v13 =	vld [tilespmem:$0x1CAC0];
	_ =	sdelay $0x4  }
0x433: {  	v13 =	vsel vm3, v13, v14  }
0x434: {  	v14 =	vld [tilespmem:s0+$0x1C850];
	[tilespmem:s0+$0x1C940] =	vst v13  }
0x435: {  	v13 =	vld [tilespmem:$0x1CA50];
	_ =	sdelay $0x3  }
0x436: {  	vm3 =	vgt.s32 v15, v9  }
0x437: {  	v13 =	vsel vm3, v13, v14  }
0x438: {  	v14 =	vld [tilespmem:s0+$0x1C950];
	[tilespmem:s0+$0x1C850] =	vst v13  }
0x439: {  	v13 =	vld [tilespmem:$0x1CAD0];
	_ =	sdelay $0x4  }
0x43a: {  	v13 =	vsel vm3, v13, v14  }
0x43b: {  	v14 =	vld [tilespmem:s0+$0x1C860];
	[tilespmem:s0+$0x1C950] =	vst v13  }
0x43c: {  	v13 =	vld [tilespmem:$0x1CA60];
	_ =	sdelay $0x3  }
0x43d: {  	vm3 =	vgt.s32 v15, v10  }
0x43e: {  	v13 =	vsel vm3, v13, v14  }
0x43f: {  	v14 =	vld [tilespmem:s0+$0x1C960];
	[tilespmem:s0+$0x1C860] =	vst v13  }
0x440: {  	v13 =	vld [tilespmem:$0x1CAE0];
	_ =	sdelay $0x4  }
0x441: {  	v13 =	vsel vm3, v13, v14  }
0x442: {  	vm1 =	vmmov vm0;
	[tilespmem:s0+$0x1C960] =	vst v13;
	s0 =	simm.s32 $0x0  }
.LBB2_28:
0x443: {  	v24 =	vld [tilespmem:$0x1C800]  }
0x444: {  	v23 =	vld [tilespmem:$0x1C810]  }
0x445: {  	v22 =	vld [tilespmem:$0x1C820]  }
0x446: {  	v21 =	vld [tilespmem:$0x1C830]  }
0x447: {  	v20 =	vld [tilespmem:$0x1C840]  }
0x448: {  	v19 =	vld [tilespmem:$0x1C850]  }
0x449: {  	v18 =	vld [tilespmem:$0x1C860];
	v13 =	vmax.u32 v24, v23  }
0x44a: {  	v17 =	vld [tilespmem:$0x1C870];
	v13 =	vmax.u32 v13, v22  }
0x44b: {  	v16 =	vld [tilespmem:$0x1C880];
	v13 =	vmax.u32 v13, v21  }
0x44c: {  	v15 =	vld [tilespmem:$0x1C890];
	v13 =	vmax.u32 v13, v20  }
0x44d: {  	v14 =	vld [tilespmem:$0x1C8A0];
	v25 =	vmax.u32 v13, v19  }
0x44e: {  	v13 =	vld [tilespmem:$0x1C8B0];
	v25 =	vmax.u32 v25, v18  }
0x44f: {  	v25 =	vmax.u32 v25, v17  }
0x450: {  	v25 =	vmax.u32 v25, v16  }
0x451: {  	v25 =	vmax.u32 v25, v15  }
0x452: {  	v25 =	vmax.u32 v25, v14  }
0x453: {  	v25 =	vmax.u32 v25, v13  }
0x454: {  	(xrf0) =	vmax.scan.msk.u32 $0xffff, v25;
	_ =	sdelay $0x4  }
0x455: {  	v26 =	vld [tilespmem:$0x1C910]  }
0x456: {  	v27 =	vld [tilespmem:$0x1C900];
	v25, _, _ =	vpop (xrf0)  }
0x457: {  	v25 =	vbroadcast v25, $0xF;
	_ =	sdelay $0x1  }
0x458: {  	v28 =	vld [tilespmem:$0x1C920];
	vm9 =	veq.s32 v23, v25  }
0x459: {  	v26 =	vnsel vm9, $0x7FFFFFFF, v26  }
0x45a: {  	vm3 =	vlt.s32 v27, v26  }
0x45b: {  	v29 =	vld [tilespmem:$0x1C930];
	vm5 =	veq.s32 v24, v25;
	v27 =	vsel vm3, v27, v26  }
0x45c: {  	v26 =	vsel vm5, v27, v26  }
0x45d: {  	vm3 =	vlt.s32 v26, v28  }
0x45e: {  	v38 =	vld [tilespmem:$0x1C940];
	vm10 =	veq.s32 v22, v25;
	v27 =	vsel vm3, v26, v28  }
0x45f: {  	v26 =	vsel vm10, v27, v26  }
0x460: {  	vm3 =	vlt.s32 v26, v29  }
0x461: {  	v39 =	vld [tilespmem:$0x1C950];
	vm11 =	veq.s32 v21, v25;
	v27 =	vsel vm3, v26, v29  }
0x462: {  	v26 =	vsel vm11, v27, v26  }
0x463: {  	vm3 =	vlt.s32 v26, v38  }
0x464: {  	v40 =	vld [tilespmem:$0x1C960];
	vm12 =	veq.s32 v20, v25;
	v27 =	vsel vm3, v26, v38  }
0x465: {  	v26 =	vsel vm12, v27, v26  }
0x466: {  	vm3 =	vlt.s32 v26, v39  }
0x467: {  	v41 =	vld [tilespmem:$0x1C970];
	vm13 =	veq.s32 v19, v25;
	v27 =	vsel vm3, v26, v39  }
0x468: {  	v26 =	vsel vm13, v27, v26  }
0x469: {  	vm3 =	vlt.s32 v26, v40  }
0x46a: {  	v42 =	vld [tilespmem:$0x1C980];
	vm14 =	veq.s32 v18, v25;
	v27 =	vsel vm3, v26, v40  }
0x46b: {  	v26 =	vsel vm14, v27, v26  }
0x46c: {  	vm3 =	vlt.s32 v26, v41  }
0x46d: {  	v43 =	vld [tilespmem:$0x1C990];
	vm15 =	veq.s32 v17, v25;
	v27 =	vsel vm3, v26, v41  }
0x46e: {  	v26 =	vsel vm15, v27, v26  }
0x46f: {  	vm4 =	vlt.s32 v26, v42  }
0x470: {  	v44 =	vld [tilespmem:$0x1C9A0];
	vm3 =	veq.s32 v16, v25;
	v27 =	vsel vm4, v26, v42  }
0x471: {  	v26 =	vsel vm3, v27, v26  }
0x472: {  	vm6 =	vlt.s32 v26, v43  }
0x473: {  	v45 =	vld [tilespmem:$0x1C9B0];
	vm4 =	veq.s32 v15, v25;
	v27 =	vsel vm6, v26, v43  }
0x474: {  	v26 =	vsel vm4, v27, v26  }
0x475: {  	vm7 =	vlt.s32 v26, v44  }
0x476: {  	vm6 =	veq.s32 v14, v25;
	v27 =	vsel vm7, v26, v44  }
0x477: {  	v26 =	vsel vm6, v27, v26  }
0x478: {  	vm8 =	vlt.s32 v26, v45  }
0x479: {  	vm7 =	veq.s32 v13, v25;
	v27 =	vsel vm8, v26, v45  }
0x47a: {  	v26 =	vsel vm7, v27, v26  }
0x47b: {  	v26 =	vxor.u32 $0x80000000, v26  }
0x47c: {  	(xrf0) =	vmin.scan.msk.u32 $0xffff, v26;
	_ =	sdelay $0x5  }
0x47d: {  	v26, _, _ =	vpop (xrf0)  }
0x47e: {  	(v2sf) =	vpush v26, $0xF;
	_ =	sdelay $0xe  }
0x47f: {  	s1 =	spop (v2sf)  }
0x480: {  	s1 =	sxor.u32 $0x80000000, s1  }
0x481: {  	v46 =	vmov s1  }
0x482: {  	v26 =	vbroadcast v46, $0x0;
	_ =	sdelay $0x1  }
0x483: {  	(v2sf) =	vpush v26, $0xD;
	_ =	sdelay $0x1  }
0x484: {  	(v2sf) =	vpush v26, $0xC;
	_ =	sdelay $0x1  }
0x485: {  	(v2sf) =	vpush v26, $0xE;
	_ =	sdelay $0x1  }
0x486: {  	(v2sf) =	vpush v26, $0xF  }
0x487: {  	(v2sf) =	vpush v26, $0x9;
	_ =	sdelay $0x1  }
0x488: {  	(v2sf) =	vpush v26, $0x8;
	_ =	sdelay $0x1  }
0x489: {  	(v2sf) =	vpush v26, $0xA;
	_ =	sdelay $0x1  }
0x48a: {  	(v2sf) =	vpush v26, $0xB;
	_ =	sdelay $0x1  }
0x48b: {  	(v2sf) =	vpush v26, $0x1;
	s28 =	spop (v2sf)  }
0x48c: {  	(v2sf) =	vpush v26, $0x0;
	s2 =	smulhi.u32 $0xB40B40B5, s28;
	s3 =	sshra.s32 s28, $0x1F  }
0x48d: {  	s4 =	spop (v2sf);
	s3 =	smul.u32 $0xB40B40B5, s3  }
0x48e: {  	s6 =	smulhi.u32 $0xB40B40B5, s4;
	s7 =	sshra.s32 s4, $0x1F  }
0x48f: {  	s5 =	spop (v2sf);
	s7 =	smul.u32 $0xB40B40B5, s7  }
0x490: {  	s9 =	smulhi.u32 $0xB40B40B5, s5;
	s10 =	sshra.s32 s5, $0x1F  }
0x491: {  	(v2sf) =	vpush v26, $0x2;
	s8 =	spop (v2sf);
	s1 =	ssub.s32 s2, s28;
	s10 =	smul.u32 $0xB40B40B5, s10  }
0x492: {  	s11 =	spop (v2sf);
	s13 =	smulhi.u32 $0xB40B40B5, s8;
	s29 =	sshra.s32 s8, $0x1F  }
0x493: {  	(v2sf) =	vpush v26, $0x3;
	s1 =	sadd.s32 s3, s1;
	s30 =	ssub.s32 s6, s4;
	s31 =	smul.u32 $0xB40B40B5, s29  }
0x494: {  	s12 =	spop (v2sf);
	s16 =	smulhi.u32 $0xB40B40B5, s11;
	s21 =	sshra.s32 s11, $0x1F  }
0x495: {  	(v2sf) =	vpush v26, $0x4;
	s4 =	sadd.s32 s7, s30;
	s23 =	ssub.s32 s9, s5;
	s5 =	smul.u32 $0xB40B40B5, s21  }
0x496: {  	s17 =	spop (v2sf);
	s7 =	smulhi.u32 $0xB40B40B5, s12;
	s24 =	sshra.s32 s12, $0x1F  }
0x497: {  	(v2sf) =	vpush v26, $0x5;
	s2 =	sadd.s32 s10, s23;
	s25 =	ssub.s32 s13, s8;
	s26 =	smul.u32 $0xB40B40B5, s24  }
0x498: {  	s18 =	spop (v2sf);
	s28 =	smulhi.u32 $0xB40B40B5, s17;
	s29 =	sshra.s32 s17, $0x1F  }
0x499: {  	(v2sf) =	vpush v26, $0x6;
	s3 =	sadd.s32 s31, s25;
	s30 =	ssub.s32 s16, s11;
	s10 =	smul.u32 $0xB40B40B5, s29  }
0x49a: {  	s13 =	spop (v2sf);
	s11 =	smulhi.u32 $0xB40B40B5, s18;
	s31 =	sshra.s32 s18, $0x1F  }
0x49b: {  	s21 =	spop (v2sf);
	(v2sf) =	vpush v26, $0x7;
	s6 =	smul.u32 $0xB40B40B5, s31  }
0x49c: {  	s7 =	ssub.s32 s7, s12;
	s24 =	smulhi.u32 $0xB40B40B5, s13  }
0x49d: {  	s25 =	sshra.s32 s13, $0x1F;
	s7 =	sadd.s32 s26, s7;
	s26 =	ssub.s32 s28, s17  }
0x49e: {  	s5 =	sadd.s32 s5, s30;
	s28 =	smul.u32 $0xB40B40B5, s25;
	s8 =	sadd.s32 s10, s26  }
0x49f: {  	s29 =	smulhi.u32 $0xB40B40B5, s21;
	s30 =	sshra.s32 s21, $0x1F;
	s11 =	ssub.s32 s11, s18  }
0x4a0: {  	s16 =	smul.u32 $0xB40B40B5, s30;
	s12 =	ssub.s32 s24, s13;
	s23 =	spop (v2sf)  }
0x4a1: {  	s6 =	sadd.s32 s6, s11;
	s31 =	smulhi.u32 $0xB40B40B5, s23;
	s24 =	sshra.s32 s23, $0x1F  }
0x4a2: {  	s9 =	sadd.s32 s28, s12;
	s17 =	spop (v2sf);
	s25 =	smul.u32 $0xB40B40B5, s24  }
0x4a3: {  	s10 =	ssub.s32 s29, s21;
	s26 =	smulhi.u32 $0xB40B40B5, s17;
	s28 =	sshra.s32 s17, $0x1F  }
0x4a4: {  	s10 =	sadd.s32 s16, s10;
	s21 =	spop (v2sf);
	s29 =	smul.u32 $0xB40B40B5, s28  }
0x4a5: {  	s13 =	ssub.s32 s31, s23;
	s30 =	smulhi.u32 $0xB40B40B5, s21;
	s31 =	sshra.s32 s21, $0x1F  }
0x4a6: {  	s11 =	sadd.s32 s25, s13;
	s13 =	spop (v2sf);
	s23 =	smul.u32 $0xB40B40B5, s31  }
0x4a7: {  	vm0 =	vcmask $0x300;
	v48 =	vmov s4;
	v47 =	vmov s10;
	s24 =	ssub.s32 s26, s17;
	s25 =	smulhi.u32 $0xB40B40B5, s13;
	s26 =	sshra.s32 s13, $0x1F  }
0x4a8: {  	vm8 =	vcmask $0x2320;
	v28 =	vsel vm1, s1, v48;
	v27 =	vnsel vm0, $0x0, v47;
	s10 =	sadd.s32 s29, s24;
	s28 =	spop (v2sf);
	s17 =	smul.u32 $0xB40B40B5, s26  }
0x4a9: {  	v28 =	vsel vm2, s2, v28;
	v49 =	vmov s7;
	v27 =	vsel vm1, s9, v27;
	s29 =	ssub.s32 s30, s21;
	s30 =	smulhi.u32 $0xB40B40B5, s28;
	s31 =	sshra.s32 s28, $0x1F  }
0x4aa: {  	v29 =	vsel vm1, s5, v49;
	vm0 =	vcmask $0x1B18;
	v27 =	vsel vm2, s11, v27;
	s7 =	sadd.s32 s23, s29;
	s9 =	smul.u32 $0xB40B40B5, s31;
	s11 =	spop (v2sf)  }
0x4ab: {  	v29 =	vsel vm2, s8, v29;
	v28 =	vsel vm0, s3, v28;
	v27 =	vsel vm0, s10, v27;
	s13 =	ssub.s32 s25, s13;
	s21 =	smulhi.u32 $0xB40B40B5, s11;
	s23 =	sshra.s32 s11, $0x1F  }
0x4ac: {  	v50 =	vld [tilespmem:$0x1FFF0];
	v29 =	vsel vm0, s6, v29;
	vm0 =	vcmask $0x2B28;
	v27 =	vsel vm8, s7, v27;
	s1 =	sadd.s32 s17, s13;
	s24 =	ssub.s32 s30, s28;
	s25 =	smul.u32 $0xB40B40B5, s23  }
0x4ad: {  	v27 =	vsel vm0, s1, v27;
	s26 =	sadd.s32 s9, s24;
	vm0 =	vcmask $0x3330;
	s28 =	ssub.s32 s21, s11  }
0x4ae: {  	v28 =	vcombine.low v29, v28;
	v27 =	vsel vm0, s26, v27;
	vm0 =	vcmask $0x3B38;
	s29 =	sadd.s32 s25, s28  }
0x4af: {  	v27 =	vsel vm0, s29, v27  }
0x4b0: {  	v28 =	vperm.xlane v28, v11;
	v27 =	vperm.xlane v27, v12  }
0x4b1: {  	vm0 =	vnez.u8 v50  }
0x4b2: {  	v27 =	vsel vm0, v27, v28  }
0x4b3: {  	v27 =	vadd.s32 v26, v27  }
0x4b4: {  	v51 =	vshrl.u32 v27, $0x1F;
	v27 =	vshra.s32 v27, $0x6  }
0x4b5: {  	v27 =	vadd.s32 v51, v27  }
0x4b6: {  	v52 =	vmov s0;
	v53 =	vmul.u32 $0xFFFFFFA5, v27;
	_ =	sdelay $0x1  }
0x4b7: {  	v29 =	vadd.s32 v26, v53  }
0x4b8: {  	vm0 =	vlt.s32 v26, $0x1;
	vm8 =	vne.s32 v29, $0x0  }
0x4b9: {  	s30 =	rddreg [dreg:$0x5];
	v30 =	vadd.s32 $0x5B, v29;
	vm0 =	vmand vm0, vm8;
	vm8 =	vlt.s32 v29, $0x0  }
0x4ba: {  	[tilespmem:v52+s30+$0x0] =	vst.idx.msk $0x1, v25;
	v29 =	vsel vm8, v30, v29;
	v54 =	vsel vm0, $0xFFFFFFFF, v4  }
0x4bb: {  	s31 =	rddreg [dreg:$0x6];
	[tilespmem:v52+s19+$0x0] =	vst.idx.msk $0x1, v29;
	v25 =	vadd.s32 v54, v27  }
0x4bc: {  	[tilespmem:v52+s31+$0x0] =	vst.idx.msk $0x1, v25  }
0x4bd: {  	v25 =	vld [tilespmem:$0x1C900]  }
0x4be: {  	v55 =	vld [tilespmem:$0x1C910]  }
0x4bf: {  	v28 =	vld [tilespmem:$0x1C920]  }
0x4c0: {  	v29 =	vld [tilespmem:$0x1C930]  }
0x4c1: {  	v56 =	vld [tilespmem:$0x1C940]  }
0x4c2: {  	v57 =	vld [tilespmem:$0x1C950];
	vm0 =	veq.s32 v25, v26  }
0x4c3: {  	v58 =	vld [tilespmem:$0x1C960];
	vm8 =	veq.s32 v55, v26;
	vm0 =	vmand vm5, vm0  }
0x4c4: {  	v59 =	vld [tilespmem:$0x1C970];
	v24 =	vsel vm0, $0x0, v24;
	vm0 =	vmand vm9, vm8;
	vm9 =	veq.s32 v28, v26  }
0x4c5: {  	v60 =	vld [tilespmem:$0x1C980];
	v23 =	vsel vm0, $0x0, v23;
	[tilespmem:$0x1C800] =	vst v24;
	vm0 =	vmand vm10, vm9;
	vm10 =	veq.s32 v29, v26  }
0x4c6: {  	v61 =	vld [tilespmem:$0x1C990];
	v22 =	vsel vm0, $0x0, v22;
	[tilespmem:$0x1C810] =	vst v23;
	vm0 =	vmand vm11, vm10;
	vm11 =	veq.s32 v56, v26  }
0x4c7: {  	v62 =	vld [tilespmem:$0x1C9A0];
	v21 =	vsel vm0, $0x0, v21;
	[tilespmem:$0x1C820] =	vst v22;
	vm0 =	vmand vm12, vm11;
	vm12 =	veq.s32 v57, v26  }
0x4c8: {  	v63 =	vld [tilespmem:$0x1C9B0];
	v20 =	vsel vm0, $0x0, v20;
	[tilespmem:$0x1C830] =	vst v21;
	vm0 =	vmand vm13, vm12;
	vm13 =	veq.s32 v58, v26  }
0x4c9: {  	v19 =	vsel vm0, $0x0, v19;
	[tilespmem:$0x1C840] =	vst v20;
	vm0 =	vmand vm14, vm13;
	vm14 =	veq.s32 v59, v26  }
0x4ca: {  	v18 =	vsel vm0, $0x0, v18;
	[tilespmem:$0x1C850] =	vst v19;
	vm0 =	vmand vm15, vm14;
	vm15 =	veq.s32 v60, v26  }
0x4cb: {  	p0 =	sne.s32 s0, $0x63;
	v17 =	vsel vm0, $0x0, v17;
	[tilespmem:$0x1C860] =	vst v18;
	vm0 =	vmand vm3, vm15;
	vm3 =	veq.s32 v61, v26  }
.Ltmp15:
0x4cc: {  	v16 =	vsel vm0, $0x0, v16;
	[tilespmem:$0x1C870] =	vst v17;
	vm0 =	vmand vm4, vm3;
	vm3 =	veq.s32 v62, v26;
	(pc) =	sbr.rel @p0 .LBB2_28-.Ltmp15, $4  }
0x4cd: {  	v15 =	vsel vm0, $0x0, v15;
	[tilespmem:$0x1C880] =	vst v16;
	vm0 =	vmand vm6, vm3;
	vm3 =	veq.s32 v63, v26  }
0x4ce: {  	v14 =	vsel vm0, $0x0, v14;
	vm0 =	vmand vm7, vm3;
	[tilespmem:$0x1C890] =	vst v15  }
0x4cf: {  	v13 =	vsel vm0, $0x0, v13;
	[tilespmem:$0x1C8A0] =	vst v14  }
0x4d0: {  	s0 =	sadd.s32 $0x1, s0;
	[tilespmem:$0x1C8B0] =	vst v13  }
0x4d1: {  	v13 =	vld [tilespmem:$0x1CB00];
	_ =	sdelay $0x4  }
0x4d2: {  	v14 =	vand.u32 $0x7FFFFFFF, v13;
	v15 =	vxor.u32 $0xFFFFFFFF, v13;
	vm0 =	vlt.s32 v13, $0x0  }
0x4d3: {  	v13 =	vsel vm0, v14, v15  }
0x4d4: {  	v14 =	vand.u32 $0x7FFFFFFF, v13  }
0x4d5: {  	v14 =	vsub.f32 $0.0e+00, v14;
	_ =	sdelay $0x1  }
0x4d6: {  	v14 =	vmul.f32 $1.442695020e+00, v14;
	_ =	sdelay $0x1  }
0x4d7: {  	(erf) = vpow2.f32 v14  }
0x4d8: {  	v14 =	vld [tilespmem:$0x1CB10];
	_ =	sdelay $0x4  }
0x4d9: {  	v15 =	vand.u32 $0x7FFFFFFF, v14;
	v16 =	vxor.u32 $0xFFFFFFFF, v14;
	vm0 =	vlt.s32 v14, $0x0  }
0x4da: {  	v14 =	vsel vm0, v15, v16  }
0x4db: {  	v15 =	vand.u32 $0x7FFFFFFF, v14  }
0x4dc: {  	v15 =	vsub.f32 $0.0e+00, v15;
	v46 =	vpop (erf)  }
0x4dd: {  	v17 =	vadd.f32 $1.000000000e+00, v46  }
0x4de: {  	v15 =	vmul.f32 $1.442695020e+00, v15  }
0x4df: {  	(erf) = vrcp.f32 v17  }
0x4e0: {  	(erf) = vpow2.f32 v15  }
0x4e1: {  	v15 =	vld [tilespmem:$0x1CB20];
	_ =	sdelay $0x4  }
0x4e2: {  	v47 =	vand.u32 $0x7FFFFFFF, v15;
	v18 =	vxor.u32 $0xFFFFFFFF, v15;
	vm0 =	vlt.s32 v15, $0x0  }
0x4e3: {  	v15 =	vsel vm0, v47, v18  }
0x4e4: {  	v18 =	vand.u32 $0x7FFFFFFF, v15;
	v48 =	vpop (erf)  }
0x4e5: {  	v18 =	vsub.f32 $0.0e+00, v18;
	v19 =	vpop (erf)  }
0x4e6: {  	v20 =	vadd.f32 $1.000000000e+00, v19  }
0x4e7: {  	v18 =	vmul.f32 $1.442695020e+00, v18  }
0x4e8: {  	(erf) = vrcp.f32 v20  }
0x4e9: {  	(erf) = vpow2.f32 v18  }
0x4ea: {  	v49 =	vld [tilespmem:$0x1CB30];
	_ =	sdelay $0x4  }
0x4eb: {  	v50 =	vand.u32 $0x7FFFFFFF, v49;
	v21 =	vxor.u32 $0xFFFFFFFF, v49;
	vm0 =	vlt.s32 v49, $0x0  }
0x4ec: {  	v18 =	vsel vm0, v50, v21  }
0x4ed: {  	v21 =	vand.u32 $0x7FFFFFFF, v18;
	v51 =	vpop (erf)  }
0x4ee: {  	v21 =	vsub.f32 $0.0e+00, v21;
	v22 =	vpop (erf)  }
0x4ef: {  	v23 =	vadd.f32 $1.000000000e+00, v22  }
0x4f0: {  	v21 =	vmul.f32 $1.442695020e+00, v21  }
0x4f1: {  	(erf) = vrcp.f32 v23  }
0x4f2: {  	(erf) = vpow2.f32 v21  }
0x4f3: {  	v52 =	vld [tilespmem:$0x1CB40];
	_ =	sdelay $0x4  }
0x4f4: {  	v53 =	vand.u32 $0x7FFFFFFF, v52;
	v24 =	vxor.u32 $0xFFFFFFFF, v52;
	vm0 =	vlt.s32 v52, $0x0  }
0x4f5: {  	v21 =	vsel vm0, v53, v24  }
0x4f6: {  	v24 =	vand.u32 $0x7FFFFFFF, v21;
	v54 =	vpop (erf)  }
0x4f7: {  	v24 =	vsub.f32 $0.0e+00, v24;
	v25 =	vpop (erf)  }
0x4f8: {  	v26 =	vadd.f32 $1.000000000e+00, v25  }
0x4f9: {  	v24 =	vmul.f32 $1.442695020e+00, v24  }
0x4fa: {  	(erf) = vrcp.f32 v26  }
0x4fb: {  	(erf) = vpow2.f32 v24  }
0x4fc: {  	v55 =	vld [tilespmem:$0x1CB50];
	_ =	sdelay $0x4  }
0x4fd: {  	v56 =	vand.u32 $0x7FFFFFFF, v55;
	v27 =	vxor.u32 $0xFFFFFFFF, v55;
	vm0 =	vlt.s32 v55, $0x0  }
0x4fe: {  	v24 =	vsel vm0, v56, v27  }
0x4ff: {  	v27 =	vand.u32 $0x7FFFFFFF, v24;
	v57 =	vpop (erf)  }
0x500: {  	v27 =	vsub.f32 $0.0e+00, v27;
	v28 =	vpop (erf)  }
0x501: {  	v29 =	vadd.f32 $1.000000000e+00, v28  }
0x502: {  	v27 =	vmul.f32 $1.442695020e+00, v27  }
0x503: {  	(erf) = vrcp.f32 v29  }
0x504: {  	(erf) = vpow2.f32 v27  }
0x505: {  	v58 =	vld [tilespmem:$0x1CB60];
	_ =	sdelay $0x4  }
0x506: {  	v59 =	vand.u32 $0x7FFFFFFF, v58;
	v30 =	vxor.u32 $0xFFFFFFFF, v58;
	vm0 =	vlt.s32 v58, $0x0  }
0x507: {  	v27 =	vsel vm0, v59, v30  }
0x508: {  	v30 =	vand.u32 $0x7FFFFFFF, v27;
	v60 =	vpop (erf)  }
0x509: {  	v30 =	vsub.f32 $0.0e+00, v30;
	v31 =	vpop (erf)  }
0x50a: {  	v32 =	vadd.f32 $1.000000000e+00, v31  }
0x50b: {  	v30 =	vmul.f32 $1.442695020e+00, v30  }
0x50c: {  	(erf) = vrcp.f32 v32  }
0x50d: {  	(erf) = vpow2.f32 v30;
	_ =	sdelay $0x7  }
0x50e: {  	v61 =	vpop (erf)  }
0x50f: {  	v62 =	vpop (erf)  }
0x510: {  	v33 =	vadd.f32 $1.000000000e+00, v62;
	_ =	sdelay $0x1  }
0x511: {  	(erf) = vrcp.f32 v33;
	_ =	sdelay $0x1  }
0x512: {  	v63 =	vld [tilespmem:$0x1CC80]  }
0x513: {  	v16 =	vmul.f32 v48, v46  }
0x514: {  	vm0 =	vge.f32 v13, $0.0e+00;
	v13 =	vmul.f32 v51, v19  }
0x515: {  	v16 =	vsel vm0, v48, v16;
	vm0 =	vge.f32 v14, $0.0e+00;
	v14 =	vmul.f32 v54, v22  }
0x516: {  	v13 =	vsel vm0, v51, v13;
	vm0 =	vge.f32 v15, $0.0e+00;
	v15 =	vmul.f32 v57, v25  }
0x517: {  	v14 =	vsel vm0, v54, v14;
	vm0 =	vge.f32 v18, $0.0e+00;
	[tilespmem:$0x1CB90] =	vst v13;
	v13 =	vshll.u32 v63, $0x2  }
0x518: {  	[tilespmem:$0x1CB80] =	vst v16;
	v15 =	vsel vm0, v57, v15;
	vm0 =	vge.f32 v21, $0.0e+00;
	v28 =	vmul.f32 v60, v28  }
0x519: {  	[tilespmem:$0x1CBA0] =	vst v14;
	v36 =	vor.u32 $0x2, v13;
	v37 =	vor.u32 $0x3, v13;
	v34 =	vmul.f32 v61, v31;
	v35 =	vpop (erf)  }
0x51a: {  	[tilespmem:$0x1CBB0] =	vst v15;
	v14 =	vsel vm0, v60, v28;
	vm0 =	vge.f32 v24, $0.0e+00;
	v15 =	vmul.f32 v35, v62  }
0x51b: {  	[tilespmem:$0x1CBC0] =	vst v14;
	v14 =	vsel vm0, v61, v34;
	vm0 =	vge.f32 v27, $0.0e+00  }
0x51c: {  	[tilespmem:$0x1CBD0] =	vst v14;
	v14 =	vsel vm0, v35, v15;
	v15 =	vor.u32 $0x1, v13  }
0x51d: {  	[tilespmem:$0x1CBE0] =	vst v14  }
0x51e: {  	v38 =	vld.idx.msk [tilespmem:v36+s15+$0x0], $0xffff  }
0x51f: {  	v39 =	vld.idx.msk [tilespmem:v37+s15+$0x0], $0xffff  }
0x520: {  	v40 =	vld.idx.msk [tilespmem:v13+s15+$0x0], $0xffff  }
0x521: {  	v41 =	vld.idx.msk [tilespmem:v15+s15+$0x0], $0xffff  }
0x522: {  	v14 =	vld [tilespmem:$0x1DB80]  }
0x523: {  	v13 =	vld [tilespmem:$0x1DC00];
	v15 =	vmul.u32 $0x4, v0;
	v16 =	vmul.f32 $5.000000000e-01, v38  }
0x524: {  	v17 =	vmul.f32 $5.000000000e-01, v39  }
0x525: {  	v43 =	vor.u32 $0x1, v15;
	v42 =	vsub.f32 v40, v16  }
0x526: {  	v45 =	vor.u32 $0x2, v15;
	v44 =	vsub.f32 v41, v17  }
0x527: {  	v46 =	vor.u32 $0x3, v15;
	v16 =	vadd.f32 v16, v40;
	v20 =	vmul.f32 v42, v14  }
0x528: {  	v17 =	vadd.f32 v17, v41;
	v22 =	vmul.f32 v44, v13  }
0x529: {  	v16 =	vmul.f32 v16, v14;
	[tilespmem:v15+s20+$0x0] =	vst.idx.msk $0xffff, v20  }
0x52a: {  	v17 =	vmul.f32 v17, v13;
	[tilespmem:v43+s20+$0x0] =	vst.idx.msk $0xffff, v22  }
0x52b: {  	[tilespmem:v45+s20+$0x0] =	vst.idx.msk $0xffff, v16  }
0x52c: {  	[tilespmem:v46+s20+$0x0] =	vst.idx.msk $0xffff, v17  }
0x52d: {  	v16 =	vld [tilespmem:$0x1CC90];
	_ =	sdelay $0x4  }
0x52e: {  	v16 =	vshll.u32 v16, $0x2  }
0x52f: {  	v47 =	vor.u32 $0x2, v16  }
0x530: {  	v48 =	vor.u32 $0x3, v16;
	_ =	sdelay $0x1  }
0x531: {  	v49 =	vor.u32 $0x1, v16;
	_ =	sdelay $0x1  }
0x532: {  	v17 =	vld.idx.msk [tilespmem:v47+s15+$0x0], $0xffff  }
0x533: {  	v18 =	vld.idx.msk [tilespmem:v48+s15+$0x0], $0xffff  }
0x534: {  	v16 =	vld.idx.msk [tilespmem:v16+s15+$0x0], $0xffff  }
0x535: {  	v19 =	vld.idx.msk [tilespmem:v49+s15+$0x0], $0xffff;
	_ =	sdelay $0x1  }
0x536: {  	v17 =	vmul.f32 $5.000000000e-01, v17  }
0x537: {  	v50 =	vor.u32 $0x40, v15;
	v18 =	vmul.f32 $5.000000000e-01, v18  }
0x538: {  	v52 =	vor.u32 $0x41, v15;
	v51 =	vsub.f32 v16, v17  }
0x539: {  	v54 =	vor.u32 $0x42, v15;
	v53 =	vsub.f32 v19, v18  }
0x53a: {  	v55 =	vor.u32 $0x43, v15;
	v16 =	vadd.f32 v17, v16;
	v21 =	vmul.f32 v51, v14  }
0x53b: {  	v18 =	vadd.f32 v18, v19;
	v23 =	vmul.f32 v53, v13  }
0x53c: {  	v16 =	vmul.f32 v16, v14;
	[tilespmem:v50+s20+$0x0] =	vst.idx.msk $0xffff, v21  }
0x53d: {  	v18 =	vmul.f32 v18, v13;
	[tilespmem:v52+s20+$0x0] =	vst.idx.msk $0xffff, v23  }
0x53e: {  	[tilespmem:v54+s20+$0x0] =	vst.idx.msk $0xffff, v16  }
0x53f: {  	[tilespmem:v55+s20+$0x0] =	vst.idx.msk $0xffff, v18  }
0x540: {  	v16 =	vld [tilespmem:$0x1CCA0];
	_ =	sdelay $0x4  }
0x541: {  	v16 =	vshll.u32 v16, $0x2  }
0x542: {  	v56 =	vor.u32 $0x2, v16  }
0x543: {  	v57 =	vor.u32 $0x3, v16;
	_ =	sdelay $0x1  }
0x544: {  	v58 =	vor.u32 $0x1, v16;
	_ =	sdelay $0x1  }
0x545: {  	v17 =	vld.idx.msk [tilespmem:v56+s15+$0x0], $0xffff  }
0x546: {  	v18 =	vld.idx.msk [tilespmem:v57+s15+$0x0], $0xffff  }
0x547: {  	v16 =	vld.idx.msk [tilespmem:v16+s15+$0x0], $0xffff  }
0x548: {  	v19 =	vld.idx.msk [tilespmem:v58+s15+$0x0], $0xffff;
	_ =	sdelay $0x1  }
0x549: {  	v17 =	vmul.f32 $5.000000000e-01, v17  }
0x54a: {  	v59 =	vor.u32 $0x80, v15;
	v18 =	vmul.f32 $5.000000000e-01, v18  }
0x54b: {  	v61 =	vor.u32 $0x81, v15;
	v60 =	vsub.f32 v16, v17  }
0x54c: {  	v63 =	vor.u32 $0x82, v15;
	v62 =	vsub.f32 v19, v18  }
0x54d: {  	v26 =	vor.u32 $0x83, v15;
	v16 =	vadd.f32 v17, v16;
	v21 =	vmul.f32 v60, v14  }
0x54e: {  	v18 =	vadd.f32 v18, v19;
	v23 =	vmul.f32 v62, v13  }
0x54f: {  	v16 =	vmul.f32 v16, v14;
	[tilespmem:v59+s20+$0x0] =	vst.idx.msk $0xffff, v21  }
0x550: {  	v18 =	vmul.f32 v18, v13;
	[tilespmem:v61+s20+$0x0] =	vst.idx.msk $0xffff, v23  }
0x551: {  	[tilespmem:v63+s20+$0x0] =	vst.idx.msk $0xffff, v16  }
0x552: {  	[tilespmem:v26+s20+$0x0] =	vst.idx.msk $0xffff, v18  }
0x553: {  	v16 =	vld [tilespmem:$0x1CCB0];
	_ =	sdelay $0x4  }
0x554: {  	v16 =	vshll.u32 v16, $0x2  }
0x555: {  	v27 =	vor.u32 $0x2, v16  }
0x556: {  	v28 =	vor.u32 $0x3, v16;
	_ =	sdelay $0x1  }
0x557: {  	v29 =	vor.u32 $0x1, v16;
	_ =	sdelay $0x1  }
0x558: {  	v17 =	vld.idx.msk [tilespmem:v27+s15+$0x0], $0xffff  }
0x559: {  	v18 =	vld.idx.msk [tilespmem:v28+s15+$0x0], $0xffff  }
0x55a: {  	v16 =	vld.idx.msk [tilespmem:v16+s15+$0x0], $0xffff  }
0x55b: {  	v19 =	vld.idx.msk [tilespmem:v29+s15+$0x0], $0xffff;
	_ =	sdelay $0x1  }
0x55c: {  	v17 =	vmul.f32 $5.000000000e-01, v17  }
0x55d: {  	v30 =	vor.u32 $0xC0, v15;
	v18 =	vmul.f32 $5.000000000e-01, v18  }
0x55e: {  	v32 =	vor.u32 $0xC1, v15;
	v31 =	vsub.f32 v16, v17  }
0x55f: {  	v34 =	vor.u32 $0xC2, v15;
	v33 =	vsub.f32 v19, v18  }
0x560: {  	v35 =	vor.u32 $0xC3, v15;
	v16 =	vadd.f32 v17, v16;
	v21 =	vmul.f32 v31, v14  }
0x561: {  	v18 =	vadd.f32 v18, v19;
	v23 =	vmul.f32 v33, v13  }
0x562: {  	v16 =	vmul.f32 v16, v14;
	[tilespmem:v30+s20+$0x0] =	vst.idx.msk $0xffff, v21  }
0x563: {  	v18 =	vmul.f32 v18, v13;
	[tilespmem:v32+s20+$0x0] =	vst.idx.msk $0xffff, v23  }
0x564: {  	[tilespmem:v34+s20+$0x0] =	vst.idx.msk $0xffff, v16  }
0x565: {  	[tilespmem:v35+s20+$0x0] =	vst.idx.msk $0xffff, v18  }
0x566: {  	v16 =	vld [tilespmem:$0x1CCC0];
	_ =	sdelay $0x4  }
0x567: {  	v16 =	vshll.u32 v16, $0x2  }
0x568: {  	v36 =	vor.u32 $0x2, v16  }
0x569: {  	v37 =	vor.u32 $0x3, v16;
	_ =	sdelay $0x1  }
0x56a: {  	v38 =	vor.u32 $0x1, v16;
	_ =	sdelay $0x1  }
0x56b: {  	v17 =	vld.idx.msk [tilespmem:v36+s15+$0x0], $0xffff  }
0x56c: {  	v18 =	vld.idx.msk [tilespmem:v37+s15+$0x0], $0xffff  }
0x56d: {  	v16 =	vld.idx.msk [tilespmem:v16+s15+$0x0], $0xffff  }
0x56e: {  	v19 =	vld.idx.msk [tilespmem:v38+s15+$0x0], $0xffff;
	_ =	sdelay $0x1  }
0x56f: {  	v17 =	vmul.f32 $5.000000000e-01, v17  }
0x570: {  	v39 =	vor.u32 $0x100, v15;
	v18 =	vmul.f32 $5.000000000e-01, v18  }
0x571: {  	v41 =	vor.u32 $0x101, v15;
	v40 =	vsub.f32 v16, v17  }
0x572: {  	v43 =	vor.u32 $0x102, v15;
	v42 =	vsub.f32 v19, v18  }
0x573: {  	v44 =	vor.u32 $0x103, v15;
	v16 =	vadd.f32 v17, v16;
	v21 =	vmul.f32 v40, v14  }
0x574: {  	v18 =	vadd.f32 v18, v19;
	v23 =	vmul.f32 v42, v13  }
0x575: {  	v16 =	vmul.f32 v16, v14;
	[tilespmem:v39+s20+$0x0] =	vst.idx.msk $0xffff, v21  }
0x576: {  	v18 =	vmul.f32 v18, v13;
	[tilespmem:v41+s20+$0x0] =	vst.idx.msk $0xffff, v23  }
0x577: {  	[tilespmem:v43+s20+$0x0] =	vst.idx.msk $0xffff, v16  }
0x578: {  	[tilespmem:v44+s20+$0x0] =	vst.idx.msk $0xffff, v18  }
0x579: {  	v16 =	vld [tilespmem:$0x1CCD0];
	_ =	sdelay $0x4  }
0x57a: {  	v16 =	vshll.u32 v16, $0x2  }
0x57b: {  	v45 =	vor.u32 $0x2, v16  }
0x57c: {  	v46 =	vor.u32 $0x3, v16;
	_ =	sdelay $0x1  }
0x57d: {  	v47 =	vor.u32 $0x1, v16;
	_ =	sdelay $0x1  }
0x57e: {  	v17 =	vld.idx.msk [tilespmem:v45+s15+$0x0], $0xffff  }
0x57f: {  	v18 =	vld.idx.msk [tilespmem:v46+s15+$0x0], $0xffff  }
0x580: {  	v16 =	vld.idx.msk [tilespmem:v16+s15+$0x0], $0xffff  }
0x581: {  	v19 =	vld.idx.msk [tilespmem:v47+s15+$0x0], $0xffff;
	_ =	sdelay $0x1  }
0x582: {  	v17 =	vmul.f32 $5.000000000e-01, v17  }
0x583: {  	v48 =	vor.u32 $0x140, v15;
	v18 =	vmul.f32 $5.000000000e-01, v18  }
0x584: {  	v50 =	vor.u32 $0x141, v15;
	v49 =	vsub.f32 v16, v17  }
0x585: {  	v52 =	vor.u32 $0x142, v15;
	v51 =	vsub.f32 v19, v18  }
0x586: {  	v53 =	vor.u32 $0x143, v15;
	v16 =	vadd.f32 v17, v16;
	v21 =	vmul.f32 v49, v14  }
0x587: {  	v18 =	vadd.f32 v18, v19;
	v23 =	vmul.f32 v51, v13  }
0x588: {  	v16 =	vmul.f32 v16, v14;
	[tilespmem:v48+s20+$0x0] =	vst.idx.msk $0xffff, v21  }
0x589: {  	v18 =	vmul.f32 v18, v13;
	[tilespmem:v50+s20+$0x0] =	vst.idx.msk $0xffff, v23  }
0x58a: {  	[tilespmem:v52+s20+$0x0] =	vst.idx.msk $0xffff, v16  }
0x58b: {  	[tilespmem:v53+s20+$0x0] =	vst.idx.msk $0xffff, v18  }
0x58c: {  	v16 =	vld [tilespmem:$0x1CCE0];
	_ =	sdelay $0x4  }
0x58d: {  	v16 =	vshll.u32 v16, $0x2  }
0x58e: {  	v54 =	vor.u32 $0x2, v16  }
0x58f: {  	v55 =	vor.u32 $0x3, v16;
	_ =	sdelay $0x1  }
0x590: {  	v56 =	vor.u32 $0x1, v16;
	_ =	sdelay $0x1  }
0x591: {  	v17 =	vld.idx.msk [tilespmem:v54+s15+$0x0], $0xffff  }
0x592: {  	v18 =	vld.idx.msk [tilespmem:v55+s15+$0x0], $0xffff  }
0x593: {  	v16 =	vld.idx.msk [tilespmem:v16+s15+$0x0], $0xffff  }
0x594: {  	v19 =	vld.idx.msk [tilespmem:v56+s15+$0x0], $0xffff;
	_ =	sdelay $0x1  }
0x595: {  	v17 =	vmul.f32 $5.000000000e-01, v17  }
0x596: {  	v57 =	vor.u32 $0x180, v15;
	v18 =	vmul.f32 $5.000000000e-01, v18  }
0x597: {  	v59 =	vor.u32 $0x181, v15;
	v58 =	vsub.f32 v16, v17  }
0x598: {  	v61 =	vor.u32 $0x182, v15;
	v60 =	vsub.f32 v19, v18  }
0x599: {  	v15 =	vor.u32 $0x183, v15;
	v16 =	vadd.f32 v17, v16;
	v62 =	vmul.f32 v58, v14  }
0x59a: {  	v18 =	vadd.f32 v18, v19;
	v63 =	vmul.f32 v60, v13  }
0x59b: {  	v14 =	vmul.f32 v16, v14;
	[tilespmem:v57+s20+$0x0] =	vst.idx.msk $0xffff, v62  }
0x59c: {  	v13 =	vmul.f32 v18, v13;
	[tilespmem:v59+s20+$0x0] =	vst.idx.msk $0xffff, v63  }
0x59d: {  	[tilespmem:v61+s20+$0x0] =	vst.idx.msk $0xffff, v14  }
0x59e: {  	s11 =	simm.s32 $0x0;
	s0 =	rddreg [dreg:$0xb];
	s1 =	simm.s32 $0x1CB80;
	[tilespmem:v15+s20+$0x0] =	vst.idx.msk $0xffff, v13  }
0x59f: {  	[hbm4b:s0+s11] =	stream.linear.scatter [tilespmem:s1], [sflag:$0x1], $0x80, $0x38;
	[tilespmem:$0x1DE80] =	vst v63  }
0x5a0: {  	_ =	swait.ge [sflag:s14], $0x80  }
0x5a1: {  	[sflag:s14] =	ssyncset.done $0x0  }
0x5a2: {  	s29 =	rddreg [dreg:$0xc];
	[sflag:s14] =	ssyncadd.s32 $0xFFFFFF80  }
0x5a3: {  	[hbm4b:s29+s11] =	stream.linear.scatter [tilespmem:s19], [sflag:$0x1], $0x80, $0x38;
	[tilespmem:$0x1DE80] =	vst v63  }
0x5a4: {  	_ =	swait.ge [sflag:s14], $0x80  }
0x5a5: {  	s2 =	simm.s32 $0x400;
	[sflag:s14] =	ssyncset.done $0x0  }
0x5a6: {  	s1 =	simm.s32 $0x80;
	s30 =	rddreg [dreg:$0xd];
	[sflag:s14] =	ssyncadd.s32 $0xFFFFFF80  }
0x5a7: {  	[hbm4b:s30+s1] =	stream.strided.scatter [tilespmem:s20], [sflag:$0x1], $0x200, s2, s1, $0x38;
	[tilespmem:$0x1DE80] =	vst v63  }
0x5a8: {  	_ =	swait.ge [sflag:s14], $0x200  }
0x5a9: {  	s22 =	sadd.s32 $0x1, s22;
	s31 =	rddreg [dreg:$0xf]  }
0x5aa: {  	p0 =	sne.s32 s22, s31  }
.Ltmp16:
0x5ab: {  	_ = 	snop;
	(pc) =	sbr.rel @p0 .LBB2_2-.Ltmp16, $3  }
0x5ac: {  	_ =	sdelay $0x1  }
0x5ad: {  	[sflag:s14] =	ssyncset.done $0x0  }
0x5ae: {  	vm0 =	vmmov vm1;
	vm1 =	vmmov vm2;
	[sflag:s14] =	ssyncadd.s32 $0xFFFFFE00  }
.LBB2_30:
0x5af: {  	_ =	sfence.sel $0x180000  }
0x5b0: {  	[bflag:$0x0] =	sbarrier.arrive $0xFFFF  }
0x5b1: {  	_ =	strace $0x90000047  }
0x5b2: {  	s0 =	stileid.u32;
	[bflag:$0x2] =	sbarrier.arrive $0xFFFF  }
0x5b3: {  	p0 =	sne.s32 s0, $0x0;
	s0 =	rddreg [dreg:$0x4]  }
0x5b4: {  	s0 =	sadd.s32 @!p0 $0x100000, s0  }
0x5b5: {  	[sflag:s0] =	ssyncadd.tile.s32 @!p0 $0x1;
	_ =	shalt  }
.Lfunc_end2:
_tile_overlayer_lowered:
.L_overlay_start_2:
0x5b6: {  	(tag) =	ssettag $0x2  }
0x5b7: {  	s0 =	rddreg [dreg:$0x0];
	s2 =	stileid.u32  }
0x5b8: {  	s1 =	rddreg [dreg:$0x1];
	p0 =	sne.s32 s2, $0x0  }
0x5b9: {  	s3 =	rddreg [dreg:$0x2];
	[bflag:$0x3] =	sbarrier.arrive $0xFFFF;
	s2 =	simm.s32 @!p0 $0x1C01  }
0x5ba: {  	[timem:s3], [sflag:s2] =	dma.local @!p0 [hbm:s0], s1  }
0x5bb: {  	s0 =	simm.s32 @!p0 $0x1  }
0x5bc: {  	_ =	swait.ge @!p0 [sflag:s0], s1  }
0x5bd: {  	s1 =	ssub.s32 @!p0 $0x0, s1;
	[sflag:s0] =	ssyncset.done @!p0 $0x0  }
0x5be: {  	[sflag:s0] =	ssyncadd.s32 @!p0 s1  }
0x5bf: {  	[bflag:$0x3] =	sbarrier.arrive $0xFFFF  }
0x5c0: {  	_ =	shalt  }

</sc_bundles>
